<compile_context>
chip_gen: v7x
topology: tpu7x:2x2x1
jax: 0.10.2.dev20260603
libtpu: 0.0.44.dev20260713+nightly
codegen_flags: <defaults>
</compile_context>

<pallas_src>
import functools

import jax
import jax.numpy as jnp
from jax import lax
from jax.experimental import pallas as pl
from jax.experimental.pallas import tpu as pltpu
from jax.experimental.pallas import tpu_sc as plsc

N = 45000
B = 16
SP = 33
NC, NS = 2, 16
NW = NC * NS
CPT = 1408
NPAD = CPT * NW
EPT = CPT * SP
NCHUNK = 64
ECH = NCHUNK * SP
NCHUNKS = CPT // NCHUNK
GS = 64
SCCH = ECH // GS
ZROWS = NPAD // NS
ZCP = 704
NNZPAD = NPAD * SP

_MESH = plsc.VectorSubcoreMesh(core_axis_name="c", subcore_axis_name="s")


def _make_spmm(with_prologue: bool):
    n_in = 3 if with_prologue else 1

    scratch = [
        pltpu.VMEM_SHARED((NPAD, B), jnp.float32),
        pltpu.VMEM((NCHUNK, B), jnp.float32),
        pltpu.VMEM((NCHUNK, B), jnp.float32),
        pltpu.VMEM((NCHUNK, B), jnp.float32),
        pltpu.VMEM((NCHUNK, B), jnp.float32),
        pltpu.VMEM((ECH, B), jnp.float32),
        pltpu.VMEM((ECH,), jnp.float32),
        pltpu.VMEM((SCCH, GS), jnp.int32),
    ]

    @functools.partial(
        pl.kernel,
        out_type=jax.ShapeDtypeStruct((NC, NPAD, B), jnp.float32),
        mesh=_MESH,
        scratch_types=scratch,
        compiler_params=pltpu.CompilerParams(use_tc_tiling_on_sc=False),
    )
    def spmm(*refs):
        ins = refs[:n_in + 2]
        out = refs[n_in + 2]
        accum, hbuf, d0, d1, d2, contrib, vbuf, rbuf = refs[n_in + 3:]
        vals = ins[n_in]
        rows3d = ins[n_in + 1]

        cid = lax.axis_index("c")
        sid = lax.axis_index("s")
        wid = cid * NS + sid

        def zrow(i, c):
            contrib[i, :] = jnp.zeros((B,), jnp.float32)
            return c
        lax.fori_loop(0, ZCP, zrow, 0)
        zbase = sid * ZROWS
        for i in range(ZROWS // ZCP):
            pltpu.sync_copy(contrib.at[pl.ds(0, ZCP)],
                            accum.at[pl.ds(zbase + i * ZCP, ZCP)])
        plsc.subcore_barrier()

        nbase0 = wid * CPT
        ebase0 = wid * EPT

        def chunk(ch, c):
            nbase = nbase0 + ch * NCHUNK
            ebase = ebase0 + ch * ECH
            cidx = wid * NCHUNKS + ch
            if with_prologue:
                pltpu.sync_copy(ins[0].at[pl.ds(nbase, NCHUNK)], d0)
                pltpu.sync_copy(ins[1].at[pl.ds(nbase, NCHUNK)], d1)
                pltpu.sync_copy(ins[2].at[pl.ds(nbase, NCHUNK)], d2)
            else:
                pltpu.sync_copy(ins[0].at[pl.ds(nbase, NCHUNK)], hbuf)
            pltpu.sync_copy(vals.at[pl.ds(ebase, ECH)], vbuf)
            pltpu.sync_copy(rows3d.at[cidx], rbuf)

            if with_prologue:
                def hrow(n, cc):
                    hbuf[n, :] = jnp.maximum(d0[n, :] + d1[n, :] + d2[n, :], 0.0)
                    return cc
                lax.fori_loop(0, NCHUNK, hrow, 0)

            def erow(n, cc):
                hv = hbuf[n, :]
                e0 = n * SP
                va = vbuf[pl.ds(e0, 16)]
                vb = vbuf[pl.ds(e0 + 16, 16)]
                vc = vbuf[pl.ds(e0 + 17, 16)]
                for s in range(16):
                    contrib[e0 + s, :] = hv * va[s]
                for s in range(16):
                    contrib[e0 + 16 + s, :] = hv * vb[s]
                contrib[e0 + 32, :] = hv * vc[15]
                return cc
            lax.fori_loop(0, NCHUNK, erow, 0)

            for j in range(SCCH):
                pltpu.sync_copy(contrib.at[pl.ds(j * GS, GS)],
                                accum.at[rbuf.at[j]], add=True)
            return c

        lax.fori_loop(0, NCHUNKS, chunk, 0)

        plsc.subcore_barrier()
        pltpu.sync_copy(accum.at[pl.ds(zbase, ZROWS)],
                        out.at[cid, pl.ds(zbase, ZROWS)])

    return spmm


_spmm_ih = _make_spmm(with_prologue=False)
_spmm_hh = _make_spmm(with_prologue=True)

_HBLK = 4096


def _combine_body(a_ref, b_ref, c_ref, o_ref):
    o_ref[...] = a_ref[...] + b_ref[...] + c_ref[...]


def _combine(inp_a, inp_b, bias2d):
    return pl.pallas_call(
        _combine_body,
        grid=(NPAD // _HBLK,),
        in_specs=[
            pl.BlockSpec((_HBLK, B), lambda k: (k, 0)),
            pl.BlockSpec((_HBLK, B), lambda k: (k, 0)),
            pl.BlockSpec((_HBLK, 1), lambda k: (k, 0)),
        ],
        out_specs=pl.BlockSpec((_HBLK, B), lambda k: (k, 0)),
        out_shape=jax.ShapeDtypeStruct((NPAD, B), jnp.float32),
    )(inp_a, inp_b, bias2d)


def _head_body(d_ref, a_ref, b_ref, w1_ref, b1_ref, w2_ref, b2_ref,
               o_ref, acc_ref):
    k = pl.program_id(0)

    @pl.when(k == 0)
    def _():
        acc_ref[...] = jnp.zeros_like(acc_ref)

    h = jnp.maximum(d_ref[...] + a_ref[...] + b_ref[...], 0.0)
    acc_ref[...] += lax.dot_general(
        h, w1_ref[...], (((0,), (1,)), ((), ())),
        preferred_element_type=jnp.float32)

    @pl.when(k == pl.num_programs(0) - 1)
    def _():
        o1 = jnp.maximum(acc_ref[...] + b1_ref[...], 0.0)
        o_ref[...] = lax.dot_general(
            o1, w2_ref[...], (((1,), (1,)), ((), ())),
            preferred_element_type=jnp.float32) + b2_ref[...]


def _head(drive, s_a, s_b, w1p, b1_2d, w2, b2_2d, nclass):
    return pl.pallas_call(
        _head_body,
        grid=(NPAD // _HBLK,),
        in_specs=[
            pl.BlockSpec((_HBLK, B), lambda k: (k, 0)),
            pl.BlockSpec((_HBLK, B), lambda k: (k, 0)),
            pl.BlockSpec((_HBLK, B), lambda k: (k, 0)),
            pl.BlockSpec((64, _HBLK), lambda k: (0, k)),
            pl.BlockSpec((1, 64), lambda k: (0, 0)),
            pl.BlockSpec((nclass, 64), lambda k: (0, 0)),
            pl.BlockSpec((1, nclass), lambda k: (0, 0)),
        ],
        out_specs=pl.BlockSpec((B, nclass), lambda k: (0, 0)),
        out_shape=jax.ShapeDtypeStruct((B, nclass), jnp.float32),
        scratch_shapes=[pltpu.VMEM((B, 64), jnp.float32)],
    )(drive, s_a, s_b, w1p, b1_2d, w2, b2_2d)


def kernel(x, indices, values_ih, values_hh, bias, W1, b1, W2, b2, num_steps):
    nnz = indices.shape[1]
    pad_e = NNZPAD - nnz
    rows = indices[0].astype(jnp.int32)
    rows3d = jnp.pad(rows, (0, pad_e)).reshape(-1, SCCH, GS)
    vih = jnp.pad(values_ih.astype(jnp.float32), (0, pad_e))
    vhh = jnp.pad(values_hh.astype(jnp.float32), (0, pad_e))
    x_t = jnp.pad(x.T, ((0, NPAD - N), (0, 0)))
    bias2d = jnp.pad(bias, (0, NPAD - N))[:, None]
    w1p = jnp.pad(W1, ((0, 0), (0, NPAD - N)))
    nclass = W2.shape[0]

    inp = _spmm_ih(x_t, vih, rows3d)
    drive = _combine(inp[0], inp[1], bias2d)

    scat0 = jnp.zeros((NC, NPAD, B), jnp.float32)

    def step(_, scat):
        return _spmm_hh(drive, scat[0], scat[1], vhh, rows3d)

    scat = lax.fori_loop(0, num_steps - 1, step, scat0)
    return _head(drive, scat[0], scat[1], w1p, b1[None, :], W2, b2[None, :],
                 nclass)

# --- scband reference (transcript-rebuilt; emitter-appended) ---
"""Pipeline reference for scband-topographical-rnn-53893249630763 (READ-ONLY COPY).

The authoritative reference and input builder live on the scoring server;
editing this copy changes nothing except your own understanding.
"""

import jax, jax.numpy as jnp
import numpy as np

SHEET = (150, 300)
N = SHEET[0] * SHEET[1]  # 45000 neurons
S = 32  # synapses_per_neuron
BATCH = 16
NUM_CLASSES = 10


def _build_connectivity(rng):
    # Faithful port of the torch random-connectivity construction.
    idx_1d = np.arange(N)
    rows2d = idx_1d // SHEET[1]
    cols2d = idx_1d % SHEET[1]
    idx2d = np.stack([rows2d, cols2d], axis=1)  # [N, 2]
    # synapses = randn(N,2,S)*std + idx2d[...,None], then cast to long
    syn = (rng.randn(N, 2, S) * 10.0 + idx2d[:, :, None]).astype(np.int64)
    # self recurrence: append the neuron's own 2D index
    syn = np.concatenate([syn, idx2d[:, :, None]], axis=2)  # [N, 2, S+1]
    syn[:, 0, :] = np.clip(syn[:, 0, :], 0, SHEET[0] - 1)
    syn[:, 1, :] = np.clip(syn[:, 1, :], 0, SHEET[1] - 1)
    syn1d = syn[:, 0, :] * SHEET[1] + syn[:, 1, :]  # idx_2D_to_1D -> [N, S+1]
    root = np.broadcast_to(idx_1d[:, None], (N, S + 1))
    indices = np.stack([syn1d.reshape(-1), root.reshape(-1)])  # [2, nnz]
    nnz = indices.shape[1]
    values_ih = (rng.randn(nnz) * np.sqrt(2.0 / S)).astype(np.float32)
    values_hh = (rng.randn(nnz) * np.sqrt(2.0 / S)).astype(np.float32)
    return indices.astype(np.int64), values_ih, values_hh


def setup_inputs(seed: int = 0) -> dict:
    rng = np.random.RandomState(0)
    indices, values_ih, values_hh = _build_connectivity(rng)
    bias = np.zeros(N, np.float32)
    W1 = (rng.randn(64, N) * (1.0 / np.sqrt(N))).astype(np.float32)
    b1 = np.zeros(64, np.float32)
    W2 = (rng.randn(NUM_CLASSES, 64) * (1.0 / 8.0)).astype(np.float32)
    b2 = np.zeros(NUM_CLASSES, np.float32)
    key = jax.random.key(seed)
    x = jax.random.normal(key, (BATCH, N), dtype=jnp.float32)
    return {
        "x": x,
        "indices": jnp.asarray(indices),
        "values_ih": jnp.asarray(values_ih),
        "values_hh": jnp.asarray(values_hh),
        "bias": jnp.asarray(bias),
        "W1": jnp.asarray(W1),
        "b1": jnp.asarray(b1),
        "W2": jnp.asarray(W2),
        "b2": jnp.asarray(b2),
        "num_steps": 5,
    }


def _spmm(indices, values, dense):
    # sparse [N,N] (COO, duplicates summed == coalesce) @ dense [N,B]
    rows = indices[0]
    cols = indices[1]
    gathered = dense[cols] * values[:, None]
    return jnp.zeros((N, dense.shape[1]), dtype=dense.dtype).at[rows].add(gathered)


def reference(x, indices, values_ih, values_hh, bias, W1, b1, W2, b2, num_steps):
    # x: [B, N] (batch_first). Recurrent sparse sheet dynamics:
    # h_t = relu(W_ih @ x + W_hh @ h_{t-1} + b)
    xT = x.T  # [N, B]
    h = jnp.zeros_like(xT)
    inp_drive = _spmm(indices, values_ih, xT)  # constant input drive each step

    def _step(_, h):
        return jax.nn.relu(inp_drive + _spmm(indices, values_hh, h) + bias[:, None])

    h = jax.lax.fori_loop(0, num_steps, _step, h)
    out = h.T  # [B, N]
    # out_block: Linear(N, 64) -> relu -> Linear(64, num_classes)
    out = jax.nn.relu(out @ W1.T + b1)
    out = out @ W2.T + b2
    return out

if __name__ == "__main__":
    import jax
    _d = setup_inputs()
    print(jax.jit(kernel)(*tuple(_d.values())))

</pallas_src>

<mosaic_0001>
#map = affine_map<(d0, d1) -> (0, 0)>
#map1 = affine_map<(d0, d1) -> (0)>
#map2 = affine_map<(d0, d1) -> (0, 0, 0)>
module attributes {stable_mosaic.version = 14 : i64} {
  func.func @spmm(%arg0: i32, %arg1: i32, %arg2: memref<45056x16xf32, #tpu.memory_space<hbm>>, %arg3: memref<45056x16xf32, #tpu.memory_space<hbm>>, %arg4: memref<45056x16xf32, #tpu.memory_space<hbm>>, %arg5: memref<1486848xf32, #tpu.memory_space<hbm>>, %arg6: memref<704x33x64xi32, #tpu.memory_space<hbm>>, %arg7: memref<2x45056x16xf32, #tpu.memory_space<hbm>>, %arg8: memref<45056x16xf32, #tpu.memory_space<vmem_shared>>, %arg9: memref<64x16xf32, #tpu.memory_space<vmem>>, %arg10: memref<64x16xf32, #tpu.memory_space<vmem>>, %arg11: memref<64x16xf32, #tpu.memory_space<vmem>>, %arg12: memref<64x16xf32, #tpu.memory_space<vmem>>, %arg13: memref<2112x16xf32, #tpu.memory_space<vmem>>, %arg14: memref<2112xf32, #tpu.memory_space<vmem>>, %arg15: memref<33x64xi32, #tpu.memory_space<vmem>>) attributes {dimension_semantics = [#tpu.dimension_semantics<core_parallel>, #tpu.dimension_semantics<subcore_parallel>], iteration_bounds = array<i64: 2, 16>, scalar_prefetch = 0 : i64, scratch_operands = 8 : i64, tpu.core_type = #tpu.core_type<sc_vector_subcore>, window_params = [{transform_indices = #map}, {transform_indices = #map}, {transform_indices = #map}, {transform_indices = #map1}, {transform_indices = #map2}, {transform_indices = #map2}]} {
    %mul3A = arith.constant 16 : i32
    %mul3A_0 = arith.muli %arg0, %mul3A : i32
    %add3A = arith.addi %mul3A_0, %arg1 : i32
    %scan3A = arith.constant 0 : i32
    %scan3A_1 = arith.constant 0 : i32
    %scan3A_2 = arith.constant 704 : i32
    %scan3A_3 = arith.addi %scan3A_1, %scan3A_2 : i32
    %scan3A_4 = arith.constant 1 : i32
    scf.for %scan3A_27 = %scan3A_1 to %scan3A_3 step %scan3A_4  : i32 {
      %broadcast_in_dim3A = arith.constant 0.000000e+00 : f32
      %broadcast_in_dim3A_28 = vector.broadcast %broadcast_in_dim3A : f32 to vector<16xf32>
      %swap3A = arith.index_cast %scan3A_27 : i32 to index
      %swap3A_29 = arith.constant 0 : index
      %swap3A_30 = tpu.vector_load %arg13[%swap3A, %swap3A_29] {strides = array<i32>} : memref<2112x16xf32, #tpu.memory_space<vmem>>, vector<1x16xf32>,
      %swap3A_31 = vector.shape_cast %swap3A_30 : vector<1x16xf32> to vector<16xf32>
      %swap3A_32 = vector.shape_cast %broadcast_in_dim3A_28 : vector<16xf32> to vector<1x16xf32>
      tpu.vector_store %arg13[%swap3A, %swap3A_29], %swap3A_32 {strides = array<i32>} : memref<2112x16xf32, #tpu.memory_space<vmem>>, vector<1x16xf32>,
    }
    %scan3A_5 = arith.constant 704 : i32
    %mul3A_6 = arith.constant 2816 : i32
    %mul3A_7 = arith.muli %arg1, %mul3A_6 : i32
    %add3A_8 = arith.constant 0 : i32
    %add3A_9 = arith.addi %mul3A_7, %add3A_8 : i32
    "tpu.region"() ({
      %run_scoped3A = tpu.sem_alloc : memref<!tpu.dma_semaphore, #tpu.memory_space<semaphore_mem>>
      %dma_start3A = arith.constant 0 : i32
      %dma_start3A_27 = arith.constant 0 : i32
      %dma_start3A_28 = tpu.memref_slice %arg13[%dma_start3A, %dma_start3A_27] : memref<2112x16xf32, #tpu.memory_space<vmem>> -> memref<704x16xf32, #tpu.memory_space<vmem>>
      %dma_start3A_29 = arith.constant 0 : i32
      %dma_start3A_30 = tpu.memref_slice %arg8[%add3A_9, %dma_start3A_29] : memref<45056x16xf32, #tpu.memory_space<vmem_shared>> -> memref<704x16xf32, #tpu.memory_space<vmem_shared>>
      %dma_start3A_31 = arith.constant 0 : i32
      %dma_start3A_32 = tpu.memref_slice %arg8[%add3A_9, %dma_start3A_31] : memref<45056x16xf32, #tpu.memory_space<vmem_shared>> -> memref<704x16xf32, #tpu.memory_space<vmem_shared>>
      %dma_start3A_33 = arith.constant 0 : i32
      %dma_start3A_34 = arith.constant 0 : i32
      %dma_start3A_35 = tpu.memref_slice %arg13[%dma_start3A_33, %dma_start3A_34] : memref<2112x16xf32, #tpu.memory_space<vmem>> -> memref<704x16xf32, #tpu.memory_space<vmem>>
      tpu.enqueue_dma source(%dma_start3A_35 : memref<704x16xf32, #tpu.memory_space<vmem>>) target(%dma_start3A_32 : memref<704x16xf32, #tpu.memory_space<vmem_shared>>) target_semaphore(%run_scoped3A : memref<!tpu.dma_semaphore, #tpu.memory_space<semaphore_mem>>)
      %dma_wait3A = arith.constant 0 : i32
      %dma_wait3A_36 = arith.constant 0 : i32
      %dma_wait3A_37 = tpu.memref_slice %arg13[%dma_wait3A, %dma_wait3A_36] : memref<2112x16xf32, #tpu.memory_space<vmem>> -> memref<704x16xf32, #tpu.memory_space<vmem>>
      %dma_wait3A_38 = arith.constant 0 : i32
      %dma_wait3A_39 = tpu.memref_slice %arg8[%add3A_9, %dma_wait3A_38] : memref<45056x16xf32, #tpu.memory_space<vmem_shared>> -> memref<704x16xf32, #tpu.memory_space<vmem_shared>>
      %dma_wait3A_40 = arith.constant 0 : i32
      %dma_wait3A_41 = tpu.memref_slice %arg8[%add3A_9, %dma_wait3A_40] : memref<45056x16xf32, #tpu.memory_space<vmem_shared>> -> memref<704x16xf32, #tpu.memory_space<vmem_shared>>
      %dma_wait3A_42 = arith.constant 0 : i32
      %dma_wait3A_43 = arith.constant 0 : i32
      %dma_wait3A_44 = tpu.memref_slice %arg13[%dma_wait3A_42, %dma_wait3A_43] : memref<2112x16xf32, #tpu.memory_space<vmem>> -> memref<704x16xf32, #tpu.memory_space<vmem>>
      tpu.wait_dma2 semaphore(%run_scoped3A : memref<!tpu.dma_semaphore, #tpu.memory_space<semaphore_mem>>) src(%dma_wait3A_44 : memref<704x16xf32, #tpu.memory_space<vmem>>) dst(%dma_wait3A_41 : memref<704x16xf32, #tpu.memory_space<vmem_shared>>)
      tpu.yield
    }) : () -> ()
    %add3A_10 = arith.constant 704 : i32
    %add3A_11 = arith.addi %mul3A_7, %add3A_10 : i32
    "tpu.region"() ({
      %run_scoped3A = tpu.sem_alloc : memref<!tpu.dma_semaphore, #tpu.memory_space<semaphore_mem>>
      %dma_start3A = arith.constant 0 : i32
      %dma_start3A_27 = arith.constant 0 : i32
      %dma_start3A_28 = tpu.memref_slice %arg13[%dma_start3A, %dma_start3A_27] : memref<2112x16xf32, #tpu.memory_space<vmem>> -> memref<704x16xf32, #tpu.memory_space<vmem>>
      %dma_start3A_29 = arith.constant 0 : i32
      %dma_start3A_30 = tpu.memref_slice %arg8[%add3A_11, %dma_start3A_29] : memref<45056x16xf32, #tpu.memory_space<vmem_shared>> -> memref<704x16xf32, #tpu.memory_space<vmem_shared>>
      %dma_start3A_31 = arith.constant 0 : i32
      %dma_start3A_32 = tpu.memref_slice %arg8[%add3A_11, %dma_start3A_31] : memref<45056x16xf32, #tpu.memory_space<vmem_shared>> -> memref<704x16xf32, #tpu.memory_space<vmem_shared>>
      %dma_start3A_33 = arith.constant 0 : i32
      %dma_start3A_34 = arith.constant 0 : i32
      %dma_start3A_35 = tpu.memref_slice %arg13[%dma_start3A_33, %dma_start3A_34] : memref<2112x16xf32, #tpu.memory_space<vmem>> -> memref<704x16xf32, #tpu.memory_space<vmem>>
      tpu.enqueue_dma source(%dma_start3A_35 : memref<704x16xf32, #tpu.memory_space<vmem>>) target(%dma_start3A_32 : memref<704x16xf32, #tpu.memory_space<vmem_shared>>) target_semaphore(%run_scoped3A : memref<!tpu.dma_semaphore, #tpu.memory_space<semaphore_mem>>)
      %dma_wait3A = arith.constant 0 : i32
      %dma_wait3A_36 = arith.constant 0 : i32
      %dma_wait3A_37 = tpu.memref_slice %arg13[%dma_wait3A, %dma_wait3A_36] : memref<2112x16xf32, #tpu.memory_space<vmem>> -> memref<704x16xf32, #tpu.memory_space<vmem>>
      %dma_wait3A_38 = arith.constant 0 : i32
      %dma_wait3A_39 = tpu.memref_slice %arg8[%add3A_11, %dma_wait3A_38] : memref<45056x16xf32, #tpu.memory_space<vmem_shared>> -> memref<704x16xf32, #tpu.memory_space<vmem_shared>>
      %dma_wait3A_40 = arith.constant 0 : i32
      %dma_wait3A_41 = tpu.memref_slice %arg8[%add3A_11, %dma_wait3A_40] : memref<45056x16xf32, #tpu.memory_space<vmem_shared>> -> memref<704x16xf32, #tpu.memory_space<vmem_shared>>
      %dma_wait3A_42 = arith.constant 0 : i32
      %dma_wait3A_43 = arith.constant 0 : i32
      %dma_wait3A_44 = tpu.memref_slice %arg13[%dma_wait3A_42, %dma_wait3A_43] : memref<2112x16xf32, #tpu.memory_space<vmem>> -> memref<704x16xf32, #tpu.memory_space<vmem>>
      tpu.wait_dma2 semaphore(%run_scoped3A : memref<!tpu.dma_semaphore, #tpu.memory_space<semaphore_mem>>) src(%dma_wait3A_44 : memref<704x16xf32, #tpu.memory_space<vmem>>) dst(%dma_wait3A_41 : memref<704x16xf32, #tpu.memory_space<vmem_shared>>)
      tpu.yield
    }) : () -> ()
    %add3A_12 = arith.constant 1408 : i32
    %add3A_13 = arith.addi %mul3A_7, %add3A_12 : i32
    "tpu.region"() ({
      %run_scoped3A = tpu.sem_alloc : memref<!tpu.dma_semaphore, #tpu.memory_space<semaphore_mem>>
      %dma_start3A = arith.constant 0 : i32
      %dma_start3A_27 = arith.constant 0 : i32
      %dma_start3A_28 = tpu.memref_slice %arg13[%dma_start3A, %dma_start3A_27] : memref<2112x16xf32, #tpu.memory_space<vmem>> -> memref<704x16xf32, #tpu.memory_space<vmem>>
      %dma_start3A_29 = arith.constant 0 : i32
      %dma_start3A_30 = tpu.memref_slice %arg8[%add3A_13, %dma_start3A_29] : memref<45056x16xf32, #tpu.memory_space<vmem_shared>> -> memref<704x16xf32, #tpu.memory_space<vmem_shared>>
      %dma_start3A_31 = arith.constant 0 : i32
      %dma_start3A_32 = tpu.memref_slice %arg8[%add3A_13, %dma_start3A_31] : memref<45056x16xf32, #tpu.memory_space<vmem_shared>> -> memref<704x16xf32, #tpu.memory_space<vmem_shared>>
      %dma_start3A_33 = arith.constant 0 : i32
      %dma_start3A_34 = arith.constant 0 : i32
      %dma_start3A_35 = tpu.memref_slice %arg13[%dma_start3A_33, %dma_start3A_34] : memref<2112x16xf32, #tpu.memory_space<vmem>> -> memref<704x16xf32, #tpu.memory_space<vmem>>
      tpu.enqueue_dma source(%dma_start3A_35 : memref<704x16xf32, #tpu.memory_space<vmem>>) target(%dma_start3A_32 : memref<704x16xf32, #tpu.memory_space<vmem_shared>>) target_semaphore(%run_scoped3A : memref<!tpu.dma_semaphore, #tpu.memory_space<semaphore_mem>>)
      %dma_wait3A = arith.constant 0 : i32
      %dma_wait3A_36 = arith.constant 0 : i32
      %dma_wait3A_37 = tpu.memref_slice %arg13[%dma_wait3A, %dma_wait3A_36] : memref<2112x16xf32, #tpu.memory_space<vmem>> -> memref<704x16xf32, #tpu.memory_space<vmem>>
      %dma_wait3A_38 = arith.constant 0 : i32
      %dma_wait3A_39 = tpu.memref_slice %arg8[%add3A_13, %dma_wait3A_38] : memref<45056x16xf32, #tpu.memory_space<vmem_shared>> -> memref<704x16xf32, #tpu.memory_space<vmem_shared>>
      %dma_wait3A_40 = arith.constant 0 : i32
      %dma_wait3A_41 = tpu.memref_slice %arg8[%add3A_13, %dma_wait3A_40] : memref<45056x16xf32, #tpu.memory_space<vmem_shared>> -> memref<704x16xf32, #tpu.memory_space<vmem_shared>>
      %dma_wait3A_42 = arith.constant 0 : i32
      %dma_wait3A_43 = arith.constant 0 : i32
      %dma_wait3A_44 = tpu.memref_slice %arg13[%dma_wait3A_42, %dma_wait3A_43] : memref<2112x16xf32, #tpu.memory_space<vmem>> -> memref<704x16xf32, #tpu.memory_space<vmem>>
      tpu.wait_dma2 semaphore(%run_scoped3A : memref<!tpu.dma_semaphore, #tpu.memory_space<semaphore_mem>>) src(%dma_wait3A_44 : memref<704x16xf32, #tpu.memory_space<vmem>>) dst(%dma_wait3A_41 : memref<704x16xf32, #tpu.memory_space<vmem_shared>>)
      tpu.yield
    }) : () -> ()
    %add3A_14 = arith.constant 2112 : i32
    %add3A_15 = arith.addi %mul3A_7, %add3A_14 : i32
    "tpu.region"() ({
      %run_scoped3A = tpu.sem_alloc : memref<!tpu.dma_semaphore, #tpu.memory_space<semaphore_mem>>
      %dma_start3A = arith.constant 0 : i32
      %dma_start3A_27 = arith.constant 0 : i32
      %dma_start3A_28 = tpu.memref_slice %arg13[%dma_start3A, %dma_start3A_27] : memref<2112x16xf32, #tpu.memory_space<vmem>> -> memref<704x16xf32, #tpu.memory_space<vmem>>
      %dma_start3A_29 = arith.constant 0 : i32
      %dma_start3A_30 = tpu.memref_slice %arg8[%add3A_15, %dma_start3A_29] : memref<45056x16xf32, #tpu.memory_space<vmem_shared>> -> memref<704x16xf32, #tpu.memory_space<vmem_shared>>
      %dma_start3A_31 = arith.constant 0 : i32
      %dma_start3A_32 = tpu.memref_slice %arg8[%add3A_15, %dma_start3A_31] : memref<45056x16xf32, #tpu.memory_space<vmem_shared>> -> memref<704x16xf32, #tpu.memory_space<vmem_shared>>
      %dma_start3A_33 = arith.constant 0 : i32
      %dma_start3A_34 = arith.constant 0 : i32
      %dma_start3A_35 = tpu.memref_slice %arg13[%dma_start3A_33, %dma_start3A_34] : memref<2112x16xf32, #tpu.memory_space<vmem>> -> memref<704x16xf32, #tpu.memory_space<vmem>>
      tpu.enqueue_dma source(%dma_start3A_35 : memref<704x16xf32, #tpu.memory_space<vmem>>) target(%dma_start3A_32 : memref<704x16xf32, #tpu.memory_space<vmem_shared>>) target_semaphore(%run_scoped3A : memref<!tpu.dma_semaphore, #tpu.memory_space<semaphore_mem>>)
      %dma_wait3A = arith.constant 0 : i32
      %dma_wait3A_36 = arith.constant 0 : i32
      %dma_wait3A_37 = tpu.memref_slice %arg13[%dma_wait3A, %dma_wait3A_36] : memref<2112x16xf32, #tpu.memory_space<vmem>> -> memref<704x16xf32, #tpu.memory_space<vmem>>
      %dma_wait3A_38 = arith.constant 0 : i32
      %dma_wait3A_39 = tpu.memref_slice %arg8[%add3A_15, %dma_wait3A_38] : memref<45056x16xf32, #tpu.memory_space<vmem_shared>> -> memref<704x16xf32, #tpu.memory_space<vmem_shared>>
      %dma_wait3A_40 = arith.constant 0 : i32
      %dma_wait3A_41 = tpu.memref_slice %arg8[%add3A_15, %dma_wait3A_40] : memref<45056x16xf32, #tpu.memory_space<vmem_shared>> -> memref<704x16xf32, #tpu.memory_space<vmem_shared>>
      %dma_wait3A_42 = arith.constant 0 : i32
      %dma_wait3A_43 = arith.constant 0 : i32
      %dma_wait3A_44 = tpu.memref_slice %arg13[%dma_wait3A_42, %dma_wait3A_43] : memref<2112x16xf32, #tpu.memory_space<vmem>> -> memref<704x16xf32, #tpu.memory_space<vmem>>
      tpu.wait_dma2 semaphore(%run_scoped3A : memref<!tpu.dma_semaphore, #tpu.memory_space<semaphore_mem>>) src(%dma_wait3A_44 : memref<704x16xf32, #tpu.memory_space<vmem>>) dst(%dma_wait3A_41 : memref<704x16xf32, #tpu.memory_space<vmem_shared>>)
      tpu.yield
    }) : () -> ()
    %barrier3A = arith.constant 0 : index
    tpu.barrier barrier_id(%barrier3A)
    %mul3A_16 = arith.constant 1408 : i32
    %mul3A_17 = arith.muli %add3A, %mul3A_16 : i32
    %mul3A_18 = arith.constant 46464 : i32
    %mul3A_19 = arith.muli %add3A, %mul3A_18 : i32
    %scan3A_20 = arith.constant 0 : i32
    %scan3A_21 = arith.constant 0 : i32
    %scan3A_22 = arith.constant 22 : i32
    %scan3A_23 = arith.addi %scan3A_21, %scan3A_22 : i32
    %scan3A_24 = arith.constant 1 : i32
    scf.for %scan3A_27 = %scan3A_21 to %scan3A_23 step %scan3A_24  : i32 {
      %mul3A_28 = arith.constant 64 : i32
      %mul3A_29 = arith.muli %scan3A_27, %mul3A_28 : i32
      %add3A_30 = arith.addi %mul3A_17, %mul3A_29 : i32
      %mul3A_31 = arith.constant 2112 : i32
      %mul3A_32 = arith.muli %scan3A_27, %mul3A_31 : i32
      %add3A_33 = arith.addi %mul3A_19, %mul3A_32 : i32
      %mul3A_34 = arith.constant 22 : i32
      %mul3A_35 = arith.muli %add3A, %mul3A_34 : i32
      %add3A_36 = arith.addi %mul3A_35, %scan3A_27 : i32
      "tpu.region"() ({
        %run_scoped3A_81 = tpu.sem_alloc : memref<!tpu.dma_semaphore, #tpu.memory_space<semaphore_mem>>
        %dma_start3A = arith.constant 0 : i32
        %dma_start3A_82 = tpu.memref_slice %arg2[%add3A_30, %dma_start3A] : memref<45056x16xf32, #tpu.memory_space<hbm>> -> memref<64x16xf32, #tpu.memory_space<hbm>>
        %dma_start3A_83 = arith.constant 0 : i32
        %dma_start3A_84 = tpu.memref_slice %arg2[%add3A_30, %dma_start3A_83] : memref<45056x16xf32, #tpu.memory_space<hbm>> -> memref<64x16xf32, #tpu.memory_space<hbm>>
        tpu.enqueue_dma source(%dma_start3A_84 : memref<64x16xf32, #tpu.memory_space<hbm>>) target(%arg10 : memref<64x16xf32, #tpu.memory_space<vmem>>) target_semaphore(%run_scoped3A_81 : memref<!tpu.dma_semaphore, #tpu.memory_space<semaphore_mem>>)
        %dma_wait3A = arith.constant 0 : i32
        %dma_wait3A_85 = tpu.memref_slice %arg2[%add3A_30, %dma_wait3A] : memref<45056x16xf32, #tpu.memory_space<hbm>> -> memref<64x16xf32, #tpu.memory_space<hbm>>
        %dma_wait3A_86 = arith.constant 0 : i32
        %dma_wait3A_87 = tpu.memref_slice %arg2[%add3A_30, %dma_wait3A_86] : memref<45056x16xf32, #tpu.memory_space<hbm>> -> memref<64x16xf32, #tpu.memory_space<hbm>>
        tpu.wait_dma2 semaphore(%run_scoped3A_81 : memref<!tpu.dma_semaphore, #tpu.memory_space<semaphore_mem>>) src(%dma_wait3A_87 : memref<64x16xf32, #tpu.memory_space<hbm>>) dst(%arg10 : memref<64x16xf32, #tpu.memory_space<vmem>>)
        tpu.yield
      }) : () -> ()
      "tpu.region"() ({
        %run_scoped3A_81 = tpu.sem_alloc : memref<!tpu.dma_semaphore, #tpu.memory_space<semaphore_mem>>
        %dma_start3A = arith.constant 0 : i32
        %dma_start3A_82 = tpu.memref_slice %arg3[%add3A_30, %dma_start3A] : memref<45056x16xf32, #tpu.memory_space<hbm>> -> memref<64x16xf32, #tpu.memory_space<hbm>>
        %dma_start3A_83 = arith.constant 0 : i32
        %dma_start3A_84 = tpu.memref_slice %arg3[%add3A_30, %dma_start3A_83] : memref<45056x16xf32, #tpu.memory_space<hbm>> -> memref<64x16xf32, #tpu.memory_space<hbm>>
        tpu.enqueue_dma source(%dma_start3A_84 : memref<64x16xf32, #tpu.memory_space<hbm>>) target(%arg11 : memref<64x16xf32, #tpu.memory_space<vmem>>) target_semaphore(%run_scoped3A_81 : memref<!tpu.dma_semaphore, #tpu.memory_space<semaphore_mem>>)
        %dma_wait3A = arith.constant 0 : i32
        %dma_wait3A_85 = tpu.memref_slice %arg3[%add3A_30, %dma_wait3A] : memref<45056x16xf32, #tpu.memory_space<hbm>> -> memref<64x16xf32, #tpu.memory_space<hbm>>
        %dma_wait3A_86 = arith.constant 0 : i32
        %dma_wait3A_87 = tpu.memref_slice %arg3[%add3A_30, %dma_wait3A_86] : memref<45056x16xf32, #tpu.memory_space<hbm>> -> memref<64x16xf32, #tpu.memory_space<hbm>>
        tpu.wait_dma2 semaphore(%run_scoped3A_81 : memref<!tpu.dma_semaphore, #tpu.memory_space<semaphore_mem>>) src(%dma_wait3A_87 : memref<64x16xf32, #tpu.memory_space<hbm>>) dst(%arg11 : memref<64x16xf32, #tpu.memory_space<vmem>>)
        tpu.yield
      }) : () -> ()
      "tpu.region"() ({
        %run_scoped3A_81 = tpu.sem_alloc : memref<!tpu.dma_semaphore, #tpu.memory_space<semaphore_mem>>
        %dma_start3A = arith.constant 0 : i32
        %dma_start3A_82 = tpu.memref_slice %arg4[%add3A_30, %dma_start3A] : memref<45056x16xf32, #tpu.memory_space<hbm>> -> memref<64x16xf32, #tpu.memory_space<hbm>>
        %dma_start3A_83 = arith.constant 0 : i32
        %dma_start3A_84 = tpu.memref_slice %arg4[%add3A_30, %dma_start3A_83] : memref<45056x16xf32, #tpu.memory_space<hbm>> -> memref<64x16xf32, #tpu.memory_space<hbm>>
        tpu.enqueue_dma source(%dma_start3A_84 : memref<64x16xf32, #tpu.memory_space<hbm>>) target(%arg12 : memref<64x16xf32, #tpu.memory_space<vmem>>) target_semaphore(%run_scoped3A_81 : memref<!tpu.dma_semaphore, #tpu.memory_space<semaphore_mem>>)
        %dma_wait3A = arith.constant 0 : i32
        %dma_wait3A_85 = tpu.memref_slice %arg4[%add3A_30, %dma_wait3A] : memref<45056x16xf32, #tpu.memory_space<hbm>> -> memref<64x16xf32, #tpu.memory_space<hbm>>
        %dma_wait3A_86 = arith.constant 0 : i32
        %dma_wait3A_87 = tpu.memref_slice %arg4[%add3A_30, %dma_wait3A_86] : memref<45056x16xf32, #tpu.memory_space<hbm>> -> memref<64x16xf32, #tpu.memory_space<hbm>>
        tpu.wait_dma2 semaphore(%run_scoped3A_81 : memref<!tpu.dma_semaphore, #tpu.memory_space<semaphore_mem>>) src(%dma_wait3A_87 : memref<64x16xf32, #tpu.memory_space<hbm>>) dst(%arg12 : memref<64x16xf32, #tpu.memory_space<vmem>>)
        tpu.yield
      }) : () -> ()
      "tpu.region"() ({
        %run_scoped3A_81 = tpu.sem_alloc : memref<!tpu.dma_semaphore, #tpu.memory_space<semaphore_mem>>
        %dma_start3A = tpu.memref_slice %arg5[%add3A_33] : memref<1486848xf32, #tpu.memory_space<hbm>> -> memref<2112xf32, #tpu.memory_space<hbm>>
        %dma_start3A_82 = tpu.memref_slice %arg5[%add3A_33] : memref<1486848xf32, #tpu.memory_space<hbm>> -> memref<2112xf32, #tpu.memory_space<hbm>>
        tpu.enqueue_dma source(%dma_start3A_82 : memref<2112xf32, #tpu.memory_space<hbm>>) target(%arg14 : memref<2112xf32, #tpu.memory_space<vmem>>) target_semaphore(%run_scoped3A_81 : memref<!tpu.dma_semaphore, #tpu.memory_space<semaphore_mem>>)
        %dma_wait3A = tpu.memref_slice %arg5[%add3A_33] : memref<1486848xf32, #tpu.memory_space<hbm>> -> memref<2112xf32, #tpu.memory_space<hbm>>
        %dma_wait3A_83 = tpu.memref_slice %arg5[%add3A_33] : memref<1486848xf32, #tpu.memory_space<hbm>> -> memref<2112xf32, #tpu.memory_space<hbm>>
        tpu.wait_dma2 semaphore(%run_scoped3A_81 : memref<!tpu.dma_semaphore, #tpu.memory_space<semaphore_mem>>) src(%dma_wait3A_83 : memref<2112xf32, #tpu.memory_space<hbm>>) dst(%arg14 : memref<2112xf32, #tpu.memory_space<vmem>>)
        tpu.yield
      }) : () -> ()
      "tpu.region"() ({
        %run_scoped3A_81 = tpu.sem_alloc : memref<!tpu.dma_semaphore, #tpu.memory_space<semaphore_mem>>
        %dma_start3A = arith.constant 0 : i32
        %dma_start3A_82 = arith.constant 0 : i32
        %dma_start3A_83 = tpu.memref_slice %arg6[%add3A_36, %dma_start3A, %dma_start3A_82] : memref<704x33x64xi32, #tpu.memory_space<hbm>> -> memref<1x33x64xi32, #tpu.memory_space<hbm>>
        %dma_start3A_84 = tpu.memref_squeeze %dma_start3A_83 : memref<1x33x64xi32, #tpu.memory_space<hbm>> -> memref<33x64xi32, #tpu.memory_space<hbm>>
        %dma_start3A_85 = arith.constant 0 : i32
        %dma_start3A_86 = arith.constant 0 : i32
        %dma_start3A_87 = tpu.memref_slice %arg6[%add3A_36, %dma_start3A_85, %dma_start3A_86] : memref<704x33x64xi32, #tpu.memory_space<hbm>> -> memref<1x33x64xi32, #tpu.memory_space<hbm>>
        %dma_start3A_88 = tpu.memref_squeeze %dma_start3A_87 : memref<1x33x64xi32, #tpu.memory_space<hbm>> -> memref<33x64xi32, #tpu.memory_space<hbm>>
        tpu.enqueue_dma source(%dma_start3A_88 : memref<33x64xi32, #tpu.memory_space<hbm>>) target(%arg15 : memref<33x64xi32, #tpu.memory_space<vmem>>) target_semaphore(%run_scoped3A_81 : memref<!tpu.dma_semaphore, #tpu.memory_space<semaphore_mem>>)
        %dma_wait3A = arith.constant 0 : i32
        %dma_wait3A_89 = arith.constant 0 : i32
        %dma_wait3A_90 = tpu.memref_slice %arg6[%add3A_36, %dma_wait3A, %dma_wait3A_89] : memref<704x33x64xi32, #tpu.memory_space<hbm>> -> memref<1x33x64xi32, #tpu.memory_space<hbm>>
        %dma_wait3A_91 = tpu.memref_squeeze %dma_wait3A_90 : memref<1x33x64xi32, #tpu.memory_space<hbm>> -> memref<33x64xi32, #tpu.memory_space<hbm>>
        %dma_wait3A_92 = arith.constant 0 : i32
        %dma_wait3A_93 = arith.constant 0 : i32
        %dma_wait3A_94 = tpu.memref_slice %arg6[%add3A_36, %dma_wait3A_92, %dma_wait3A_93] : memref<704x33x64xi32, #tpu.memory_space<hbm>> -> memref<1x33x64xi32, #tpu.memory_space<hbm>>
        %dma_wait3A_95 = tpu.memref_squeeze %dma_wait3A_94 : memref<1x33x64xi32, #tpu.memory_space<hbm>> -> memref<33x64xi32, #tpu.memory_space<hbm>>
        tpu.wait_dma2 semaphore(%run_scoped3A_81 : memref<!tpu.dma_semaphore, #tpu.memory_space<semaphore_mem>>) src(%dma_wait3A_95 : memref<33x64xi32, #tpu.memory_space<hbm>>) dst(%arg15 : memref<33x64xi32, #tpu.memory_space<vmem>>)
        tpu.yield
      }) : () -> ()
      %scan3A_37 = arith.constant 0 : i32
      %scan3A_38 = arith.constant 0 : i32
      %scan3A_39 = arith.constant 64 : i32
      %scan3A_40 = arith.addi %scan3A_38, %scan3A_39 : i32
      %scan3A_41 = arith.constant 1 : i32
      scf.for %scan3A_81 = %scan3A_38 to %scan3A_40 step %scan3A_41  : i32 {
        %get3A = arith.index_cast %scan3A_81 : i32 to index
        %get3A_82 = arith.constant 0 : index
        %get3A_83 = tpu.vector_load %arg10[%get3A, %get3A_82] {strides = array<i32>} : memref<64x16xf32, #tpu.memory_space<vmem>>, vector<1x16xf32>,
        %get3A_84 = vector.shape_cast %get3A_83 : vector<1x16xf32> to vector<16xf32>
        %get3A_85 = arith.index_cast %scan3A_81 : i32 to index
        %get3A_86 = arith.constant 0 : index
        %get3A_87 = tpu.vector_load %arg11[%get3A_85, %get3A_86] {strides = array<i32>} : memref<64x16xf32, #tpu.memory_space<vmem>>, vector<1x16xf32>,
        %get3A_88 = vector.shape_cast %get3A_87 : vector<1x16xf32> to vector<16xf32>
        %add3A_89 = arith.addf %get3A_84, %get3A_88 : vector<16xf32>
        %get3A_90 = arith.index_cast %scan3A_81 : i32 to index
        %get3A_91 = arith.constant 0 : index
        %get3A_92 = tpu.vector_load %arg12[%get3A_90, %get3A_91] {strides = array<i32>} : memref<64x16xf32, #tpu.memory_space<vmem>>, vector<1x16xf32>,
        %get3A_93 = vector.shape_cast %get3A_92 : vector<1x16xf32> to vector<16xf32>
        %add3A_94 = arith.addf %add3A_89, %get3A_93 : vector<16xf32>
        %max3A = arith.constant 0.000000e+00 : f32
        %max3A_95 = vector.broadcast %max3A : f32 to vector<16xf32>
        %max3A_96 = arith.maximumf %add3A_94, %max3A_95 : vector<16xf32>
        %swap3A = arith.index_cast %scan3A_81 : i32 to index
        %swap3A_97 = arith.constant 0 : index
        %swap3A_98 = tpu.vector_load %arg9[%swap3A, %swap3A_97] {strides = array<i32>} : memref<64x16xf32, #tpu.memory_space<vmem>>, vector<1x16xf32>,
        %swap3A_99 = vector.shape_cast %swap3A_98 : vector<1x16xf32> to vector<16xf32>
        %swap3A_100 = vector.shape_cast %max3A_96 : vector<16xf32> to vector<1x16xf32>
        tpu.vector_store %arg9[%swap3A, %swap3A_97], %swap3A_100 {strides = array<i32>} : memref<64x16xf32, #tpu.memory_space<vmem>>, vector<1x16xf32>,
      }
      %scan3A_42 = arith.constant 64 : i32
      %scan3A_43 = arith.constant 0 : i32
      %scan3A_44 = arith.constant 0 : i32
      %scan3A_45 = arith.constant 64 : i32
      %scan3A_46 = arith.addi %scan3A_44, %scan3A_45 : i32
      %scan3A_47 = arith.constant 1 : i32
      scf.for %scan3A_81 = %scan3A_44 to %scan3A_46 step %scan3A_47  : i32 {
        %get3A = arith.index_cast %scan3A_81 : i32 to index
        %get3A_82 = arith.constant 0 : index
        %get3A_83 = tpu.vector_load %arg9[%get3A, %get3A_82] {strides = array<i32>} : memref<64x16xf32, #tpu.memory_space<vmem>>, vector<1x16xf32>,
        %get3A_84 = vector.shape_cast %get3A_83 : vector<1x16xf32> to vector<16xf32>
        %mul3A_85 = arith.constant 33 : i32
        %mul3A_86 = arith.muli %scan3A_81, %mul3A_85 : i32
        %get3A_87 = arith.index_cast %mul3A_86 : i32 to index
        %get3A_88 = tpu.vector_load %arg14[%get3A_87] {strides = array<i32>} : memref<2112xf32, #tpu.memory_space<vmem>>, vector<16xf32>,
        %get3A_89 = vector.shape_cast %get3A_88 : vector<16xf32> to vector<16xf32>
        %add3A_90 = arith.constant 16 : i32
        %add3A_91 = arith.addi %mul3A_86, %add3A_90 : i32
        %get3A_92 = arith.index_cast %add3A_91 : i32 to index
        %get3A_93 = tpu.vector_load %arg14[%get3A_92] {strides = array<i32>} : memref<2112xf32, #tpu.memory_space<vmem>>, vector<16xf32>,
        %get3A_94 = vector.shape_cast %get3A_93 : vector<16xf32> to vector<16xf32>
        %add3A_95 = arith.constant 17 : i32
        %add3A_96 = arith.addi %mul3A_86, %add3A_95 : i32
        %get3A_97 = arith.index_cast %add3A_96 : i32 to index
        %get3A_98 = tpu.vector_load %arg14[%get3A_97] {strides = array<i32>} : memref<2112xf32, #tpu.memory_space<vmem>>, vector<16xf32>,
        %get3A_99 = vector.shape_cast %get3A_98 : vector<16xf32> to vector<16xf32>
        %slice3A = vector.extract_strided_slice %get3A_89 {offsets = [0], sizes = [1], strides = [1]} : vector<16xf32> to vector<1xf32>
        %squeeze3A = vector.extract %slice3A[0] : f32 from vector<1xf32>
        %mul3A_100 = vector.broadcast %squeeze3A : f32 to vector<16xf32>
        %mul3A_101 = arith.mulf %get3A_84, %mul3A_100 : vector<16xf32>
        %add3A_102 = arith.constant 0 : i32
        %add3A_103 = arith.addi %mul3A_86, %add3A_102 : i32
        %swap3A = arith.index_cast %add3A_103 : i32 to index
        %swap3A_104 = arith.constant 0 : index
        %swap3A_105 = tpu.vector_load %arg13[%swap3A, %swap3A_104] {strides = array<i32>} : memref<2112x16xf32, #tpu.memory_space<vmem>>, vector<1x16xf32>,
        %swap3A_106 = vector.shape_cast %swap3A_105 : vector<1x16xf32> to vector<16xf32>
        %swap3A_107 = vector.shape_cast %mul3A_101 : vector<16xf32> to vector<1x16xf32>
        tpu.vector_store %arg13[%swap3A, %swap3A_104], %swap3A_107 {strides = array<i32>} : memref<2112x16xf32, #tpu.memory_space<vmem>>, vector<1x16xf32>,
        %slice3A_108 = vector.extract_strided_slice %get3A_89 {offsets = [1], sizes = [1], strides = [1]} : vector<16xf32> to vector<1xf32>
        %squeeze3A_109 = vector.extract %slice3A_108[0] : f32 from vector<1xf32>
        %mul3A_110 = vector.broadcast %squeeze3A_109 : f32 to vector<16xf32>
        %mul3A_111 = arith.mulf %get3A_84, %mul3A_110 : vector<16xf32>
        %add3A_112 = arith.constant 1 : i32
        %add3A_113 = arith.addi %mul3A_86, %add3A_112 : i32
        %swap3A_114 = arith.index_cast %add3A_113 : i32 to index
        %swap3A_115 = arith.constant 0 : index
        %swap3A_116 = tpu.vector_load %arg13[%swap3A_114, %swap3A_115] {strides = array<i32>} : memref<2112x16xf32, #tpu.memory_space<vmem>>, vector<1x16xf32>,
        %swap3A_117 = vector.shape_cast %swap3A_116 : vector<1x16xf32> to vector<16xf32>
        %swap3A_118 = vector.shape_cast %mul3A_111 : vector<16xf32> to vector<1x16xf32>
        tpu.vector_store %arg13[%swap3A_114, %swap3A_115], %swap3A_118 {strides = array<i32>} : memref<2112x16xf32, #tpu.memory_space<vmem>>, vector<1x16xf32>,
        %slice3A_119 = vector.extract_strided_slice %get3A_89 {offsets = [2], sizes = [1], strides = [1]} : vector<16xf32> to vector<1xf32>
        %squeeze3A_120 = vector.extract %slice3A_119[0] : f32 from vector<1xf32>
        %mul3A_121 = vector.broadcast %squeeze3A_120 : f32 to vector<16xf32>
        %mul3A_122 = arith.mulf %get3A_84, %mul3A_121 : vector<16xf32>
        %add3A_123 = arith.constant 2 : i32
        %add3A_124 = arith.addi %mul3A_86, %add3A_123 : i32
        %swap3A_125 = arith.index_cast %add3A_124 : i32 to index
        %swap3A_126 = arith.constant 0 : index
        %swap3A_127 = tpu.vector_load %arg13[%swap3A_125, %swap3A_126] {strides = array<i32>} : memref<2112x16xf32, #tpu.memory_space<vmem>>, vector<1x16xf32>,
        %swap3A_128 = vector.shape_cast %swap3A_127 : vector<1x16xf32> to vector<16xf32>
        %swap3A_129 = vector.shape_cast %mul3A_122 : vector<16xf32> to vector<1x16xf32>
        tpu.vector_store %arg13[%swap3A_125, %swap3A_126], %swap3A_129 {strides = array<i32>} : memref<2112x16xf32, #tpu.memory_space<vmem>>, vector<1x16xf32>,
        %slice3A_130 = vector.extract_strided_slice %get3A_89 {offsets = [3], sizes = [1], strides = [1]} : vector<16xf32> to vector<1xf32>
        %squeeze3A_131 = vector.extract %slice3A_130[0] : f32 from vector<1xf32>
        %mul3A_132 = vector.broadcast %squeeze3A_131 : f32 to vector<16xf32>
        %mul3A_133 = arith.mulf %get3A_84, %mul3A_132 : vector<16xf32>
        %add3A_134 = arith.constant 3 : i32
        %add3A_135 = arith.addi %mul3A_86, %add3A_134 : i32
        %swap3A_136 = arith.index_cast %add3A_135 : i32 to index
        %swap3A_137 = arith.constant 0 : index
        %swap3A_138 = tpu.vector_load %arg13[%swap3A_136, %swap3A_137] {strides = array<i32>} : memref<2112x16xf32, #tpu.memory_space<vmem>>, vector<1x16xf32>,
        %swap3A_139 = vector.shape_cast %swap3A_138 : vector<1x16xf32> to vector<16xf32>
        %swap3A_140 = vector.shape_cast %mul3A_133 : vector<16xf32> to vector<1x16xf32>
        tpu.vector_store %arg13[%swap3A_136, %swap3A_137], %swap3A_140 {strides = array<i32>} : memref<2112x16xf32, #tpu.memory_space<vmem>>, vector<1x16xf32>,
        %slice3A_141 = vector.extract_strided_slice %get3A_89 {offsets = [4], sizes = [1], strides = [1]} : vector<16xf32> to vector<1xf32>
        %squeeze3A_142 = vector.extract %slice3A_141[0] : f32 from vector<1xf32>
        %mul3A_143 = vector.broadcast %squeeze3A_142 : f32 to vector<16xf32>
        %mul3A_144 = arith.mulf %get3A_84, %mul3A_143 : vector<16xf32>
        %add3A_145 = arith.constant 4 : i32
        %add3A_146 = arith.addi %mul3A_86, %add3A_145 : i32
        %swap3A_147 = arith.index_cast %add3A_146 : i32 to index
        %swap3A_148 = arith.constant 0 : index
        %swap3A_149 = tpu.vector_load %arg13[%swap3A_147, %swap3A_148] {strides = array<i32>} : memref<2112x16xf32, #tpu.memory_space<vmem>>, vector<1x16xf32>,
        %swap3A_150 = vector.shape_cast %swap3A_149 : vector<1x16xf32> to vector<16xf32>
        %swap3A_151 = vector.shape_cast %mul3A_144 : vector<16xf32> to vector<1x16xf32>
        tpu.vector_store %arg13[%swap3A_147, %swap3A_148], %swap3A_151 {strides = array<i32>} : memref<2112x16xf32, #tpu.memory_space<vmem>>, vector<1x16xf32>,
        %slice3A_152 = vector.extract_strided_slice %get3A_89 {offsets = [5], sizes = [1], strides = [1]} : vector<16xf32> to vector<1xf32>
        %squeeze3A_153 = vector.extract %slice3A_152[0] : f32 from vector<1xf32>
        %mul3A_154 = vector.broadcast %squeeze3A_153 : f32 to vector<16xf32>
        %mul3A_155 = arith.mulf %get3A_84, %mul3A_154 : vector<16xf32>
        %add3A_156 = arith.constant 5 : i32
        %add3A_157 = arith.addi %mul3A_86, %add3A_156 : i32
        %swap3A_158 = arith.index_cast %add3A_157 : i32 to index
        %swap3A_159 = arith.constant 0 : index
        %swap3A_160 = tpu.vector_load %arg13[%swap3A_158, %swap3A_159] {strides = array<i32>} : memref<2112x16xf32, #tpu.memory_space<vmem>>, vector<1x16xf32>,
        %swap3A_161 = vector.shape_cast %swap3A_160 : vector<1x16xf32> to vector<16xf32>
        %swap3A_162 = vector.shape_cast %mul3A_155 : vector<16xf32> to vector<1x16xf32>
        tpu.vector_store %arg13[%swap3A_158, %swap3A_159], %swap3A_162 {strides = array<i32>} : memref<2112x16xf32, #tpu.memory_space<vmem>>, vector<1x16xf32>,
        %slice3A_163 = vector.extract_strided_slice %get3A_89 {offsets = [6], sizes = [1], strides = [1]} : vector<16xf32> to vector<1xf32>
        %squeeze3A_164 = vector.extract %slice3A_163[0] : f32 from vector<1xf32>
        %mul3A_165 = vector.broadcast %squeeze3A_164 : f32 to vector<16xf32>
        %mul3A_166 = arith.mulf %get3A_84, %mul3A_165 : vector<16xf32>
        %add3A_167 = arith.constant 6 : i32
        %add3A_168 = arith.addi %mul3A_86, %add3A_167 : i32
        %swap3A_169 = arith.index_cast %add3A_168 : i32 to index
        %swap3A_170 = arith.constant 0 : index
        %swap3A_171 = tpu.vector_load %arg13[%swap3A_169, %swap3A_170] {strides = array<i32>} : memref<2112x16xf32, #tpu.memory_space<vmem>>, vector<1x16xf32>,
        %swap3A_172 = vector.shape_cast %swap3A_171 : vector<1x16xf32> to vector<16xf32>
        %swap3A_173 = vector.shape_cast %mul3A_166 : vector<16xf32> to vector<1x16xf32>
        tpu.vector_store %arg13[%swap3A_169, %swap3A_170], %swap3A_173 {strides = array<i32>} : memref<2112x16xf32, #tpu.memory_space<vmem>>, vector<1x16xf32>,
        %slice3A_174 = vector.extract_strided_slice %get3A_89 {offsets = [7], sizes = [1], strides = [1]} : vector<16xf32> to vector<1xf32>
        %squeeze3A_175 = vector.extract %slice3A_174[0] : f32 from vector<1xf32>
        %mul3A_176 = vector.broadcast %squeeze3A_175 : f32 to vector<16xf32>
        %mul3A_177 = arith.mulf %get3A_84, %mul3A_176 : vector<16xf32>
        %add3A_178 = arith.constant 7 : i32
        %add3A_179 = arith.addi %mul3A_86, %add3A_178 : i32
        %swap3A_180 = arith.index_cast %add3A_179 : i32 to index
        %swap3A_181 = arith.constant 0 : index
        %swap3A_182 = tpu.vector_load %arg13[%swap3A_180, %swap3A_181] {strides = array<i32>} : memref<2112x16xf32, #tpu.memory_space<vmem>>, vector<1x16xf32>,
        %swap3A_183 = vector.shape_cast %swap3A_182 : vector<1x16xf32> to vector<16xf32>
        %swap3A_184 = vector.shape_cast %mul3A_177 : vector<16xf32> to vector<1x16xf32>
        tpu.vector_store %arg13[%swap3A_180, %swap3A_181], %swap3A_184 {strides = array<i32>} : memref<2112x16xf32, #tpu.memory_space<vmem>>, vector<1x16xf32>,
        %slice3A_185 = vector.extract_strided_slice %get3A_89 {offsets = [8], sizes = [1], strides = [1]} : vector<16xf32> to vector<1xf32>
        %squeeze3A_186 = vector.extract %slice3A_185[0] : f32 from vector<1xf32>
        %mul3A_187 = vector.broadcast %squeeze3A_186 : f32 to vector<16xf32>
        %mul3A_188 = arith.mulf %get3A_84, %mul3A_187 : vector<16xf32>
        %add3A_189 = arith.constant 8 : i32
        %add3A_190 = arith.addi %mul3A_86, %add3A_189 : i32
        %swap3A_191 = arith.index_cast %add3A_190 : i32 to index
        %swap3A_192 = arith.constant 0 : index
        %swap3A_193 = tpu.vector_load %arg13[%swap3A_191, %swap3A_192] {strides = array<i32>} : memref<2112x16xf32, #tpu.memory_space<vmem>>, vector<1x16xf32>,
        %swap3A_194 = vector.shape_cast %swap3A_193 : vector<1x16xf32> to vector<16xf32>
        %swap3A_195 = vector.shape_cast %mul3A_188 : vector<16xf32> to vector<1x16xf32>
        tpu.vector_store %arg13[%swap3A_191, %swap3A_192], %swap3A_195 {strides = array<i32>} : memref<2112x16xf32, #tpu.memory_space<vmem>>, vector<1x16xf32>,
        %slice3A_196 = vector.extract_strided_slice %get3A_89 {offsets = [9], sizes = [1], strides = [1]} : vector<16xf32> to vector<1xf32>
        %squeeze3A_197 = vector.extract %slice3A_196[0] : f32 from vector<1xf32>
        %mul3A_198 = vector.broadcast %squeeze3A_197 : f32 to vector<16xf32>
        %mul3A_199 = arith.mulf %get3A_84, %mul3A_198 : vector<16xf32>
        %add3A_200 = arith.constant 9 : i32
        %add3A_201 = arith.addi %mul3A_86, %add3A_200 : i32
        %swap3A_202 = arith.index_cast %add3A_201 : i32 to index
        %swap3A_203 = arith.constant 0 : index
        %swap3A_204 = tpu.vector_load %arg13[%swap3A_202, %swap3A_203] {strides = array<i32>} : memref<2112x16xf32, #tpu.memory_space<vmem>>, vector<1x16xf32>,
        %swap3A_205 = vector.shape_cast %swap3A_204 : vector<1x16xf32> to vector<16xf32>
        %swap3A_206 = vector.shape_cast %mul3A_199 : vector<16xf32> to vector<1x16xf32>
        tpu.vector_store %arg13[%swap3A_202, %swap3A_203], %swap3A_206 {strides = array<i32>} : memref<2112x16xf32, #tpu.memory_space<vmem>>, vector<1x16xf32>,
        %slice3A_207 = vector.extract_strided_slice %get3A_89 {offsets = [10], sizes = [1], strides = [1]} : vector<16xf32> to vector<1xf32>
        %squeeze3A_208 = vector.extract %slice3A_207[0] : f32 from vector<1xf32>
        %mul3A_209 = vector.broadcast %squeeze3A_208 : f32 to vector<16xf32>
        %mul3A_210 = arith.mulf %get3A_84, %mul3A_209 : vector<16xf32>
        %add3A_211 = arith.constant 10 : i32
        %add3A_212 = arith.addi %mul3A_86, %add3A_211 : i32
        %swap3A_213 = arith.index_cast %add3A_212 : i32 to index
        %swap3A_214 = arith.constant 0 : index
        %swap3A_215 = tpu.vector_load %arg13[%swap3A_213, %swap3A_214] {strides = array<i32>} : memref<2112x16xf32, #tpu.memory_space<vmem>>, vector<1x16xf32>,
        %swap3A_216 = vector.shape_cast %swap3A_215 : vector<1x16xf32> to vector<16xf32>
        %swap3A_217 = vector.shape_cast %mul3A_210 : vector<16xf32> to vector<1x16xf32>
        tpu.vector_store %arg13[%swap3A_213, %swap3A_214], %swap3A_217 {strides = array<i32>} : memref<2112x16xf32, #tpu.memory_space<vmem>>, vector<1x16xf32>,
        %slice3A_218 = vector.extract_strided_slice %get3A_89 {offsets = [11], sizes = [1], strides = [1]} : vector<16xf32> to vector<1xf32>
        %squeeze3A_219 = vector.extract %slice3A_218[0] : f32 from vector<1xf32>
        %mul3A_220 = vector.broadcast %squeeze3A_219 : f32 to vector<16xf32>
        %mul3A_221 = arith.mulf %get3A_84, %mul3A_220 : vector<16xf32>
        %add3A_222 = arith.constant 11 : i32
        %add3A_223 = arith.addi %mul3A_86, %add3A_222 : i32
        %swap3A_224 = arith.index_cast %add3A_223 : i32 to index
        %swap3A_225 = arith.constant 0 : index
        %swap3A_226 = tpu.vector_load %arg13[%swap3A_224, %swap3A_225] {strides = array<i32>} : memref<2112x16xf32, #tpu.memory_space<vmem>>, vector<1x16xf32>,
        %swap3A_227 = vector.shape_cast %swap3A_226 : vector<1x16xf32> to vector<16xf32>
        %swap3A_228 = vector.shape_cast %mul3A_221 : vector<16xf32> to vector<1x16xf32>
        tpu.vector_store %arg13[%swap3A_224, %swap3A_225], %swap3A_228 {strides = array<i32>} : memref<2112x16xf32, #tpu.memory_space<vmem>>, vector<1x16xf32>,
        %slice3A_229 = vector.extract_strided_slice %get3A_89 {offsets = [12], sizes = [1], strides = [1]} : vector<16xf32> to vector<1xf32>
        %squeeze3A_230 = vector.extract %slice3A_229[0] : f32 from vector<1xf32>
        %mul3A_231 = vector.broadcast %squeeze3A_230 : f32 to vector<16xf32>
        %mul3A_232 = arith.mulf %get3A_84, %mul3A_231 : vector<16xf32>
        %add3A_233 = arith.constant 12 : i32
        %add3A_234 = arith.addi %mul3A_86, %add3A_233 : i32
        %swap3A_235 = arith.index_cast %add3A_234 : i32 to index
        %swap3A_236 = arith.constant 0 : index
        %swap3A_237 = tpu.vector_load %arg13[%swap3A_235, %swap3A_236] {strides = array<i32>} : memref<2112x16xf32, #tpu.memory_space<vmem>>, vector<1x16xf32>,
        %swap3A_238 = vector.shape_cast %swap3A_237 : vector<1x16xf32> to vector<16xf32>
        %swap3A_239 = vector.shape_cast %mul3A_232 : vector<16xf32> to vector<1x16xf32>
        tpu.vector_store %arg13[%swap3A_235, %swap3A_236], %swap3A_239 {strides = array<i32>} : memref<2112x16xf32, #tpu.memory_space<vmem>>, vector<1x16xf32>,
        %slice3A_240 = vector.extract_strided_slice %get3A_89 {offsets = [13], sizes = [1], strides = [1]} : vector<16xf32> to vector<1xf32>
        %squeeze3A_241 = vector.extract %slice3A_240[0] : f32 from vector<1xf32>
        %mul3A_242 = vector.broadcast %squeeze3A_241 : f32 to vector<16xf32>
        %mul3A_243 = arith.mulf %get3A_84, %mul3A_242 : vector<16xf32>
        %add3A_244 = arith.constant 13 : i32
        %add3A_245 = arith.addi %mul3A_86, %add3A_244 : i32
        %swap3A_246 = arith.index_cast %add3A_245 : i32 to index
        %swap3A_247 = arith.constant 0 : index
        %swap3A_248 = tpu.vector_load %arg13[%swap3A_246, %swap3A_247] {strides = array<i32>} : memref<2112x16xf32, #tpu.memory_space<vmem>>, vector<1x16xf32>,
        %swap3A_249 = vector.shape_cast %swap3A_248 : vector<1x16xf32> to vector<16xf32>
        %swap3A_250 = vector.shape_cast %mul3A_243 : vector<16xf32> to vector<1x16xf32>
        tpu.vector_store %arg13[%swap3A_246, %swap3A_247], %swap3A_250 {strides = array<i32>} : memref<2112x16xf32, #tpu.memory_space<vmem>>, vector<1x16xf32>,
        %slice3A_251 = vector.extract_strided_slice %get3A_89 {offsets = [14], sizes = [1], strides = [1]} : vector<16xf32> to vector<1xf32>
        %squeeze3A_252 = vector.extract %slice3A_251[0] : f32 from vector<1xf32>
        %mul3A_253 = vector.broadcast %squeeze3A_252 : f32 to vector<16xf32>
        %mul3A_254 = arith.mulf %get3A_84, %mul3A_253 : vector<16xf32>
        %add3A_255 = arith.constant 14 : i32
        %add3A_256 = arith.addi %mul3A_86, %add3A_255 : i32
        %swap3A_257 = arith.index_cast %add3A_256 : i32 to index
        %swap3A_258 = arith.constant 0 : index
        %swap3A_259 = tpu.vector_load %arg13[%swap3A_257, %swap3A_258] {strides = array<i32>} : memref<2112x16xf32, #tpu.memory_space<vmem>>, vector<1x16xf32>,
        %swap3A_260 = vector.shape_cast %swap3A_259 : vector<1x16xf32> to vector<16xf32>
        %swap3A_261 = vector.shape_cast %mul3A_254 : vector<16xf32> to vector<1x16xf32>
        tpu.vector_store %arg13[%swap3A_257, %swap3A_258], %swap3A_261 {strides = array<i32>} : memref<2112x16xf32, #tpu.memory_space<vmem>>, vector<1x16xf32>,
        %slice3A_262 = vector.extract_strided_slice %get3A_89 {offsets = [15], sizes = [1], strides = [1]} : vector<16xf32> to vector<1xf32>
        %squeeze3A_263 = vector.extract %slice3A_262[0] : f32 from vector<1xf32>
        %mul3A_264 = vector.broadcast %squeeze3A_263 : f32 to vector<16xf32>
        %mul3A_265 = arith.mulf %get3A_84, %mul3A_264 : vector<16xf32>
        %add3A_266 = arith.constant 15 : i32
        %add3A_267 = arith.addi %mul3A_86, %add3A_266 : i32
        %swap3A_268 = arith.index_cast %add3A_267 : i32 to index
        %swap3A_269 = arith.constant 0 : index
        %swap3A_270 = tpu.vector_load %arg13[%swap3A_268, %swap3A_269] {strides = array<i32>} : memref<2112x16xf32, #tpu.memory_space<vmem>>, vector<1x16xf32>,
        %swap3A_271 = vector.shape_cast %swap3A_270 : vector<1x16xf32> to vector<16xf32>
        %swap3A_272 = vector.shape_cast %mul3A_265 : vector<16xf32> to vector<1x16xf32>
        tpu.vector_store %arg13[%swap3A_268, %swap3A_269], %swap3A_272 {strides = array<i32>} : memref<2112x16xf32, #tpu.memory_space<vmem>>, vector<1x16xf32>,
        %slice3A_273 = vector.extract_strided_slice %get3A_94 {offsets = [0], sizes = [1], strides = [1]} : vector<16xf32> to vector<1xf32>
        %squeeze3A_274 = vector.extract %slice3A_273[0] : f32 from vector<1xf32>
        %mul3A_275 = vector.broadcast %squeeze3A_274 : f32 to vector<16xf32>
        %mul3A_276 = arith.mulf %get3A_84, %mul3A_275 : vector<16xf32>
        %add3A_277 = arith.constant 16 : i32
        %add3A_278 = arith.addi %mul3A_86, %add3A_277 : i32
        %add3A_279 = arith.constant 0 : i32
        %add3A_280 = arith.addi %add3A_278, %add3A_279 : i32
        %swap3A_281 = arith.index_cast %add3A_280 : i32 to index
        %swap3A_282 = arith.constant 0 : index
        %swap3A_283 = tpu.vector_load %arg13[%swap3A_281, %swap3A_282] {strides = array<i32>} : memref<2112x16xf32, #tpu.memory_space<vmem>>, vector<1x16xf32>,
        %swap3A_284 = vector.shape_cast %swap3A_283 : vector<1x16xf32> to vector<16xf32>
        %swap3A_285 = vector.shape_cast %mul3A_276 : vector<16xf32> to vector<1x16xf32>
        tpu.vector_store %arg13[%swap3A_281, %swap3A_282], %swap3A_285 {strides = array<i32>} : memref<2112x16xf32, #tpu.memory_space<vmem>>, vector<1x16xf32>,
        %slice3A_286 = vector.extract_strided_slice %get3A_94 {offsets = [1], sizes = [1], strides = [1]} : vector<16xf32> to vector<1xf32>
        %squeeze3A_287 = vector.extract %slice3A_286[0] : f32 from vector<1xf32>
        %mul3A_288 = vector.broadcast %squeeze3A_287 : f32 to vector<16xf32>
        %mul3A_289 = arith.mulf %get3A_84, %mul3A_288 : vector<16xf32>
        %add3A_290 = arith.constant 16 : i32
        %add3A_291 = arith.addi %mul3A_86, %add3A_290 : i32
        %add3A_292 = arith.constant 1 : i32
        %add3A_293 = arith.addi %add3A_291, %add3A_292 : i32
        %swap3A_294 = arith.index_cast %add3A_293 : i32 to index
        %swap3A_295 = arith.constant 0 : index
        %swap3A_296 = tpu.vector_load %arg13[%swap3A_294, %swap3A_295] {strides = array<i32>} : memref<2112x16xf32, #tpu.memory_space<vmem>>, vector<1x16xf32>,
        %swap3A_297 = vector.shape_cast %swap3A_296 : vector<1x16xf32> to vector<16xf32>
        %swap3A_298 = vector.shape_cast %mul3A_289 : vector<16xf32> to vector<1x16xf32>
        tpu.vector_store %arg13[%swap3A_294, %swap3A_295], %swap3A_298 {strides = array<i32>} : memref<2112x16xf32, #tpu.memory_space<vmem>>, vector<1x16xf32>,
        %slice3A_299 = vector.extract_strided_slice %get3A_94 {offsets = [2], sizes = [1], strides = [1]} : vector<16xf32> to vector<1xf32>
        %squeeze3A_300 = vector.extract %slice3A_299[0] : f32 from vector<1xf32>
        %mul3A_301 = vector.broadcast %squeeze3A_300 : f32 to vector<16xf32>
        %mul3A_302 = arith.mulf %get3A_84, %mul3A_301 : vector<16xf32>
        %add3A_303 = arith.constant 16 : i32
        %add3A_304 = arith.addi %mul3A_86, %add3A_303 : i32
        %add3A_305 = arith.constant 2 : i32
        %add3A_306 = arith.addi %add3A_304, %add3A_305 : i32
        %swap3A_307 = arith.index_cast %add3A_306 : i32 to index
        %swap3A_308 = arith.constant 0 : index
        %swap3A_309 = tpu.vector_load %arg13[%swap3A_307, %swap3A_308] {strides = array<i32>} : memref<2112x16xf32, #tpu.memory_space<vmem>>, vector<1x16xf32>,
        %swap3A_310 = vector.shape_cast %swap3A_309 : vector<1x16xf32> to vector<16xf32>
        %swap3A_311 = vector.shape_cast %mul3A_302 : vector<16xf32> to vector<1x16xf32>
        tpu.vector_store %arg13[%swap3A_307, %swap3A_308], %swap3A_311 {strides = array<i32>} : memref<2112x16xf32, #tpu.memory_space<vmem>>, vector<1x16xf32>,
        %slice3A_312 = vector.extract_strided_slice %get3A_94 {offsets = [3], sizes = [1], strides = [1]} : vector<16xf32> to vector<1xf32>
        %squeeze3A_313 = vector.extract %slice3A_312[0] : f32 from vector<1xf32>
        %mul3A_314 = vector.broadcast %squeeze3A_313 : f32 to vector<16xf32>
        %mul3A_315 = arith.mulf %get3A_84, %mul3A_314 : vector<16xf32>
        %add3A_316 = arith.constant 16 : i32
        %add3A_317 = arith.addi %mul3A_86, %add3A_316 : i32
        %add3A_318 = arith.constant 3 : i32
        %add3A_319 = arith.addi %add3A_317, %add3A_318 : i32
        %swap3A_320 = arith.index_cast %add3A_319 : i32 to index
        %swap3A_321 = arith.constant 0 : index
        %swap3A_322 = tpu.vector_load %arg13[%swap3A_320, %swap3A_321] {strides = array<i32>} : memref<2112x16xf32, #tpu.memory_space<vmem>>, vector<1x16xf32>,
        %swap3A_323 = vector.shape_cast %swap3A_322 : vector<1x16xf32> to vector<16xf32>
        %swap3A_324 = vector.shape_cast %mul3A_315 : vector<16xf32> to vector<1x16xf32>
        tpu.vector_store %arg13[%swap3A_320, %swap3A_321], %swap3A_324 {strides = array<i32>} : memref<2112x16xf32, #tpu.memory_space<vmem>>, vector<1x16xf32>,
        %slice3A_325 = vector.extract_strided_slice %get3A_94 {offsets = [4], sizes = [1], strides = [1]} : vector<16xf32> to vector<1xf32>
        %squeeze3A_326 = vector.extract %slice3A_325[0] : f32 from vector<1xf32>
        %mul3A_327 = vector.broadcast %squeeze3A_326 : f32 to vector<16xf32>
        %mul3A_328 = arith.mulf %get3A_84, %mul3A_327 : vector<16xf32>
        %add3A_329 = arith.constant 16 : i32
        %add3A_330 = arith.addi %mul3A_86, %add3A_329 : i32
        %add3A_331 = arith.constant 4 : i32
        %add3A_332 = arith.addi %add3A_330, %add3A_331 : i32
        %swap3A_333 = arith.index_cast %add3A_332 : i32 to index
        %swap3A_334 = arith.constant 0 : index
        %swap3A_335 = tpu.vector_load %arg13[%swap3A_333, %swap3A_334] {strides = array<i32>} : memref<2112x16xf32, #tpu.memory_space<vmem>>, vector<1x16xf32>,
        %swap3A_336 = vector.shape_cast %swap3A_335 : vector<1x16xf32> to vector<16xf32>
        %swap3A_337 = vector.shape_cast %mul3A_328 : vector<16xf32> to vector<1x16xf32>
        tpu.vector_store %arg13[%swap3A_333, %swap3A_334], %swap3A_337 {strides = array<i32>} : memref<2112x16xf32, #tpu.memory_space<vmem>>, vector<1x16xf32>,
        %slice3A_338 = vector.extract_strided_slice %get3A_94 {offsets = [5], sizes = [1], strides = [1]} : vector<16xf32> to vector<1xf32>
        %squeeze3A_339 = vector.extract %slice3A_338[0] : f32 from vector<1xf32>
        %mul3A_340 = vector.broadcast %squeeze3A_339 : f32 to vector<16xf32>
        %mul3A_341 = arith.mulf %get3A_84, %mul3A_340 : vector<16xf32>
        %add3A_342 = arith.constant 16 : i32
        %add3A_343 = arith.addi %mul3A_86, %add3A_342 : i32
        %add3A_344 = arith.constant 5 : i32
        %add3A_345 = arith.addi %add3A_343, %add3A_344 : i32
        %swap3A_346 = arith.index_cast %add3A_345 : i32 to index
        %swap3A_347 = arith.constant 0 : index
        %swap3A_348 = tpu.vector_load %arg13[%swap3A_346, %swap3A_347] {strides = array<i32>} : memref<2112x16xf32, #tpu.memory_space<vmem>>, vector<1x16xf32>,
        %swap3A_349 = vector.shape_cast %swap3A_348 : vector<1x16xf32> to vector<16xf32>
        %swap3A_350 = vector.shape_cast %mul3A_341 : vector<16xf32> to vector<1x16xf32>
        tpu.vector_store %arg13[%swap3A_346, %swap3A_347], %swap3A_350 {strides = array<i32>} : memref<2112x16xf32, #tpu.memory_space<vmem>>, vector<1x16xf32>,
        %slice3A_351 = vector.extract_strided_slice %get3A_94 {offsets = [6], sizes = [1], strides = [1]} : vector<16xf32> to vector<1xf32>
        %squeeze3A_352 = vector.extract %slice3A_351[0] : f32 from vector<1xf32>
        %mul3A_353 = vector.broadcast %squeeze3A_352 : f32 to vector<16xf32>
        %mul3A_354 = arith.mulf %get3A_84, %mul3A_353 : vector<16xf32>
        %add3A_355 = arith.constant 16 : i32
        %add3A_356 = arith.addi %mul3A_86, %add3A_355 : i32
        %add3A_357 = arith.constant 6 : i32
        %add3A_358 = arith.addi %add3A_356, %add3A_357 : i32
        %swap3A_359 = arith.index_cast %add3A_358 : i32 to index
        %swap3A_360 = arith.constant 0 : index
        %swap3A_361 = tpu.vector_load %arg13[%swap3A_359, %swap3A_360] {strides = array<i32>} : memref<2112x16xf32, #tpu.memory_space<vmem>>, vector<1x16xf32>,
        %swap3A_362 = vector.shape_cast %swap3A_361 : vector<1x16xf32> to vector<16xf32>
        %swap3A_363 = vector.shape_cast %mul3A_354 : vector<16xf32> to vector<1x16xf32>
        tpu.vector_store %arg13[%swap3A_359, %swap3A_360], %swap3A_363 {strides = array<i32>} : memref<2112x16xf32, #tpu.memory_space<vmem>>, vector<1x16xf32>,
        %slice3A_364 = vector.extract_strided_slice %get3A_94 {offsets = [7], sizes = [1], strides = [1]} : vector<16xf32> to vector<1xf32>
        %squeeze3A_365 = vector.extract %slice3A_364[0] : f32 from vector<1xf32>
        %mul3A_366 = vector.broadcast %squeeze3A_365 : f32 to vector<16xf32>
        %mul3A_367 = arith.mulf %get3A_84, %mul3A_366 : vector<16xf32>
        %add3A_368 = arith.constant 16 : i32
        %add3A_369 = arith.addi %mul3A_86, %add3A_368 : i32
        %add3A_370 = arith.constant 7 : i32
        %add3A_371 = arith.addi %add3A_369, %add3A_370 : i32
        %swap3A_372 = arith.index_cast %add3A_371 : i32 to index
        %swap3A_373 = arith.constant 0 : index
        %swap3A_374 = tpu.vector_load %arg13[%swap3A_372, %swap3A_373] {strides = array<i32>} : memref<2112x16xf32, #tpu.memory_space<vmem>>, vector<1x16xf32>,
        %swap3A_375 = vector.shape_cast %swap3A_374 : vector<1x16xf32> to vector<16xf32>
        %swap3A_376 = vector.shape_cast %mul3A_367 : vector<16xf32> to vector<1x16xf32>
        tpu.vector_store %arg13[%swap3A_372, %swap3A_373], %swap3A_376 {strides = array<i32>} : memref<2112x16xf32, #tpu.memory_space<vmem>>, vector<1x16xf32>,
        %slice3A_377 = vector.extract_strided_slice %get3A_94 {offsets = [8], sizes = [1], strides = [1]} : vector<16xf32> to vector<1xf32>
        %squeeze3A_378 = vector.extract %slice3A_377[0] : f32 from vector<1xf32>
        %mul3A_379 = vector.broadcast %squeeze3A_378 : f32 to vector<16xf32>
        %mul3A_380 = arith.mulf %get3A_84, %mul3A_379 : vector<16xf32>
        %add3A_381 = arith.constant 16 : i32
        %add3A_382 = arith.addi %mul3A_86, %add3A_381 : i32
        %add3A_383 = arith.constant 8 : i32
        %add3A_384 = arith.addi %add3A_382, %add3A_383 : i32
        %swap3A_385 = arith.index_cast %add3A_384 : i32 to index
        %swap3A_386 = arith.constant 0 : index
        %swap3A_387 = tpu.vector_load %arg13[%swap3A_385, %swap3A_386] {strides = array<i32>} : memref<2112x16xf32, #tpu.memory_space<vmem>>, vector<1x16xf32>,
        %swap3A_388 = vector.shape_cast %swap3A_387 : vector<1x16xf32> to vector<16xf32>
        %swap3A_389 = vector.shape_cast %mul3A_380 : vector<16xf32> to vector<1x16xf32>
        tpu.vector_store %arg13[%swap3A_385, %swap3A_386], %swap3A_389 {strides = array<i32>} : memref<2112x16xf32, #tpu.memory_space<vmem>>, vector<1x16xf32>,
        %slice3A_390 = vector.extract_strided_slice %get3A_94 {offsets = [9], sizes = [1], strides = [1]} : vector<16xf32> to vector<1xf32>
        %squeeze3A_391 = vector.extract %slice3A_390[0] : f32 from vector<1xf32>
        %mul3A_392 = vector.broadcast %squeeze3A_391 : f32 to vector<16xf32>
        %mul3A_393 = arith.mulf %get3A_84, %mul3A_392 : vector<16xf32>
        %add3A_394 = arith.constant 16 : i32
        %add3A_395 = arith.addi %mul3A_86, %add3A_394 : i32
        %add3A_396 = arith.constant 9 : i32
        %add3A_397 = arith.addi %add3A_395, %add3A_396 : i32
        %swap3A_398 = arith.index_cast %add3A_397 : i32 to index
        %swap3A_399 = arith.constant 0 : index
        %swap3A_400 = tpu.vector_load %arg13[%swap3A_398, %swap3A_399] {strides = array<i32>} : memref<2112x16xf32, #tpu.memory_space<vmem>>, vector<1x16xf32>,
        %swap3A_401 = vector.shape_cast %swap3A_400 : vector<1x16xf32> to vector<16xf32>
        %swap3A_402 = vector.shape_cast %mul3A_393 : vector<16xf32> to vector<1x16xf32>
        tpu.vector_store %arg13[%swap3A_398, %swap3A_399], %swap3A_402 {strides = array<i32>} : memref<2112x16xf32, #tpu.memory_space<vmem>>, vector<1x16xf32>,
        %slice3A_403 = vector.extract_strided_slice %get3A_94 {offsets = [10], sizes = [1], strides = [1]} : vector<16xf32> to vector<1xf32>
        %squeeze3A_404 = vector.extract %slice3A_403[0] : f32 from vector<1xf32>
        %mul3A_405 = vector.broadcast %squeeze3A_404 : f32 to vector<16xf32>
        %mul3A_406 = arith.mulf %get3A_84, %mul3A_405 : vector<16xf32>
        %add3A_407 = arith.constant 16 : i32
        %add3A_408 = arith.addi %mul3A_86, %add3A_407 : i32
        %add3A_409 = arith.constant 10 : i32
        %add3A_410 = arith.addi %add3A_408, %add3A_409 : i32
        %swap3A_411 = arith.index_cast %add3A_410 : i32 to index
        %swap3A_412 = arith.constant 0 : index
        %swap3A_413 = tpu.vector_load %arg13[%swap3A_411, %swap3A_412] {strides = array<i32>} : memref<2112x16xf32, #tpu.memory_space<vmem>>, vector<1x16xf32>,
        %swap3A_414 = vector.shape_cast %swap3A_413 : vector<1x16xf32> to vector<16xf32>
        %swap3A_415 = vector.shape_cast %mul3A_406 : vector<16xf32> to vector<1x16xf32>
        tpu.vector_store %arg13[%swap3A_411, %swap3A_412], %swap3A_415 {strides = array<i32>} : memref<2112x16xf32, #tpu.memory_space<vmem>>, vector<1x16xf32>,
        %slice3A_416 = vector.extract_strided_slice %get3A_94 {offsets = [11], sizes = [1], strides = [1]} : vector<16xf32> to vector<1xf32>
        %squeeze3A_417 = vector.extract %slice3A_416[0] : f32 from vector<1xf32>
        %mul3A_418 = vector.broadcast %squeeze3A_417 : f32 to vector<16xf32>
        %mul3A_419 = arith.mulf %get3A_84, %mul3A_418 : vector<16xf32>
        %add3A_420 = arith.constant 16 : i32
        %add3A_421 = arith.addi %mul3A_86, %add3A_420 : i32
        %add3A_422 = arith.constant 11 : i32
        %add3A_423 = arith.addi %add3A_421, %add3A_422 : i32
        %swap3A_424 = arith.index_cast %add3A_423 : i32 to index
        %swap3A_425 = arith.constant 0 : index
        %swap3A_426 = tpu.vector_load %arg13[%swap3A_424, %swap3A_425] {strides = array<i32>} : memref<2112x16xf32, #tpu.memory_space<vmem>>, vector<1x16xf32>,
        %swap3A_427 = vector.shape_cast %swap3A_426 : vector<1x16xf32> to vector<16xf32>
        %swap3A_428 = vector.shape_cast %mul3A_419 : vector<16xf32> to vector<1x16xf32>
        tpu.vector_store %arg13[%swap3A_424, %swap3A_425], %swap3A_428 {strides = array<i32>} : memref<2112x16xf32, #tpu.memory_space<vmem>>, vector<1x16xf32>,
        %slice3A_429 = vector.extract_strided_slice %get3A_94 {offsets = [12], sizes = [1], strides = [1]} : vector<16xf32> to vector<1xf32>
        %squeeze3A_430 = vector.extract %slice3A_429[0] : f32 from vector<1xf32>
        %mul3A_431 = vector.broadcast %squeeze3A_430 : f32 to vector<16xf32>
        %mul3A_432 = arith.mulf %get3A_84, %mul3A_431 : vector<16xf32>
        %add3A_433 = arith.constant 16 : i32
        %add3A_434 = arith.addi %mul3A_86, %add3A_433 : i32
        %add3A_435 = arith.constant 12 : i32
        %add3A_436 = arith.addi %add3A_434, %add3A_435 : i32
        %swap3A_437 = arith.index_cast %add3A_436 : i32 to index
        %swap3A_438 = arith.constant 0 : index
        %swap3A_439 = tpu.vector_load %arg13[%swap3A_437, %swap3A_438] {strides = array<i32>} : memref<2112x16xf32, #tpu.memory_space<vmem>>, vector<1x16xf32>,
        %swap3A_440 = vector.shape_cast %swap3A_439 : vector<1x16xf32> to vector<16xf32>
        %swap3A_441 = vector.shape_cast %mul3A_432 : vector<16xf32> to vector<1x16xf32>
        tpu.vector_store %arg13[%swap3A_437, %swap3A_438], %swap3A_441 {strides = array<i32>} : memref<2112x16xf32, #tpu.memory_space<vmem>>, vector<1x16xf32>,
        %slice3A_442 = vector.extract_strided_slice %get3A_94 {offsets = [13], sizes = [1], strides = [1]} : vector<16xf32> to vector<1xf32>
        %squeeze3A_443 = vector.extract %slice3A_442[0] : f32 from vector<1xf32>
        %mul3A_444 = vector.broadcast %squeeze3A_443 : f32 to vector<16xf32>
        %mul3A_445 = arith.mulf %get3A_84, %mul3A_444 : vector<16xf32>
        %add3A_446 = arith.constant 16 : i32
        %add3A_447 = arith.addi %mul3A_86, %add3A_446 : i32
        %add3A_448 = arith.constant 13 : i32
        %add3A_449 = arith.addi %add3A_447, %add3A_448 : i32
        %swap3A_450 = arith.index_cast %add3A_449 : i32 to index
        %swap3A_451 = arith.constant 0 : index
        %swap3A_452 = tpu.vector_load %arg13[%swap3A_450, %swap3A_451] {strides = array<i32>} : memref<2112x16xf32, #tpu.memory_space<vmem>>, vector<1x16xf32>,
        %swap3A_453 = vector.shape_cast %swap3A_452 : vector<1x16xf32> to vector<16xf32>
        %swap3A_454 = vector.shape_cast %mul3A_445 : vector<16xf32> to vector<1x16xf32>
        tpu.vector_store %arg13[%swap3A_450, %swap3A_451], %swap3A_454 {strides = array<i32>} : memref<2112x16xf32, #tpu.memory_space<vmem>>, vector<1x16xf32>,
        %slice3A_455 = vector.extract_strided_slice %get3A_94 {offsets = [14], sizes = [1], strides = [1]} : vector<16xf32> to vector<1xf32>
        %squeeze3A_456 = vector.extract %slice3A_455[0] : f32 from vector<1xf32>
        %mul3A_457 = vector.broadcast %squeeze3A_456 : f32 to vector<16xf32>
        %mul3A_458 = arith.mulf %get3A_84, %mul3A_457 : vector<16xf32>
        %add3A_459 = arith.constant 16 : i32
        %add3A_460 = arith.addi %mul3A_86, %add3A_459 : i32
        %add3A_461 = arith.constant 14 : i32
        %add3A_462 = arith.addi %add3A_460, %add3A_461 : i32
        %swap3A_463 = arith.index_cast %add3A_462 : i32 to index
        %swap3A_464 = arith.constant 0 : index
        %swap3A_465 = tpu.vector_load %arg13[%swap3A_463, %swap3A_464] {strides = array<i32>} : memref<2112x16xf32, #tpu.memory_space<vmem>>, vector<1x16xf32>,
        %swap3A_466 = vector.shape_cast %swap3A_465 : vector<1x16xf32> to vector<16xf32>
        %swap3A_467 = vector.shape_cast %mul3A_458 : vector<16xf32> to vector<1x16xf32>
        tpu.vector_store %arg13[%swap3A_463, %swap3A_464], %swap3A_467 {strides = array<i32>} : memref<2112x16xf32, #tpu.memory_space<vmem>>, vector<1x16xf32>,
        %slice3A_468 = vector.extract_strided_slice %get3A_94 {offsets = [15], sizes = [1], strides = [1]} : vector<16xf32> to vector<1xf32>
        %squeeze3A_469 = vector.extract %slice3A_468[0] : f32 from vector<1xf32>
        %mul3A_470 = vector.broadcast %squeeze3A_469 : f32 to vector<16xf32>
        %mul3A_471 = arith.mulf %get3A_84, %mul3A_470 : vector<16xf32>
        %add3A_472 = arith.constant 16 : i32
        %add3A_473 = arith.addi %mul3A_86, %add3A_472 : i32
        %add3A_474 = arith.constant 15 : i32
        %add3A_475 = arith.addi %add3A_473, %add3A_474 : i32
        %swap3A_476 = arith.index_cast %add3A_475 : i32 to index
        %swap3A_477 = arith.constant 0 : index
        %swap3A_478 = tpu.vector_load %arg13[%swap3A_476, %swap3A_477] {strides = array<i32>} : memref<2112x16xf32, #tpu.memory_space<vmem>>, vector<1x16xf32>,
        %swap3A_479 = vector.shape_cast %swap3A_478 : vector<1x16xf32> to vector<16xf32>
        %swap3A_480 = vector.shape_cast %mul3A_471 : vector<16xf32> to vector<1x16xf32>
        tpu.vector_store %arg13[%swap3A_476, %swap3A_477], %swap3A_480 {strides = array<i32>} : memref<2112x16xf32, #tpu.memory_space<vmem>>, vector<1x16xf32>,
        %slice3A_481 = vector.extract_strided_slice %get3A_99 {offsets = [15], sizes = [1], strides = [1]} : vector<16xf32> to vector<1xf32>
        %squeeze3A_482 = vector.extract %slice3A_481[0] : f32 from vector<1xf32>
        %mul3A_483 = vector.broadcast %squeeze3A_482 : f32 to vector<16xf32>
        %mul3A_484 = arith.mulf %get3A_84, %mul3A_483 : vector<16xf32>
        %add3A_485 = arith.constant 32 : i32
        %add3A_486 = arith.addi %mul3A_86, %add3A_485 : i32
        %swap3A_487 = arith.index_cast %add3A_486 : i32 to index
        %swap3A_488 = arith.constant 0 : index
        %swap3A_489 = tpu.vector_load %arg13[%swap3A_487, %swap3A_488] {strides = array<i32>} : memref<2112x16xf32, #tpu.memory_space<vmem>>, vector<1x16xf32>,
        %swap3A_490 = vector.shape_cast %swap3A_489 : vector<1x16xf32> to vector<16xf32>
        %swap3A_491 = vector.shape_cast %mul3A_484 : vector<16xf32> to vector<1x16xf32>
        tpu.vector_store %arg13[%swap3A_487, %swap3A_488], %swap3A_491 {strides = array<i32>} : memref<2112x16xf32, #tpu.memory_space<vmem>>, vector<1x16xf32>,
      }
      %scan3A_48 = arith.constant 64 : i32
      %run_scoped3A = arith.constant 0 : i32
      "tpu.region"() ({
        %run_scoped3A_81 = tpu.sem_alloc : memref<!tpu.dma_semaphore, #tpu.memory_space<semaphore_mem>>
        %dma_start3A = arith.constant 0 : i32
        %dma_start3A_82 = arith.constant 0 : i32
        %dma_start3A_83 = tpu.memref_slice %arg13[%dma_start3A, %dma_start3A_82] : memref<2112x16xf32, #tpu.memory_space<vmem>> -> memref<64x16xf32, #tpu.memory_space<vmem>>
        %dma_start3A_84 = arith.constant 0 : i32
        %dma_start3A_85 = tpu.memref_slice %arg15[%run_scoped3A, %dma_start3A_84] : memref<33x64xi32, #tpu.memory_space<vmem>> -> memref<1x64xi32, #tpu.memory_space<vmem>>
        %dma_start3A_86 = tpu.memref_squeeze %dma_start3A_85 : memref<1x64xi32, #tpu.memory_space<vmem>> -> memref<64xi32, #tpu.memory_space<vmem>>
        %dma_start3A_87 = arith.constant 0 : i32
        %dma_start3A_88 = arith.constant 0 : i32
        %dma_start3A_89 = tpu.memref_slice %arg8[%dma_start3A_87, %dma_start3A_88] : memref<45056x16xf32, #tpu.memory_space<vmem_shared>> -> memref<45056x16xf32, #tpu.memory_space<vmem_shared>>
        tpu.enqueue_indirect_dma source(%dma_start3A_83 : memref<64x16xf32, #tpu.memory_space<vmem>>) target(%dma_start3A_89 : memref<45056x16xf32, #tpu.memory_space<vmem_shared>>) offsets(%dma_start3A_86 : memref<64xi32, #tpu.memory_space<vmem>>) semaphore(%run_scoped3A_81 : memref<!tpu.dma_semaphore, #tpu.memory_space<semaphore_mem>>) {add = true}
        %dma_wait3A = arith.constant 0 : i32
        %dma_wait3A_90 = arith.constant 0 : i32
        %dma_wait3A_91 = tpu.memref_slice %arg13[%dma_wait3A, %dma_wait3A_90] : memref<2112x16xf32, #tpu.memory_space<vmem>> -> memref<64x16xf32, #tpu.memory_space<vmem>>
        %dma_wait3A_92 = arith.constant 0 : i32
        %dma_wait3A_93 = tpu.memref_slice %arg15[%run_scoped3A, %dma_wait3A_92] : memref<33x64xi32, #tpu.memory_space<vmem>> -> memref<1x64xi32, #tpu.memory_space<vmem>>
        %dma_wait3A_94 = tpu.memref_squeeze %dma_wait3A_93 : memref<1x64xi32, #tpu.memory_space<vmem>> -> memref<64xi32, #tpu.memory_space<vmem>>
        %dma_wait3A_95 = arith.constant 0 : i32
        %dma_wait3A_96 = arith.constant 0 : i32
        %dma_wait3A_97 = tpu.memref_slice %arg8[%dma_wait3A_95, %dma_wait3A_96] : memref<45056x16xf32, #tpu.memory_space<vmem_shared>> -> memref<45056x16xf32, #tpu.memory_space<vmem_shared>>
        tpu.wait_indirect_dma semaphore(%run_scoped3A_81 : memref<!tpu.dma_semaphore, #tpu.memory_space<semaphore_mem>>) src(%dma_wait3A_91 : memref<64x16xf32, #tpu.memory_space<vmem>>) dst(%dma_wait3A_97 : memref<45056x16xf32, #tpu.memory_space<vmem_shared>>)
        tpu.yield
      }) : () -> ()
      %run_scoped3A_49 = arith.constant 1 : i32
      "tpu.region"() ({
        %run_scoped3A_81 = tpu.sem_alloc : memref<!tpu.dma_semaphore, #tpu.memory_space<semaphore_mem>>
        %dma_start3A = arith.constant 64 : i32
        %dma_start3A_82 = arith.constant 0 : i32
        %dma_start3A_83 = tpu.memref_slice %arg13[%dma_start3A, %dma_start3A_82] : memref<2112x16xf32, #tpu.memory_space<vmem>> -> memref<64x16xf32, #tpu.memory_space<vmem>>
        %dma_start3A_84 = arith.constant 0 : i32
        %dma_start3A_85 = tpu.memref_slice %arg15[%run_scoped3A_49, %dma_start3A_84] : memref<33x64xi32, #tpu.memory_space<vmem>> -> memref<1x64xi32, #tpu.memory_space<vmem>>
        %dma_start3A_86 = tpu.memref_squeeze %dma_start3A_85 : memref<1x64xi32, #tpu.memory_space<vmem>> -> memref<64xi32, #tpu.memory_space<vmem>>
        %dma_start3A_87 = arith.constant 0 : i32
        %dma_start3A_88 = arith.constant 0 : i32
        %dma_start3A_89 = tpu.memref_slice %arg8[%dma_start3A_87, %dma_start3A_88] : memref<45056x16xf32, #tpu.memory_space<vmem_shared>> -> memref<45056x16xf32, #tpu.memory_space<vmem_shared>>
        tpu.enqueue_indirect_dma source(%dma_start3A_83 : memref<64x16xf32, #tpu.memory_space<vmem>>) target(%dma_start3A_89 : memref<45056x16xf32, #tpu.memory_space<vmem_shared>>) offsets(%dma_start3A_86 : memref<64xi32, #tpu.memory_space<vmem>>) semaphore(%run_scoped3A_81 : memref<!tpu.dma_semaphore, #tpu.memory_space<semaphore_mem>>) {add = true}
        %dma_wait3A = arith.constant 64 : i32
        %dma_wait3A_90 = arith.constant 0 : i32
        %dma_wait3A_91 = tpu.memref_slice %arg13[%dma_wait3A, %dma_wait3A_90] : memref<2112x16xf32, #tpu.memory_space<vmem>> -> memref<64x16xf32, #tpu.memory_space<vmem>>
        %dma_wait3A_92 = arith.constant 0 : i32
        %dma_wait3A_93 = tpu.memref_slice %arg15[%run_scoped3A_49, %dma_wait3A_92] : memref<33x64xi32, #tpu.memory_space<vmem>> -> memref<1x64xi32, #tpu.memory_space<vmem>>
        %dma_wait3A_94 = tpu.memref_squeeze %dma_wait3A_93 : memref<1x64xi32, #tpu.memory_space<vmem>> -> memref<64xi32, #tpu.memory_space<vmem>>
        %dma_wait3A_95 = arith.constant 0 : i32
        %dma_wait3A_96 = arith.constant 0 : i32
        %dma_wait3A_97 = tpu.memref_slice %arg8[%dma_wait3A_95, %dma_wait3A_96] : memref<45056x16xf32, #tpu.memory_space<vmem_shared>> -> memref<45056x16xf32, #tpu.memory_space<vmem_shared>>
        tpu.wait_indirect_dma semaphore(%run_scoped3A_81 : memref<!tpu.dma_semaphore, #tpu.memory_space<semaphore_mem>>) src(%dma_wait3A_91 : memref<64x16xf32, #tpu.memory_space<vmem>>) dst(%dma_wait3A_97 : memref<45056x16xf32, #tpu.memory_space<vmem_shared>>)
        tpu.yield
      }) : () -> ()
      %run_scoped3A_50 = arith.constant 2 : i32
      "tpu.region"() ({
        %run_scoped3A_81 = tpu.sem_alloc : memref<!tpu.dma_semaphore, #tpu.memory_space<semaphore_mem>>
        %dma_start3A = arith.constant 128 : i32
        %dma_start3A_82 = arith.constant 0 : i32
        %dma_start3A_83 = tpu.memref_slice %arg13[%dma_start3A, %dma_start3A_82] : memref<2112x16xf32, #tpu.memory_space<vmem>> -> memref<64x16xf32, #tpu.memory_space<vmem>>
        %dma_start3A_84 = arith.constant 0 : i32
        %dma_start3A_85 = tpu.memref_slice %arg15[%run_scoped3A_50, %dma_start3A_84] : memref<33x64xi32, #tpu.memory_space<vmem>> -> memref<1x64xi32, #tpu.memory_space<vmem>>
        %dma_start3A_86 = tpu.memref_squeeze %dma_start3A_85 : memref<1x64xi32, #tpu.memory_space<vmem>> -> memref<64xi32, #tpu.memory_space<vmem>>
        %dma_start3A_87 = arith.constant 0 : i32
        %dma_start3A_88 = arith.constant 0 : i32
        %dma_start3A_89 = tpu.memref_slice %arg8[%dma_start3A_87, %dma_start3A_88] : memref<45056x16xf32, #tpu.memory_space<vmem_shared>> -> memref<45056x16xf32, #tpu.memory_space<vmem_shared>>
        tpu.enqueue_indirect_dma source(%dma_start3A_83 : memref<64x16xf32, #tpu.memory_space<vmem>>) target(%dma_start3A_89 : memref<45056x16xf32, #tpu.memory_space<vmem_shared>>) offsets(%dma_start3A_86 : memref<64xi32, #tpu.memory_space<vmem>>) semaphore(%run_scoped3A_81 : memref<!tpu.dma_semaphore, #tpu.memory_space<semaphore_mem>>) {add = true}
        %dma_wait3A = arith.constant 128 : i32
        %dma_wait3A_90 = arith.constant 0 : i32
        %dma_wait3A_91 = tpu.memref_slice %arg13[%dma_wait3A, %dma_wait3A_90] : memref<2112x16xf32, #tpu.memory_space<vmem>> -> memref<64x16xf32, #tpu.memory_space<vmem>>
        %dma_wait3A_92 = arith.constant 0 : i32
        %dma_wait3A_93 = tpu.memref_slice %arg15[%run_scoped3A_50, %dma_wait3A_92] : memref<33x64xi32, #tpu.memory_space<vmem>> -> memref<1x64xi32, #tpu.memory_space<vmem>>
        %dma_wait3A_94 = tpu.memref_squeeze %dma_wait3A_93 : memref<1x64xi32, #tpu.memory_space<vmem>> -> memref<64xi32, #tpu.memory_space<vmem>>
        %dma_wait3A_95 = arith.constant 0 : i32
        %dma_wait3A_96 = arith.constant 0 : i32
        %dma_wait3A_97 = tpu.memref_slice %arg8[%dma_wait3A_95, %dma_wait3A_96] : memref<45056x16xf32, #tpu.memory_space<vmem_shared>> -> memref<45056x16xf32, #tpu.memory_space<vmem_shared>>
        tpu.wait_indirect_dma semaphore(%run_scoped3A_81 : memref<!tpu.dma_semaphore, #tpu.memory_space<semaphore_mem>>) src(%dma_wait3A_91 : memref<64x16xf32, #tpu.memory_space<vmem>>) dst(%dma_wait3A_97 : memref<45056x16xf32, #tpu.memory_space<vmem_shared>>)
        tpu.yield
      }) : () -> ()
      %run_scoped3A_51 = arith.constant 3 : i32
      "tpu.region"() ({
        %run_scoped3A_81 = tpu.sem_alloc : memref<!tpu.dma_semaphore, #tpu.memory_space<semaphore_mem>>
        %dma_start3A = arith.constant 192 : i32
        %dma_start3A_82 = arith.constant 0 : i32
        %dma_start3A_83 = tpu.memref_slice %arg13[%dma_start3A, %dma_start3A_82] : memref<2112x16xf32, #tpu.memory_space<vmem>> -> memref<64x16xf32, #tpu.memory_space<vmem>>
        %dma_start3A_84 = arith.constant 0 : i32
        %dma_start3A_85 = tpu.memref_slice %arg15[%run_scoped3A_51, %dma_start3A_84] : memref<33x64xi32, #tpu.memory_space<vmem>> -> memref<1x64xi32, #tpu.memory_space<vmem>>
        %dma_start3A_86 = tpu.memref_squeeze %dma_start3A_85 : memref<1x64xi32, #tpu.memory_space<vmem>> -> memref<64xi32, #tpu.memory_space<vmem>>
        %dma_start3A_87 = arith.constant 0 : i32
        %dma_start3A_88 = arith.constant 0 : i32
        %dma_start3A_89 = tpu.memref_slice %arg8[%dma_start3A_87, %dma_start3A_88] : memref<45056x16xf32, #tpu.memory_space<vmem_shared>> -> memref<45056x16xf32, #tpu.memory_space<vmem_shared>>
        tpu.enqueue_indirect_dma source(%dma_start3A_83 : memref<64x16xf32, #tpu.memory_space<vmem>>) target(%dma_start3A_89 : memref<45056x16xf32, #tpu.memory_space<vmem_shared>>) offsets(%dma_start3A_86 : memref<64xi32, #tpu.memory_space<vmem>>) semaphore(%run_scoped3A_81 : memref<!tpu.dma_semaphore, #tpu.memory_space<semaphore_mem>>) {add = true}
        %dma_wait3A = arith.constant 192 : i32
        %dma_wait3A_90 = arith.constant 0 : i32
        %dma_wait3A_91 = tpu.memref_slice %arg13[%dma_wait3A, %dma_wait3A_90] : memref<2112x16xf32, #tpu.memory_space<vmem>> -> memref<64x16xf32, #tpu.memory_space<vmem>>
        %dma_wait3A_92 = arith.constant 0 : i32
        %dma_wait3A_93 = tpu.memref_slice %arg15[%run_scoped3A_51, %dma_wait3A_92] : memref<33x64xi32, #tpu.memory_space<vmem>> -> memref<1x64xi32, #tpu.memory_space<vmem>>
        %dma_wait3A_94 = tpu.memref_squeeze %dma_wait3A_93 : memref<1x64xi32, #tpu.memory_space<vmem>> -> memref<64xi32, #tpu.memory_space<vmem>>
        %dma_wait3A_95 = arith.constant 0 : i32
        %dma_wait3A_96 = arith.constant 0 : i32
        %dma_wait3A_97 = tpu.memref_slice %arg8[%dma_wait3A_95, %dma_wait3A_96] : memref<45056x16xf32, #tpu.memory_space<vmem_shared>> -> memref<45056x16xf32, #tpu.memory_space<vmem_shared>>
        tpu.wait_indirect_dma semaphore(%run_scoped3A_81 : memref<!tpu.dma_semaphore, #tpu.memory_space<semaphore_mem>>) src(%dma_wait3A_91 : memref<64x16xf32, #tpu.memory_space<vmem>>) dst(%dma_wait3A_97 : memref<45056x16xf32, #tpu.memory_space<vmem_shared>>)
        tpu.yield
      }) : () -> ()
      %run_scoped3A_52 = arith.constant 4 : i32
      "tpu.region"() ({
        %run_scoped3A_81 = tpu.sem_alloc : memref<!tpu.dma_semaphore, #tpu.memory_space<semaphore_mem>>
        %dma_start3A = arith.constant 256 : i32
        %dma_start3A_82 = arith.constant 0 : i32
        %dma_start3A_83 = tpu.memref_slice %arg13[%dma_start3A, %dma_start3A_82] : memref<2112x16xf32, #tpu.memory_space<vmem>> -> memref<64x16xf32, #tpu.memory_space<vmem>>
        %dma_start3A_84 = arith.constant 0 : i32
        %dma_start3A_85 = tpu.memref_slice %arg15[%run_scoped3A_52, %dma_start3A_84] : memref<33x64xi32, #tpu.memory_space<vmem>> -> memref<1x64xi32, #tpu.memory_space<vmem>>
        %dma_start3A_86 = tpu.memref_squeeze %dma_start3A_85 : memref<1x64xi32, #tpu.memory_space<vmem>> -> memref<64xi32, #tpu.memory_space<vmem>>
        %dma_start3A_87 = arith.constant 0 : i32
        %dma_start3A_88 = arith.constant 0 : i32
        %dma_start3A_89 = tpu.memref_slice %arg8[%dma_start3A_87, %dma_start3A_88] : memref<45056x16xf32, #tpu.memory_space<vmem_shared>> -> memref<45056x16xf32, #tpu.memory_space<vmem_shared>>
        tpu.enqueue_indirect_dma source(%dma_start3A_83 : memref<64x16xf32, #tpu.memory_space<vmem>>) target(%dma_start3A_89 : memref<45056x16xf32, #tpu.memory_space<vmem_shared>>) offsets(%dma_start3A_86 : memref<64xi32, #tpu.memory_space<vmem>>) semaphore(%run_scoped3A_81 : memref<!tpu.dma_semaphore, #tpu.memory_space<semaphore_mem>>) {add = true}
        %dma_wait3A = arith.constant 256 : i32
        %dma_wait3A_90 = arith.constant 0 : i32
        %dma_wait3A_91 = tpu.memref_slice %arg13[%dma_wait3A, %dma_wait3A_90] : memref<2112x16xf32, #tpu.memory_space<vmem>> -> memref<64x16xf32, #tpu.memory_space<vmem>>
        %dma_wait3A_92 = arith.constant 0 : i32
        %dma_wait3A_93 = tpu.memref_slice %arg15[%run_scoped3A_52, %dma_wait3A_92] : memref<33x64xi32, #tpu.memory_space<vmem>> -> memref<1x64xi32, #tpu.memory_space<vmem>>
        %dma_wait3A_94 = tpu.memref_squeeze %dma_wait3A_93 : memref<1x64xi32, #tpu.memory_space<vmem>> -> memref<64xi32, #tpu.memory_space<vmem>>
        %dma_wait3A_95 = arith.constant 0 : i32
        %dma_wait3A_96 = arith.constant 0 : i32
        %dma_wait3A_97 = tpu.memref_slice %arg8[%dma_wait3A_95, %dma_wait3A_96] : memref<45056x16xf32, #tpu.memory_space<vmem_shared>> -> memref<45056x16xf32, #tpu.memory_space<vmem_shared>>
        tpu.wait_indirect_dma semaphore(%run_scoped3A_81 : memref<!tpu.dma_semaphore, #tpu.memory_space<semaphore_mem>>) src(%dma_wait3A_91 : memref<64x16xf32, #tpu.memory_space<vmem>>) dst(%dma_wait3A_97 : memref<45056x16xf32, #tpu.memory_space<vmem_shared>>)
        tpu.yield
      }) : () -> ()
      %run_scoped3A_53 = arith.constant 5 : i32
      "tpu.region"() ({
        %run_scoped3A_81 = tpu.sem_alloc : memref<!tpu.dma_semaphore, #tpu.memory_space<semaphore_mem>>
        %dma_start3A = arith.constant 320 : i32
        %dma_start3A_82 = arith.constant 0 : i32
        %dma_start3A_83 = tpu.memref_slice %arg13[%dma_start3A, %dma_start3A_82] : memref<2112x16xf32, #tpu.memory_space<vmem>> -> memref<64x16xf32, #tpu.memory_space<vmem>>
        %dma_start3A_84 = arith.constant 0 : i32
        %dma_start3A_85 = tpu.memref_slice %arg15[%run_scoped3A_53, %dma_start3A_84] : memref<33x64xi32, #tpu.memory_space<vmem>> -> memref<1x64xi32, #tpu.memory_space<vmem>>
        %dma_start3A_86 = tpu.memref_squeeze %dma_start3A_85 : memref<1x64xi32, #tpu.memory_space<vmem>> -> memref<64xi32, #tpu.memory_space<vmem>>
        %dma_start3A_87 = arith.constant 0 : i32
        %dma_start3A_88 = arith.constant 0 : i32
        %dma_start3A_89 = tpu.memref_slice %arg8[%dma_start3A_87, %dma_start3A_88] : memref<45056x16xf32, #tpu.memory_space<vmem_shared>> -> memref<45056x16xf32, #tpu.memory_space<vmem_shared>>
        tpu.enqueue_indirect_dma source(%dma_start3A_83 : memref<64x16xf32, #tpu.memory_space<vmem>>) target(%dma_start3A_89 : memref<45056x16xf32, #tpu.memory_space<vmem_shared>>) offsets(%dma_start3A_86 : memref<64xi32, #tpu.memory_space<vmem>>) semaphore(%run_scoped3A_81 : memref<!tpu.dma_semaphore, #tpu.memory_space<semaphore_mem>>) {add = true}
        %dma_wait3A = arith.constant 320 : i32
        %dma_wait3A_90 = arith.constant 0 : i32
        %dma_wait3A_91 = tpu.memref_slice %arg13[%dma_wait3A, %dma_wait3A_90] : memref<2112x16xf32, #tpu.memory_space<vmem>> -> memref<64x16xf32, #tpu.memory_space<vmem>>
        %dma_wait3A_92 = arith.constant 0 : i32
        %dma_wait3A_93 = tpu.memref_slice %arg15[%run_scoped3A_53, %dma_wait3A_92] : memref<33x64xi32, #tpu.memory_space<vmem>> -> memref<1x64xi32, #tpu.memory_space<vmem>>
        %dma_wait3A_94 = tpu.memref_squeeze %dma_wait3A_93 : memref<1x64xi32, #tpu.memory_space<vmem>> -> memref<64xi32, #tpu.memory_space<vmem>>
        %dma_wait3A_95 = arith.constant 0 : i32
        %dma_wait3A_96 = arith.constant 0 : i32
        %dma_wait3A_97 = tpu.memref_slice %arg8[%dma_wait3A_95, %dma_wait3A_96] : memref<45056x16xf32, #tpu.memory_space<vmem_shared>> -> memref<45056x16xf32, #tpu.memory_space<vmem_shared>>
        tpu.wait_indirect_dma semaphore(%run_scoped3A_81 : memref<!tpu.dma_semaphore, #tpu.memory_space<semaphore_mem>>) src(%dma_wait3A_91 : memref<64x16xf32, #tpu.memory_space<vmem>>) dst(%dma_wait3A_97 : memref<45056x16xf32, #tpu.memory_space<vmem_shared>>)
        tpu.yield
      }) : () -> ()
      %run_scoped3A_54 = arith.constant 6 : i32
      "tpu.region"() ({
        %run_scoped3A_81 = tpu.sem_alloc : memref<!tpu.dma_semaphore, #tpu.memory_space<semaphore_mem>>
        %dma_start3A = arith.constant 384 : i32
        %dma_start3A_82 = arith.constant 0 : i32
        %dma_start3A_83 = tpu.memref_slice %arg13[%dma_start3A, %dma_start3A_82] : memref<2112x16xf32, #tpu.memory_space<vmem>> -> memref<64x16xf32, #tpu.memory_space<vmem>>
        %dma_start3A_84 = arith.constant 0 : i32
        %dma_start3A_85 = tpu.memref_slice %arg15[%run_scoped3A_54, %dma_start3A_84] : memref<33x64xi32, #tpu.memory_space<vmem>> -> memref<1x64xi32, #tpu.memory_space<vmem>>
        %dma_start3A_86 = tpu.memref_squeeze %dma_start3A_85 : memref<1x64xi32, #tpu.memory_space<vmem>> -> memref<64xi32, #tpu.memory_space<vmem>>
        %dma_start3A_87 = arith.constant 0 : i32
        %dma_start3A_88 = arith.constant 0 : i32
        %dma_start3A_89 = tpu.memref_slice %arg8[%dma_start3A_87, %dma_start3A_88] : memref<45056x16xf32, #tpu.memory_space<vmem_shared>> -> memref<45056x16xf32, #tpu.memory_space<vmem_shared>>
        tpu.enqueue_indirect_dma source(%dma_start3A_83 : memref<64x16xf32, #tpu.memory_space<vmem>>) target(%dma_start3A_89 : memref<45056x16xf32, #tpu.memory_space<vmem_shared>>) offsets(%dma_start3A_86 : memref<64xi32, #tpu.memory_space<vmem>>) semaphore(%run_scoped3A_81 : memref<!tpu.dma_semaphore, #tpu.memory_space<semaphore_mem>>) {add = true}
        %dma_wait3A = arith.constant 384 : i32
        %dma_wait3A_90 = arith.constant 0 : i32
        %dma_wait3A_91 = tpu.memref_slice %arg13[%dma_wait3A, %dma_wait3A_90] : memref<2112x16xf32, #tpu.memory_space<vmem>> -> memref<64x16xf32, #tpu.memory_space<vmem>>
        %dma_wait3A_92 = arith.constant 0 : i32
        %dma_wait3A_93 = tpu.memref_slice %arg15[%run_scoped3A_54, %dma_wait3A_92] : memref<33x64xi32, #tpu.memory_space<vmem>> -> memref<1x64xi32, #tpu.memory_space<vmem>>
        %dma_wait3A_94 = tpu.memref_squeeze %dma_wait3A_93 : memref<1x64xi32, #tpu.memory_space<vmem>> -> memref<64xi32, #tpu.memory_space<vmem>>
        %dma_wait3A_95 = arith.constant 0 : i32
        %dma_wait3A_96 = arith.constant 0 : i32
        %dma_wait3A_97 = tpu.memref_slice %arg8[%dma_wait3A_95, %dma_wait3A_96] : memref<45056x16xf32, #tpu.memory_space<vmem_shared>> -> memref<45056x16xf32, #tpu.memory_space<vmem_shared>>
        tpu.wait_indirect_dma semaphore(%run_scoped3A_81 : memref<!tpu.dma_semaphore, #tpu.memory_space<semaphore_mem>>) src(%dma_wait3A_91 : memref<64x16xf32, #tpu.memory_space<vmem>>) dst(%dma_wait3A_97 : memref<45056x16xf32, #tpu.memory_space<vmem_shared>>)
        tpu.yield
      }) : () -> ()
      %run_scoped3A_55 = arith.constant 7 : i32
      "tpu.region"() ({
        %run_scoped3A_81 = tpu.sem_alloc : memref<!tpu.dma_semaphore, #tpu.memory_space<semaphore_mem>>
        %dma_start3A = arith.constant 448 : i32
        %dma_start3A_82 = arith.constant 0 : i32
        %dma_start3A_83 = tpu.memref_slice %arg13[%dma_start3A, %dma_start3A_82] : memref<2112x16xf32, #tpu.memory_space<vmem>> -> memref<64x16xf32, #tpu.memory_space<vmem>>
        %dma_start3A_84 = arith.constant 0 : i32
        %dma_start3A_85 = tpu.memref_slice %arg15[%run_scoped3A_55, %dma_start3A_84] : memref<33x64xi32, #tpu.memory_space<vmem>> -> memref<1x64xi32, #tpu.memory_space<vmem>>
        %dma_start3A_86 = tpu.memref_squeeze %dma_start3A_85 : memref<1x64xi32, #tpu.memory_space<vmem>> -> memref<64xi32, #tpu.memory_space<vmem>>
        %dma_start3A_87 = arith.constant 0 : i32
        %dma_start3A_88 = arith.constant 0 : i32
        %dma_start3A_89 = tpu.memref_slice %arg8[%dma_start3A_87, %dma_start3A_88] : memref<45056x16xf32, #tpu.memory_space<vmem_shared>> -> memref<45056x16xf32, #tpu.memory_space<vmem_shared>>
        tpu.enqueue_indirect_dma source(%dma_start3A_83 : memref<64x16xf32, #tpu.memory_space<vmem>>) target(%dma_start3A_89 : memref<45056x16xf32, #tpu.memory_space<vmem_shared>>) offsets(%dma_start3A_86 : memref<64xi32, #tpu.memory_space<vmem>>) semaphore(%run_scoped3A_81 : memref<!tpu.dma_semaphore, #tpu.memory_space<semaphore_mem>>) {add = true}
        %dma_wait3A = arith.constant 448 : i32
        %dma_wait3A_90 = arith.constant 0 : i32
        %dma_wait3A_91 = tpu.memref_slice %arg13[%dma_wait3A, %dma_wait3A_90] : memref<2112x16xf32, #tpu.memory_space<vmem>> -> memref<64x16xf32, #tpu.memory_space<vmem>>
        %dma_wait3A_92 = arith.constant 0 : i32
        %dma_wait3A_93 = tpu.memref_slice %arg15[%run_scoped3A_55, %dma_wait3A_92] : memref<33x64xi32, #tpu.memory_space<vmem>> -> memref<1x64xi32, #tpu.memory_space<vmem>>
        %dma_wait3A_94 = tpu.memref_squeeze %dma_wait3A_93 : memref<1x64xi32, #tpu.memory_space<vmem>> -> memref<64xi32, #tpu.memory_space<vmem>>
        %dma_wait3A_95 = arith.constant 0 : i32
        %dma_wait3A_96 = arith.constant 0 : i32
        %dma_wait3A_97 = tpu.memref_slice %arg8[%dma_wait3A_95, %dma_wait3A_96] : memref<45056x16xf32, #tpu.memory_space<vmem_shared>> -> memref<45056x16xf32, #tpu.memory_space<vmem_shared>>
        tpu.wait_indirect_dma semaphore(%run_scoped3A_81 : memref<!tpu.dma_semaphore, #tpu.memory_space<semaphore_mem>>) src(%dma_wait3A_91 : memref<64x16xf32, #tpu.memory_space<vmem>>) dst(%dma_wait3A_97 : memref<45056x16xf32, #tpu.memory_space<vmem_shared>>)
        tpu.yield
      }) : () -> ()
      %run_scoped3A_56 = arith.constant 8 : i32
      "tpu.region"() ({
        %run_scoped3A_81 = tpu.sem_alloc : memref<!tpu.dma_semaphore, #tpu.memory_space<semaphore_mem>>
        %dma_start3A = arith.constant 512 : i32
        %dma_start3A_82 = arith.constant 0 : i32
        %dma_start3A_83 = tpu.memref_slice %arg13[%dma_start3A, %dma_start3A_82] : memref<2112x16xf32, #tpu.memory_space<vmem>> -> memref<64x16xf32, #tpu.memory_space<vmem>>
        %dma_start3A_84 = arith.constant 0 : i32
        %dma_start3A_85 = tpu.memref_slice %arg15[%run_scoped3A_56, %dma_start3A_84] : memref<33x64xi32, #tpu.memory_space<vmem>> -> memref<1x64xi32, #tpu.memory_space<vmem>>
        %dma_start3A_86 = tpu.memref_squeeze %dma_start3A_85 : memref<1x64xi32, #tpu.memory_space<vmem>> -> memref<64xi32, #tpu.memory_space<vmem>>
        %dma_start3A_87 = arith.constant 0 : i32
        %dma_start3A_88 = arith.constant 0 : i32
        %dma_start3A_89 = tpu.memref_slice %arg8[%dma_start3A_87, %dma_start3A_88] : memref<45056x16xf32, #tpu.memory_space<vmem_shared>> -> memref<45056x16xf32, #tpu.memory_space<vmem_shared>>
        tpu.enqueue_indirect_dma source(%dma_start3A_83 : memref<64x16xf32, #tpu.memory_space<vmem>>) target(%dma_start3A_89 : memref<45056x16xf32, #tpu.memory_space<vmem_shared>>) offsets(%dma_start3A_86 : memref<64xi32, #tpu.memory_space<vmem>>) semaphore(%run_scoped3A_81 : memref<!tpu.dma_semaphore, #tpu.memory_space<semaphore_mem>>) {add = true}
        %dma_wait3A = arith.constant 512 : i32
        %dma_wait3A_90 = arith.constant 0 : i32
        %dma_wait3A_91 = tpu.memref_slice %arg13[%dma_wait3A, %dma_wait3A_90] : memref<2112x16xf32, #tpu.memory_space<vmem>> -> memref<64x16xf32, #tpu.memory_space<vmem>>
        %dma_wait3A_92 = arith.constant 0 : i32
        %dma_wait3A_93 = tpu.memref_slice %arg15[%run_scoped3A_56, %dma_wait3A_92] : memref<33x64xi32, #tpu.memory_space<vmem>> -> memref<1x64xi32, #tpu.memory_space<vmem>>
        %dma_wait3A_94 = tpu.memref_squeeze %dma_wait3A_93 : memref<1x64xi32, #tpu.memory_space<vmem>> -> memref<64xi32, #tpu.memory_space<vmem>>
        %dma_wait3A_95 = arith.constant 0 : i32
        %dma_wait3A_96 = arith.constant 0 : i32
        %dma_wait3A_97 = tpu.memref_slice %arg8[%dma_wait3A_95, %dma_wait3A_96] : memref<45056x16xf32, #tpu.memory_space<vmem_shared>> -> memref<45056x16xf32, #tpu.memory_space<vmem_shared>>
        tpu.wait_indirect_dma semaphore(%run_scoped3A_81 : memref<!tpu.dma_semaphore, #tpu.memory_space<semaphore_mem>>) src(%dma_wait3A_91 : memref<64x16xf32, #tpu.memory_space<vmem>>) dst(%dma_wait3A_97 : memref<45056x16xf32, #tpu.memory_space<vmem_shared>>)
        tpu.yield
      }) : () -> ()
      %run_scoped3A_57 = arith.constant 9 : i32
      "tpu.region"() ({
        %run_scoped3A_81 = tpu.sem_alloc : memref<!tpu.dma_semaphore, #tpu.memory_space<semaphore_mem>>
        %dma_start3A = arith.constant 576 : i32
        %dma_start3A_82 = arith.constant 0 : i32
        %dma_start3A_83 = tpu.memref_slice %arg13[%dma_start3A, %dma_start3A_82] : memref<2112x16xf32, #tpu.memory_space<vmem>> -> memref<64x16xf32, #tpu.memory_space<vmem>>
        %dma_start3A_84 = arith.constant 0 : i32
        %dma_start3A_85 = tpu.memref_slice %arg15[%run_scoped3A_57, %dma_start3A_84] : memref<33x64xi32, #tpu.memory_space<vmem>> -> memref<1x64xi32, #tpu.memory_space<vmem>>
        %dma_start3A_86 = tpu.memref_squeeze %dma_start3A_85 : memref<1x64xi32, #tpu.memory_space<vmem>> -> memref<64xi32, #tpu.memory_space<vmem>>
        %dma_start3A_87 = arith.constant 0 : i32
        %dma_start3A_88 = arith.constant 0 : i32
        %dma_start3A_89 = tpu.memref_slice %arg8[%dma_start3A_87, %dma_start3A_88] : memref<45056x16xf32, #tpu.memory_space<vmem_shared>> -> memref<45056x16xf32, #tpu.memory_space<vmem_shared>>
        tpu.enqueue_indirect_dma source(%dma_start3A_83 : memref<64x16xf32, #tpu.memory_space<vmem>>) target(%dma_start3A_89 : memref<45056x16xf32, #tpu.memory_space<vmem_shared>>) offsets(%dma_start3A_86 : memref<64xi32, #tpu.memory_space<vmem>>) semaphore(%run_scoped3A_81 : memref<!tpu.dma_semaphore, #tpu.memory_space<semaphore_mem>>) {add = true}
        %dma_wait3A = arith.constant 576 : i32
        %dma_wait3A_90 = arith.constant 0 : i32
        %dma_wait3A_91 = tpu.memref_slice %arg13[%dma_wait3A, %dma_wait3A_90] : memref<2112x16xf32, #tpu.memory_space<vmem>> -> memref<64x16xf32, #tpu.memory_space<vmem>>
        %dma_wait3A_92 = arith.constant 0 : i32
        %dma_wait3A_93 = tpu.memref_slice %arg15[%run_scoped3A_57, %dma_wait3A_92] : memref<33x64xi32, #tpu.memory_space<vmem>> -> memref<1x64xi32, #tpu.memory_space<vmem>>
        %dma_wait3A_94 = tpu.memref_squeeze %dma_wait3A_93 : memref<1x64xi32, #tpu.memory_space<vmem>> -> memref<64xi32, #tpu.memory_space<vmem>>
        %dma_wait3A_95 = arith.constant 0 : i32
        %dma_wait3A_96 = arith.constant 0 : i32
        %dma_wait3A_97 = tpu.memref_slice %arg8[%dma_wait3A_95, %dma_wait3A_96] : memref<45056x16xf32, #tpu.memory_space<vmem_shared>> -> memref<45056x16xf32, #tpu.memory_space<vmem_shared>>
        tpu.wait_indirect_dma semaphore(%run_scoped3A_81 : memref<!tpu.dma_semaphore, #tpu.memory_space<semaphore_mem>>) src(%dma_wait3A_91 : memref<64x16xf32, #tpu.memory_space<vmem>>) dst(%dma_wait3A_97 : memref<45056x16xf32, #tpu.memory_space<vmem_shared>>)
        tpu.yield
      }) : () -> ()
      %run_scoped3A_58 = arith.constant 10 : i32
      "tpu.region"() ({
        %run_scoped3A_81 = tpu.sem_alloc : memref<!tpu.dma_semaphore, #tpu.memory_space<semaphore_mem>>
        %dma_start3A = arith.constant 640 : i32
        %dma_start3A_82 = arith.constant 0 : i32
        %dma_start3A_83 = tpu.memref_slice %arg13[%dma_start3A, %dma_start3A_82] : memref<2112x16xf32, #tpu.memory_space<vmem>> -> memref<64x16xf32, #tpu.memory_space<vmem>>
        %dma_start3A_84 = arith.constant 0 : i32
        %dma_start3A_85 = tpu.memref_slice %arg15[%run_scoped3A_58, %dma_start3A_84] : memref<33x64xi32, #tpu.memory_space<vmem>> -> memref<1x64xi32, #tpu.memory_space<vmem>>
        %dma_start3A_86 = tpu.memref_squeeze %dma_start3A_85 : memref<1x64xi32, #tpu.memory_space<vmem>> -> memref<64xi32, #tpu.memory_space<vmem>>
        %dma_start3A_87 = arith.constant 0 : i32
        %dma_start3A_88 = arith.constant 0 : i32
        %dma_start3A_89 = tpu.memref_slice %arg8[%dma_start3A_87, %dma_start3A_88] : memref<45056x16xf32, #tpu.memory_space<vmem_shared>> -> memref<45056x16xf32, #tpu.memory_space<vmem_shared>>
        tpu.enqueue_indirect_dma source(%dma_start3A_83 : memref<64x16xf32, #tpu.memory_space<vmem>>) target(%dma_start3A_89 : memref<45056x16xf32, #tpu.memory_space<vmem_shared>>) offsets(%dma_start3A_86 : memref<64xi32, #tpu.memory_space<vmem>>) semaphore(%run_scoped3A_81 : memref<!tpu.dma_semaphore, #tpu.memory_space<semaphore_mem>>) {add = true}
        %dma_wait3A = arith.constant 640 : i32
        %dma_wait3A_90 = arith.constant 0 : i32
        %dma_wait3A_91 = tpu.memref_slice %arg13[%dma_wait3A, %dma_wait3A_90] : memref<2112x16xf32, #tpu.memory_space<vmem>> -> memref<64x16xf32, #tpu.memory_space<vmem>>
        %dma_wait3A_92 = arith.constant 0 : i32
        %dma_wait3A_93 = tpu.memref_slice %arg15[%run_scoped3A_58, %dma_wait3A_92] : memref<33x64xi32, #tpu.memory_space<vmem>> -> memref<1x64xi32, #tpu.memory_space<vmem>>
        %dma_wait3A_94 = tpu.memref_squeeze %dma_wait3A_93 : memref<1x64xi32, #tpu.memory_space<vmem>> -> memref<64xi32, #tpu.memory_space<vmem>>
        %dma_wait3A_95 = arith.constant 0 : i32
        %dma_wait3A_96 = arith.constant 0 : i32
        %dma_wait3A_97 = tpu.memref_slice %arg8[%dma_wait3A_95, %dma_wait3A_96] : memref<45056x16xf32, #tpu.memory_space<vmem_shared>> -> memref<45056x16xf32, #tpu.memory_space<vmem_shared>>
        tpu.wait_indirect_dma semaphore(%run_scoped3A_81 : memref<!tpu.dma_semaphore, #tpu.memory_space<semaphore_mem>>) src(%dma_wait3A_91 : memref<64x16xf32, #tpu.memory_space<vmem>>) dst(%dma_wait3A_97 : memref<45056x16xf32, #tpu.memory_space<vmem_shared>>)
        tpu.yield
      }) : () -> ()
      %run_scoped3A_59 = arith.constant 11 : i32
      "tpu.region"() ({
        %run_scoped3A_81 = tpu.sem_alloc : memref<!tpu.dma_semaphore, #tpu.memory_space<semaphore_mem>>
        %dma_start3A = arith.constant 704 : i32
        %dma_start3A_82 = arith.constant 0 : i32
        %dma_start3A_83 = tpu.memref_slice %arg13[%dma_start3A, %dma_start3A_82] : memref<2112x16xf32, #tpu.memory_space<vmem>> -> memref<64x16xf32, #tpu.memory_space<vmem>>
        %dma_start3A_84 = arith.constant 0 : i32
        %dma_start3A_85 = tpu.memref_slice %arg15[%run_scoped3A_59, %dma_start3A_84] : memref<33x64xi32, #tpu.memory_space<vmem>> -> memref<1x64xi32, #tpu.memory_space<vmem>>
        %dma_start3A_86 = tpu.memref_squeeze %dma_start3A_85 : memref<1x64xi32, #tpu.memory_space<vmem>> -> memref<64xi32, #tpu.memory_space<vmem>>
        %dma_start3A_87 = arith.constant 0 : i32
        %dma_start3A_88 = arith.constant 0 : i32
        %dma_start3A_89 = tpu.memref_slice %arg8[%dma_start3A_87, %dma_start3A_88] : memref<45056x16xf32, #tpu.memory_space<vmem_shared>> -> memref<45056x16xf32, #tpu.memory_space<vmem_shared>>
        tpu.enqueue_indirect_dma source(%dma_start3A_83 : memref<64x16xf32, #tpu.memory_space<vmem>>) target(%dma_start3A_89 : memref<45056x16xf32, #tpu.memory_space<vmem_shared>>) offsets(%dma_start3A_86 : memref<64xi32, #tpu.memory_space<vmem>>) semaphore(%run_scoped3A_81 : memref<!tpu.dma_semaphore, #tpu.memory_space<semaphore_mem>>) {add = true}
        %dma_wait3A = arith.constant 704 : i32
        %dma_wait3A_90 = arith.constant 0 : i32
        %dma_wait3A_91 = tpu.memref_slice %arg13[%dma_wait3A, %dma_wait3A_90] : memref<2112x16xf32, #tpu.memory_space<vmem>> -> memref<64x16xf32, #tpu.memory_space<vmem>>
        %dma_wait3A_92 = arith.constant 0 : i32
        %dma_wait3A_93 = tpu.memref_slice %arg15[%run_scoped3A_59, %dma_wait3A_92] : memref<33x64xi32, #tpu.memory_space<vmem>> -> memref<1x64xi32, #tpu.memory_space<vmem>>
        %dma_wait3A_94 = tpu.memref_squeeze %dma_wait3A_93 : memref<1x64xi32, #tpu.memory_space<vmem>> -> memref<64xi32, #tpu.memory_space<vmem>>
        %dma_wait3A_95 = arith.constant 0 : i32
        %dma_wait3A_96 = arith.constant 0 : i32
        %dma_wait3A_97 = tpu.memref_slice %arg8[%dma_wait3A_95, %dma_wait3A_96] : memref<45056x16xf32, #tpu.memory_space<vmem_shared>> -> memref<45056x16xf32, #tpu.memory_space<vmem_shared>>
        tpu.wait_indirect_dma semaphore(%run_scoped3A_81 : memref<!tpu.dma_semaphore, #tpu.memory_space<semaphore_mem>>) src(%dma_wait3A_91 : memref<64x16xf32, #tpu.memory_space<vmem>>) dst(%dma_wait3A_97 : memref<45056x16xf32, #tpu.memory_space<vmem_shared>>)
        tpu.yield
      }) : () -> ()
      %run_scoped3A_60 = arith.constant 12 : i32
      "tpu.region"() ({
        %run_scoped3A_81 = tpu.sem_alloc : memref<!tpu.dma_semaphore, #tpu.memory_space<semaphore_mem>>
        %dma_start3A = arith.constant 768 : i32
        %dma_start3A_82 = arith.constant 0 : i32
        %dma_start3A_83 = tpu.memref_slice %arg13[%dma_start3A, %dma_start3A_82] : memref<2112x16xf32, #tpu.memory_space<vmem>> -> memref<64x16xf32, #tpu.memory_space<vmem>>
        %dma_start3A_84 = arith.constant 0 : i32
        %dma_start3A_85 = tpu.memref_slice %arg15[%run_scoped3A_60, %dma_start3A_84] : memref<33x64xi32, #tpu.memory_space<vmem>> -> memref<1x64xi32, #tpu.memory_space<vmem>>
        %dma_start3A_86 = tpu.memref_squeeze %dma_start3A_85 : memref<1x64xi32, #tpu.memory_space<vmem>> -> memref<64xi32, #tpu.memory_space<vmem>>
        %dma_start3A_87 = arith.constant 0 : i32
        %dma_start3A_88 = arith.constant 0 : i32
        %dma_start3A_89 = tpu.memref_slice %arg8[%dma_start3A_87, %dma_start3A_88] : memref<45056x16xf32, #tpu.memory_space<vmem_shared>> -> memref<45056x16xf32, #tpu.memory_space<vmem_shared>>
        tpu.enqueue_indirect_dma source(%dma_start3A_83 : memref<64x16xf32, #tpu.memory_space<vmem>>) target(%dma_start3A_89 : memref<45056x16xf32, #tpu.memory_space<vmem_shared>>) offsets(%dma_start3A_86 : memref<64xi32, #tpu.memory_space<vmem>>) semaphore(%run_scoped3A_81 : memref<!tpu.dma_semaphore, #tpu.memory_space<semaphore_mem>>) {add = true}
        %dma_wait3A = arith.constant 768 : i32
        %dma_wait3A_90 = arith.constant 0 : i32
        %dma_wait3A_91 = tpu.memref_slice %arg13[%dma_wait3A, %dma_wait3A_90] : memref<2112x16xf32, #tpu.memory_space<vmem>> -> memref<64x16xf32, #tpu.memory_space<vmem>>
        %dma_wait3A_92 = arith.constant 0 : i32
        %dma_wait3A_93 = tpu.memref_slice %arg15[%run_scoped3A_60, %dma_wait3A_92] : memref<33x64xi32, #tpu.memory_space<vmem>> -> memref<1x64xi32, #tpu.memory_space<vmem>>
        %dma_wait3A_94 = tpu.memref_squeeze %dma_wait3A_93 : memref<1x64xi32, #tpu.memory_space<vmem>> -> memref<64xi32, #tpu.memory_space<vmem>>
        %dma_wait3A_95 = arith.constant 0 : i32
        %dma_wait3A_96 = arith.constant 0 : i32
        %dma_wait3A_97 = tpu.memref_slice %arg8[%dma_wait3A_95, %dma_wait3A_96] : memref<45056x16xf32, #tpu.memory_space<vmem_shared>> -> memref<45056x16xf32, #tpu.memory_space<vmem_shared>>
        tpu.wait_indirect_dma semaphore(%run_scoped3A_81 : memref<!tpu.dma_semaphore, #tpu.memory_space<semaphore_mem>>) src(%dma_wait3A_91 : memref<64x16xf32, #tpu.memory_space<vmem>>) dst(%dma_wait3A_97 : memref<45056x16xf32, #tpu.memory_space<vmem_shared>>)
        tpu.yield
      }) : () -> ()
      %run_scoped3A_61 = arith.constant 13 : i32
      "tpu.region"() ({
        %run_scoped3A_81 = tpu.sem_alloc : memref<!tpu.dma_semaphore, #tpu.memory_space<semaphore_mem>>
        %dma_start3A = arith.constant 832 : i32
        %dma_start3A_82 = arith.constant 0 : i32
        %dma_start3A_83 = tpu.memref_slice %arg13[%dma_start3A, %dma_start3A_82] : memref<2112x16xf32, #tpu.memory_space<vmem>> -> memref<64x16xf32, #tpu.memory_space<vmem>>
        %dma_start3A_84 = arith.constant 0 : i32
        %dma_start3A_85 = tpu.memref_slice %arg15[%run_scoped3A_61, %dma_start3A_84] : memref<33x64xi32, #tpu.memory_space<vmem>> -> memref<1x64xi32, #tpu.memory_space<vmem>>
        %dma_start3A_86 = tpu.memref_squeeze %dma_start3A_85 : memref<1x64xi32, #tpu.memory_space<vmem>> -> memref<64xi32, #tpu.memory_space<vmem>>
        %dma_start3A_87 = arith.constant 0 : i32
        %dma_start3A_88 = arith.constant 0 : i32
        %dma_start3A_89 = tpu.memref_slice %arg8[%dma_start3A_87, %dma_start3A_88] : memref<45056x16xf32, #tpu.memory_space<vmem_shared>> -> memref<45056x16xf32, #tpu.memory_space<vmem_shared>>
        tpu.enqueue_indirect_dma source(%dma_start3A_83 : memref<64x16xf32, #tpu.memory_space<vmem>>) target(%dma_start3A_89 : memref<45056x16xf32, #tpu.memory_space<vmem_shared>>) offsets(%dma_start3A_86 : memref<64xi32, #tpu.memory_space<vmem>>) semaphore(%run_scoped3A_81 : memref<!tpu.dma_semaphore, #tpu.memory_space<semaphore_mem>>) {add = true}
        %dma_wait3A = arith.constant 832 : i32
        %dma_wait3A_90 = arith.constant 0 : i32
        %dma_wait3A_91 = tpu.memref_slice %arg13[%dma_wait3A, %dma_wait3A_90] : memref<2112x16xf32, #tpu.memory_space<vmem>> -> memref<64x16xf32, #tpu.memory_space<vmem>>
        %dma_wait3A_92 = arith.constant 0 : i32
        %dma_wait3A_93 = tpu.memref_slice %arg15[%run_scoped3A_61, %dma_wait3A_92] : memref<33x64xi32, #tpu.memory_space<vmem>> -> memref<1x64xi32, #tpu.memory_space<vmem>>
        %dma_wait3A_94 = tpu.memref_squeeze %dma_wait3A_93 : memref<1x64xi32, #tpu.memory_space<vmem>> -> memref<64xi32, #tpu.memory_space<vmem>>
        %dma_wait3A_95 = arith.constant 0 : i32
        %dma_wait3A_96 = arith.constant 0 : i32
        %dma_wait3A_97 = tpu.memref_slice %arg8[%dma_wait3A_95, %dma_wait3A_96] : memref<45056x16xf32, #tpu.memory_space<vmem_shared>> -> memref<45056x16xf32, #tpu.memory_space<vmem_shared>>
        tpu.wait_indirect_dma semaphore(%run_scoped3A_81 : memref<!tpu.dma_semaphore, #tpu.memory_space<semaphore_mem>>) src(%dma_wait3A_91 : memref<64x16xf32, #tpu.memory_space<vmem>>) dst(%dma_wait3A_97 : memref<45056x16xf32, #tpu.memory_space<vmem_shared>>)
        tpu.yield
      }) : () -> ()
      %run_scoped3A_62 = arith.constant 14 : i32
      "tpu.region"() ({
        %run_scoped3A_81 = tpu.sem_alloc : memref<!tpu.dma_semaphore, #tpu.memory_space<semaphore_mem>>
        %dma_start3A = arith.constant 896 : i32
        %dma_start3A_82 = arith.constant 0 : i32
        %dma_start3A_83 = tpu.memref_slice %arg13[%dma_start3A, %dma_start3A_82] : memref<2112x16xf32, #tpu.memory_space<vmem>> -> memref<64x16xf32, #tpu.memory_space<vmem>>
        %dma_start3A_84 = arith.constant 0 : i32
        %dma_start3A_85 = tpu.memref_slice %arg15[%run_scoped3A_62, %dma_start3A_84] : memref<33x64xi32, #tpu.memory_space<vmem>> -> memref<1x64xi32, #tpu.memory_space<vmem>>
        %dma_start3A_86 = tpu.memref_squeeze %dma_start3A_85 : memref<1x64xi32, #tpu.memory_space<vmem>> -> memref<64xi32, #tpu.memory_space<vmem>>
        %dma_start3A_87 = arith.constant 0 : i32
        %dma_start3A_88 = arith.constant 0 : i32
        %dma_start3A_89 = tpu.memref_slice %arg8[%dma_start3A_87, %dma_start3A_88] : memref<45056x16xf32, #tpu.memory_space<vmem_shared>> -> memref<45056x16xf32, #tpu.memory_space<vmem_shared>>
        tpu.enqueue_indirect_dma source(%dma_start3A_83 : memref<64x16xf32, #tpu.memory_space<vmem>>) target(%dma_start3A_89 : memref<45056x16xf32, #tpu.memory_space<vmem_shared>>) offsets(%dma_start3A_86 : memref<64xi32, #tpu.memory_space<vmem>>) semaphore(%run_scoped3A_81 : memref<!tpu.dma_semaphore, #tpu.memory_space<semaphore_mem>>) {add = true}
        %dma_wait3A = arith.constant 896 : i32
        %dma_wait3A_90 = arith.constant 0 : i32
        %dma_wait3A_91 = tpu.memref_slice %arg13[%dma_wait3A, %dma_wait3A_90] : memref<2112x16xf32, #tpu.memory_space<vmem>> -> memref<64x16xf32, #tpu.memory_space<vmem>>
        %dma_wait3A_92 = arith.constant 0 : i32
        %dma_wait3A_93 = tpu.memref_slice %arg15[%run_scoped3A_62, %dma_wait3A_92] : memref<33x64xi32, #tpu.memory_space<vmem>> -> memref<1x64xi32, #tpu.memory_space<vmem>>
        %dma_wait3A_94 = tpu.memref_squeeze %dma_wait3A_93 : memref<1x64xi32, #tpu.memory_space<vmem>> -> memref<64xi32, #tpu.memory_space<vmem>>
        %dma_wait3A_95 = arith.constant 0 : i32
        %dma_wait3A_96 = arith.constant 0 : i32
        %dma_wait3A_97 = tpu.memref_slice %arg8[%dma_wait3A_95, %dma_wait3A_96] : memref<45056x16xf32, #tpu.memory_space<vmem_shared>> -> memref<45056x16xf32, #tpu.memory_space<vmem_shared>>
        tpu.wait_indirect_dma semaphore(%run_scoped3A_81 : memref<!tpu.dma_semaphore, #tpu.memory_space<semaphore_mem>>) src(%dma_wait3A_91 : memref<64x16xf32, #tpu.memory_space<vmem>>) dst(%dma_wait3A_97 : memref<45056x16xf32, #tpu.memory_space<vmem_shared>>)
        tpu.yield
      }) : () -> ()
      %run_scoped3A_63 = arith.constant 15 : i32
      "tpu.region"() ({
        %run_scoped3A_81 = tpu.sem_alloc : memref<!tpu.dma_semaphore, #tpu.memory_space<semaphore_mem>>
        %dma_start3A = arith.constant 960 : i32
        %dma_start3A_82 = arith.constant 0 : i32
        %dma_start3A_83 = tpu.memref_slice %arg13[%dma_start3A, %dma_start3A_82] : memref<2112x16xf32, #tpu.memory_space<vmem>> -> memref<64x16xf32, #tpu.memory_space<vmem>>
        %dma_start3A_84 = arith.constant 0 : i32
        %dma_start3A_85 = tpu.memref_slice %arg15[%run_scoped3A_63, %dma_start3A_84] : memref<33x64xi32, #tpu.memory_space<vmem>> -> memref<1x64xi32, #tpu.memory_space<vmem>>
        %dma_start3A_86 = tpu.memref_squeeze %dma_start3A_85 : memref<1x64xi32, #tpu.memory_space<vmem>> -> memref<64xi32, #tpu.memory_space<vmem>>
        %dma_start3A_87 = arith.constant 0 : i32
        %dma_start3A_88 = arith.constant 0 : i32
        %dma_start3A_89 = tpu.memref_slice %arg8[%dma_start3A_87, %dma_start3A_88] : memref<45056x16xf32, #tpu.memory_space<vmem_shared>> -> memref<45056x16xf32, #tpu.memory_space<vmem_shared>>
        tpu.enqueue_indirect_dma source(%dma_start3A_83 : memref<64x16xf32, #tpu.memory_space<vmem>>) target(%dma_start3A_89 : memref<45056x16xf32, #tpu.memory_space<vmem_shared>>) offsets(%dma_start3A_86 : memref<64xi32, #tpu.memory_space<vmem>>) semaphore(%run_scoped3A_81 : memref<!tpu.dma_semaphore, #tpu.memory_space<semaphore_mem>>) {add = true}
        %dma_wait3A = arith.constant 960 : i32
        %dma_wait3A_90 = arith.constant 0 : i32
        %dma_wait3A_91 = tpu.memref_slice %arg13[%dma_wait3A, %dma_wait3A_90] : memref<2112x16xf32, #tpu.memory_space<vmem>> -> memref<64x16xf32, #tpu.memory_space<vmem>>
        %dma_wait3A_92 = arith.constant 0 : i32
        %dma_wait3A_93 = tpu.memref_slice %arg15[%run_scoped3A_63, %dma_wait3A_92] : memref<33x64xi32, #tpu.memory_space<vmem>> -> memref<1x64xi32, #tpu.memory_space<vmem>>
        %dma_wait3A_94 = tpu.memref_squeeze %dma_wait3A_93 : memref<1x64xi32, #tpu.memory_space<vmem>> -> memref<64xi32, #tpu.memory_space<vmem>>
        %dma_wait3A_95 = arith.constant 0 : i32
        %dma_wait3A_96 = arith.constant 0 : i32
        %dma_wait3A_97 = tpu.memref_slice %arg8[%dma_wait3A_95, %dma_wait3A_96] : memref<45056x16xf32, #tpu.memory_space<vmem_shared>> -> memref<45056x16xf32, #tpu.memory_space<vmem_shared>>
        tpu.wait_indirect_dma semaphore(%run_scoped3A_81 : memref<!tpu.dma_semaphore, #tpu.memory_space<semaphore_mem>>) src(%dma_wait3A_91 : memref<64x16xf32, #tpu.memory_space<vmem>>) dst(%dma_wait3A_97 : memref<45056x16xf32, #tpu.memory_space<vmem_shared>>)
        tpu.yield
      }) : () -> ()
      %run_scoped3A_64 = arith.constant 16 : i32
      "tpu.region"() ({
        %run_scoped3A_81 = tpu.sem_alloc : memref<!tpu.dma_semaphore, #tpu.memory_space<semaphore_mem>>
        %dma_start3A = arith.constant 1024 : i32
        %dma_start3A_82 = arith.constant 0 : i32
        %dma_start3A_83 = tpu.memref_slice %arg13[%dma_start3A, %dma_start3A_82] : memref<2112x16xf32, #tpu.memory_space<vmem>> -> memref<64x16xf32, #tpu.memory_space<vmem>>
        %dma_start3A_84 = arith.constant 0 : i32
        %dma_start3A_85 = tpu.memref_slice %arg15[%run_scoped3A_64, %dma_start3A_84] : memref<33x64xi32, #tpu.memory_space<vmem>> -> memref<1x64xi32, #tpu.memory_space<vmem>>
        %dma_start3A_86 = tpu.memref_squeeze %dma_start3A_85 : memref<1x64xi32, #tpu.memory_space<vmem>> -> memref<64xi32, #tpu.memory_space<vmem>>
        %dma_start3A_87 = arith.constant 0 : i32
        %dma_start3A_88 = arith.constant 0 : i32
        %dma_start3A_89 = tpu.memref_slice %arg8[%dma_start3A_87, %dma_start3A_88] : memref<45056x16xf32, #tpu.memory_space<vmem_shared>> -> memref<45056x16xf32, #tpu.memory_space<vmem_shared>>
        tpu.enqueue_indirect_dma source(%dma_start3A_83 : memref<64x16xf32, #tpu.memory_space<vmem>>) target(%dma_start3A_89 : memref<45056x16xf32, #tpu.memory_space<vmem_shared>>) offsets(%dma_start3A_86 : memref<64xi32, #tpu.memory_space<vmem>>) semaphore(%run_scoped3A_81 : memref<!tpu.dma_semaphore, #tpu.memory_space<semaphore_mem>>) {add = true}
        %dma_wait3A = arith.constant 1024 : i32
        %dma_wait3A_90 = arith.constant 0 : i32
        %dma_wait3A_91 = tpu.memref_slice %arg13[%dma_wait3A, %dma_wait3A_90] : memref<2112x16xf32, #tpu.memory_space<vmem>> -> memref<64x16xf32, #tpu.memory_space<vmem>>
        %dma_wait3A_92 = arith.constant 0 : i32
        %dma_wait3A_93 = tpu.memref_slice %arg15[%run_scoped3A_64, %dma_wait3A_92] : memref<33x64xi32, #tpu.memory_space<vmem>> -> memref<1x64xi32, #tpu.memory_space<vmem>>
        %dma_wait3A_94 = tpu.memref_squeeze %dma_wait3A_93 : memref<1x64xi32, #tpu.memory_space<vmem>> -> memref<64xi32, #tpu.memory_space<vmem>>
        %dma_wait3A_95 = arith.constant 0 : i32
        %dma_wait3A_96 = arith.constant 0 : i32
        %dma_wait3A_97 = tpu.memref_slice %arg8[%dma_wait3A_95, %dma_wait3A_96] : memref<45056x16xf32, #tpu.memory_space<vmem_shared>> -> memref<45056x16xf32, #tpu.memory_space<vmem_shared>>
        tpu.wait_indirect_dma semaphore(%run_scoped3A_81 : memref<!tpu.dma_semaphore, #tpu.memory_space<semaphore_mem>>) src(%dma_wait3A_91 : memref<64x16xf32, #tpu.memory_space<vmem>>) dst(%dma_wait3A_97 : memref<45056x16xf32, #tpu.memory_space<vmem_shared>>)
        tpu.yield
      }) : () -> ()
      %run_scoped3A_65 = arith.constant 17 : i32
      "tpu.region"() ({
        %run_scoped3A_81 = tpu.sem_alloc : memref<!tpu.dma_semaphore, #tpu.memory_space<semaphore_mem>>
        %dma_start3A = arith.constant 1088 : i32
        %dma_start3A_82 = arith.constant 0 : i32
        %dma_start3A_83 = tpu.memref_slice %arg13[%dma_start3A, %dma_start3A_82] : memref<2112x16xf32, #tpu.memory_space<vmem>> -> memref<64x16xf32, #tpu.memory_space<vmem>>
        %dma_start3A_84 = arith.constant 0 : i32
        %dma_start3A_85 = tpu.memref_slice %arg15[%run_scoped3A_65, %dma_start3A_84] : memref<33x64xi32, #tpu.memory_space<vmem>> -> memref<1x64xi32, #tpu.memory_space<vmem>>
        %dma_start3A_86 = tpu.memref_squeeze %dma_start3A_85 : memref<1x64xi32, #tpu.memory_space<vmem>> -> memref<64xi32, #tpu.memory_space<vmem>>
        %dma_start3A_87 = arith.constant 0 : i32
        %dma_start3A_88 = arith.constant 0 : i32
        %dma_start3A_89 = tpu.memref_slice %arg8[%dma_start3A_87, %dma_start3A_88] : memref<45056x16xf32, #tpu.memory_space<vmem_shared>> -> memref<45056x16xf32, #tpu.memory_space<vmem_shared>>
        tpu.enqueue_indirect_dma source(%dma_start3A_83 : memref<64x16xf32, #tpu.memory_space<vmem>>) target(%dma_start3A_89 : memref<45056x16xf32, #tpu.memory_space<vmem_shared>>) offsets(%dma_start3A_86 : memref<64xi32, #tpu.memory_space<vmem>>) semaphore(%run_scoped3A_81 : memref<!tpu.dma_semaphore, #tpu.memory_space<semaphore_mem>>) {add = true}
        %dma_wait3A = arith.constant 1088 : i32
        %dma_wait3A_90 = arith.constant 0 : i32
        %dma_wait3A_91 = tpu.memref_slice %arg13[%dma_wait3A, %dma_wait3A_90] : memref<2112x16xf32, #tpu.memory_space<vmem>> -> memref<64x16xf32, #tpu.memory_space<vmem>>
        %dma_wait3A_92 = arith.constant 0 : i32
        %dma_wait3A_93 = tpu.memref_slice %arg15[%run_scoped3A_65, %dma_wait3A_92] : memref<33x64xi32, #tpu.memory_space<vmem>> -> memref<1x64xi32, #tpu.memory_space<vmem>>
        %dma_wait3A_94 = tpu.memref_squeeze %dma_wait3A_93 : memref<1x64xi32, #tpu.memory_space<vmem>> -> memref<64xi32, #tpu.memory_space<vmem>>
        %dma_wait3A_95 = arith.constant 0 : i32
        %dma_wait3A_96 = arith.constant 0 : i32
        %dma_wait3A_97 = tpu.memref_slice %arg8[%dma_wait3A_95, %dma_wait3A_96] : memref<45056x16xf32, #tpu.memory_space<vmem_shared>> -> memref<45056x16xf32, #tpu.memory_space<vmem_shared>>
        tpu.wait_indirect_dma semaphore(%run_scoped3A_81 : memref<!tpu.dma_semaphore, #tpu.memory_space<semaphore_mem>>) src(%dma_wait3A_91 : memref<64x16xf32, #tpu.memory_space<vmem>>) dst(%dma_wait3A_97 : memref<45056x16xf32, #tpu.memory_space<vmem_shared>>)
        tpu.yield
      }) : () -> ()
      %run_scoped3A_66 = arith.constant 18 : i32
      "tpu.region"() ({
        %run_scoped3A_81 = tpu.sem_alloc : memref<!tpu.dma_semaphore, #tpu.memory_space<semaphore_mem>>
        %dma_start3A = arith.constant 1152 : i32
        %dma_start3A_82 = arith.constant 0 : i32
        %dma_start3A_83 = tpu.memref_slice %arg13[%dma_start3A, %dma_start3A_82] : memref<2112x16xf32, #tpu.memory_space<vmem>> -> memref<64x16xf32, #tpu.memory_space<vmem>>
        %dma_start3A_84 = arith.constant 0 : i32
        %dma_start3A_85 = tpu.memref_slice %arg15[%run_scoped3A_66, %dma_start3A_84] : memref<33x64xi32, #tpu.memory_space<vmem>> -> memref<1x64xi32, #tpu.memory_space<vmem>>
        %dma_start3A_86 = tpu.memref_squeeze %dma_start3A_85 : memref<1x64xi32, #tpu.memory_space<vmem>> -> memref<64xi32, #tpu.memory_space<vmem>>
        %dma_start3A_87 = arith.constant 0 : i32
        %dma_start3A_88 = arith.constant 0 : i32
        %dma_start3A_89 = tpu.memref_slice %arg8[%dma_start3A_87, %dma_start3A_88] : memref<45056x16xf32, #tpu.memory_space<vmem_shared>> -> memref<45056x16xf32, #tpu.memory_space<vmem_shared>>
        tpu.enqueue_indirect_dma source(%dma_start3A_83 : memref<64x16xf32, #tpu.memory_space<vmem>>) target(%dma_start3A_89 : memref<45056x16xf32, #tpu.memory_space<vmem_shared>>) offsets(%dma_start3A_86 : memref<64xi32, #tpu.memory_space<vmem>>) semaphore(%run_scoped3A_81 : memref<!tpu.dma_semaphore, #tpu.memory_space<semaphore_mem>>) {add = true}
        %dma_wait3A = arith.constant 1152 : i32
        %dma_wait3A_90 = arith.constant 0 : i32
        %dma_wait3A_91 = tpu.memref_slice %arg13[%dma_wait3A, %dma_wait3A_90] : memref<2112x16xf32, #tpu.memory_space<vmem>> -> memref<64x16xf32, #tpu.memory_space<vmem>>
        %dma_wait3A_92 = arith.constant 0 : i32
        %dma_wait3A_93 = tpu.memref_slice %arg15[%run_scoped3A_66, %dma_wait3A_92] : memref<33x64xi32, #tpu.memory_space<vmem>> -> memref<1x64xi32, #tpu.memory_space<vmem>>
        %dma_wait3A_94 = tpu.memref_squeeze %dma_wait3A_93 : memref<1x64xi32, #tpu.memory_space<vmem>> -> memref<64xi32, #tpu.memory_space<vmem>>
        %dma_wait3A_95 = arith.constant 0 : i32
        %dma_wait3A_96 = arith.constant 0 : i32
        %dma_wait3A_97 = tpu.memref_slice %arg8[%dma_wait3A_95, %dma_wait3A_96] : memref<45056x16xf32, #tpu.memory_space<vmem_shared>> -> memref<45056x16xf32, #tpu.memory_space<vmem_shared>>
        tpu.wait_indirect_dma semaphore(%run_scoped3A_81 : memref<!tpu.dma_semaphore, #tpu.memory_space<semaphore_mem>>) src(%dma_wait3A_91 : memref<64x16xf32, #tpu.memory_space<vmem>>) dst(%dma_wait3A_97 : memref<45056x16xf32, #tpu.memory_space<vmem_shared>>)
        tpu.yield
      }) : () -> ()
      %run_scoped3A_67 = arith.constant 19 : i32
      "tpu.region"() ({
        %run_scoped3A_81 = tpu.sem_alloc : memref<!tpu.dma_semaphore, #tpu.memory_space<semaphore_mem>>
        %dma_start3A = arith.constant 1216 : i32
        %dma_start3A_82 = arith.constant 0 : i32
        %dma_start3A_83 = tpu.memref_slice %arg13[%dma_start3A, %dma_start3A_82] : memref<2112x16xf32, #tpu.memory_space<vmem>> -> memref<64x16xf32, #tpu.memory_space<vmem>>
        %dma_start3A_84 = arith.constant 0 : i32
        %dma_start3A_85 = tpu.memref_slice %arg15[%run_scoped3A_67, %dma_start3A_84] : memref<33x64xi32, #tpu.memory_space<vmem>> -> memref<1x64xi32, #tpu.memory_space<vmem>>
        %dma_start3A_86 = tpu.memref_squeeze %dma_start3A_85 : memref<1x64xi32, #tpu.memory_space<vmem>> -> memref<64xi32, #tpu.memory_space<vmem>>
        %dma_start3A_87 = arith.constant 0 : i32
        %dma_start3A_88 = arith.constant 0 : i32
        %dma_start3A_89 = tpu.memref_slice %arg8[%dma_start3A_87, %dma_start3A_88] : memref<45056x16xf32, #tpu.memory_space<vmem_shared>> -> memref<45056x16xf32, #tpu.memory_space<vmem_shared>>
        tpu.enqueue_indirect_dma source(%dma_start3A_83 : memref<64x16xf32, #tpu.memory_space<vmem>>) target(%dma_start3A_89 : memref<45056x16xf32, #tpu.memory_space<vmem_shared>>) offsets(%dma_start3A_86 : memref<64xi32, #tpu.memory_space<vmem>>) semaphore(%run_scoped3A_81 : memref<!tpu.dma_semaphore, #tpu.memory_space<semaphore_mem>>) {add = true}
        %dma_wait3A = arith.constant 1216 : i32
        %dma_wait3A_90 = arith.constant 0 : i32
        %dma_wait3A_91 = tpu.memref_slice %arg13[%dma_wait3A, %dma_wait3A_90] : memref<2112x16xf32, #tpu.memory_space<vmem>> -> memref<64x16xf32, #tpu.memory_space<vmem>>
        %dma_wait3A_92 = arith.constant 0 : i32
        %dma_wait3A_93 = tpu.memref_slice %arg15[%run_scoped3A_67, %dma_wait3A_92] : memref<33x64xi32, #tpu.memory_space<vmem>> -> memref<1x64xi32, #tpu.memory_space<vmem>>
        %dma_wait3A_94 = tpu.memref_squeeze %dma_wait3A_93 : memref<1x64xi32, #tpu.memory_space<vmem>> -> memref<64xi32, #tpu.memory_space<vmem>>
        %dma_wait3A_95 = arith.constant 0 : i32
        %dma_wait3A_96 = arith.constant 0 : i32
        %dma_wait3A_97 = tpu.memref_slice %arg8[%dma_wait3A_95, %dma_wait3A_96] : memref<45056x16xf32, #tpu.memory_space<vmem_shared>> -> memref<45056x16xf32, #tpu.memory_space<vmem_shared>>
        tpu.wait_indirect_dma semaphore(%run_scoped3A_81 : memref<!tpu.dma_semaphore, #tpu.memory_space<semaphore_mem>>) src(%dma_wait3A_91 : memref<64x16xf32, #tpu.memory_space<vmem>>) dst(%dma_wait3A_97 : memref<45056x16xf32, #tpu.memory_space<vmem_shared>>)
        tpu.yield
      }) : () -> ()
      %run_scoped3A_68 = arith.constant 20 : i32
      "tpu.region"() ({
        %run_scoped3A_81 = tpu.sem_alloc : memref<!tpu.dma_semaphore, #tpu.memory_space<semaphore_mem>>
        %dma_start3A = arith.constant 1280 : i32
        %dma_start3A_82 = arith.constant 0 : i32
        %dma_start3A_83 = tpu.memref_slice %arg13[%dma_start3A, %dma_start3A_82] : memref<2112x16xf32, #tpu.memory_space<vmem>> -> memref<64x16xf32, #tpu.memory_space<vmem>>
        %dma_start3A_84 = arith.constant 0 : i32
        %dma_start3A_85 = tpu.memref_slice %arg15[%run_scoped3A_68, %dma_start3A_84] : memref<33x64xi32, #tpu.memory_space<vmem>> -> memref<1x64xi32, #tpu.memory_space<vmem>>
        %dma_start3A_86 = tpu.memref_squeeze %dma_start3A_85 : memref<1x64xi32, #tpu.memory_space<vmem>> -> memref<64xi32, #tpu.memory_space<vmem>>
        %dma_start3A_87 = arith.constant 0 : i32
        %dma_start3A_88 = arith.constant 0 : i32
        %dma_start3A_89 = tpu.memref_slice %arg8[%dma_start3A_87, %dma_start3A_88] : memref<45056x16xf32, #tpu.memory_space<vmem_shared>> -> memref<45056x16xf32, #tpu.memory_space<vmem_shared>>
        tpu.enqueue_indirect_dma source(%dma_start3A_83 : memref<64x16xf32, #tpu.memory_space<vmem>>) target(%dma_start3A_89 : memref<45056x16xf32, #tpu.memory_space<vmem_shared>>) offsets(%dma_start3A_86 : memref<64xi32, #tpu.memory_space<vmem>>) semaphore(%run_scoped3A_81 : memref<!tpu.dma_semaphore, #tpu.memory_space<semaphore_mem>>) {add = true}
        %dma_wait3A = arith.constant 1280 : i32
        %dma_wait3A_90 = arith.constant 0 : i32
        %dma_wait3A_91 = tpu.memref_slice %arg13[%dma_wait3A, %dma_wait3A_90] : memref<2112x16xf32, #tpu.memory_space<vmem>> -> memref<64x16xf32, #tpu.memory_space<vmem>>
        %dma_wait3A_92 = arith.constant 0 : i32
        %dma_wait3A_93 = tpu.memref_slice %arg15[%run_scoped3A_68, %dma_wait3A_92] : memref<33x64xi32, #tpu.memory_space<vmem>> -> memref<1x64xi32, #tpu.memory_space<vmem>>
        %dma_wait3A_94 = tpu.memref_squeeze %dma_wait3A_93 : memref<1x64xi32, #tpu.memory_space<vmem>> -> memref<64xi32, #tpu.memory_space<vmem>>
        %dma_wait3A_95 = arith.constant 0 : i32
        %dma_wait3A_96 = arith.constant 0 : i32
        %dma_wait3A_97 = tpu.memref_slice %arg8[%dma_wait3A_95, %dma_wait3A_96] : memref<45056x16xf32, #tpu.memory_space<vmem_shared>> -> memref<45056x16xf32, #tpu.memory_space<vmem_shared>>
        tpu.wait_indirect_dma semaphore(%run_scoped3A_81 : memref<!tpu.dma_semaphore, #tpu.memory_space<semaphore_mem>>) src(%dma_wait3A_91 : memref<64x16xf32, #tpu.memory_space<vmem>>) dst(%dma_wait3A_97 : memref<45056x16xf32, #tpu.memory_space<vmem_shared>>)
        tpu.yield
      }) : () -> ()
      %run_scoped3A_69 = arith.constant 21 : i32
      "tpu.region"() ({
        %run_scoped3A_81 = tpu.sem_alloc : memref<!tpu.dma_semaphore, #tpu.memory_space<semaphore_mem>>
        %dma_start3A = arith.constant 1344 : i32
        %dma_start3A_82 = arith.constant 0 : i32
        %dma_start3A_83 = tpu.memref_slice %arg13[%dma_start3A, %dma_start3A_82] : memref<2112x16xf32, #tpu.memory_space<vmem>> -> memref<64x16xf32, #tpu.memory_space<vmem>>
        %dma_start3A_84 = arith.constant 0 : i32
        %dma_start3A_85 = tpu.memref_slice %arg15[%run_scoped3A_69, %dma_start3A_84] : memref<33x64xi32, #tpu.memory_space<vmem>> -> memref<1x64xi32, #tpu.memory_space<vmem>>
        %dma_start3A_86 = tpu.memref_squeeze %dma_start3A_85 : memref<1x64xi32, #tpu.memory_space<vmem>> -> memref<64xi32, #tpu.memory_space<vmem>>
        %dma_start3A_87 = arith.constant 0 : i32
        %dma_start3A_88 = arith.constant 0 : i32
        %dma_start3A_89 = tpu.memref_slice %arg8[%dma_start3A_87, %dma_start3A_88] : memref<45056x16xf32, #tpu.memory_space<vmem_shared>> -> memref<45056x16xf32, #tpu.memory_space<vmem_shared>>
        tpu.enqueue_indirect_dma source(%dma_start3A_83 : memref<64x16xf32, #tpu.memory_space<vmem>>) target(%dma_start3A_89 : memref<45056x16xf32, #tpu.memory_space<vmem_shared>>) offsets(%dma_start3A_86 : memref<64xi32, #tpu.memory_space<vmem>>) semaphore(%run_scoped3A_81 : memref<!tpu.dma_semaphore, #tpu.memory_space<semaphore_mem>>) {add = true}
        %dma_wait3A = arith.constant 1344 : i32
        %dma_wait3A_90 = arith.constant 0 : i32
        %dma_wait3A_91 = tpu.memref_slice %arg13[%dma_wait3A, %dma_wait3A_90] : memref<2112x16xf32, #tpu.memory_space<vmem>> -> memref<64x16xf32, #tpu.memory_space<vmem>>
        %dma_wait3A_92 = arith.constant 0 : i32
        %dma_wait3A_93 = tpu.memref_slice %arg15[%run_scoped3A_69, %dma_wait3A_92] : memref<33x64xi32, #tpu.memory_space<vmem>> -> memref<1x64xi32, #tpu.memory_space<vmem>>
        %dma_wait3A_94 = tpu.memref_squeeze %dma_wait3A_93 : memref<1x64xi32, #tpu.memory_space<vmem>> -> memref<64xi32, #tpu.memory_space<vmem>>
        %dma_wait3A_95 = arith.constant 0 : i32
        %dma_wait3A_96 = arith.constant 0 : i32
        %dma_wait3A_97 = tpu.memref_slice %arg8[%dma_wait3A_95, %dma_wait3A_96] : memref<45056x16xf32, #tpu.memory_space<vmem_shared>> -> memref<45056x16xf32, #tpu.memory_space<vmem_shared>>
        tpu.wait_indirect_dma semaphore(%run_scoped3A_81 : memref<!tpu.dma_semaphore, #tpu.memory_space<semaphore_mem>>) src(%dma_wait3A_91 : memref<64x16xf32, #tpu.memory_space<vmem>>) dst(%dma_wait3A_97 : memref<45056x16xf32, #tpu.memory_space<vmem_shared>>)
        tpu.yield
      }) : () -> ()
      %run_scoped3A_70 = arith.constant 22 : i32
      "tpu.region"() ({
        %run_scoped3A_81 = tpu.sem_alloc : memref<!tpu.dma_semaphore, #tpu.memory_space<semaphore_mem>>
        %dma_start3A = arith.constant 1408 : i32
        %dma_start3A_82 = arith.constant 0 : i32
        %dma_start3A_83 = tpu.memref_slice %arg13[%dma_start3A, %dma_start3A_82] : memref<2112x16xf32, #tpu.memory_space<vmem>> -> memref<64x16xf32, #tpu.memory_space<vmem>>
        %dma_start3A_84 = arith.constant 0 : i32
        %dma_start3A_85 = tpu.memref_slice %arg15[%run_scoped3A_70, %dma_start3A_84] : memref<33x64xi32, #tpu.memory_space<vmem>> -> memref<1x64xi32, #tpu.memory_space<vmem>>
        %dma_start3A_86 = tpu.memref_squeeze %dma_start3A_85 : memref<1x64xi32, #tpu.memory_space<vmem>> -> memref<64xi32, #tpu.memory_space<vmem>>
        %dma_start3A_87 = arith.constant 0 : i32
        %dma_start3A_88 = arith.constant 0 : i32
        %dma_start3A_89 = tpu.memref_slice %arg8[%dma_start3A_87, %dma_start3A_88] : memref<45056x16xf32, #tpu.memory_space<vmem_shared>> -> memref<45056x16xf32, #tpu.memory_space<vmem_shared>>
        tpu.enqueue_indirect_dma source(%dma_start3A_83 : memref<64x16xf32, #tpu.memory_space<vmem>>) target(%dma_start3A_89 : memref<45056x16xf32, #tpu.memory_space<vmem_shared>>) offsets(%dma_start3A_86 : memref<64xi32, #tpu.memory_space<vmem>>) semaphore(%run_scoped3A_81 : memref<!tpu.dma_semaphore, #tpu.memory_space<semaphore_mem>>) {add = true}
        %dma_wait3A = arith.constant 1408 : i32
        %dma_wait3A_90 = arith.constant 0 : i32
        %dma_wait3A_91 = tpu.memref_slice %arg13[%dma_wait3A, %dma_wait3A_90] : memref<2112x16xf32, #tpu.memory_space<vmem>> -> memref<64x16xf32, #tpu.memory_space<vmem>>
        %dma_wait3A_92 = arith.constant 0 : i32
        %dma_wait3A_93 = tpu.memref_slice %arg15[%run_scoped3A_70, %dma_wait3A_92] : memref<33x64xi32, #tpu.memory_space<vmem>> -> memref<1x64xi32, #tpu.memory_space<vmem>>
        %dma_wait3A_94 = tpu.memref_squeeze %dma_wait3A_93 : memref<1x64xi32, #tpu.memory_space<vmem>> -> memref<64xi32, #tpu.memory_space<vmem>>
        %dma_wait3A_95 = arith.constant 0 : i32
        %dma_wait3A_96 = arith.constant 0 : i32
        %dma_wait3A_97 = tpu.memref_slice %arg8[%dma_wait3A_95, %dma_wait3A_96] : memref<45056x16xf32, #tpu.memory_space<vmem_shared>> -> memref<45056x16xf32, #tpu.memory_space<vmem_shared>>
        tpu.wait_indirect_dma semaphore(%run_scoped3A_81 : memref<!tpu.dma_semaphore, #tpu.memory_space<semaphore_mem>>) src(%dma_wait3A_91 : memref<64x16xf32, #tpu.memory_space<vmem>>) dst(%dma_wait3A_97 : memref<45056x16xf32, #tpu.memory_space<vmem_shared>>)
        tpu.yield
      }) : () -> ()
      %run_scoped3A_71 = arith.constant 23 : i32
      "tpu.region"() ({
        %run_scoped3A_81 = tpu.sem_alloc : memref<!tpu.dma_semaphore, #tpu.memory_space<semaphore_mem>>
        %dma_start3A = arith.constant 1472 : i32
        %dma_start3A_82 = arith.constant 0 : i32
        %dma_start3A_83 = tpu.memref_slice %arg13[%dma_start3A, %dma_start3A_82] : memref<2112x16xf32, #tpu.memory_space<vmem>> -> memref<64x16xf32, #tpu.memory_space<vmem>>
        %dma_start3A_84 = arith.constant 0 : i32
        %dma_start3A_85 = tpu.memref_slice %arg15[%run_scoped3A_71, %dma_start3A_84] : memref<33x64xi32, #tpu.memory_space<vmem>> -> memref<1x64xi32, #tpu.memory_space<vmem>>
        %dma_start3A_86 = tpu.memref_squeeze %dma_start3A_85 : memref<1x64xi32, #tpu.memory_space<vmem>> -> memref<64xi32, #tpu.memory_space<vmem>>
        %dma_start3A_87 = arith.constant 0 : i32
        %dma_start3A_88 = arith.constant 0 : i32
        %dma_start3A_89 = tpu.memref_slice %arg8[%dma_start3A_87, %dma_start3A_88] : memref<45056x16xf32, #tpu.memory_space<vmem_shared>> -> memref<45056x16xf32, #tpu.memory_space<vmem_shared>>
        tpu.enqueue_indirect_dma source(%dma_start3A_83 : memref<64x16xf32, #tpu.memory_space<vmem>>) target(%dma_start3A_89 : memref<45056x16xf32, #tpu.memory_space<vmem_shared>>) offsets(%dma_start3A_86 : memref<64xi32, #tpu.memory_space<vmem>>) semaphore(%run_scoped3A_81 : memref<!tpu.dma_semaphore, #tpu.memory_space<semaphore_mem>>) {add = true}
        %dma_wait3A = arith.constant 1472 : i32
        %dma_wait3A_90 = arith.constant 0 : i32
        %dma_wait3A_91 = tpu.memref_slice %arg13[%dma_wait3A, %dma_wait3A_90] : memref<2112x16xf32, #tpu.memory_space<vmem>> -> memref<64x16xf32, #tpu.memory_space<vmem>>
        %dma_wait3A_92 = arith.constant 0 : i32
        %dma_wait3A_93 = tpu.memref_slice %arg15[%run_scoped3A_71, %dma_wait3A_92] : memref<33x64xi32, #tpu.memory_space<vmem>> -> memref<1x64xi32, #tpu.memory_space<vmem>>
        %dma_wait3A_94 = tpu.memref_squeeze %dma_wait3A_93 : memref<1x64xi32, #tpu.memory_space<vmem>> -> memref<64xi32, #tpu.memory_space<vmem>>
        %dma_wait3A_95 = arith.constant 0 : i32
        %dma_wait3A_96 = arith.constant 0 : i32
        %dma_wait3A_97 = tpu.memref_slice %arg8[%dma_wait3A_95, %dma_wait3A_96] : memref<45056x16xf32, #tpu.memory_space<vmem_shared>> -> memref<45056x16xf32, #tpu.memory_space<vmem_shared>>
        tpu.wait_indirect_dma semaphore(%run_scoped3A_81 : memref<!tpu.dma_semaphore, #tpu.memory_space<semaphore_mem>>) src(%dma_wait3A_91 : memref<64x16xf32, #tpu.memory_space<vmem>>) dst(%dma_wait3A_97 : memref<45056x16xf32, #tpu.memory_space<vmem_shared>>)
        tpu.yield
      }) : () -> ()
      %run_scoped3A_72 = arith.constant 24 : i32
      "tpu.region"() ({
        %run_scoped3A_81 = tpu.sem_alloc : memref<!tpu.dma_semaphore, #tpu.memory_space<semaphore_mem>>
        %dma_start3A = arith.constant 1536 : i32
        %dma_start3A_82 = arith.constant 0 : i32
        %dma_start3A_83 = tpu.memref_slice %arg13[%dma_start3A, %dma_start3A_82] : memref<2112x16xf32, #tpu.memory_space<vmem>> -> memref<64x16xf32, #tpu.memory_space<vmem>>
        %dma_start3A_84 = arith.constant 0 : i32
        %dma_start3A_85 = tpu.memref_slice %arg15[%run_scoped3A_72, %dma_start3A_84] : memref<33x64xi32, #tpu.memory_space<vmem>> -> memref<1x64xi32, #tpu.memory_space<vmem>>
        %dma_start3A_86 = tpu.memref_squeeze %dma_start3A_85 : memref<1x64xi32, #tpu.memory_space<vmem>> -> memref<64xi32, #tpu.memory_space<vmem>>
        %dma_start3A_87 = arith.constant 0 : i32
        %dma_start3A_88 = arith.constant 0 : i32
        %dma_start3A_89 = tpu.memref_slice %arg8[%dma_start3A_87, %dma_start3A_88] : memref<45056x16xf32, #tpu.memory_space<vmem_shared>> -> memref<45056x16xf32, #tpu.memory_space<vmem_shared>>
        tpu.enqueue_indirect_dma source(%dma_start3A_83 : memref<64x16xf32, #tpu.memory_space<vmem>>) target(%dma_start3A_89 : memref<45056x16xf32, #tpu.memory_space<vmem_shared>>) offsets(%dma_start3A_86 : memref<64xi32, #tpu.memory_space<vmem>>) semaphore(%run_scoped3A_81 : memref<!tpu.dma_semaphore, #tpu.memory_space<semaphore_mem>>) {add = true}
        %dma_wait3A = arith.constant 1536 : i32
        %dma_wait3A_90 = arith.constant 0 : i32
        %dma_wait3A_91 = tpu.memref_slice %arg13[%dma_wait3A, %dma_wait3A_90] : memref<2112x16xf32, #tpu.memory_space<vmem>> -> memref<64x16xf32, #tpu.memory_space<vmem>>
        %dma_wait3A_92 = arith.constant 0 : i32
        %dma_wait3A_93 = tpu.memref_slice %arg15[%run_scoped3A_72, %dma_wait3A_92] : memref<33x64xi32, #tpu.memory_space<vmem>> -> memref<1x64xi32, #tpu.memory_space<vmem>>
        %dma_wait3A_94 = tpu.memref_squeeze %dma_wait3A_93 : memref<1x64xi32, #tpu.memory_space<vmem>> -> memref<64xi32, #tpu.memory_space<vmem>>
        %dma_wait3A_95 = arith.constant 0 : i32
        %dma_wait3A_96 = arith.constant 0 : i32
        %dma_wait3A_97 = tpu.memref_slice %arg8[%dma_wait3A_95, %dma_wait3A_96] : memref<45056x16xf32, #tpu.memory_space<vmem_shared>> -> memref<45056x16xf32, #tpu.memory_space<vmem_shared>>
        tpu.wait_indirect_dma semaphore(%run_scoped3A_81 : memref<!tpu.dma_semaphore, #tpu.memory_space<semaphore_mem>>) src(%dma_wait3A_91 : memref<64x16xf32, #tpu.memory_space<vmem>>) dst(%dma_wait3A_97 : memref<45056x16xf32, #tpu.memory_space<vmem_shared>>)
        tpu.yield
      }) : () -> ()
      %run_scoped3A_73 = arith.constant 25 : i32
      "tpu.region"() ({
        %run_scoped3A_81 = tpu.sem_alloc : memref<!tpu.dma_semaphore, #tpu.memory_space<semaphore_mem>>
        %dma_start3A = arith.constant 1600 : i32
        %dma_start3A_82 = arith.constant 0 : i32
        %dma_start3A_83 = tpu.memref_slice %arg13[%dma_start3A, %dma_start3A_82] : memref<2112x16xf32, #tpu.memory_space<vmem>> -> memref<64x16xf32, #tpu.memory_space<vmem>>
        %dma_start3A_84 = arith.constant 0 : i32
        %dma_start3A_85 = tpu.memref_slice %arg15[%run_scoped3A_73, %dma_start3A_84] : memref<33x64xi32, #tpu.memory_space<vmem>> -> memref<1x64xi32, #tpu.memory_space<vmem>>
        %dma_start3A_86 = tpu.memref_squeeze %dma_start3A_85 : memref<1x64xi32, #tpu.memory_space<vmem>> -> memref<64xi32, #tpu.memory_space<vmem>>
        %dma_start3A_87 = arith.constant 0 : i32
        %dma_start3A_88 = arith.constant 0 : i32
        %dma_start3A_89 = tpu.memref_slice %arg8[%dma_start3A_87, %dma_start3A_88] : memref<45056x16xf32, #tpu.memory_space<vmem_shared>> -> memref<45056x16xf32, #tpu.memory_space<vmem_shared>>
        tpu.enqueue_indirect_dma source(%dma_start3A_83 : memref<64x16xf32, #tpu.memory_space<vmem>>) target(%dma_start3A_89 : memref<45056x16xf32, #tpu.memory_space<vmem_shared>>) offsets(%dma_start3A_86 : memref<64xi32, #tpu.memory_space<vmem>>) semaphore(%run_scoped3A_81 : memref<!tpu.dma_semaphore, #tpu.memory_space<semaphore_mem>>) {add = true}
        %dma_wait3A = arith.constant 1600 : i32
        %dma_wait3A_90 = arith.constant 0 : i32
        %dma_wait3A_91 = tpu.memref_slice %arg13[%dma_wait3A, %dma_wait3A_90] : memref<2112x16xf32, #tpu.memory_space<vmem>> -> memref<64x16xf32, #tpu.memory_space<vmem>>
        %dma_wait3A_92 = arith.constant 0 : i32
        %dma_wait3A_93 = tpu.memref_slice %arg15[%run_scoped3A_73, %dma_wait3A_92] : memref<33x64xi32, #tpu.memory_space<vmem>> -> memref<1x64xi32, #tpu.memory_space<vmem>>
        %dma_wait3A_94 = tpu.memref_squeeze %dma_wait3A_93 : memref<1x64xi32, #tpu.memory_space<vmem>> -> memref<64xi32, #tpu.memory_space<vmem>>
        %dma_wait3A_95 = arith.constant 0 : i32
        %dma_wait3A_96 = arith.constant 0 : i32
        %dma_wait3A_97 = tpu.memref_slice %arg8[%dma_wait3A_95, %dma_wait3A_96] : memref<45056x16xf32, #tpu.memory_space<vmem_shared>> -> memref<45056x16xf32, #tpu.memory_space<vmem_shared>>
        tpu.wait_indirect_dma semaphore(%run_scoped3A_81 : memref<!tpu.dma_semaphore, #tpu.memory_space<semaphore_mem>>) src(%dma_wait3A_91 : memref<64x16xf32, #tpu.memory_space<vmem>>) dst(%dma_wait3A_97 : memref<45056x16xf32, #tpu.memory_space<vmem_shared>>)
        tpu.yield
      }) : () -> ()
      %run_scoped3A_74 = arith.constant 26 : i32
      "tpu.region"() ({
        %run_scoped3A_81 = tpu.sem_alloc : memref<!tpu.dma_semaphore, #tpu.memory_space<semaphore_mem>>
        %dma_start3A = arith.constant 1664 : i32
        %dma_start3A_82 = arith.constant 0 : i32
        %dma_start3A_83 = tpu.memref_slice %arg13[%dma_start3A, %dma_start3A_82] : memref<2112x16xf32, #tpu.memory_space<vmem>> -> memref<64x16xf32, #tpu.memory_space<vmem>>
        %dma_start3A_84 = arith.constant 0 : i32
        %dma_start3A_85 = tpu.memref_slice %arg15[%run_scoped3A_74, %dma_start3A_84] : memref<33x64xi32, #tpu.memory_space<vmem>> -> memref<1x64xi32, #tpu.memory_space<vmem>>
        %dma_start3A_86 = tpu.memref_squeeze %dma_start3A_85 : memref<1x64xi32, #tpu.memory_space<vmem>> -> memref<64xi32, #tpu.memory_space<vmem>>
        %dma_start3A_87 = arith.constant 0 : i32
        %dma_start3A_88 = arith.constant 0 : i32
        %dma_start3A_89 = tpu.memref_slice %arg8[%dma_start3A_87, %dma_start3A_88] : memref<45056x16xf32, #tpu.memory_space<vmem_shared>> -> memref<45056x16xf32, #tpu.memory_space<vmem_shared>>
        tpu.enqueue_indirect_dma source(%dma_start3A_83 : memref<64x16xf32, #tpu.memory_space<vmem>>) target(%dma_start3A_89 : memref<45056x16xf32, #tpu.memory_space<vmem_shared>>) offsets(%dma_start3A_86 : memref<64xi32, #tpu.memory_space<vmem>>) semaphore(%run_scoped3A_81 : memref<!tpu.dma_semaphore, #tpu.memory_space<semaphore_mem>>) {add = true}
        %dma_wait3A = arith.constant 1664 : i32
        %dma_wait3A_90 = arith.constant 0 : i32
        %dma_wait3A_91 = tpu.memref_slice %arg13[%dma_wait3A, %dma_wait3A_90] : memref<2112x16xf32, #tpu.memory_space<vmem>> -> memref<64x16xf32, #tpu.memory_space<vmem>>
        %dma_wait3A_92 = arith.constant 0 : i32
        %dma_wait3A_93 = tpu.memref_slice %arg15[%run_scoped3A_74, %dma_wait3A_92] : memref<33x64xi32, #tpu.memory_space<vmem>> -> memref<1x64xi32, #tpu.memory_space<vmem>>
        %dma_wait3A_94 = tpu.memref_squeeze %dma_wait3A_93 : memref<1x64xi32, #tpu.memory_space<vmem>> -> memref<64xi32, #tpu.memory_space<vmem>>
        %dma_wait3A_95 = arith.constant 0 : i32
        %dma_wait3A_96 = arith.constant 0 : i32
        %dma_wait3A_97 = tpu.memref_slice %arg8[%dma_wait3A_95, %dma_wait3A_96] : memref<45056x16xf32, #tpu.memory_space<vmem_shared>> -> memref<45056x16xf32, #tpu.memory_space<vmem_shared>>
        tpu.wait_indirect_dma semaphore(%run_scoped3A_81 : memref<!tpu.dma_semaphore, #tpu.memory_space<semaphore_mem>>) src(%dma_wait3A_91 : memref<64x16xf32, #tpu.memory_space<vmem>>) dst(%dma_wait3A_97 : memref<45056x16xf32, #tpu.memory_space<vmem_shared>>)
        tpu.yield
      }) : () -> ()
      %run_scoped3A_75 = arith.constant 27 : i32
      "tpu.region"() ({
        %run_scoped3A_81 = tpu.sem_alloc : memref<!tpu.dma_semaphore, #tpu.memory_space<semaphore_mem>>
        %dma_start3A = arith.constant 1728 : i32
        %dma_start3A_82 = arith.constant 0 : i32
        %dma_start3A_83 = tpu.memref_slice %arg13[%dma_start3A, %dma_start3A_82] : memref<2112x16xf32, #tpu.memory_space<vmem>> -> memref<64x16xf32, #tpu.memory_space<vmem>>
        %dma_start3A_84 = arith.constant 0 : i32
        %dma_start3A_85 = tpu.memref_slice %arg15[%run_scoped3A_75, %dma_start3A_84] : memref<33x64xi32, #tpu.memory_space<vmem>> -> memref<1x64xi32, #tpu.memory_space<vmem>>
        %dma_start3A_86 = tpu.memref_squeeze %dma_start3A_85 : memref<1x64xi32, #tpu.memory_space<vmem>> -> memref<64xi32, #tpu.memory_space<vmem>>
        %dma_start3A_87 = arith.constant 0 : i32
        %dma_start3A_88 = arith.constant 0 : i32
        %dma_start3A_89 = tpu.memref_slice %arg8[%dma_start3A_87, %dma_start3A_88] : memref<45056x16xf32, #tpu.memory_space<vmem_shared>> -> memref<45056x16xf32, #tpu.memory_space<vmem_shared>>
        tpu.enqueue_indirect_dma source(%dma_start3A_83 : memref<64x16xf32, #tpu.memory_space<vmem>>) target(%dma_start3A_89 : memref<45056x16xf32, #tpu.memory_space<vmem_shared>>) offsets(%dma_start3A_86 : memref<64xi32, #tpu.memory_space<vmem>>) semaphore(%run_scoped3A_81 : memref<!tpu.dma_semaphore, #tpu.memory_space<semaphore_mem>>) {add = true}
        %dma_wait3A = arith.constant 1728 : i32
        %dma_wait3A_90 = arith.constant 0 : i32
        %dma_wait3A_91 = tpu.memref_slice %arg13[%dma_wait3A, %dma_wait3A_90] : memref<2112x16xf32, #tpu.memory_space<vmem>> -> memref<64x16xf32, #tpu.memory_space<vmem>>
        %dma_wait3A_92 = arith.constant 0 : i32
        %dma_wait3A_93 = tpu.memref_slice %arg15[%run_scoped3A_75, %dma_wait3A_92] : memref<33x64xi32, #tpu.memory_space<vmem>> -> memref<1x64xi32, #tpu.memory_space<vmem>>
        %dma_wait3A_94 = tpu.memref_squeeze %dma_wait3A_93 : memref<1x64xi32, #tpu.memory_space<vmem>> -> memref<64xi32, #tpu.memory_space<vmem>>
        %dma_wait3A_95 = arith.constant 0 : i32
        %dma_wait3A_96 = arith.constant 0 : i32
        %dma_wait3A_97 = tpu.memref_slice %arg8[%dma_wait3A_95, %dma_wait3A_96] : memref<45056x16xf32, #tpu.memory_space<vmem_shared>> -> memref<45056x16xf32, #tpu.memory_space<vmem_shared>>
        tpu.wait_indirect_dma semaphore(%run_scoped3A_81 : memref<!tpu.dma_semaphore, #tpu.memory_space<semaphore_mem>>) src(%dma_wait3A_91 : memref<64x16xf32, #tpu.memory_space<vmem>>) dst(%dma_wait3A_97 : memref<45056x16xf32, #tpu.memory_space<vmem_shared>>)
        tpu.yield
      }) : () -> ()
      %run_scoped3A_76 = arith.constant 28 : i32
      "tpu.region"() ({
        %run_scoped3A_81 = tpu.sem_alloc : memref<!tpu.dma_semaphore, #tpu.memory_space<semaphore_mem>>
        %dma_start3A = arith.constant 1792 : i32
        %dma_start3A_82 = arith.constant 0 : i32
        %dma_start3A_83 = tpu.memref_slice %arg13[%dma_start3A, %dma_start3A_82] : memref<2112x16xf32, #tpu.memory_space<vmem>> -> memref<64x16xf32, #tpu.memory_space<vmem>>
        %dma_start3A_84 = arith.constant 0 : i32
        %dma_start3A_85 = tpu.memref_slice %arg15[%run_scoped3A_76, %dma_start3A_84] : memref<33x64xi32, #tpu.memory_space<vmem>> -> memref<1x64xi32, #tpu.memory_space<vmem>>
        %dma_start3A_86 = tpu.memref_squeeze %dma_start3A_85 : memref<1x64xi32, #tpu.memory_space<vmem>> -> memref<64xi32, #tpu.memory_space<vmem>>
        %dma_start3A_87 = arith.constant 0 : i32
        %dma_start3A_88 = arith.constant 0 : i32
        %dma_start3A_89 = tpu.memref_slice %arg8[%dma_start3A_87, %dma_start3A_88] : memref<45056x16xf32, #tpu.memory_space<vmem_shared>> -> memref<45056x16xf32, #tpu.memory_space<vmem_shared>>
        tpu.enqueue_indirect_dma source(%dma_start3A_83 : memref<64x16xf32, #tpu.memory_space<vmem>>) target(%dma_start3A_89 : memref<45056x16xf32, #tpu.memory_space<vmem_shared>>) offsets(%dma_start3A_86 : memref<64xi32, #tpu.memory_space<vmem>>) semaphore(%run_scoped3A_81 : memref<!tpu.dma_semaphore, #tpu.memory_space<semaphore_mem>>) {add = true}
        %dma_wait3A = arith.constant 1792 : i32
        %dma_wait3A_90 = arith.constant 0 : i32
        %dma_wait3A_91 = tpu.memref_slice %arg13[%dma_wait3A, %dma_wait3A_90] : memref<2112x16xf32, #tpu.memory_space<vmem>> -> memref<64x16xf32, #tpu.memory_space<vmem>>
        %dma_wait3A_92 = arith.constant 0 : i32
        %dma_wait3A_93 = tpu.memref_slice %arg15[%run_scoped3A_76, %dma_wait3A_92] : memref<33x64xi32, #tpu.memory_space<vmem>> -> memref<1x64xi32, #tpu.memory_space<vmem>>
        %dma_wait3A_94 = tpu.memref_squeeze %dma_wait3A_93 : memref<1x64xi32, #tpu.memory_space<vmem>> -> memref<64xi32, #tpu.memory_space<vmem>>
        %dma_wait3A_95 = arith.constant 0 : i32
        %dma_wait3A_96 = arith.constant 0 : i32
        %dma_wait3A_97 = tpu.memref_slice %arg8[%dma_wait3A_95, %dma_wait3A_96] : memref<45056x16xf32, #tpu.memory_space<vmem_shared>> -> memref<45056x16xf32, #tpu.memory_space<vmem_shared>>
        tpu.wait_indirect_dma semaphore(%run_scoped3A_81 : memref<!tpu.dma_semaphore, #tpu.memory_space<semaphore_mem>>) src(%dma_wait3A_91 : memref<64x16xf32, #tpu.memory_space<vmem>>) dst(%dma_wait3A_97 : memref<45056x16xf32, #tpu.memory_space<vmem_shared>>)
        tpu.yield
      }) : () -> ()
      %run_scoped3A_77 = arith.constant 29 : i32
      "tpu.region"() ({
        %run_scoped3A_81 = tpu.sem_alloc : memref<!tpu.dma_semaphore, #tpu.memory_space<semaphore_mem>>
        %dma_start3A = arith.constant 1856 : i32
        %dma_start3A_82 = arith.constant 0 : i32
        %dma_start3A_83 = tpu.memref_slice %arg13[%dma_start3A, %dma_start3A_82] : memref<2112x16xf32, #tpu.memory_space<vmem>> -> memref<64x16xf32, #tpu.memory_space<vmem>>
        %dma_start3A_84 = arith.constant 0 : i32
        %dma_start3A_85 = tpu.memref_slice %arg15[%run_scoped3A_77, %dma_start3A_84] : memref<33x64xi32, #tpu.memory_space<vmem>> -> memref<1x64xi32, #tpu.memory_space<vmem>>
        %dma_start3A_86 = tpu.memref_squeeze %dma_start3A_85 : memref<1x64xi32, #tpu.memory_space<vmem>> -> memref<64xi32, #tpu.memory_space<vmem>>
        %dma_start3A_87 = arith.constant 0 : i32
        %dma_start3A_88 = arith.constant 0 : i32
        %dma_start3A_89 = tpu.memref_slice %arg8[%dma_start3A_87, %dma_start3A_88] : memref<45056x16xf32, #tpu.memory_space<vmem_shared>> -> memref<45056x16xf32, #tpu.memory_space<vmem_shared>>
        tpu.enqueue_indirect_dma source(%dma_start3A_83 : memref<64x16xf32, #tpu.memory_space<vmem>>) target(%dma_start3A_89 : memref<45056x16xf32, #tpu.memory_space<vmem_shared>>) offsets(%dma_start3A_86 : memref<64xi32, #tpu.memory_space<vmem>>) semaphore(%run_scoped3A_81 : memref<!tpu.dma_semaphore, #tpu.memory_space<semaphore_mem>>) {add = true}
        %dma_wait3A = arith.constant 1856 : i32
        %dma_wait3A_90 = arith.constant 0 : i32
        %dma_wait3A_91 = tpu.memref_slice %arg13[%dma_wait3A, %dma_wait3A_90] : memref<2112x16xf32, #tpu.memory_space<vmem>> -> memref<64x16xf32, #tpu.memory_space<vmem>>
        %dma_wait3A_92 = arith.constant 0 : i32
        %dma_wait3A_93 = tpu.memref_slice %arg15[%run_scoped3A_77, %dma_wait3A_92] : memref<33x64xi32, #tpu.memory_space<vmem>> -> memref<1x64xi32, #tpu.memory_space<vmem>>
        %dma_wait3A_94 = tpu.memref_squeeze %dma_wait3A_93 : memref<1x64xi32, #tpu.memory_space<vmem>> -> memref<64xi32, #tpu.memory_space<vmem>>
        %dma_wait3A_95 = arith.constant 0 : i32
        %dma_wait3A_96 = arith.constant 0 : i32
        %dma_wait3A_97 = tpu.memref_slice %arg8[%dma_wait3A_95, %dma_wait3A_96] : memref<45056x16xf32, #tpu.memory_space<vmem_shared>> -> memref<45056x16xf32, #tpu.memory_space<vmem_shared>>
        tpu.wait_indirect_dma semaphore(%run_scoped3A_81 : memref<!tpu.dma_semaphore, #tpu.memory_space<semaphore_mem>>) src(%dma_wait3A_91 : memref<64x16xf32, #tpu.memory_space<vmem>>) dst(%dma_wait3A_97 : memref<45056x16xf32, #tpu.memory_space<vmem_shared>>)
        tpu.yield
      }) : () -> ()
      %run_scoped3A_78 = arith.constant 30 : i32
      "tpu.region"() ({
        %run_scoped3A_81 = tpu.sem_alloc : memref<!tpu.dma_semaphore, #tpu.memory_space<semaphore_mem>>
        %dma_start3A = arith.constant 1920 : i32
        %dma_start3A_82 = arith.constant 0 : i32
        %dma_start3A_83 = tpu.memref_slice %arg13[%dma_start3A, %dma_start3A_82] : memref<2112x16xf32, #tpu.memory_space<vmem>> -> memref<64x16xf32, #tpu.memory_space<vmem>>
        %dma_start3A_84 = arith.constant 0 : i32
        %dma_start3A_85 = tpu.memref_slice %arg15[%run_scoped3A_78, %dma_start3A_84] : memref<33x64xi32, #tpu.memory_space<vmem>> -> memref<1x64xi32, #tpu.memory_space<vmem>>
        %dma_start3A_86 = tpu.memref_squeeze %dma_start3A_85 : memref<1x64xi32, #tpu.memory_space<vmem>> -> memref<64xi32, #tpu.memory_space<vmem>>
        %dma_start3A_87 = arith.constant 0 : i32
        %dma_start3A_88 = arith.constant 0 : i32
        %dma_start3A_89 = tpu.memref_slice %arg8[%dma_start3A_87, %dma_start3A_88] : memref<45056x16xf32, #tpu.memory_space<vmem_shared>> -> memref<45056x16xf32, #tpu.memory_space<vmem_shared>>
        tpu.enqueue_indirect_dma source(%dma_start3A_83 : memref<64x16xf32, #tpu.memory_space<vmem>>) target(%dma_start3A_89 : memref<45056x16xf32, #tpu.memory_space<vmem_shared>>) offsets(%dma_start3A_86 : memref<64xi32, #tpu.memory_space<vmem>>) semaphore(%run_scoped3A_81 : memref<!tpu.dma_semaphore, #tpu.memory_space<semaphore_mem>>) {add = true}
        %dma_wait3A = arith.constant 1920 : i32
        %dma_wait3A_90 = arith.constant 0 : i32
        %dma_wait3A_91 = tpu.memref_slice %arg13[%dma_wait3A, %dma_wait3A_90] : memref<2112x16xf32, #tpu.memory_space<vmem>> -> memref<64x16xf32, #tpu.memory_space<vmem>>
        %dma_wait3A_92 = arith.constant 0 : i32
        %dma_wait3A_93 = tpu.memref_slice %arg15[%run_scoped3A_78, %dma_wait3A_92] : memref<33x64xi32, #tpu.memory_space<vmem>> -> memref<1x64xi32, #tpu.memory_space<vmem>>
        %dma_wait3A_94 = tpu.memref_squeeze %dma_wait3A_93 : memref<1x64xi32, #tpu.memory_space<vmem>> -> memref<64xi32, #tpu.memory_space<vmem>>
        %dma_wait3A_95 = arith.constant 0 : i32
        %dma_wait3A_96 = arith.constant 0 : i32
        %dma_wait3A_97 = tpu.memref_slice %arg8[%dma_wait3A_95, %dma_wait3A_96] : memref<45056x16xf32, #tpu.memory_space<vmem_shared>> -> memref<45056x16xf32, #tpu.memory_space<vmem_shared>>
        tpu.wait_indirect_dma semaphore(%run_scoped3A_81 : memref<!tpu.dma_semaphore, #tpu.memory_space<semaphore_mem>>) src(%dma_wait3A_91 : memref<64x16xf32, #tpu.memory_space<vmem>>) dst(%dma_wait3A_97 : memref<45056x16xf32, #tpu.memory_space<vmem_shared>>)
        tpu.yield
      }) : () -> ()
      %run_scoped3A_79 = arith.constant 31 : i32
      "tpu.region"() ({
        %run_scoped3A_81 = tpu.sem_alloc : memref<!tpu.dma_semaphore, #tpu.memory_space<semaphore_mem>>
        %dma_start3A = arith.constant 1984 : i32
        %dma_start3A_82 = arith.constant 0 : i32
        %dma_start3A_83 = tpu.memref_slice %arg13[%dma_start3A, %dma_start3A_82] : memref<2112x16xf32, #tpu.memory_space<vmem>> -> memref<64x16xf32, #tpu.memory_space<vmem>>
        %dma_start3A_84 = arith.constant 0 : i32
        %dma_start3A_85 = tpu.memref_slice %arg15[%run_scoped3A_79, %dma_start3A_84] : memref<33x64xi32, #tpu.memory_space<vmem>> -> memref<1x64xi32, #tpu.memory_space<vmem>>
        %dma_start3A_86 = tpu.memref_squeeze %dma_start3A_85 : memref<1x64xi32, #tpu.memory_space<vmem>> -> memref<64xi32, #tpu.memory_space<vmem>>
        %dma_start3A_87 = arith.constant 0 : i32
        %dma_start3A_88 = arith.constant 0 : i32
        %dma_start3A_89 = tpu.memref_slice %arg8[%dma_start3A_87, %dma_start3A_88] : memref<45056x16xf32, #tpu.memory_space<vmem_shared>> -> memref<45056x16xf32, #tpu.memory_space<vmem_shared>>
        tpu.enqueue_indirect_dma source(%dma_start3A_83 : memref<64x16xf32, #tpu.memory_space<vmem>>) target(%dma_start3A_89 : memref<45056x16xf32, #tpu.memory_space<vmem_shared>>) offsets(%dma_start3A_86 : memref<64xi32, #tpu.memory_space<vmem>>) semaphore(%run_scoped3A_81 : memref<!tpu.dma_semaphore, #tpu.memory_space<semaphore_mem>>) {add = true}
        %dma_wait3A = arith.constant 1984 : i32
        %dma_wait3A_90 = arith.constant 0 : i32
        %dma_wait3A_91 = tpu.memref_slice %arg13[%dma_wait3A, %dma_wait3A_90] : memref<2112x16xf32, #tpu.memory_space<vmem>> -> memref<64x16xf32, #tpu.memory_space<vmem>>
        %dma_wait3A_92 = arith.constant 0 : i32
        %dma_wait3A_93 = tpu.memref_slice %arg15[%run_scoped3A_79, %dma_wait3A_92] : memref<33x64xi32, #tpu.memory_space<vmem>> -> memref<1x64xi32, #tpu.memory_space<vmem>>
        %dma_wait3A_94 = tpu.memref_squeeze %dma_wait3A_93 : memref<1x64xi32, #tpu.memory_space<vmem>> -> memref<64xi32, #tpu.memory_space<vmem>>
        %dma_wait3A_95 = arith.constant 0 : i32
        %dma_wait3A_96 = arith.constant 0 : i32
        %dma_wait3A_97 = tpu.memref_slice %arg8[%dma_wait3A_95, %dma_wait3A_96] : memref<45056x16xf32, #tpu.memory_space<vmem_shared>> -> memref<45056x16xf32, #tpu.memory_space<vmem_shared>>
        tpu.wait_indirect_dma semaphore(%run_scoped3A_81 : memref<!tpu.dma_semaphore, #tpu.memory_space<semaphore_mem>>) src(%dma_wait3A_91 : memref<64x16xf32, #tpu.memory_space<vmem>>) dst(%dma_wait3A_97 : memref<45056x16xf32, #tpu.memory_space<vmem_shared>>)
        tpu.yield
      }) : () -> ()
      %run_scoped3A_80 = arith.constant 32 : i32
      "tpu.region"() ({
        %run_scoped3A_81 = tpu.sem_alloc : memref<!tpu.dma_semaphore, #tpu.memory_space<semaphore_mem>>
        %dma_start3A = arith.constant 2048 : i32
        %dma_start3A_82 = arith.constant 0 : i32
        %dma_start3A_83 = tpu.memref_slice %arg13[%dma_start3A, %dma_start3A_82] : memref<2112x16xf32, #tpu.memory_space<vmem>> -> memref<64x16xf32, #tpu.memory_space<vmem>>
        %dma_start3A_84 = arith.constant 0 : i32
        %dma_start3A_85 = tpu.memref_slice %arg15[%run_scoped3A_80, %dma_start3A_84] : memref<33x64xi32, #tpu.memory_space<vmem>> -> memref<1x64xi32, #tpu.memory_space<vmem>>
        %dma_start3A_86 = tpu.memref_squeeze %dma_start3A_85 : memref<1x64xi32, #tpu.memory_space<vmem>> -> memref<64xi32, #tpu.memory_space<vmem>>
        %dma_start3A_87 = arith.constant 0 : i32
        %dma_start3A_88 = arith.constant 0 : i32
        %dma_start3A_89 = tpu.memref_slice %arg8[%dma_start3A_87, %dma_start3A_88] : memref<45056x16xf32, #tpu.memory_space<vmem_shared>> -> memref<45056x16xf32, #tpu.memory_space<vmem_shared>>
        tpu.enqueue_indirect_dma source(%dma_start3A_83 : memref<64x16xf32, #tpu.memory_space<vmem>>) target(%dma_start3A_89 : memref<45056x16xf32, #tpu.memory_space<vmem_shared>>) offsets(%dma_start3A_86 : memref<64xi32, #tpu.memory_space<vmem>>) semaphore(%run_scoped3A_81 : memref<!tpu.dma_semaphore, #tpu.memory_space<semaphore_mem>>) {add = true}
        %dma_wait3A = arith.constant 2048 : i32
        %dma_wait3A_90 = arith.constant 0 : i32
        %dma_wait3A_91 = tpu.memref_slice %arg13[%dma_wait3A, %dma_wait3A_90] : memref<2112x16xf32, #tpu.memory_space<vmem>> -> memref<64x16xf32, #tpu.memory_space<vmem>>
        %dma_wait3A_92 = arith.constant 0 : i32
        %dma_wait3A_93 = tpu.memref_slice %arg15[%run_scoped3A_80, %dma_wait3A_92] : memref<33x64xi32, #tpu.memory_space<vmem>> -> memref<1x64xi32, #tpu.memory_space<vmem>>
        %dma_wait3A_94 = tpu.memref_squeeze %dma_wait3A_93 : memref<1x64xi32, #tpu.memory_space<vmem>> -> memref<64xi32, #tpu.memory_space<vmem>>
        %dma_wait3A_95 = arith.constant 0 : i32
        %dma_wait3A_96 = arith.constant 0 : i32
        %dma_wait3A_97 = tpu.memref_slice %arg8[%dma_wait3A_95, %dma_wait3A_96] : memref<45056x16xf32, #tpu.memory_space<vmem_shared>> -> memref<45056x16xf32, #tpu.memory_space<vmem_shared>>
        tpu.wait_indirect_dma semaphore(%run_scoped3A_81 : memref<!tpu.dma_semaphore, #tpu.memory_space<semaphore_mem>>) src(%dma_wait3A_91 : memref<64x16xf32, #tpu.memory_space<vmem>>) dst(%dma_wait3A_97 : memref<45056x16xf32, #tpu.memory_space<vmem_shared>>)
        tpu.yield
      }) : () -> ()
    }
    %scan3A_25 = arith.constant 22 : i32
    %barrier3A_26 = arith.constant 0 : index
    tpu.barrier barrier_id(%barrier3A_26)
    "tpu.region"() ({
      %run_scoped3A = tpu.sem_alloc : memref<!tpu.dma_semaphore, #tpu.memory_space<semaphore_mem>>
      %dma_start3A = arith.constant 0 : i32
      %dma_start3A_27 = tpu.memref_slice %arg7[%arg0, %mul3A_7, %dma_start3A] : memref<2x45056x16xf32, #tpu.memory_space<hbm>> -> memref<1x2816x16xf32, #tpu.memory_space<hbm>>
      %dma_start3A_28 = tpu.memref_squeeze %dma_start3A_27 : memref<1x2816x16xf32, #tpu.memory_space<hbm>> -> memref<2816x16xf32, #tpu.memory_space<hbm>>
      %dma_start3A_29 = arith.constant 0 : i32
      %dma_start3A_30 = tpu.memref_slice %arg8[%mul3A_7, %dma_start3A_29] : memref<45056x16xf32, #tpu.memory_space<vmem_shared>> -> memref<2816x16xf32, #tpu.memory_space<vmem_shared>>
      tpu.enqueue_dma source(%dma_start3A_30 : memref<2816x16xf32, #tpu.memory_space<vmem_shared>>) target(%dma_start3A_28 : memref<2816x16xf32, #tpu.memory_space<hbm>>) target_semaphore(%run_scoped3A : memref<!tpu.dma_semaphore, #tpu.memory_space<semaphore_mem>>)
      %dma_wait3A = arith.constant 0 : i32
      %dma_wait3A_31 = tpu.memref_slice %arg7[%arg0, %mul3A_7, %dma_wait3A] : memref<2x45056x16xf32, #tpu.memory_space<hbm>> -> memref<1x2816x16xf32, #tpu.memory_space<hbm>>
      %dma_wait3A_32 = tpu.memref_squeeze %dma_wait3A_31 : memref<1x2816x16xf32, #tpu.memory_space<hbm>> -> memref<2816x16xf32, #tpu.memory_space<hbm>>
      %dma_wait3A_33 = arith.constant 0 : i32
      %dma_wait3A_34 = tpu.memref_slice %arg8[%mul3A_7, %dma_wait3A_33] : memref<45056x16xf32, #tpu.memory_space<vmem_shared>> -> memref<2816x16xf32, #tpu.memory_space<vmem_shared>>
      tpu.wait_dma2 semaphore(%run_scoped3A : memref<!tpu.dma_semaphore, #tpu.memory_space<semaphore_mem>>) src(%dma_wait3A_34 : memref<2816x16xf32, #tpu.memory_space<vmem_shared>>) dst(%dma_wait3A_32 : memref<2816x16xf32, #tpu.memory_space<hbm>>)
      tpu.yield
    }) : () -> ()
    return
  }
}

#map = affine_map<(d0, d1) -> (0, 0)>
#map1 = affine_map<(d0, d1) -> (0)>
#map2 = affine_map<(d0, d1) -> (0, 0, 0)>
module attributes {stable_mosaic.version = 14 : i64} {
  func.func @spmm(%arg0: i32, %arg1: i32, %arg2: memref<45056x16xf32, #tpu.memory_space<hbm>>, %arg3: memref<1486848xf32, #tpu.memory_space<hbm>>, %arg4: memref<704x33x64xi32, #tpu.memory_space<hbm>>, %arg5: memref<2x45056x16xf32, #tpu.memory_space<hbm>>, %arg6: memref<45056x16xf32, #tpu.memory_space<vmem_shared>>, %arg7: memref<64x16xf32, #tpu.memory_space<vmem>>, %arg8: memref<64x16xf32, #tpu.memory_space<vmem>>, %arg9: memref<64x16xf32, #tpu.memory_space<vmem>>, %arg10: memref<64x16xf32, #tpu.memory_space<vmem>>, %arg11: memref<2112x16xf32, #tpu.memory_space<vmem>>, %arg12: memref<2112xf32, #tpu.memory_space<vmem>>, %arg13: memref<33x64xi32, #tpu.memory_space<vmem>>) attributes {dimension_semantics = [#tpu.dimension_semantics<core_parallel>, #tpu.dimension_semantics<subcore_parallel>], iteration_bounds = array<i64: 2, 16>, scalar_prefetch = 0 : i64, scratch_operands = 8 : i64, tpu.core_type = #tpu.core_type<sc_vector_subcore>, window_params = [{transform_indices = #map}, {transform_indices = #map1}, {transform_indices = #map2}, {transform_indices = #map2}]} {
    %mul3A = arith.constant 16 : i32
    %mul3A_0 = arith.muli %arg0, %mul3A : i32
    %add3A = arith.addi %mul3A_0, %arg1 : i32
    %scan3A = arith.constant 0 : i32
    %scan3A_1 = arith.constant 0 : i32
    %scan3A_2 = arith.constant 704 : i32
    %scan3A_3 = arith.addi %scan3A_1, %scan3A_2 : i32
    %scan3A_4 = arith.constant 1 : i32
    scf.for %scan3A_27 = %scan3A_1 to %scan3A_3 step %scan3A_4  : i32 {
      %broadcast_in_dim3A = arith.constant 0.000000e+00 : f32
      %broadcast_in_dim3A_28 = vector.broadcast %broadcast_in_dim3A : f32 to vector<16xf32>
      %swap3A = arith.index_cast %scan3A_27 : i32 to index
      %swap3A_29 = arith.constant 0 : index
      %swap3A_30 = tpu.vector_load %arg11[%swap3A, %swap3A_29] {strides = array<i32>} : memref<2112x16xf32, #tpu.memory_space<vmem>>, vector<1x16xf32>,
      %swap3A_31 = vector.shape_cast %swap3A_30 : vector<1x16xf32> to vector<16xf32>
      %swap3A_32 = vector.shape_cast %broadcast_in_dim3A_28 : vector<16xf32> to vector<1x16xf32>
      tpu.vector_store %arg11[%swap3A, %swap3A_29], %swap3A_32 {strides = array<i32>} : memref<2112x16xf32, #tpu.memory_space<vmem>>, vector<1x16xf32>,
    }
    %scan3A_5 = arith.constant 704 : i32
    %mul3A_6 = arith.constant 2816 : i32
    %mul3A_7 = arith.muli %arg1, %mul3A_6 : i32
    %add3A_8 = arith.constant 0 : i32
    %add3A_9 = arith.addi %mul3A_7, %add3A_8 : i32
    "tpu.region"() ({
      %run_scoped3A = tpu.sem_alloc : memref<!tpu.dma_semaphore, #tpu.memory_space<semaphore_mem>>
      %dma_start3A = arith.constant 0 : i32
      %dma_start3A_27 = arith.constant 0 : i32
      %dma_start3A_28 = tpu.memref_slice %arg11[%dma_start3A, %dma_start3A_27] : memref<2112x16xf32, #tpu.memory_space<vmem>> -> memref<704x16xf32, #tpu.memory_space<vmem>>
      %dma_start3A_29 = arith.constant 0 : i32
      %dma_start3A_30 = tpu.memref_slice %arg6[%add3A_9, %dma_start3A_29] : memref<45056x16xf32, #tpu.memory_space<vmem_shared>> -> memref<704x16xf32, #tpu.memory_space<vmem_shared>>
      %dma_start3A_31 = arith.constant 0 : i32
      %dma_start3A_32 = tpu.memref_slice %arg6[%add3A_9, %dma_start3A_31] : memref<45056x16xf32, #tpu.memory_space<vmem_shared>> -> memref<704x16xf32, #tpu.memory_space<vmem_shared>>
      %dma_start3A_33 = arith.constant 0 : i32
      %dma_start3A_34 = arith.constant 0 : i32
      %dma_start3A_35 = tpu.memref_slice %arg11[%dma_start3A_33, %dma_start3A_34] : memref<2112x16xf32, #tpu.memory_space<vmem>> -> memref<704x16xf32, #tpu.memory_space<vmem>>
      tpu.enqueue_dma source(%dma_start3A_35 : memref<704x16xf32, #tpu.memory_space<vmem>>) target(%dma_start3A_32 : memref<704x16xf32, #tpu.memory_space<vmem_shared>>) target_semaphore(%run_scoped3A : memref<!tpu.dma_semaphore, #tpu.memory_space<semaphore_mem>>)
      %dma_wait3A = arith.constant 0 : i32
      %dma_wait3A_36 = arith.constant 0 : i32
      %dma_wait3A_37 = tpu.memref_slice %arg11[%dma_wait3A, %dma_wait3A_36] : memref<2112x16xf32, #tpu.memory_space<vmem>> -> memref<704x16xf32, #tpu.memory_space<vmem>>
      %dma_wait3A_38 = arith.constant 0 : i32
      %dma_wait3A_39 = tpu.memref_slice %arg6[%add3A_9, %dma_wait3A_38] : memref<45056x16xf32, #tpu.memory_space<vmem_shared>> -> memref<704x16xf32, #tpu.memory_space<vmem_shared>>
      %dma_wait3A_40 = arith.constant 0 : i32
      %dma_wait3A_41 = tpu.memref_slice %arg6[%add3A_9, %dma_wait3A_40] : memref<45056x16xf32, #tpu.memory_space<vmem_shared>> -> memref<704x16xf32, #tpu.memory_space<vmem_shared>>
      %dma_wait3A_42 = arith.constant 0 : i32
      %dma_wait3A_43 = arith.constant 0 : i32
      %dma_wait3A_44 = tpu.memref_slice %arg11[%dma_wait3A_42, %dma_wait3A_43] : memref<2112x16xf32, #tpu.memory_space<vmem>> -> memref<704x16xf32, #tpu.memory_space<vmem>>
      tpu.wait_dma2 semaphore(%run_scoped3A : memref<!tpu.dma_semaphore, #tpu.memory_space<semaphore_mem>>) src(%dma_wait3A_44 : memref<704x16xf32, #tpu.memory_space<vmem>>) dst(%dma_wait3A_41 : memref<704x16xf32, #tpu.memory_space<vmem_shared>>)
      tpu.yield
    }) : () -> ()
    %add3A_10 = arith.constant 704 : i32
    %add3A_11 = arith.addi %mul3A_7, %add3A_10 : i32
    "tpu.region"() ({
      %run_scoped3A = tpu.sem_alloc : memref<!tpu.dma_semaphore, #tpu.memory_space<semaphore_mem>>
      %dma_start3A = arith.constant 0 : i32
      %dma_start3A_27 = arith.constant 0 : i32
      %dma_start3A_28 = tpu.memref_slice %arg11[%dma_start3A, %dma_start3A_27] : memref<2112x16xf32, #tpu.memory_space<vmem>> -> memref<704x16xf32, #tpu.memory_space<vmem>>
      %dma_start3A_29 = arith.constant 0 : i32
      %dma_start3A_30 = tpu.memref_slice %arg6[%add3A_11, %dma_start3A_29] : memref<45056x16xf32, #tpu.memory_space<vmem_shared>> -> memref<704x16xf32, #tpu.memory_space<vmem_shared>>
      %dma_start3A_31 = arith.constant 0 : i32
      %dma_start3A_32 = tpu.memref_slice %arg6[%add3A_11, %dma_start3A_31] : memref<45056x16xf32, #tpu.memory_space<vmem_shared>> -> memref<704x16xf32, #tpu.memory_space<vmem_shared>>
      %dma_start3A_33 = arith.constant 0 : i32
      %dma_start3A_34 = arith.constant 0 : i32
      %dma_start3A_35 = tpu.memref_slice %arg11[%dma_start3A_33, %dma_start3A_34] : memref<2112x16xf32, #tpu.memory_space<vmem>> -> memref<704x16xf32, #tpu.memory_space<vmem>>
      tpu.enqueue_dma source(%dma_start3A_35 : memref<704x16xf32, #tpu.memory_space<vmem>>) target(%dma_start3A_32 : memref<704x16xf32, #tpu.memory_space<vmem_shared>>) target_semaphore(%run_scoped3A : memref<!tpu.dma_semaphore, #tpu.memory_space<semaphore_mem>>)
      %dma_wait3A = arith.constant 0 : i32
      %dma_wait3A_36 = arith.constant 0 : i32
      %dma_wait3A_37 = tpu.memref_slice %arg11[%dma_wait3A, %dma_wait3A_36] : memref<2112x16xf32, #tpu.memory_space<vmem>> -> memref<704x16xf32, #tpu.memory_space<vmem>>
      %dma_wait3A_38 = arith.constant 0 : i32
      %dma_wait3A_39 = tpu.memref_slice %arg6[%add3A_11, %dma_wait3A_38] : memref<45056x16xf32, #tpu.memory_space<vmem_shared>> -> memref<704x16xf32, #tpu.memory_space<vmem_shared>>
      %dma_wait3A_40 = arith.constant 0 : i32
      %dma_wait3A_41 = tpu.memref_slice %arg6[%add3A_11, %dma_wait3A_40] : memref<45056x16xf32, #tpu.memory_space<vmem_shared>> -> memref<704x16xf32, #tpu.memory_space<vmem_shared>>
      %dma_wait3A_42 = arith.constant 0 : i32
      %dma_wait3A_43 = arith.constant 0 : i32
      %dma_wait3A_44 = tpu.memref_slice %arg11[%dma_wait3A_42, %dma_wait3A_43] : memref<2112x16xf32, #tpu.memory_space<vmem>> -> memref<704x16xf32, #tpu.memory_space<vmem>>
      tpu.wait_dma2 semaphore(%run_scoped3A : memref<!tpu.dma_semaphore, #tpu.memory_space<semaphore_mem>>) src(%dma_wait3A_44 : memref<704x16xf32, #tpu.memory_space<vmem>>) dst(%dma_wait3A_41 : memref<704x16xf32, #tpu.memory_space<vmem_shared>>)
      tpu.yield
    }) : () -> ()
    %add3A_12 = arith.constant 1408 : i32
    %add3A_13 = arith.addi %mul3A_7, %add3A_12 : i32
    "tpu.region"() ({
      %run_scoped3A = tpu.sem_alloc : memref<!tpu.dma_semaphore, #tpu.memory_space<semaphore_mem>>
      %dma_start3A = arith.constant 0 : i32
      %dma_start3A_27 = arith.constant 0 : i32
      %dma_start3A_28 = tpu.memref_slice %arg11[%dma_start3A, %dma_start3A_27] : memref<2112x16xf32, #tpu.memory_space<vmem>> -> memref<704x16xf32, #tpu.memory_space<vmem>>
      %dma_start3A_29 = arith.constant 0 : i32
      %dma_start3A_30 = tpu.memref_slice %arg6[%add3A_13, %dma_start3A_29] : memref<45056x16xf32, #tpu.memory_space<vmem_shared>> -> memref<704x16xf32, #tpu.memory_space<vmem_shared>>
      %dma_start3A_31 = arith.constant 0 : i32
      %dma_start3A_32 = tpu.memref_slice %arg6[%add3A_13, %dma_start3A_31] : memref<45056x16xf32, #tpu.memory_space<vmem_shared>> -> memref<704x16xf32, #tpu.memory_space<vmem_shared>>
      %dma_start3A_33 = arith.constant 0 : i32
      %dma_start3A_34 = arith.constant 0 : i32
      %dma_start3A_35 = tpu.memref_slice %arg11[%dma_start3A_33, %dma_start3A_34] : memref<2112x16xf32, #tpu.memory_space<vmem>> -> memref<704x16xf32, #tpu.memory_space<vmem>>
      tpu.enqueue_dma source(%dma_start3A_35 : memref<704x16xf32, #tpu.memory_space<vmem>>) target(%dma_start3A_32 : memref<704x16xf32, #tpu.memory_space<vmem_shared>>) target_semaphore(%run_scoped3A : memref<!tpu.dma_semaphore, #tpu.memory_space<semaphore_mem>>)
      %dma_wait3A = arith.constant 0 : i32
      %dma_wait3A_36 = arith.constant 0 : i32
      %dma_wait3A_37 = tpu.memref_slice %arg11[%dma_wait3A, %dma_wait3A_36] : memref<2112x16xf32, #tpu.memory_space<vmem>> -> memref<704x16xf32, #tpu.memory_space<vmem>>
      %dma_wait3A_38 = arith.constant 0 : i32
      %dma_wait3A_39 = tpu.memref_slice %arg6[%add3A_13, %dma_wait3A_38] : memref<45056x16xf32, #tpu.memory_space<vmem_shared>> -> memref<704x16xf32, #tpu.memory_space<vmem_shared>>
      %dma_wait3A_40 = arith.constant 0 : i32
      %dma_wait3A_41 = tpu.memref_slice %arg6[%add3A_13, %dma_wait3A_40] : memref<45056x16xf32, #tpu.memory_space<vmem_shared>> -> memref<704x16xf32, #tpu.memory_space<vmem_shared>>
      %dma_wait3A_42 = arith.constant 0 : i32
      %dma_wait3A_43 = arith.constant 0 : i32
      %dma_wait3A_44 = tpu.memref_slice %arg11[%dma_wait3A_42, %dma_wait3A_43] : memref<2112x16xf32, #tpu.memory_space<vmem>> -> memref<704x16xf32, #tpu.memory_space<vmem>>
      tpu.wait_dma2 semaphore(%run_scoped3A : memref<!tpu.dma_semaphore, #tpu.memory_space<semaphore_mem>>) src(%dma_wait3A_44 : memref<704x16xf32, #tpu.memory_space<vmem>>) dst(%dma_wait3A_41 : memref<704x16xf32, #tpu.memory_space<vmem_shared>>)
      tpu.yield
    }) : () -> ()
    %add3A_14 = arith.constant 2112 : i32
    %add3A_15 = arith.addi %mul3A_7, %add3A_14 : i32
    "tpu.region"() ({
      %run_scoped3A = tpu.sem_alloc : memref<!tpu.dma_semaphore, #tpu.memory_space<semaphore_mem>>
      %dma_start3A = arith.constant 0 : i32
      %dma_start3A_27 = arith.constant 0 : i32
      %dma_start3A_28 = tpu.memref_slice %arg11[%dma_start3A, %dma_start3A_27] : memref<2112x16xf32, #tpu.memory_space<vmem>> -> memref<704x16xf32, #tpu.memory_space<vmem>>
      %dma_start3A_29 = arith.constant 0 : i32
      %dma_start3A_30 = tpu.memref_slice %arg6[%add3A_15, %dma_start3A_29] : memref<45056x16xf32, #tpu.memory_space<vmem_shared>> -> memref<704x16xf32, #tpu.memory_space<vmem_shared>>
      %dma_start3A_31 = arith.constant 0 : i32
      %dma_start3A_32 = tpu.memref_slice %arg6[%add3A_15, %dma_start3A_31] : memref<45056x16xf32, #tpu.memory_space<vmem_shared>> -> memref<704x16xf32, #tpu.memory_space<vmem_shared>>
      %dma_start3A_33 = arith.constant 0 : i32
      %dma_start3A_34 = arith.constant 0 : i32
      %dma_start3A_35 = tpu.memref_slice %arg11[%dma_start3A_33, %dma_start3A_34] : memref<2112x16xf32, #tpu.memory_space<vmem>> -> memref<704x16xf32, #tpu.memory_space<vmem>>
      tpu.enqueue_dma source(%dma_start3A_35 : memref<704x16xf32, #tpu.memory_space<vmem>>) target(%dma_start3A_32 : memref<704x16xf32, #tpu.memory_space<vmem_shared>>) target_semaphore(%run_scoped3A : memref<!tpu.dma_semaphore, #tpu.memory_space<semaphore_mem>>)
      %dma_wait3A = arith.constant 0 : i32
      %dma_wait3A_36 = arith.constant 0 : i32
      %dma_wait3A_37 = tpu.memref_slice %arg11[%dma_wait3A, %dma_wait3A_36] : memref<2112x16xf32, #tpu.memory_space<vmem>> -> memref<704x16xf32, #tpu.memory_space<vmem>>
      %dma_wait3A_38 = arith.constant 0 : i32
      %dma_wait3A_39 = tpu.memref_slice %arg6[%add3A_15, %dma_wait3A_38] : memref<45056x16xf32, #tpu.memory_space<vmem_shared>> -> memref<704x16xf32, #tpu.memory_space<vmem_shared>>
      %dma_wait3A_40 = arith.constant 0 : i32
      %dma_wait3A_41 = tpu.memref_slice %arg6[%add3A_15, %dma_wait3A_40] : memref<45056x16xf32, #tpu.memory_space<vmem_shared>> -> memref<704x16xf32, #tpu.memory_space<vmem_shared>>
      %dma_wait3A_42 = arith.constant 0 : i32
      %dma_wait3A_43 = arith.constant 0 : i32
      %dma_wait3A_44 = tpu.memref_slice %arg11[%dma_wait3A_42, %dma_wait3A_43] : memref<2112x16xf32, #tpu.memory_space<vmem>> -> memref<704x16xf32, #tpu.memory_space<vmem>>
      tpu.wait_dma2 semaphore(%run_scoped3A : memref<!tpu.dma_semaphore, #tpu.memory_space<semaphore_mem>>) src(%dma_wait3A_44 : memref<704x16xf32, #tpu.memory_space<vmem>>) dst(%dma_wait3A_41 : memref<704x16xf32, #tpu.memory_space<vmem_shared>>)
      tpu.yield
    }) : () -> ()
    %barrier3A = arith.constant 0 : index
    tpu.barrier barrier_id(%barrier3A)
    %mul3A_16 = arith.constant 1408 : i32
    %mul3A_17 = arith.muli %add3A, %mul3A_16 : i32
    %mul3A_18 = arith.constant 46464 : i32
    %mul3A_19 = arith.muli %add3A, %mul3A_18 : i32
    %scan3A_20 = arith.constant 0 : i32
    %scan3A_21 = arith.constant 0 : i32
    %scan3A_22 = arith.constant 22 : i32
    %scan3A_23 = arith.addi %scan3A_21, %scan3A_22 : i32
    %scan3A_24 = arith.constant 1 : i32
    scf.for %scan3A_27 = %scan3A_21 to %scan3A_23 step %scan3A_24  : i32 {
      %mul3A_28 = arith.constant 64 : i32
      %mul3A_29 = arith.muli %scan3A_27, %mul3A_28 : i32
      %add3A_30 = arith.addi %mul3A_17, %mul3A_29 : i32
      %mul3A_31 = arith.constant 2112 : i32
      %mul3A_32 = arith.muli %scan3A_27, %mul3A_31 : i32
      %add3A_33 = arith.addi %mul3A_19, %mul3A_32 : i32
      %mul3A_34 = arith.constant 22 : i32
      %mul3A_35 = arith.muli %add3A, %mul3A_34 : i32
      %add3A_36 = arith.addi %mul3A_35, %scan3A_27 : i32
      "tpu.region"() ({
        %run_scoped3A_75 = tpu.sem_alloc : memref<!tpu.dma_semaphore, #tpu.memory_space<semaphore_mem>>
        %dma_start3A = arith.constant 0 : i32
        %dma_start3A_76 = tpu.memref_slice %arg2[%add3A_30, %dma_start3A] : memref<45056x16xf32, #tpu.memory_space<hbm>> -> memref<64x16xf32, #tpu.memory_space<hbm>>
        %dma_start3A_77 = arith.constant 0 : i32
        %dma_start3A_78 = tpu.memref_slice %arg2[%add3A_30, %dma_start3A_77] : memref<45056x16xf32, #tpu.memory_space<hbm>> -> memref<64x16xf32, #tpu.memory_space<hbm>>
        tpu.enqueue_dma source(%dma_start3A_78 : memref<64x16xf32, #tpu.memory_space<hbm>>) target(%arg7 : memref<64x16xf32, #tpu.memory_space<vmem>>) target_semaphore(%run_scoped3A_75 : memref<!tpu.dma_semaphore, #tpu.memory_space<semaphore_mem>>)
        %dma_wait3A = arith.constant 0 : i32
        %dma_wait3A_79 = tpu.memref_slice %arg2[%add3A_30, %dma_wait3A] : memref<45056x16xf32, #tpu.memory_space<hbm>> -> memref<64x16xf32, #tpu.memory_space<hbm>>
        %dma_wait3A_80 = arith.constant 0 : i32
        %dma_wait3A_81 = tpu.memref_slice %arg2[%add3A_30, %dma_wait3A_80] : memref<45056x16xf32, #tpu.memory_space<hbm>> -> memref<64x16xf32, #tpu.memory_space<hbm>>
        tpu.wait_dma2 semaphore(%run_scoped3A_75 : memref<!tpu.dma_semaphore, #tpu.memory_space<semaphore_mem>>) src(%dma_wait3A_81 : memref<64x16xf32, #tpu.memory_space<hbm>>) dst(%arg7 : memref<64x16xf32, #tpu.memory_space<vmem>>)
        tpu.yield
      }) : () -> ()
      "tpu.region"() ({
        %run_scoped3A_75 = tpu.sem_alloc : memref<!tpu.dma_semaphore, #tpu.memory_space<semaphore_mem>>
        %dma_start3A = tpu.memref_slice %arg3[%add3A_33] : memref<1486848xf32, #tpu.memory_space<hbm>> -> memref<2112xf32, #tpu.memory_space<hbm>>
        %dma_start3A_76 = tpu.memref_slice %arg3[%add3A_33] : memref<1486848xf32, #tpu.memory_space<hbm>> -> memref<2112xf32, #tpu.memory_space<hbm>>
        tpu.enqueue_dma source(%dma_start3A_76 : memref<2112xf32, #tpu.memory_space<hbm>>) target(%arg12 : memref<2112xf32, #tpu.memory_space<vmem>>) target_semaphore(%run_scoped3A_75 : memref<!tpu.dma_semaphore, #tpu.memory_space<semaphore_mem>>)
        %dma_wait3A = tpu.memref_slice %arg3[%add3A_33] : memref<1486848xf32, #tpu.memory_space<hbm>> -> memref<2112xf32, #tpu.memory_space<hbm>>
        %dma_wait3A_77 = tpu.memref_slice %arg3[%add3A_33] : memref<1486848xf32, #tpu.memory_space<hbm>> -> memref<2112xf32, #tpu.memory_space<hbm>>
        tpu.wait_dma2 semaphore(%run_scoped3A_75 : memref<!tpu.dma_semaphore, #tpu.memory_space<semaphore_mem>>) src(%dma_wait3A_77 : memref<2112xf32, #tpu.memory_space<hbm>>) dst(%arg12 : memref<2112xf32, #tpu.memory_space<vmem>>)
        tpu.yield
      }) : () -> ()
      "tpu.region"() ({
        %run_scoped3A_75 = tpu.sem_alloc : memref<!tpu.dma_semaphore, #tpu.memory_space<semaphore_mem>>
        %dma_start3A = arith.constant 0 : i32
        %dma_start3A_76 = arith.constant 0 : i32
        %dma_start3A_77 = tpu.memref_slice %arg4[%add3A_36, %dma_start3A, %dma_start3A_76] : memref<704x33x64xi32, #tpu.memory_space<hbm>> -> memref<1x33x64xi32, #tpu.memory_space<hbm>>
        %dma_start3A_78 = tpu.memref_squeeze %dma_start3A_77 : memref<1x33x64xi32, #tpu.memory_space<hbm>> -> memref<33x64xi32, #tpu.memory_space<hbm>>
        %dma_start3A_79 = arith.constant 0 : i32
        %dma_start3A_80 = arith.constant 0 : i32
        %dma_start3A_81 = tpu.memref_slice %arg4[%add3A_36, %dma_start3A_79, %dma_start3A_80] : memref<704x33x64xi32, #tpu.memory_space<hbm>> -> memref<1x33x64xi32, #tpu.memory_space<hbm>>
        %dma_start3A_82 = tpu.memref_squeeze %dma_start3A_81 : memref<1x33x64xi32, #tpu.memory_space<hbm>> -> memref<33x64xi32, #tpu.memory_space<hbm>>
        tpu.enqueue_dma source(%dma_start3A_82 : memref<33x64xi32, #tpu.memory_space<hbm>>) target(%arg13 : memref<33x64xi32, #tpu.memory_space<vmem>>) target_semaphore(%run_scoped3A_75 : memref<!tpu.dma_semaphore, #tpu.memory_space<semaphore_mem>>)
        %dma_wait3A = arith.constant 0 : i32
        %dma_wait3A_83 = arith.constant 0 : i32
        %dma_wait3A_84 = tpu.memref_slice %arg4[%add3A_36, %dma_wait3A, %dma_wait3A_83] : memref<704x33x64xi32, #tpu.memory_space<hbm>> -> memref<1x33x64xi32, #tpu.memory_space<hbm>>
        %dma_wait3A_85 = tpu.memref_squeeze %dma_wait3A_84 : memref<1x33x64xi32, #tpu.memory_space<hbm>> -> memref<33x64xi32, #tpu.memory_space<hbm>>
        %dma_wait3A_86 = arith.constant 0 : i32
        %dma_wait3A_87 = arith.constant 0 : i32
        %dma_wait3A_88 = tpu.memref_slice %arg4[%add3A_36, %dma_wait3A_86, %dma_wait3A_87] : memref<704x33x64xi32, #tpu.memory_space<hbm>> -> memref<1x33x64xi32, #tpu.memory_space<hbm>>
        %dma_wait3A_89 = tpu.memref_squeeze %dma_wait3A_88 : memref<1x33x64xi32, #tpu.memory_space<hbm>> -> memref<33x64xi32, #tpu.memory_space<hbm>>
        tpu.wait_dma2 semaphore(%run_scoped3A_75 : memref<!tpu.dma_semaphore, #tpu.memory_space<semaphore_mem>>) src(%dma_wait3A_89 : memref<33x64xi32, #tpu.memory_space<hbm>>) dst(%arg13 : memref<33x64xi32, #tpu.memory_space<vmem>>)
        tpu.yield
      }) : () -> ()
      %scan3A_37 = arith.constant 0 : i32
      %scan3A_38 = arith.constant 0 : i32
      %scan3A_39 = arith.constant 64 : i32
      %scan3A_40 = arith.addi %scan3A_38, %scan3A_39 : i32
      %scan3A_41 = arith.constant 1 : i32
      scf.for %scan3A_75 = %scan3A_38 to %scan3A_40 step %scan3A_41  : i32 {
        %get3A = arith.index_cast %scan3A_75 : i32 to index
        %get3A_76 = arith.constant 0 : index
        %get3A_77 = tpu.vector_load %arg7[%get3A, %get3A_76] {strides = array<i32>} : memref<64x16xf32, #tpu.memory_space<vmem>>, vector<1x16xf32>,
        %get3A_78 = vector.shape_cast %get3A_77 : vector<1x16xf32> to vector<16xf32>
        %mul3A_79 = arith.constant 33 : i32
        %mul3A_80 = arith.muli %scan3A_75, %mul3A_79 : i32
        %get3A_81 = arith.index_cast %mul3A_80 : i32 to index
        %get3A_82 = tpu.vector_load %arg12[%get3A_81] {strides = array<i32>} : memref<2112xf32, #tpu.memory_space<vmem>>, vector<16xf32>,
        %get3A_83 = vector.shape_cast %get3A_82 : vector<16xf32> to vector<16xf32>
        %add3A_84 = arith.constant 16 : i32
        %add3A_85 = arith.addi %mul3A_80, %add3A_84 : i32
        %get3A_86 = arith.index_cast %add3A_85 : i32 to index
        %get3A_87 = tpu.vector_load %arg12[%get3A_86] {strides = array<i32>} : memref<2112xf32, #tpu.memory_space<vmem>>, vector<16xf32>,
        %get3A_88 = vector.shape_cast %get3A_87 : vector<16xf32> to vector<16xf32>
        %add3A_89 = arith.constant 17 : i32
        %add3A_90 = arith.addi %mul3A_80, %add3A_89 : i32
        %get3A_91 = arith.index_cast %add3A_90 : i32 to index
        %get3A_92 = tpu.vector_load %arg12[%get3A_91] {strides = array<i32>} : memref<2112xf32, #tpu.memory_space<vmem>>, vector<16xf32>,
        %get3A_93 = vector.shape_cast %get3A_92 : vector<16xf32> to vector<16xf32>
        %slice3A = vector.extract_strided_slice %get3A_83 {offsets = [0], sizes = [1], strides = [1]} : vector<16xf32> to vector<1xf32>
        %squeeze3A = vector.extract %slice3A[0] : f32 from vector<1xf32>
        %mul3A_94 = vector.broadcast %squeeze3A : f32 to vector<16xf32>
        %mul3A_95 = arith.mulf %get3A_78, %mul3A_94 : vector<16xf32>
        %add3A_96 = arith.constant 0 : i32
        %add3A_97 = arith.addi %mul3A_80, %add3A_96 : i32
        %swap3A = arith.index_cast %add3A_97 : i32 to index
        %swap3A_98 = arith.constant 0 : index
        %swap3A_99 = tpu.vector_load %arg11[%swap3A, %swap3A_98] {strides = array<i32>} : memref<2112x16xf32, #tpu.memory_space<vmem>>, vector<1x16xf32>,
        %swap3A_100 = vector.shape_cast %swap3A_99 : vector<1x16xf32> to vector<16xf32>
        %swap3A_101 = vector.shape_cast %mul3A_95 : vector<16xf32> to vector<1x16xf32>
        tpu.vector_store %arg11[%swap3A, %swap3A_98], %swap3A_101 {strides = array<i32>} : memref<2112x16xf32, #tpu.memory_space<vmem>>, vector<1x16xf32>,
        %slice3A_102 = vector.extract_strided_slice %get3A_83 {offsets = [1], sizes = [1], strides = [1]} : vector<16xf32> to vector<1xf32>
        %squeeze3A_103 = vector.extract %slice3A_102[0] : f32 from vector<1xf32>
        %mul3A_104 = vector.broadcast %squeeze3A_103 : f32 to vector<16xf32>
        %mul3A_105 = arith.mulf %get3A_78, %mul3A_104 : vector<16xf32>
        %add3A_106 = arith.constant 1 : i32
        %add3A_107 = arith.addi %mul3A_80, %add3A_106 : i32
        %swap3A_108 = arith.index_cast %add3A_107 : i32 to index
        %swap3A_109 = arith.constant 0 : index
        %swap3A_110 = tpu.vector_load %arg11[%swap3A_108, %swap3A_109] {strides = array<i32>} : memref<2112x16xf32, #tpu.memory_space<vmem>>, vector<1x16xf32>,
        %swap3A_111 = vector.shape_cast %swap3A_110 : vector<1x16xf32> to vector<16xf32>
        %swap3A_112 = vector.shape_cast %mul3A_105 : vector<16xf32> to vector<1x16xf32>
        tpu.vector_store %arg11[%swap3A_108, %swap3A_109], %swap3A_112 {strides = array<i32>} : memref<2112x16xf32, #tpu.memory_space<vmem>>, vector<1x16xf32>,
        %slice3A_113 = vector.extract_strided_slice %get3A_83 {offsets = [2], sizes = [1], strides = [1]} : vector<16xf32> to vector<1xf32>
        %squeeze3A_114 = vector.extract %slice3A_113[0] : f32 from vector<1xf32>
        %mul3A_115 = vector.broadcast %squeeze3A_114 : f32 to vector<16xf32>
        %mul3A_116 = arith.mulf %get3A_78, %mul3A_115 : vector<16xf32>
        %add3A_117 = arith.constant 2 : i32
        %add3A_118 = arith.addi %mul3A_80, %add3A_117 : i32
        %swap3A_119 = arith.index_cast %add3A_118 : i32 to index
        %swap3A_120 = arith.constant 0 : index
        %swap3A_121 = tpu.vector_load %arg11[%swap3A_119, %swap3A_120] {strides = array<i32>} : memref<2112x16xf32, #tpu.memory_space<vmem>>, vector<1x16xf32>,
        %swap3A_122 = vector.shape_cast %swap3A_121 : vector<1x16xf32> to vector<16xf32>
        %swap3A_123 = vector.shape_cast %mul3A_116 : vector<16xf32> to vector<1x16xf32>
        tpu.vector_store %arg11[%swap3A_119, %swap3A_120], %swap3A_123 {strides = array<i32>} : memref<2112x16xf32, #tpu.memory_space<vmem>>, vector<1x16xf32>,
        %slice3A_124 = vector.extract_strided_slice %get3A_83 {offsets = [3], sizes = [1], strides = [1]} : vector<16xf32> to vector<1xf32>
        %squeeze3A_125 = vector.extract %slice3A_124[0] : f32 from vector<1xf32>
        %mul3A_126 = vector.broadcast %squeeze3A_125 : f32 to vector<16xf32>
        %mul3A_127 = arith.mulf %get3A_78, %mul3A_126 : vector<16xf32>
        %add3A_128 = arith.constant 3 : i32
        %add3A_129 = arith.addi %mul3A_80, %add3A_128 : i32
        %swap3A_130 = arith.index_cast %add3A_129 : i32 to index
        %swap3A_131 = arith.constant 0 : index
        %swap3A_132 = tpu.vector_load %arg11[%swap3A_130, %swap3A_131] {strides = array<i32>} : memref<2112x16xf32, #tpu.memory_space<vmem>>, vector<1x16xf32>,
        %swap3A_133 = vector.shape_cast %swap3A_132 : vector<1x16xf32> to vector<16xf32>
        %swap3A_134 = vector.shape_cast %mul3A_127 : vector<16xf32> to vector<1x16xf32>
        tpu.vector_store %arg11[%swap3A_130, %swap3A_131], %swap3A_134 {strides = array<i32>} : memref<2112x16xf32, #tpu.memory_space<vmem>>, vector<1x16xf32>,
        %slice3A_135 = vector.extract_strided_slice %get3A_83 {offsets = [4], sizes = [1], strides = [1]} : vector<16xf32> to vector<1xf32>
        %squeeze3A_136 = vector.extract %slice3A_135[0] : f32 from vector<1xf32>
        %mul3A_137 = vector.broadcast %squeeze3A_136 : f32 to vector<16xf32>
        %mul3A_138 = arith.mulf %get3A_78, %mul3A_137 : vector<16xf32>
        %add3A_139 = arith.constant 4 : i32
        %add3A_140 = arith.addi %mul3A_80, %add3A_139 : i32
        %swap3A_141 = arith.index_cast %add3A_140 : i32 to index
        %swap3A_142 = arith.constant 0 : index
        %swap3A_143 = tpu.vector_load %arg11[%swap3A_141, %swap3A_142] {strides = array<i32>} : memref<2112x16xf32, #tpu.memory_space<vmem>>, vector<1x16xf32>,
        %swap3A_144 = vector.shape_cast %swap3A_143 : vector<1x16xf32> to vector<16xf32>
        %swap3A_145 = vector.shape_cast %mul3A_138 : vector<16xf32> to vector<1x16xf32>
        tpu.vector_store %arg11[%swap3A_141, %swap3A_142], %swap3A_145 {strides = array<i32>} : memref<2112x16xf32, #tpu.memory_space<vmem>>, vector<1x16xf32>,
        %slice3A_146 = vector.extract_strided_slice %get3A_83 {offsets = [5], sizes = [1], strides = [1]} : vector<16xf32> to vector<1xf32>
        %squeeze3A_147 = vector.extract %slice3A_146[0] : f32 from vector<1xf32>
        %mul3A_148 = vector.broadcast %squeeze3A_147 : f32 to vector<16xf32>
        %mul3A_149 = arith.mulf %get3A_78, %mul3A_148 : vector<16xf32>
        %add3A_150 = arith.constant 5 : i32
        %add3A_151 = arith.addi %mul3A_80, %add3A_150 : i32
        %swap3A_152 = arith.index_cast %add3A_151 : i32 to index
        %swap3A_153 = arith.constant 0 : index
        %swap3A_154 = tpu.vector_load %arg11[%swap3A_152, %swap3A_153] {strides = array<i32>} : memref<2112x16xf32, #tpu.memory_space<vmem>>, vector<1x16xf32>,
        %swap3A_155 = vector.shape_cast %swap3A_154 : vector<1x16xf32> to vector<16xf32>
        %swap3A_156 = vector.shape_cast %mul3A_149 : vector<16xf32> to vector<1x16xf32>
        tpu.vector_store %arg11[%swap3A_152, %swap3A_153], %swap3A_156 {strides = array<i32>} : memref<2112x16xf32, #tpu.memory_space<vmem>>, vector<1x16xf32>,
        %slice3A_157 = vector.extract_strided_slice %get3A_83 {offsets = [6], sizes = [1], strides = [1]} : vector<16xf32> to vector<1xf32>
        %squeeze3A_158 = vector.extract %slice3A_157[0] : f32 from vector<1xf32>
        %mul3A_159 = vector.broadcast %squeeze3A_158 : f32 to vector<16xf32>
        %mul3A_160 = arith.mulf %get3A_78, %mul3A_159 : vector<16xf32>
        %add3A_161 = arith.constant 6 : i32
        %add3A_162 = arith.addi %mul3A_80, %add3A_161 : i32
        %swap3A_163 = arith.index_cast %add3A_162 : i32 to index
        %swap3A_164 = arith.constant 0 : index
        %swap3A_165 = tpu.vector_load %arg11[%swap3A_163, %swap3A_164] {strides = array<i32>} : memref<2112x16xf32, #tpu.memory_space<vmem>>, vector<1x16xf32>,
        %swap3A_166 = vector.shape_cast %swap3A_165 : vector<1x16xf32> to vector<16xf32>
        %swap3A_167 = vector.shape_cast %mul3A_160 : vector<16xf32> to vector<1x16xf32>
        tpu.vector_store %arg11[%swap3A_163, %swap3A_164], %swap3A_167 {strides = array<i32>} : memref<2112x16xf32, #tpu.memory_space<vmem>>, vector<1x16xf32>,
        %slice3A_168 = vector.extract_strided_slice %get3A_83 {offsets = [7], sizes = [1], strides = [1]} : vector<16xf32> to vector<1xf32>
        %squeeze3A_169 = vector.extract %slice3A_168[0] : f32 from vector<1xf32>
        %mul3A_170 = vector.broadcast %squeeze3A_169 : f32 to vector<16xf32>
        %mul3A_171 = arith.mulf %get3A_78, %mul3A_170 : vector<16xf32>
        %add3A_172 = arith.constant 7 : i32
        %add3A_173 = arith.addi %mul3A_80, %add3A_172 : i32
        %swap3A_174 = arith.index_cast %add3A_173 : i32 to index
        %swap3A_175 = arith.constant 0 : index
        %swap3A_176 = tpu.vector_load %arg11[%swap3A_174, %swap3A_175] {strides = array<i32>} : memref<2112x16xf32, #tpu.memory_space<vmem>>, vector<1x16xf32>,
        %swap3A_177 = vector.shape_cast %swap3A_176 : vector<1x16xf32> to vector<16xf32>
        %swap3A_178 = vector.shape_cast %mul3A_171 : vector<16xf32> to vector<1x16xf32>
        tpu.vector_store %arg11[%swap3A_174, %swap3A_175], %swap3A_178 {strides = array<i32>} : memref<2112x16xf32, #tpu.memory_space<vmem>>, vector<1x16xf32>,
        %slice3A_179 = vector.extract_strided_slice %get3A_83 {offsets = [8], sizes = [1], strides = [1]} : vector<16xf32> to vector<1xf32>
        %squeeze3A_180 = vector.extract %slice3A_179[0] : f32 from vector<1xf32>
        %mul3A_181 = vector.broadcast %squeeze3A_180 : f32 to vector<16xf32>
        %mul3A_182 = arith.mulf %get3A_78, %mul3A_181 : vector<16xf32>
        %add3A_183 = arith.constant 8 : i32
        %add3A_184 = arith.addi %mul3A_80, %add3A_183 : i32
        %swap3A_185 = arith.index_cast %add3A_184 : i32 to index
        %swap3A_186 = arith.constant 0 : index
        %swap3A_187 = tpu.vector_load %arg11[%swap3A_185, %swap3A_186] {strides = array<i32>} : memref<2112x16xf32, #tpu.memory_space<vmem>>, vector<1x16xf32>,
        %swap3A_188 = vector.shape_cast %swap3A_187 : vector<1x16xf32> to vector<16xf32>
        %swap3A_189 = vector.shape_cast %mul3A_182 : vector<16xf32> to vector<1x16xf32>
        tpu.vector_store %arg11[%swap3A_185, %swap3A_186], %swap3A_189 {strides = array<i32>} : memref<2112x16xf32, #tpu.memory_space<vmem>>, vector<1x16xf32>,
        %slice3A_190 = vector.extract_strided_slice %get3A_83 {offsets = [9], sizes = [1], strides = [1]} : vector<16xf32> to vector<1xf32>
        %squeeze3A_191 = vector.extract %slice3A_190[0] : f32 from vector<1xf32>
        %mul3A_192 = vector.broadcast %squeeze3A_191 : f32 to vector<16xf32>
        %mul3A_193 = arith.mulf %get3A_78, %mul3A_192 : vector<16xf32>
        %add3A_194 = arith.constant 9 : i32
        %add3A_195 = arith.addi %mul3A_80, %add3A_194 : i32
        %swap3A_196 = arith.index_cast %add3A_195 : i32 to index
        %swap3A_197 = arith.constant 0 : index
        %swap3A_198 = tpu.vector_load %arg11[%swap3A_196, %swap3A_197] {strides = array<i32>} : memref<2112x16xf32, #tpu.memory_space<vmem>>, vector<1x16xf32>,
        %swap3A_199 = vector.shape_cast %swap3A_198 : vector<1x16xf32> to vector<16xf32>
        %swap3A_200 = vector.shape_cast %mul3A_193 : vector<16xf32> to vector<1x16xf32>
        tpu.vector_store %arg11[%swap3A_196, %swap3A_197], %swap3A_200 {strides = array<i32>} : memref<2112x16xf32, #tpu.memory_space<vmem>>, vector<1x16xf32>,
        %slice3A_201 = vector.extract_strided_slice %get3A_83 {offsets = [10], sizes = [1], strides = [1]} : vector<16xf32> to vector<1xf32>
        %squeeze3A_202 = vector.extract %slice3A_201[0] : f32 from vector<1xf32>
        %mul3A_203 = vector.broadcast %squeeze3A_202 : f32 to vector<16xf32>
        %mul3A_204 = arith.mulf %get3A_78, %mul3A_203 : vector<16xf32>
        %add3A_205 = arith.constant 10 : i32
        %add3A_206 = arith.addi %mul3A_80, %add3A_205 : i32
        %swap3A_207 = arith.index_cast %add3A_206 : i32 to index
        %swap3A_208 = arith.constant 0 : index
        %swap3A_209 = tpu.vector_load %arg11[%swap3A_207, %swap3A_208] {strides = array<i32>} : memref<2112x16xf32, #tpu.memory_space<vmem>>, vector<1x16xf32>,
        %swap3A_210 = vector.shape_cast %swap3A_209 : vector<1x16xf32> to vector<16xf32>
        %swap3A_211 = vector.shape_cast %mul3A_204 : vector<16xf32> to vector<1x16xf32>
        tpu.vector_store %arg11[%swap3A_207, %swap3A_208], %swap3A_211 {strides = array<i32>} : memref<2112x16xf32, #tpu.memory_space<vmem>>, vector<1x16xf32>,
        %slice3A_212 = vector.extract_strided_slice %get3A_83 {offsets = [11], sizes = [1], strides = [1]} : vector<16xf32> to vector<1xf32>
        %squeeze3A_213 = vector.extract %slice3A_212[0] : f32 from vector<1xf32>
        %mul3A_214 = vector.broadcast %squeeze3A_213 : f32 to vector<16xf32>
        %mul3A_215 = arith.mulf %get3A_78, %mul3A_214 : vector<16xf32>
        %add3A_216 = arith.constant 11 : i32
        %add3A_217 = arith.addi %mul3A_80, %add3A_216 : i32
        %swap3A_218 = arith.index_cast %add3A_217 : i32 to index
        %swap3A_219 = arith.constant 0 : index
        %swap3A_220 = tpu.vector_load %arg11[%swap3A_218, %swap3A_219] {strides = array<i32>} : memref<2112x16xf32, #tpu.memory_space<vmem>>, vector<1x16xf32>,
        %swap3A_221 = vector.shape_cast %swap3A_220 : vector<1x16xf32> to vector<16xf32>
        %swap3A_222 = vector.shape_cast %mul3A_215 : vector<16xf32> to vector<1x16xf32>
        tpu.vector_store %arg11[%swap3A_218, %swap3A_219], %swap3A_222 {strides = array<i32>} : memref<2112x16xf32, #tpu.memory_space<vmem>>, vector<1x16xf32>,
        %slice3A_223 = vector.extract_strided_slice %get3A_83 {offsets = [12], sizes = [1], strides = [1]} : vector<16xf32> to vector<1xf32>
        %squeeze3A_224 = vector.extract %slice3A_223[0] : f32 from vector<1xf32>
        %mul3A_225 = vector.broadcast %squeeze3A_224 : f32 to vector<16xf32>
        %mul3A_226 = arith.mulf %get3A_78, %mul3A_225 : vector<16xf32>
        %add3A_227 = arith.constant 12 : i32
        %add3A_228 = arith.addi %mul3A_80, %add3A_227 : i32
        %swap3A_229 = arith.index_cast %add3A_228 : i32 to index
        %swap3A_230 = arith.constant 0 : index
        %swap3A_231 = tpu.vector_load %arg11[%swap3A_229, %swap3A_230] {strides = array<i32>} : memref<2112x16xf32, #tpu.memory_space<vmem>>, vector<1x16xf32>,
        %swap3A_232 = vector.shape_cast %swap3A_231 : vector<1x16xf32> to vector<16xf32>
        %swap3A_233 = vector.shape_cast %mul3A_226 : vector<16xf32> to vector<1x16xf32>
        tpu.vector_store %arg11[%swap3A_229, %swap3A_230], %swap3A_233 {strides = array<i32>} : memref<2112x16xf32, #tpu.memory_space<vmem>>, vector<1x16xf32>,
        %slice3A_234 = vector.extract_strided_slice %get3A_83 {offsets = [13], sizes = [1], strides = [1]} : vector<16xf32> to vector<1xf32>
        %squeeze3A_235 = vector.extract %slice3A_234[0] : f32 from vector<1xf32>
        %mul3A_236 = vector.broadcast %squeeze3A_235 : f32 to vector<16xf32>
        %mul3A_237 = arith.mulf %get3A_78, %mul3A_236 : vector<16xf32>
        %add3A_238 = arith.constant 13 : i32
        %add3A_239 = arith.addi %mul3A_80, %add3A_238 : i32
        %swap3A_240 = arith.index_cast %add3A_239 : i32 to index
        %swap3A_241 = arith.constant 0 : index
        %swap3A_242 = tpu.vector_load %arg11[%swap3A_240, %swap3A_241] {strides = array<i32>} : memref<2112x16xf32, #tpu.memory_space<vmem>>, vector<1x16xf32>,
        %swap3A_243 = vector.shape_cast %swap3A_242 : vector<1x16xf32> to vector<16xf32>
        %swap3A_244 = vector.shape_cast %mul3A_237 : vector<16xf32> to vector<1x16xf32>
        tpu.vector_store %arg11[%swap3A_240, %swap3A_241], %swap3A_244 {strides = array<i32>} : memref<2112x16xf32, #tpu.memory_space<vmem>>, vector<1x16xf32>,
        %slice3A_245 = vector.extract_strided_slice %get3A_83 {offsets = [14], sizes = [1], strides = [1]} : vector<16xf32> to vector<1xf32>
        %squeeze3A_246 = vector.extract %slice3A_245[0] : f32 from vector<1xf32>
        %mul3A_247 = vector.broadcast %squeeze3A_246 : f32 to vector<16xf32>
        %mul3A_248 = arith.mulf %get3A_78, %mul3A_247 : vector<16xf32>
        %add3A_249 = arith.constant 14 : i32
        %add3A_250 = arith.addi %mul3A_80, %add3A_249 : i32
        %swap3A_251 = arith.index_cast %add3A_250 : i32 to index
        %swap3A_252 = arith.constant 0 : index
        %swap3A_253 = tpu.vector_load %arg11[%swap3A_251, %swap3A_252] {strides = array<i32>} : memref<2112x16xf32, #tpu.memory_space<vmem>>, vector<1x16xf32>,
        %swap3A_254 = vector.shape_cast %swap3A_253 : vector<1x16xf32> to vector<16xf32>
        %swap3A_255 = vector.shape_cast %mul3A_248 : vector<16xf32> to vector<1x16xf32>
        tpu.vector_store %arg11[%swap3A_251, %swap3A_252], %swap3A_255 {strides = array<i32>} : memref<2112x16xf32, #tpu.memory_space<vmem>>, vector<1x16xf32>,
        %slice3A_256 = vector.extract_strided_slice %get3A_83 {offsets = [15], sizes = [1], strides = [1]} : vector<16xf32> to vector<1xf32>
        %squeeze3A_257 = vector.extract %slice3A_256[0] : f32 from vector<1xf32>
        %mul3A_258 = vector.broadcast %squeeze3A_257 : f32 to vector<16xf32>
        %mul3A_259 = arith.mulf %get3A_78, %mul3A_258 : vector<16xf32>
        %add3A_260 = arith.constant 15 : i32
        %add3A_261 = arith.addi %mul3A_80, %add3A_260 : i32
        %swap3A_262 = arith.index_cast %add3A_261 : i32 to index
        %swap3A_263 = arith.constant 0 : index
        %swap3A_264 = tpu.vector_load %arg11[%swap3A_262, %swap3A_263] {strides = array<i32>} : memref<2112x16xf32, #tpu.memory_space<vmem>>, vector<1x16xf32>,
        %swap3A_265 = vector.shape_cast %swap3A_264 : vector<1x16xf32> to vector<16xf32>
        %swap3A_266 = vector.shape_cast %mul3A_259 : vector<16xf32> to vector<1x16xf32>
        tpu.vector_store %arg11[%swap3A_262, %swap3A_263], %swap3A_266 {strides = array<i32>} : memref<2112x16xf32, #tpu.memory_space<vmem>>, vector<1x16xf32>,
        %slice3A_267 = vector.extract_strided_slice %get3A_88 {offsets = [0], sizes = [1], strides = [1]} : vector<16xf32> to vector<1xf32>
        %squeeze3A_268 = vector.extract %slice3A_267[0] : f32 from vector<1xf32>
        %mul3A_269 = vector.broadcast %squeeze3A_268 : f32 to vector<16xf32>
        %mul3A_270 = arith.mulf %get3A_78, %mul3A_269 : vector<16xf32>
        %add3A_271 = arith.constant 16 : i32
        %add3A_272 = arith.addi %mul3A_80, %add3A_271 : i32
        %add3A_273 = arith.constant 0 : i32
        %add3A_274 = arith.addi %add3A_272, %add3A_273 : i32
        %swap3A_275 = arith.index_cast %add3A_274 : i32 to index
        %swap3A_276 = arith.constant 0 : index
        %swap3A_277 = tpu.vector_load %arg11[%swap3A_275, %swap3A_276] {strides = array<i32>} : memref<2112x16xf32, #tpu.memory_space<vmem>>, vector<1x16xf32>,
        %swap3A_278 = vector.shape_cast %swap3A_277 : vector<1x16xf32> to vector<16xf32>
        %swap3A_279 = vector.shape_cast %mul3A_270 : vector<16xf32> to vector<1x16xf32>
        tpu.vector_store %arg11[%swap3A_275, %swap3A_276], %swap3A_279 {strides = array<i32>} : memref<2112x16xf32, #tpu.memory_space<vmem>>, vector<1x16xf32>,
        %slice3A_280 = vector.extract_strided_slice %get3A_88 {offsets = [1], sizes = [1], strides = [1]} : vector<16xf32> to vector<1xf32>
        %squeeze3A_281 = vector.extract %slice3A_280[0] : f32 from vector<1xf32>
        %mul3A_282 = vector.broadcast %squeeze3A_281 : f32 to vector<16xf32>
        %mul3A_283 = arith.mulf %get3A_78, %mul3A_282 : vector<16xf32>
        %add3A_284 = arith.constant 16 : i32
        %add3A_285 = arith.addi %mul3A_80, %add3A_284 : i32
        %add3A_286 = arith.constant 1 : i32
        %add3A_287 = arith.addi %add3A_285, %add3A_286 : i32
        %swap3A_288 = arith.index_cast %add3A_287 : i32 to index
        %swap3A_289 = arith.constant 0 : index
        %swap3A_290 = tpu.vector_load %arg11[%swap3A_288, %swap3A_289] {strides = array<i32>} : memref<2112x16xf32, #tpu.memory_space<vmem>>, vector<1x16xf32>,
        %swap3A_291 = vector.shape_cast %swap3A_290 : vector<1x16xf32> to vector<16xf32>
        %swap3A_292 = vector.shape_cast %mul3A_283 : vector<16xf32> to vector<1x16xf32>
        tpu.vector_store %arg11[%swap3A_288, %swap3A_289], %swap3A_292 {strides = array<i32>} : memref<2112x16xf32, #tpu.memory_space<vmem>>, vector<1x16xf32>,
        %slice3A_293 = vector.extract_strided_slice %get3A_88 {offsets = [2], sizes = [1], strides = [1]} : vector<16xf32> to vector<1xf32>
        %squeeze3A_294 = vector.extract %slice3A_293[0] : f32 from vector<1xf32>
        %mul3A_295 = vector.broadcast %squeeze3A_294 : f32 to vector<16xf32>
        %mul3A_296 = arith.mulf %get3A_78, %mul3A_295 : vector<16xf32>
        %add3A_297 = arith.constant 16 : i32
        %add3A_298 = arith.addi %mul3A_80, %add3A_297 : i32
        %add3A_299 = arith.constant 2 : i32
        %add3A_300 = arith.addi %add3A_298, %add3A_299 : i32
        %swap3A_301 = arith.index_cast %add3A_300 : i32 to index
        %swap3A_302 = arith.constant 0 : index
        %swap3A_303 = tpu.vector_load %arg11[%swap3A_301, %swap3A_302] {strides = array<i32>} : memref<2112x16xf32, #tpu.memory_space<vmem>>, vector<1x16xf32>,
        %swap3A_304 = vector.shape_cast %swap3A_303 : vector<1x16xf32> to vector<16xf32>
        %swap3A_305 = vector.shape_cast %mul3A_296 : vector<16xf32> to vector<1x16xf32>
        tpu.vector_store %arg11[%swap3A_301, %swap3A_302], %swap3A_305 {strides = array<i32>} : memref<2112x16xf32, #tpu.memory_space<vmem>>, vector<1x16xf32>,
        %slice3A_306 = vector.extract_strided_slice %get3A_88 {offsets = [3], sizes = [1], strides = [1]} : vector<16xf32> to vector<1xf32>
        %squeeze3A_307 = vector.extract %slice3A_306[0] : f32 from vector<1xf32>
        %mul3A_308 = vector.broadcast %squeeze3A_307 : f32 to vector<16xf32>
        %mul3A_309 = arith.mulf %get3A_78, %mul3A_308 : vector<16xf32>
        %add3A_310 = arith.constant 16 : i32
        %add3A_311 = arith.addi %mul3A_80, %add3A_310 : i32
        %add3A_312 = arith.constant 3 : i32
        %add3A_313 = arith.addi %add3A_311, %add3A_312 : i32
        %swap3A_314 = arith.index_cast %add3A_313 : i32 to index
        %swap3A_315 = arith.constant 0 : index
        %swap3A_316 = tpu.vector_load %arg11[%swap3A_314, %swap3A_315] {strides = array<i32>} : memref<2112x16xf32, #tpu.memory_space<vmem>>, vector<1x16xf32>,
        %swap3A_317 = vector.shape_cast %swap3A_316 : vector<1x16xf32> to vector<16xf32>
        %swap3A_318 = vector.shape_cast %mul3A_309 : vector<16xf32> to vector<1x16xf32>
        tpu.vector_store %arg11[%swap3A_314, %swap3A_315], %swap3A_318 {strides = array<i32>} : memref<2112x16xf32, #tpu.memory_space<vmem>>, vector<1x16xf32>,
        %slice3A_319 = vector.extract_strided_slice %get3A_88 {offsets = [4], sizes = [1], strides = [1]} : vector<16xf32> to vector<1xf32>
        %squeeze3A_320 = vector.extract %slice3A_319[0] : f32 from vector<1xf32>
        %mul3A_321 = vector.broadcast %squeeze3A_320 : f32 to vector<16xf32>
        %mul3A_322 = arith.mulf %get3A_78, %mul3A_321 : vector<16xf32>
        %add3A_323 = arith.constant 16 : i32
        %add3A_324 = arith.addi %mul3A_80, %add3A_323 : i32
        %add3A_325 = arith.constant 4 : i32
        %add3A_326 = arith.addi %add3A_324, %add3A_325 : i32
        %swap3A_327 = arith.index_cast %add3A_326 : i32 to index
        %swap3A_328 = arith.constant 0 : index
        %swap3A_329 = tpu.vector_load %arg11[%swap3A_327, %swap3A_328] {strides = array<i32>} : memref<2112x16xf32, #tpu.memory_space<vmem>>, vector<1x16xf32>,
        %swap3A_330 = vector.shape_cast %swap3A_329 : vector<1x16xf32> to vector<16xf32>
        %swap3A_331 = vector.shape_cast %mul3A_322 : vector<16xf32> to vector<1x16xf32>
        tpu.vector_store %arg11[%swap3A_327, %swap3A_328], %swap3A_331 {strides = array<i32>} : memref<2112x16xf32, #tpu.memory_space<vmem>>, vector<1x16xf32>,
        %slice3A_332 = vector.extract_strided_slice %get3A_88 {offsets = [5], sizes = [1], strides = [1]} : vector<16xf32> to vector<1xf32>
        %squeeze3A_333 = vector.extract %slice3A_332[0] : f32 from vector<1xf32>
        %mul3A_334 = vector.broadcast %squeeze3A_333 : f32 to vector<16xf32>
        %mul3A_335 = arith.mulf %get3A_78, %mul3A_334 : vector<16xf32>
        %add3A_336 = arith.constant 16 : i32
        %add3A_337 = arith.addi %mul3A_80, %add3A_336 : i32
        %add3A_338 = arith.constant 5 : i32
        %add3A_339 = arith.addi %add3A_337, %add3A_338 : i32
        %swap3A_340 = arith.index_cast %add3A_339 : i32 to index
        %swap3A_341 = arith.constant 0 : index
        %swap3A_342 = tpu.vector_load %arg11[%swap3A_340, %swap3A_341] {strides = array<i32>} : memref<2112x16xf32, #tpu.memory_space<vmem>>, vector<1x16xf32>,
        %swap3A_343 = vector.shape_cast %swap3A_342 : vector<1x16xf32> to vector<16xf32>
        %swap3A_344 = vector.shape_cast %mul3A_335 : vector<16xf32> to vector<1x16xf32>
        tpu.vector_store %arg11[%swap3A_340, %swap3A_341], %swap3A_344 {strides = array<i32>} : memref<2112x16xf32, #tpu.memory_space<vmem>>, vector<1x16xf32>,
        %slice3A_345 = vector.extract_strided_slice %get3A_88 {offsets = [6], sizes = [1], strides = [1]} : vector<16xf32> to vector<1xf32>
        %squeeze3A_346 = vector.extract %slice3A_345[0] : f32 from vector<1xf32>
        %mul3A_347 = vector.broadcast %squeeze3A_346 : f32 to vector<16xf32>
        %mul3A_348 = arith.mulf %get3A_78, %mul3A_347 : vector<16xf32>
        %add3A_349 = arith.constant 16 : i32
        %add3A_350 = arith.addi %mul3A_80, %add3A_349 : i32
        %add3A_351 = arith.constant 6 : i32
        %add3A_352 = arith.addi %add3A_350, %add3A_351 : i32
        %swap3A_353 = arith.index_cast %add3A_352 : i32 to index
        %swap3A_354 = arith.constant 0 : index
        %swap3A_355 = tpu.vector_load %arg11[%swap3A_353, %swap3A_354] {strides = array<i32>} : memref<2112x16xf32, #tpu.memory_space<vmem>>, vector<1x16xf32>,
        %swap3A_356 = vector.shape_cast %swap3A_355 : vector<1x16xf32> to vector<16xf32>
        %swap3A_357 = vector.shape_cast %mul3A_348 : vector<16xf32> to vector<1x16xf32>
        tpu.vector_store %arg11[%swap3A_353, %swap3A_354], %swap3A_357 {strides = array<i32>} : memref<2112x16xf32, #tpu.memory_space<vmem>>, vector<1x16xf32>,
        %slice3A_358 = vector.extract_strided_slice %get3A_88 {offsets = [7], sizes = [1], strides = [1]} : vector<16xf32> to vector<1xf32>
        %squeeze3A_359 = vector.extract %slice3A_358[0] : f32 from vector<1xf32>
        %mul3A_360 = vector.broadcast %squeeze3A_359 : f32 to vector<16xf32>
        %mul3A_361 = arith.mulf %get3A_78, %mul3A_360 : vector<16xf32>
        %add3A_362 = arith.constant 16 : i32
        %add3A_363 = arith.addi %mul3A_80, %add3A_362 : i32
        %add3A_364 = arith.constant 7 : i32
        %add3A_365 = arith.addi %add3A_363, %add3A_364 : i32
        %swap3A_366 = arith.index_cast %add3A_365 : i32 to index
        %swap3A_367 = arith.constant 0 : index
        %swap3A_368 = tpu.vector_load %arg11[%swap3A_366, %swap3A_367] {strides = array<i32>} : memref<2112x16xf32, #tpu.memory_space<vmem>>, vector<1x16xf32>,
        %swap3A_369 = vector.shape_cast %swap3A_368 : vector<1x16xf32> to vector<16xf32>
        %swap3A_370 = vector.shape_cast %mul3A_361 : vector<16xf32> to vector<1x16xf32>
        tpu.vector_store %arg11[%swap3A_366, %swap3A_367], %swap3A_370 {strides = array<i32>} : memref<2112x16xf32, #tpu.memory_space<vmem>>, vector<1x16xf32>,
        %slice3A_371 = vector.extract_strided_slice %get3A_88 {offsets = [8], sizes = [1], strides = [1]} : vector<16xf32> to vector<1xf32>
        %squeeze3A_372 = vector.extract %slice3A_371[0] : f32 from vector<1xf32>
        %mul3A_373 = vector.broadcast %squeeze3A_372 : f32 to vector<16xf32>
        %mul3A_374 = arith.mulf %get3A_78, %mul3A_373 : vector<16xf32>
        %add3A_375 = arith.constant 16 : i32
        %add3A_376 = arith.addi %mul3A_80, %add3A_375 : i32
        %add3A_377 = arith.constant 8 : i32
        %add3A_378 = arith.addi %add3A_376, %add3A_377 : i32
        %swap3A_379 = arith.index_cast %add3A_378 : i32 to index
        %swap3A_380 = arith.constant 0 : index
        %swap3A_381 = tpu.vector_load %arg11[%swap3A_379, %swap3A_380] {strides = array<i32>} : memref<2112x16xf32, #tpu.memory_space<vmem>>, vector<1x16xf32>,
        %swap3A_382 = vector.shape_cast %swap3A_381 : vector<1x16xf32> to vector<16xf32>
        %swap3A_383 = vector.shape_cast %mul3A_374 : vector<16xf32> to vector<1x16xf32>
        tpu.vector_store %arg11[%swap3A_379, %swap3A_380], %swap3A_383 {strides = array<i32>} : memref<2112x16xf32, #tpu.memory_space<vmem>>, vector<1x16xf32>,
        %slice3A_384 = vector.extract_strided_slice %get3A_88 {offsets = [9], sizes = [1], strides = [1]} : vector<16xf32> to vector<1xf32>
        %squeeze3A_385 = vector.extract %slice3A_384[0] : f32 from vector<1xf32>
        %mul3A_386 = vector.broadcast %squeeze3A_385 : f32 to vector<16xf32>
        %mul3A_387 = arith.mulf %get3A_78, %mul3A_386 : vector<16xf32>
        %add3A_388 = arith.constant 16 : i32
        %add3A_389 = arith.addi %mul3A_80, %add3A_388 : i32
        %add3A_390 = arith.constant 9 : i32
        %add3A_391 = arith.addi %add3A_389, %add3A_390 : i32
        %swap3A_392 = arith.index_cast %add3A_391 : i32 to index
        %swap3A_393 = arith.constant 0 : index
        %swap3A_394 = tpu.vector_load %arg11[%swap3A_392, %swap3A_393] {strides = array<i32>} : memref<2112x16xf32, #tpu.memory_space<vmem>>, vector<1x16xf32>,
        %swap3A_395 = vector.shape_cast %swap3A_394 : vector<1x16xf32> to vector<16xf32>
        %swap3A_396 = vector.shape_cast %mul3A_387 : vector<16xf32> to vector<1x16xf32>
        tpu.vector_store %arg11[%swap3A_392, %swap3A_393], %swap3A_396 {strides = array<i32>} : memref<2112x16xf32, #tpu.memory_space<vmem>>, vector<1x16xf32>,
        %slice3A_397 = vector.extract_strided_slice %get3A_88 {offsets = [10], sizes = [1], strides = [1]} : vector<16xf32> to vector<1xf32>
        %squeeze3A_398 = vector.extract %slice3A_397[0] : f32 from vector<1xf32>
        %mul3A_399 = vector.broadcast %squeeze3A_398 : f32 to vector<16xf32>
        %mul3A_400 = arith.mulf %get3A_78, %mul3A_399 : vector<16xf32>
        %add3A_401 = arith.constant 16 : i32
        %add3A_402 = arith.addi %mul3A_80, %add3A_401 : i32
        %add3A_403 = arith.constant 10 : i32
        %add3A_404 = arith.addi %add3A_402, %add3A_403 : i32
        %swap3A_405 = arith.index_cast %add3A_404 : i32 to index
        %swap3A_406 = arith.constant 0 : index
        %swap3A_407 = tpu.vector_load %arg11[%swap3A_405, %swap3A_406] {strides = array<i32>} : memref<2112x16xf32, #tpu.memory_space<vmem>>, vector<1x16xf32>,
        %swap3A_408 = vector.shape_cast %swap3A_407 : vector<1x16xf32> to vector<16xf32>
        %swap3A_409 = vector.shape_cast %mul3A_400 : vector<16xf32> to vector<1x16xf32>
        tpu.vector_store %arg11[%swap3A_405, %swap3A_406], %swap3A_409 {strides = array<i32>} : memref<2112x16xf32, #tpu.memory_space<vmem>>, vector<1x16xf32>,
        %slice3A_410 = vector.extract_strided_slice %get3A_88 {offsets = [11], sizes = [1], strides = [1]} : vector<16xf32> to vector<1xf32>
        %squeeze3A_411 = vector.extract %slice3A_410[0] : f32 from vector<1xf32>
        %mul3A_412 = vector.broadcast %squeeze3A_411 : f32 to vector<16xf32>
        %mul3A_413 = arith.mulf %get3A_78, %mul3A_412 : vector<16xf32>
        %add3A_414 = arith.constant 16 : i32
        %add3A_415 = arith.addi %mul3A_80, %add3A_414 : i32
        %add3A_416 = arith.constant 11 : i32
        %add3A_417 = arith.addi %add3A_415, %add3A_416 : i32
        %swap3A_418 = arith.index_cast %add3A_417 : i32 to index
        %swap3A_419 = arith.constant 0 : index
        %swap3A_420 = tpu.vector_load %arg11[%swap3A_418, %swap3A_419] {strides = array<i32>} : memref<2112x16xf32, #tpu.memory_space<vmem>>, vector<1x16xf32>,
        %swap3A_421 = vector.shape_cast %swap3A_420 : vector<1x16xf32> to vector<16xf32>
        %swap3A_422 = vector.shape_cast %mul3A_413 : vector<16xf32> to vector<1x16xf32>
        tpu.vector_store %arg11[%swap3A_418, %swap3A_419], %swap3A_422 {strides = array<i32>} : memref<2112x16xf32, #tpu.memory_space<vmem>>, vector<1x16xf32>,
        %slice3A_423 = vector.extract_strided_slice %get3A_88 {offsets = [12], sizes = [1], strides = [1]} : vector<16xf32> to vector<1xf32>
        %squeeze3A_424 = vector.extract %slice3A_423[0] : f32 from vector<1xf32>
        %mul3A_425 = vector.broadcast %squeeze3A_424 : f32 to vector<16xf32>
        %mul3A_426 = arith.mulf %get3A_78, %mul3A_425 : vector<16xf32>
        %add3A_427 = arith.constant 16 : i32
        %add3A_428 = arith.addi %mul3A_80, %add3A_427 : i32
        %add3A_429 = arith.constant 12 : i32
        %add3A_430 = arith.addi %add3A_428, %add3A_429 : i32
        %swap3A_431 = arith.index_cast %add3A_430 : i32 to index
        %swap3A_432 = arith.constant 0 : index
        %swap3A_433 = tpu.vector_load %arg11[%swap3A_431, %swap3A_432] {strides = array<i32>} : memref<2112x16xf32, #tpu.memory_space<vmem>>, vector<1x16xf32>,
        %swap3A_434 = vector.shape_cast %swap3A_433 : vector<1x16xf32> to vector<16xf32>
        %swap3A_435 = vector.shape_cast %mul3A_426 : vector<16xf32> to vector<1x16xf32>
        tpu.vector_store %arg11[%swap3A_431, %swap3A_432], %swap3A_435 {strides = array<i32>} : memref<2112x16xf32, #tpu.memory_space<vmem>>, vector<1x16xf32>,
        %slice3A_436 = vector.extract_strided_slice %get3A_88 {offsets = [13], sizes = [1], strides = [1]} : vector<16xf32> to vector<1xf32>
        %squeeze3A_437 = vector.extract %slice3A_436[0] : f32 from vector<1xf32>
        %mul3A_438 = vector.broadcast %squeeze3A_437 : f32 to vector<16xf32>
        %mul3A_439 = arith.mulf %get3A_78, %mul3A_438 : vector<16xf32>
        %add3A_440 = arith.constant 16 : i32
        %add3A_441 = arith.addi %mul3A_80, %add3A_440 : i32
        %add3A_442 = arith.constant 13 : i32
        %add3A_443 = arith.addi %add3A_441, %add3A_442 : i32
        %swap3A_444 = arith.index_cast %add3A_443 : i32 to index
        %swap3A_445 = arith.constant 0 : index
        %swap3A_446 = tpu.vector_load %arg11[%swap3A_444, %swap3A_445] {strides = array<i32>} : memref<2112x16xf32, #tpu.memory_space<vmem>>, vector<1x16xf32>,
        %swap3A_447 = vector.shape_cast %swap3A_446 : vector<1x16xf32> to vector<16xf32>
        %swap3A_448 = vector.shape_cast %mul3A_439 : vector<16xf32> to vector<1x16xf32>
        tpu.vector_store %arg11[%swap3A_444, %swap3A_445], %swap3A_448 {strides = array<i32>} : memref<2112x16xf32, #tpu.memory_space<vmem>>, vector<1x16xf32>,
        %slice3A_449 = vector.extract_strided_slice %get3A_88 {offsets = [14], sizes = [1], strides = [1]} : vector<16xf32> to vector<1xf32>
        %squeeze3A_450 = vector.extract %slice3A_449[0] : f32 from vector<1xf32>
        %mul3A_451 = vector.broadcast %squeeze3A_450 : f32 to vector<16xf32>
        %mul3A_452 = arith.mulf %get3A_78, %mul3A_451 : vector<16xf32>
        %add3A_453 = arith.constant 16 : i32
        %add3A_454 = arith.addi %mul3A_80, %add3A_453 : i32
        %add3A_455 = arith.constant 14 : i32
        %add3A_456 = arith.addi %add3A_454, %add3A_455 : i32
        %swap3A_457 = arith.index_cast %add3A_456 : i32 to index
        %swap3A_458 = arith.constant 0 : index
        %swap3A_459 = tpu.vector_load %arg11[%swap3A_457, %swap3A_458] {strides = array<i32>} : memref<2112x16xf32, #tpu.memory_space<vmem>>, vector<1x16xf32>,
        %swap3A_460 = vector.shape_cast %swap3A_459 : vector<1x16xf32> to vector<16xf32>
        %swap3A_461 = vector.shape_cast %mul3A_452 : vector<16xf32> to vector<1x16xf32>
        tpu.vector_store %arg11[%swap3A_457, %swap3A_458], %swap3A_461 {strides = array<i32>} : memref<2112x16xf32, #tpu.memory_space<vmem>>, vector<1x16xf32>,
        %slice3A_462 = vector.extract_strided_slice %get3A_88 {offsets = [15], sizes = [1], strides = [1]} : vector<16xf32> to vector<1xf32>
        %squeeze3A_463 = vector.extract %slice3A_462[0] : f32 from vector<1xf32>
        %mul3A_464 = vector.broadcast %squeeze3A_463 : f32 to vector<16xf32>
        %mul3A_465 = arith.mulf %get3A_78, %mul3A_464 : vector<16xf32>
        %add3A_466 = arith.constant 16 : i32
        %add3A_467 = arith.addi %mul3A_80, %add3A_466 : i32
        %add3A_468 = arith.constant 15 : i32
        %add3A_469 = arith.addi %add3A_467, %add3A_468 : i32
        %swap3A_470 = arith.index_cast %add3A_469 : i32 to index
        %swap3A_471 = arith.constant 0 : index
        %swap3A_472 = tpu.vector_load %arg11[%swap3A_470, %swap3A_471] {strides = array<i32>} : memref<2112x16xf32, #tpu.memory_space<vmem>>, vector<1x16xf32>,
        %swap3A_473 = vector.shape_cast %swap3A_472 : vector<1x16xf32> to vector<16xf32>
        %swap3A_474 = vector.shape_cast %mul3A_465 : vector<16xf32> to vector<1x16xf32>
        tpu.vector_store %arg11[%swap3A_470, %swap3A_471], %swap3A_474 {strides = array<i32>} : memref<2112x16xf32, #tpu.memory_space<vmem>>, vector<1x16xf32>,
        %slice3A_475 = vector.extract_strided_slice %get3A_93 {offsets = [15], sizes = [1], strides = [1]} : vector<16xf32> to vector<1xf32>
        %squeeze3A_476 = vector.extract %slice3A_475[0] : f32 from vector<1xf32>
        %mul3A_477 = vector.broadcast %squeeze3A_476 : f32 to vector<16xf32>
        %mul3A_478 = arith.mulf %get3A_78, %mul3A_477 : vector<16xf32>
        %add3A_479 = arith.constant 32 : i32
        %add3A_480 = arith.addi %mul3A_80, %add3A_479 : i32
        %swap3A_481 = arith.index_cast %add3A_480 : i32 to index
        %swap3A_482 = arith.constant 0 : index
        %swap3A_483 = tpu.vector_load %arg11[%swap3A_481, %swap3A_482] {strides = array<i32>} : memref<2112x16xf32, #tpu.memory_space<vmem>>, vector<1x16xf32>,
        %swap3A_484 = vector.shape_cast %swap3A_483 : vector<1x16xf32> to vector<16xf32>
        %swap3A_485 = vector.shape_cast %mul3A_478 : vector<16xf32> to vector<1x16xf32>
        tpu.vector_store %arg11[%swap3A_481, %swap3A_482], %swap3A_485 {strides = array<i32>} : memref<2112x16xf32, #tpu.memory_space<vmem>>, vector<1x16xf32>,
      }
      %scan3A_42 = arith.constant 64 : i32
      %run_scoped3A = arith.constant 0 : i32
      "tpu.region"() ({
        %run_scoped3A_75 = tpu.sem_alloc : memref<!tpu.dma_semaphore, #tpu.memory_space<semaphore_mem>>
        %dma_start3A = arith.constant 0 : i32
        %dma_start3A_76 = arith.constant 0 : i32
        %dma_start3A_77 = tpu.memref_slice %arg11[%dma_start3A, %dma_start3A_76] : memref<2112x16xf32, #tpu.memory_space<vmem>> -> memref<64x16xf32, #tpu.memory_space<vmem>>
        %dma_start3A_78 = arith.constant 0 : i32
        %dma_start3A_79 = tpu.memref_slice %arg13[%run_scoped3A, %dma_start3A_78] : memref<33x64xi32, #tpu.memory_space<vmem>> -> memref<1x64xi32, #tpu.memory_space<vmem>>
        %dma_start3A_80 = tpu.memref_squeeze %dma_start3A_79 : memref<1x64xi32, #tpu.memory_space<vmem>> -> memref<64xi32, #tpu.memory_space<vmem>>
        %dma_start3A_81 = arith.constant 0 : i32
        %dma_start3A_82 = arith.constant 0 : i32
        %dma_start3A_83 = tpu.memref_slice %arg6[%dma_start3A_81, %dma_start3A_82] : memref<45056x16xf32, #tpu.memory_space<vmem_shared>> -> memref<45056x16xf32, #tpu.memory_space<vmem_shared>>
        tpu.enqueue_indirect_dma source(%dma_start3A_77 : memref<64x16xf32, #tpu.memory_space<vmem>>) target(%dma_start3A_83 : memref<45056x16xf32, #tpu.memory_space<vmem_shared>>) offsets(%dma_start3A_80 : memref<64xi32, #tpu.memory_space<vmem>>) semaphore(%run_scoped3A_75 : memref<!tpu.dma_semaphore, #tpu.memory_space<semaphore_mem>>) {add = true}
        %dma_wait3A = arith.constant 0 : i32
        %dma_wait3A_84 = arith.constant 0 : i32
        %dma_wait3A_85 = tpu.memref_slice %arg11[%dma_wait3A, %dma_wait3A_84] : memref<2112x16xf32, #tpu.memory_space<vmem>> -> memref<64x16xf32, #tpu.memory_space<vmem>>
        %dma_wait3A_86 = arith.constant 0 : i32
        %dma_wait3A_87 = tpu.memref_slice %arg13[%run_scoped3A, %dma_wait3A_86] : memref<33x64xi32, #tpu.memory_space<vmem>> -> memref<1x64xi32, #tpu.memory_space<vmem>>
        %dma_wait3A_88 = tpu.memref_squeeze %dma_wait3A_87 : memref<1x64xi32, #tpu.memory_space<vmem>> -> memref<64xi32, #tpu.memory_space<vmem>>
        %dma_wait3A_89 = arith.constant 0 : i32
        %dma_wait3A_90 = arith.constant 0 : i32
        %dma_wait3A_91 = tpu.memref_slice %arg6[%dma_wait3A_89, %dma_wait3A_90] : memref<45056x16xf32, #tpu.memory_space<vmem_shared>> -> memref<45056x16xf32, #tpu.memory_space<vmem_shared>>
        tpu.wait_indirect_dma semaphore(%run_scoped3A_75 : memref<!tpu.dma_semaphore, #tpu.memory_space<semaphore_mem>>) src(%dma_wait3A_85 : memref<64x16xf32, #tpu.memory_space<vmem>>) dst(%dma_wait3A_91 : memref<45056x16xf32, #tpu.memory_space<vmem_shared>>)
        tpu.yield
      }) : () -> ()
      %run_scoped3A_43 = arith.constant 1 : i32
      "tpu.region"() ({
        %run_scoped3A_75 = tpu.sem_alloc : memref<!tpu.dma_semaphore, #tpu.memory_space<semaphore_mem>>
        %dma_start3A = arith.constant 64 : i32
        %dma_start3A_76 = arith.constant 0 : i32
        %dma_start3A_77 = tpu.memref_slice %arg11[%dma_start3A, %dma_start3A_76] : memref<2112x16xf32, #tpu.memory_space<vmem>> -> memref<64x16xf32, #tpu.memory_space<vmem>>
        %dma_start3A_78 = arith.constant 0 : i32
        %dma_start3A_79 = tpu.memref_slice %arg13[%run_scoped3A_43, %dma_start3A_78] : memref<33x64xi32, #tpu.memory_space<vmem>> -> memref<1x64xi32, #tpu.memory_space<vmem>>
        %dma_start3A_80 = tpu.memref_squeeze %dma_start3A_79 : memref<1x64xi32, #tpu.memory_space<vmem>> -> memref<64xi32, #tpu.memory_space<vmem>>
        %dma_start3A_81 = arith.constant 0 : i32
        %dma_start3A_82 = arith.constant 0 : i32
        %dma_start3A_83 = tpu.memref_slice %arg6[%dma_start3A_81, %dma_start3A_82] : memref<45056x16xf32, #tpu.memory_space<vmem_shared>> -> memref<45056x16xf32, #tpu.memory_space<vmem_shared>>
        tpu.enqueue_indirect_dma source(%dma_start3A_77 : memref<64x16xf32, #tpu.memory_space<vmem>>) target(%dma_start3A_83 : memref<45056x16xf32, #tpu.memory_space<vmem_shared>>) offsets(%dma_start3A_80 : memref<64xi32, #tpu.memory_space<vmem>>) semaphore(%run_scoped3A_75 : memref<!tpu.dma_semaphore, #tpu.memory_space<semaphore_mem>>) {add = true}
        %dma_wait3A = arith.constant 64 : i32
        %dma_wait3A_84 = arith.constant 0 : i32
        %dma_wait3A_85 = tpu.memref_slice %arg11[%dma_wait3A, %dma_wait3A_84] : memref<2112x16xf32, #tpu.memory_space<vmem>> -> memref<64x16xf32, #tpu.memory_space<vmem>>
        %dma_wait3A_86 = arith.constant 0 : i32
        %dma_wait3A_87 = tpu.memref_slice %arg13[%run_scoped3A_43, %dma_wait3A_86] : memref<33x64xi32, #tpu.memory_space<vmem>> -> memref<1x64xi32, #tpu.memory_space<vmem>>
        %dma_wait3A_88 = tpu.memref_squeeze %dma_wait3A_87 : memref<1x64xi32, #tpu.memory_space<vmem>> -> memref<64xi32, #tpu.memory_space<vmem>>
        %dma_wait3A_89 = arith.constant 0 : i32
        %dma_wait3A_90 = arith.constant 0 : i32
        %dma_wait3A_91 = tpu.memref_slice %arg6[%dma_wait3A_89, %dma_wait3A_90] : memref<45056x16xf32, #tpu.memory_space<vmem_shared>> -> memref<45056x16xf32, #tpu.memory_space<vmem_shared>>
        tpu.wait_indirect_dma semaphore(%run_scoped3A_75 : memref<!tpu.dma_semaphore, #tpu.memory_space<semaphore_mem>>) src(%dma_wait3A_85 : memref<64x16xf32, #tpu.memory_space<vmem>>) dst(%dma_wait3A_91 : memref<45056x16xf32, #tpu.memory_space<vmem_shared>>)
        tpu.yield
      }) : () -> ()
      %run_scoped3A_44 = arith.constant 2 : i32
      "tpu.region"() ({
        %run_scoped3A_75 = tpu.sem_alloc : memref<!tpu.dma_semaphore, #tpu.memory_space<semaphore_mem>>
        %dma_start3A = arith.constant 128 : i32
        %dma_start3A_76 = arith.constant 0 : i32
        %dma_start3A_77 = tpu.memref_slice %arg11[%dma_start3A, %dma_start3A_76] : memref<2112x16xf32, #tpu.memory_space<vmem>> -> memref<64x16xf32, #tpu.memory_space<vmem>>
        %dma_start3A_78 = arith.constant 0 : i32
        %dma_start3A_79 = tpu.memref_slice %arg13[%run_scoped3A_44, %dma_start3A_78] : memref<33x64xi32, #tpu.memory_space<vmem>> -> memref<1x64xi32, #tpu.memory_space<vmem>>
        %dma_start3A_80 = tpu.memref_squeeze %dma_start3A_79 : memref<1x64xi32, #tpu.memory_space<vmem>> -> memref<64xi32, #tpu.memory_space<vmem>>
        %dma_start3A_81 = arith.constant 0 : i32
        %dma_start3A_82 = arith.constant 0 : i32
        %dma_start3A_83 = tpu.memref_slice %arg6[%dma_start3A_81, %dma_start3A_82] : memref<45056x16xf32, #tpu.memory_space<vmem_shared>> -> memref<45056x16xf32, #tpu.memory_space<vmem_shared>>
        tpu.enqueue_indirect_dma source(%dma_start3A_77 : memref<64x16xf32, #tpu.memory_space<vmem>>) target(%dma_start3A_83 : memref<45056x16xf32, #tpu.memory_space<vmem_shared>>) offsets(%dma_start3A_80 : memref<64xi32, #tpu.memory_space<vmem>>) semaphore(%run_scoped3A_75 : memref<!tpu.dma_semaphore, #tpu.memory_space<semaphore_mem>>) {add = true}
        %dma_wait3A = arith.constant 128 : i32
        %dma_wait3A_84 = arith.constant 0 : i32
        %dma_wait3A_85 = tpu.memref_slice %arg11[%dma_wait3A, %dma_wait3A_84] : memref<2112x16xf32, #tpu.memory_space<vmem>> -> memref<64x16xf32, #tpu.memory_space<vmem>>
        %dma_wait3A_86 = arith.constant 0 : i32
        %dma_wait3A_87 = tpu.memref_slice %arg13[%run_scoped3A_44, %dma_wait3A_86] : memref<33x64xi32, #tpu.memory_space<vmem>> -> memref<1x64xi32, #tpu.memory_space<vmem>>
        %dma_wait3A_88 = tpu.memref_squeeze %dma_wait3A_87 : memref<1x64xi32, #tpu.memory_space<vmem>> -> memref<64xi32, #tpu.memory_space<vmem>>
        %dma_wait3A_89 = arith.constant 0 : i32
        %dma_wait3A_90 = arith.constant 0 : i32
        %dma_wait3A_91 = tpu.memref_slice %arg6[%dma_wait3A_89, %dma_wait3A_90] : memref<45056x16xf32, #tpu.memory_space<vmem_shared>> -> memref<45056x16xf32, #tpu.memory_space<vmem_shared>>
        tpu.wait_indirect_dma semaphore(%run_scoped3A_75 : memref<!tpu.dma_semaphore, #tpu.memory_space<semaphore_mem>>) src(%dma_wait3A_85 : memref<64x16xf32, #tpu.memory_space<vmem>>) dst(%dma_wait3A_91 : memref<45056x16xf32, #tpu.memory_space<vmem_shared>>)
        tpu.yield
      }) : () -> ()
      %run_scoped3A_45 = arith.constant 3 : i32
      "tpu.region"() ({
        %run_scoped3A_75 = tpu.sem_alloc : memref<!tpu.dma_semaphore, #tpu.memory_space<semaphore_mem>>
        %dma_start3A = arith.constant 192 : i32
        %dma_start3A_76 = arith.constant 0 : i32
        %dma_start3A_77 = tpu.memref_slice %arg11[%dma_start3A, %dma_start3A_76] : memref<2112x16xf32, #tpu.memory_space<vmem>> -> memref<64x16xf32, #tpu.memory_space<vmem>>
        %dma_start3A_78 = arith.constant 0 : i32
        %dma_start3A_79 = tpu.memref_slice %arg13[%run_scoped3A_45, %dma_start3A_78] : memref<33x64xi32, #tpu.memory_space<vmem>> -> memref<1x64xi32, #tpu.memory_space<vmem>>
        %dma_start3A_80 = tpu.memref_squeeze %dma_start3A_79 : memref<1x64xi32, #tpu.memory_space<vmem>> -> memref<64xi32, #tpu.memory_space<vmem>>
        %dma_start3A_81 = arith.constant 0 : i32
        %dma_start3A_82 = arith.constant 0 : i32
        %dma_start3A_83 = tpu.memref_slice %arg6[%dma_start3A_81, %dma_start3A_82] : memref<45056x16xf32, #tpu.memory_space<vmem_shared>> -> memref<45056x16xf32, #tpu.memory_space<vmem_shared>>
        tpu.enqueue_indirect_dma source(%dma_start3A_77 : memref<64x16xf32, #tpu.memory_space<vmem>>) target(%dma_start3A_83 : memref<45056x16xf32, #tpu.memory_space<vmem_shared>>) offsets(%dma_start3A_80 : memref<64xi32, #tpu.memory_space<vmem>>) semaphore(%run_scoped3A_75 : memref<!tpu.dma_semaphore, #tpu.memory_space<semaphore_mem>>) {add = true}
        %dma_wait3A = arith.constant 192 : i32
        %dma_wait3A_84 = arith.constant 0 : i32
        %dma_wait3A_85 = tpu.memref_slice %arg11[%dma_wait3A, %dma_wait3A_84] : memref<2112x16xf32, #tpu.memory_space<vmem>> -> memref<64x16xf32, #tpu.memory_space<vmem>>
        %dma_wait3A_86 = arith.constant 0 : i32
        %dma_wait3A_87 = tpu.memref_slice %arg13[%run_scoped3A_45, %dma_wait3A_86] : memref<33x64xi32, #tpu.memory_space<vmem>> -> memref<1x64xi32, #tpu.memory_space<vmem>>
        %dma_wait3A_88 = tpu.memref_squeeze %dma_wait3A_87 : memref<1x64xi32, #tpu.memory_space<vmem>> -> memref<64xi32, #tpu.memory_space<vmem>>
        %dma_wait3A_89 = arith.constant 0 : i32
        %dma_wait3A_90 = arith.constant 0 : i32
        %dma_wait3A_91 = tpu.memref_slice %arg6[%dma_wait3A_89, %dma_wait3A_90] : memref<45056x16xf32, #tpu.memory_space<vmem_shared>> -> memref<45056x16xf32, #tpu.memory_space<vmem_shared>>
        tpu.wait_indirect_dma semaphore(%run_scoped3A_75 : memref<!tpu.dma_semaphore, #tpu.memory_space<semaphore_mem>>) src(%dma_wait3A_85 : memref<64x16xf32, #tpu.memory_space<vmem>>) dst(%dma_wait3A_91 : memref<45056x16xf32, #tpu.memory_space<vmem_shared>>)
        tpu.yield
      }) : () -> ()
      %run_scoped3A_46 = arith.constant 4 : i32
      "tpu.region"() ({
        %run_scoped3A_75 = tpu.sem_alloc : memref<!tpu.dma_semaphore, #tpu.memory_space<semaphore_mem>>
        %dma_start3A = arith.constant 256 : i32
        %dma_start3A_76 = arith.constant 0 : i32
        %dma_start3A_77 = tpu.memref_slice %arg11[%dma_start3A, %dma_start3A_76] : memref<2112x16xf32, #tpu.memory_space<vmem>> -> memref<64x16xf32, #tpu.memory_space<vmem>>
        %dma_start3A_78 = arith.constant 0 : i32
        %dma_start3A_79 = tpu.memref_slice %arg13[%run_scoped3A_46, %dma_start3A_78] : memref<33x64xi32, #tpu.memory_space<vmem>> -> memref<1x64xi32, #tpu.memory_space<vmem>>
        %dma_start3A_80 = tpu.memref_squeeze %dma_start3A_79 : memref<1x64xi32, #tpu.memory_space<vmem>> -> memref<64xi32, #tpu.memory_space<vmem>>
        %dma_start3A_81 = arith.constant 0 : i32
        %dma_start3A_82 = arith.constant 0 : i32
        %dma_start3A_83 = tpu.memref_slice %arg6[%dma_start3A_81, %dma_start3A_82] : memref<45056x16xf32, #tpu.memory_space<vmem_shared>> -> memref<45056x16xf32, #tpu.memory_space<vmem_shared>>
        tpu.enqueue_indirect_dma source(%dma_start3A_77 : memref<64x16xf32, #tpu.memory_space<vmem>>) target(%dma_start3A_83 : memref<45056x16xf32, #tpu.memory_space<vmem_shared>>) offsets(%dma_start3A_80 : memref<64xi32, #tpu.memory_space<vmem>>) semaphore(%run_scoped3A_75 : memref<!tpu.dma_semaphore, #tpu.memory_space<semaphore_mem>>) {add = true}
        %dma_wait3A = arith.constant 256 : i32
        %dma_wait3A_84 = arith.constant 0 : i32
        %dma_wait3A_85 = tpu.memref_slice %arg11[%dma_wait3A, %dma_wait3A_84] : memref<2112x16xf32, #tpu.memory_space<vmem>> -> memref<64x16xf32, #tpu.memory_space<vmem>>
        %dma_wait3A_86 = arith.constant 0 : i32
        %dma_wait3A_87 = tpu.memref_slice %arg13[%run_scoped3A_46, %dma_wait3A_86] : memref<33x64xi32, #tpu.memory_space<vmem>> -> memref<1x64xi32, #tpu.memory_space<vmem>>
        %dma_wait3A_88 = tpu.memref_squeeze %dma_wait3A_87 : memref<1x64xi32, #tpu.memory_space<vmem>> -> memref<64xi32, #tpu.memory_space<vmem>>
        %dma_wait3A_89 = arith.constant 0 : i32
        %dma_wait3A_90 = arith.constant 0 : i32
        %dma_wait3A_91 = tpu.memref_slice %arg6[%dma_wait3A_89, %dma_wait3A_90] : memref<45056x16xf32, #tpu.memory_space<vmem_shared>> -> memref<45056x16xf32, #tpu.memory_space<vmem_shared>>
        tpu.wait_indirect_dma semaphore(%run_scoped3A_75 : memref<!tpu.dma_semaphore, #tpu.memory_space<semaphore_mem>>) src(%dma_wait3A_85 : memref<64x16xf32, #tpu.memory_space<vmem>>) dst(%dma_wait3A_91 : memref<45056x16xf32, #tpu.memory_space<vmem_shared>>)
        tpu.yield
      }) : () -> ()
      %run_scoped3A_47 = arith.constant 5 : i32
      "tpu.region"() ({
        %run_scoped3A_75 = tpu.sem_alloc : memref<!tpu.dma_semaphore, #tpu.memory_space<semaphore_mem>>
        %dma_start3A = arith.constant 320 : i32
        %dma_start3A_76 = arith.constant 0 : i32
        %dma_start3A_77 = tpu.memref_slice %arg11[%dma_start3A, %dma_start3A_76] : memref<2112x16xf32, #tpu.memory_space<vmem>> -> memref<64x16xf32, #tpu.memory_space<vmem>>
        %dma_start3A_78 = arith.constant 0 : i32
        %dma_start3A_79 = tpu.memref_slice %arg13[%run_scoped3A_47, %dma_start3A_78] : memref<33x64xi32, #tpu.memory_space<vmem>> -> memref<1x64xi32, #tpu.memory_space<vmem>>
        %dma_start3A_80 = tpu.memref_squeeze %dma_start3A_79 : memref<1x64xi32, #tpu.memory_space<vmem>> -> memref<64xi32, #tpu.memory_space<vmem>>
        %dma_start3A_81 = arith.constant 0 : i32
        %dma_start3A_82 = arith.constant 0 : i32
        %dma_start3A_83 = tpu.memref_slice %arg6[%dma_start3A_81, %dma_start3A_82] : memref<45056x16xf32, #tpu.memory_space<vmem_shared>> -> memref<45056x16xf32, #tpu.memory_space<vmem_shared>>
        tpu.enqueue_indirect_dma source(%dma_start3A_77 : memref<64x16xf32, #tpu.memory_space<vmem>>) target(%dma_start3A_83 : memref<45056x16xf32, #tpu.memory_space<vmem_shared>>) offsets(%dma_start3A_80 : memref<64xi32, #tpu.memory_space<vmem>>) semaphore(%run_scoped3A_75 : memref<!tpu.dma_semaphore, #tpu.memory_space<semaphore_mem>>) {add = true}
        %dma_wait3A = arith.constant 320 : i32
        %dma_wait3A_84 = arith.constant 0 : i32
        %dma_wait3A_85 = tpu.memref_slice %arg11[%dma_wait3A, %dma_wait3A_84] : memref<2112x16xf32, #tpu.memory_space<vmem>> -> memref<64x16xf32, #tpu.memory_space<vmem>>
        %dma_wait3A_86 = arith.constant 0 : i32
        %dma_wait3A_87 = tpu.memref_slice %arg13[%run_scoped3A_47, %dma_wait3A_86] : memref<33x64xi32, #tpu.memory_space<vmem>> -> memref<1x64xi32, #tpu.memory_space<vmem>>
        %dma_wait3A_88 = tpu.memref_squeeze %dma_wait3A_87 : memref<1x64xi32, #tpu.memory_space<vmem>> -> memref<64xi32, #tpu.memory_space<vmem>>
        %dma_wait3A_89 = arith.constant 0 : i32
        %dma_wait3A_90 = arith.constant 0 : i32
        %dma_wait3A_91 = tpu.memref_slice %arg6[%dma_wait3A_89, %dma_wait3A_90] : memref<45056x16xf32, #tpu.memory_space<vmem_shared>> -> memref<45056x16xf32, #tpu.memory_space<vmem_shared>>
        tpu.wait_indirect_dma semaphore(%run_scoped3A_75 : memref<!tpu.dma_semaphore, #tpu.memory_space<semaphore_mem>>) src(%dma_wait3A_85 : memref<64x16xf32, #tpu.memory_space<vmem>>) dst(%dma_wait3A_91 : memref<45056x16xf32, #tpu.memory_space<vmem_shared>>)
        tpu.yield
      }) : () -> ()
      %run_scoped3A_48 = arith.constant 6 : i32
      "tpu.region"() ({
        %run_scoped3A_75 = tpu.sem_alloc : memref<!tpu.dma_semaphore, #tpu.memory_space<semaphore_mem>>
        %dma_start3A = arith.constant 384 : i32
        %dma_start3A_76 = arith.constant 0 : i32
        %dma_start3A_77 = tpu.memref_slice %arg11[%dma_start3A, %dma_start3A_76] : memref<2112x16xf32, #tpu.memory_space<vmem>> -> memref<64x16xf32, #tpu.memory_space<vmem>>
        %dma_start3A_78 = arith.constant 0 : i32
        %dma_start3A_79 = tpu.memref_slice %arg13[%run_scoped3A_48, %dma_start3A_78] : memref<33x64xi32, #tpu.memory_space<vmem>> -> memref<1x64xi32, #tpu.memory_space<vmem>>
        %dma_start3A_80 = tpu.memref_squeeze %dma_start3A_79 : memref<1x64xi32, #tpu.memory_space<vmem>> -> memref<64xi32, #tpu.memory_space<vmem>>
        %dma_start3A_81 = arith.constant 0 : i32
        %dma_start3A_82 = arith.constant 0 : i32
        %dma_start3A_83 = tpu.memref_slice %arg6[%dma_start3A_81, %dma_start3A_82] : memref<45056x16xf32, #tpu.memory_space<vmem_shared>> -> memref<45056x16xf32, #tpu.memory_space<vmem_shared>>
        tpu.enqueue_indirect_dma source(%dma_start3A_77 : memref<64x16xf32, #tpu.memory_space<vmem>>) target(%dma_start3A_83 : memref<45056x16xf32, #tpu.memory_space<vmem_shared>>) offsets(%dma_start3A_80 : memref<64xi32, #tpu.memory_space<vmem>>) semaphore(%run_scoped3A_75 : memref<!tpu.dma_semaphore, #tpu.memory_space<semaphore_mem>>) {add = true}
        %dma_wait3A = arith.constant 384 : i32
        %dma_wait3A_84 = arith.constant 0 : i32
        %dma_wait3A_85 = tpu.memref_slice %arg11[%dma_wait3A, %dma_wait3A_84] : memref<2112x16xf32, #tpu.memory_space<vmem>> -> memref<64x16xf32, #tpu.memory_space<vmem>>
        %dma_wait3A_86 = arith.constant 0 : i32
        %dma_wait3A_87 = tpu.memref_slice %arg13[%run_scoped3A_48, %dma_wait3A_86] : memref<33x64xi32, #tpu.memory_space<vmem>> -> memref<1x64xi32, #tpu.memory_space<vmem>>
        %dma_wait3A_88 = tpu.memref_squeeze %dma_wait3A_87 : memref<1x64xi32, #tpu.memory_space<vmem>> -> memref<64xi32, #tpu.memory_space<vmem>>
        %dma_wait3A_89 = arith.constant 0 : i32
        %dma_wait3A_90 = arith.constant 0 : i32
        %dma_wait3A_91 = tpu.memref_slice %arg6[%dma_wait3A_89, %dma_wait3A_90] : memref<45056x16xf32, #tpu.memory_space<vmem_shared>> -> memref<45056x16xf32, #tpu.memory_space<vmem_shared>>
        tpu.wait_indirect_dma semaphore(%run_scoped3A_75 : memref<!tpu.dma_semaphore, #tpu.memory_space<semaphore_mem>>) src(%dma_wait3A_85 : memref<64x16xf32, #tpu.memory_space<vmem>>) dst(%dma_wait3A_91 : memref<45056x16xf32, #tpu.memory_space<vmem_shared>>)
        tpu.yield
      }) : () -> ()
      %run_scoped3A_49 = arith.constant 7 : i32
      "tpu.region"() ({
        %run_scoped3A_75 = tpu.sem_alloc : memref<!tpu.dma_semaphore, #tpu.memory_space<semaphore_mem>>
        %dma_start3A = arith.constant 448 : i32
        %dma_start3A_76 = arith.constant 0 : i32
        %dma_start3A_77 = tpu.memref_slice %arg11[%dma_start3A, %dma_start3A_76] : memref<2112x16xf32, #tpu.memory_space<vmem>> -> memref<64x16xf32, #tpu.memory_space<vmem>>
        %dma_start3A_78 = arith.constant 0 : i32
        %dma_start3A_79 = tpu.memref_slice %arg13[%run_scoped3A_49, %dma_start3A_78] : memref<33x64xi32, #tpu.memory_space<vmem>> -> memref<1x64xi32, #tpu.memory_space<vmem>>
        %dma_start3A_80 = tpu.memref_squeeze %dma_start3A_79 : memref<1x64xi32, #tpu.memory_space<vmem>> -> memref<64xi32, #tpu.memory_space<vmem>>
        %dma_start3A_81 = arith.constant 0 : i32
        %dma_start3A_82 = arith.constant 0 : i32
        %dma_start3A_83 = tpu.memref_slice %arg6[%dma_start3A_81, %dma_start3A_82] : memref<45056x16xf32, #tpu.memory_space<vmem_shared>> -> memref<45056x16xf32, #tpu.memory_space<vmem_shared>>
        tpu.enqueue_indirect_dma source(%dma_start3A_77 : memref<64x16xf32, #tpu.memory_space<vmem>>) target(%dma_start3A_83 : memref<45056x16xf32, #tpu.memory_space<vmem_shared>>) offsets(%dma_start3A_80 : memref<64xi32, #tpu.memory_space<vmem>>) semaphore(%run_scoped3A_75 : memref<!tpu.dma_semaphore, #tpu.memory_space<semaphore_mem>>) {add = true}
        %dma_wait3A = arith.constant 448 : i32
        %dma_wait3A_84 = arith.constant 0 : i32
        %dma_wait3A_85 = tpu.memref_slice %arg11[%dma_wait3A, %dma_wait3A_84] : memref<2112x16xf32, #tpu.memory_space<vmem>> -> memref<64x16xf32, #tpu.memory_space<vmem>>
        %dma_wait3A_86 = arith.constant 0 : i32
        %dma_wait3A_87 = tpu.memref_slice %arg13[%run_scoped3A_49, %dma_wait3A_86] : memref<33x64xi32, #tpu.memory_space<vmem>> -> memref<1x64xi32, #tpu.memory_space<vmem>>
        %dma_wait3A_88 = tpu.memref_squeeze %dma_wait3A_87 : memref<1x64xi32, #tpu.memory_space<vmem>> -> memref<64xi32, #tpu.memory_space<vmem>>
        %dma_wait3A_89 = arith.constant 0 : i32
        %dma_wait3A_90 = arith.constant 0 : i32
        %dma_wait3A_91 = tpu.memref_slice %arg6[%dma_wait3A_89, %dma_wait3A_90] : memref<45056x16xf32, #tpu.memory_space<vmem_shared>> -> memref<45056x16xf32, #tpu.memory_space<vmem_shared>>
        tpu.wait_indirect_dma semaphore(%run_scoped3A_75 : memref<!tpu.dma_semaphore, #tpu.memory_space<semaphore_mem>>) src(%dma_wait3A_85 : memref<64x16xf32, #tpu.memory_space<vmem>>) dst(%dma_wait3A_91 : memref<45056x16xf32, #tpu.memory_space<vmem_shared>>)
        tpu.yield
      }) : () -> ()
      %run_scoped3A_50 = arith.constant 8 : i32
      "tpu.region"() ({
        %run_scoped3A_75 = tpu.sem_alloc : memref<!tpu.dma_semaphore, #tpu.memory_space<semaphore_mem>>
        %dma_start3A = arith.constant 512 : i32
        %dma_start3A_76 = arith.constant 0 : i32
        %dma_start3A_77 = tpu.memref_slice %arg11[%dma_start3A, %dma_start3A_76] : memref<2112x16xf32, #tpu.memory_space<vmem>> -> memref<64x16xf32, #tpu.memory_space<vmem>>
        %dma_start3A_78 = arith.constant 0 : i32
        %dma_start3A_79 = tpu.memref_slice %arg13[%run_scoped3A_50, %dma_start3A_78] : memref<33x64xi32, #tpu.memory_space<vmem>> -> memref<1x64xi32, #tpu.memory_space<vmem>>
        %dma_start3A_80 = tpu.memref_squeeze %dma_start3A_79 : memref<1x64xi32, #tpu.memory_space<vmem>> -> memref<64xi32, #tpu.memory_space<vmem>>
        %dma_start3A_81 = arith.constant 0 : i32
        %dma_start3A_82 = arith.constant 0 : i32
        %dma_start3A_83 = tpu.memref_slice %arg6[%dma_start3A_81, %dma_start3A_82] : memref<45056x16xf32, #tpu.memory_space<vmem_shared>> -> memref<45056x16xf32, #tpu.memory_space<vmem_shared>>
        tpu.enqueue_indirect_dma source(%dma_start3A_77 : memref<64x16xf32, #tpu.memory_space<vmem>>) target(%dma_start3A_83 : memref<45056x16xf32, #tpu.memory_space<vmem_shared>>) offsets(%dma_start3A_80 : memref<64xi32, #tpu.memory_space<vmem>>) semaphore(%run_scoped3A_75 : memref<!tpu.dma_semaphore, #tpu.memory_space<semaphore_mem>>) {add = true}
        %dma_wait3A = arith.constant 512 : i32
        %dma_wait3A_84 = arith.constant 0 : i32
        %dma_wait3A_85 = tpu.memref_slice %arg11[%dma_wait3A, %dma_wait3A_84] : memref<2112x16xf32, #tpu.memory_space<vmem>> -> memref<64x16xf32, #tpu.memory_space<vmem>>
        %dma_wait3A_86 = arith.constant 0 : i32
        %dma_wait3A_87 = tpu.memref_slice %arg13[%run_scoped3A_50, %dma_wait3A_86] : memref<33x64xi32, #tpu.memory_space<vmem>> -> memref<1x64xi32, #tpu.memory_space<vmem>>
        %dma_wait3A_88 = tpu.memref_squeeze %dma_wait3A_87 : memref<1x64xi32, #tpu.memory_space<vmem>> -> memref<64xi32, #tpu.memory_space<vmem>>
        %dma_wait3A_89 = arith.constant 0 : i32
        %dma_wait3A_90 = arith.constant 0 : i32
        %dma_wait3A_91 = tpu.memref_slice %arg6[%dma_wait3A_89, %dma_wait3A_90] : memref<45056x16xf32, #tpu.memory_space<vmem_shared>> -> memref<45056x16xf32, #tpu.memory_space<vmem_shared>>
        tpu.wait_indirect_dma semaphore(%run_scoped3A_75 : memref<!tpu.dma_semaphore, #tpu.memory_space<semaphore_mem>>) src(%dma_wait3A_85 : memref<64x16xf32, #tpu.memory_space<vmem>>) dst(%dma_wait3A_91 : memref<45056x16xf32, #tpu.memory_space<vmem_shared>>)
        tpu.yield
      }) : () -> ()
      %run_scoped3A_51 = arith.constant 9 : i32
      "tpu.region"() ({
        %run_scoped3A_75 = tpu.sem_alloc : memref<!tpu.dma_semaphore, #tpu.memory_space<semaphore_mem>>
        %dma_start3A = arith.constant 576 : i32
        %dma_start3A_76 = arith.constant 0 : i32
        %dma_start3A_77 = tpu.memref_slice %arg11[%dma_start3A, %dma_start3A_76] : memref<2112x16xf32, #tpu.memory_space<vmem>> -> memref<64x16xf32, #tpu.memory_space<vmem>>
        %dma_start3A_78 = arith.constant 0 : i32
        %dma_start3A_79 = tpu.memref_slice %arg13[%run_scoped3A_51, %dma_start3A_78] : memref<33x64xi32, #tpu.memory_space<vmem>> -> memref<1x64xi32, #tpu.memory_space<vmem>>
        %dma_start3A_80 = tpu.memref_squeeze %dma_start3A_79 : memref<1x64xi32, #tpu.memory_space<vmem>> -> memref<64xi32, #tpu.memory_space<vmem>>
        %dma_start3A_81 = arith.constant 0 : i32
        %dma_start3A_82 = arith.constant 0 : i32
        %dma_start3A_83 = tpu.memref_slice %arg6[%dma_start3A_81, %dma_start3A_82] : memref<45056x16xf32, #tpu.memory_space<vmem_shared>> -> memref<45056x16xf32, #tpu.memory_space<vmem_shared>>
        tpu.enqueue_indirect_dma source(%dma_start3A_77 : memref<64x16xf32, #tpu.memory_space<vmem>>) target(%dma_start3A_83 : memref<45056x16xf32, #tpu.memory_space<vmem_shared>>) offsets(%dma_start3A_80 : memref<64xi32, #tpu.memory_space<vmem>>) semaphore(%run_scoped3A_75 : memref<!tpu.dma_semaphore, #tpu.memory_space<semaphore_mem>>) {add = true}
        %dma_wait3A = arith.constant 576 : i32
        %dma_wait3A_84 = arith.constant 0 : i32
        %dma_wait3A_85 = tpu.memref_slice %arg11[%dma_wait3A, %dma_wait3A_84] : memref<2112x16xf32, #tpu.memory_space<vmem>> -> memref<64x16xf32, #tpu.memory_space<vmem>>
        %dma_wait3A_86 = arith.constant 0 : i32
        %dma_wait3A_87 = tpu.memref_slice %arg13[%run_scoped3A_51, %dma_wait3A_86] : memref<33x64xi32, #tpu.memory_space<vmem>> -> memref<1x64xi32, #tpu.memory_space<vmem>>
        %dma_wait3A_88 = tpu.memref_squeeze %dma_wait3A_87 : memref<1x64xi32, #tpu.memory_space<vmem>> -> memref<64xi32, #tpu.memory_space<vmem>>
        %dma_wait3A_89 = arith.constant 0 : i32
        %dma_wait3A_90 = arith.constant 0 : i32
        %dma_wait3A_91 = tpu.memref_slice %arg6[%dma_wait3A_89, %dma_wait3A_90] : memref<45056x16xf32, #tpu.memory_space<vmem_shared>> -> memref<45056x16xf32, #tpu.memory_space<vmem_shared>>
        tpu.wait_indirect_dma semaphore(%run_scoped3A_75 : memref<!tpu.dma_semaphore, #tpu.memory_space<semaphore_mem>>) src(%dma_wait3A_85 : memref<64x16xf32, #tpu.memory_space<vmem>>) dst(%dma_wait3A_91 : memref<45056x16xf32, #tpu.memory_space<vmem_shared>>)
        tpu.yield
      }) : () -> ()
      %run_scoped3A_52 = arith.constant 10 : i32
      "tpu.region"() ({
        %run_scoped3A_75 = tpu.sem_alloc : memref<!tpu.dma_semaphore, #tpu.memory_space<semaphore_mem>>
        %dma_start3A = arith.constant 640 : i32
        %dma_start3A_76 = arith.constant 0 : i32
        %dma_start3A_77 = tpu.memref_slice %arg11[%dma_start3A, %dma_start3A_76] : memref<2112x16xf32, #tpu.memory_space<vmem>> -> memref<64x16xf32, #tpu.memory_space<vmem>>
        %dma_start3A_78 = arith.constant 0 : i32
        %dma_start3A_79 = tpu.memref_slice %arg13[%run_scoped3A_52, %dma_start3A_78] : memref<33x64xi32, #tpu.memory_space<vmem>> -> memref<1x64xi32, #tpu.memory_space<vmem>>
        %dma_start3A_80 = tpu.memref_squeeze %dma_start3A_79 : memref<1x64xi32, #tpu.memory_space<vmem>> -> memref<64xi32, #tpu.memory_space<vmem>>
        %dma_start3A_81 = arith.constant 0 : i32
        %dma_start3A_82 = arith.constant 0 : i32
        %dma_start3A_83 = tpu.memref_slice %arg6[%dma_start3A_81, %dma_start3A_82] : memref<45056x16xf32, #tpu.memory_space<vmem_shared>> -> memref<45056x16xf32, #tpu.memory_space<vmem_shared>>
        tpu.enqueue_indirect_dma source(%dma_start3A_77 : memref<64x16xf32, #tpu.memory_space<vmem>>) target(%dma_start3A_83 : memref<45056x16xf32, #tpu.memory_space<vmem_shared>>) offsets(%dma_start3A_80 : memref<64xi32, #tpu.memory_space<vmem>>) semaphore(%run_scoped3A_75 : memref<!tpu.dma_semaphore, #tpu.memory_space<semaphore_mem>>) {add = true}
        %dma_wait3A = arith.constant 640 : i32
        %dma_wait3A_84 = arith.constant 0 : i32
        %dma_wait3A_85 = tpu.memref_slice %arg11[%dma_wait3A, %dma_wait3A_84] : memref<2112x16xf32, #tpu.memory_space<vmem>> -> memref<64x16xf32, #tpu.memory_space<vmem>>
        %dma_wait3A_86 = arith.constant 0 : i32
        %dma_wait3A_87 = tpu.memref_slice %arg13[%run_scoped3A_52, %dma_wait3A_86] : memref<33x64xi32, #tpu.memory_space<vmem>> -> memref<1x64xi32, #tpu.memory_space<vmem>>
        %dma_wait3A_88 = tpu.memref_squeeze %dma_wait3A_87 : memref<1x64xi32, #tpu.memory_space<vmem>> -> memref<64xi32, #tpu.memory_space<vmem>>
        %dma_wait3A_89 = arith.constant 0 : i32
        %dma_wait3A_90 = arith.constant 0 : i32
        %dma_wait3A_91 = tpu.memref_slice %arg6[%dma_wait3A_89, %dma_wait3A_90] : memref<45056x16xf32, #tpu.memory_space<vmem_shared>> -> memref<45056x16xf32, #tpu.memory_space<vmem_shared>>
        tpu.wait_indirect_dma semaphore(%run_scoped3A_75 : memref<!tpu.dma_semaphore, #tpu.memory_space<semaphore_mem>>) src(%dma_wait3A_85 : memref<64x16xf32, #tpu.memory_space<vmem>>) dst(%dma_wait3A_91 : memref<45056x16xf32, #tpu.memory_space<vmem_shared>>)
        tpu.yield
      }) : () -> ()
      %run_scoped3A_53 = arith.constant 11 : i32
      "tpu.region"() ({
        %run_scoped3A_75 = tpu.sem_alloc : memref<!tpu.dma_semaphore, #tpu.memory_space<semaphore_mem>>
        %dma_start3A = arith.constant 704 : i32
        %dma_start3A_76 = arith.constant 0 : i32
        %dma_start3A_77 = tpu.memref_slice %arg11[%dma_start3A, %dma_start3A_76] : memref<2112x16xf32, #tpu.memory_space<vmem>> -> memref<64x16xf32, #tpu.memory_space<vmem>>
        %dma_start3A_78 = arith.constant 0 : i32
        %dma_start3A_79 = tpu.memref_slice %arg13[%run_scoped3A_53, %dma_start3A_78] : memref<33x64xi32, #tpu.memory_space<vmem>> -> memref<1x64xi32, #tpu.memory_space<vmem>>
        %dma_start3A_80 = tpu.memref_squeeze %dma_start3A_79 : memref<1x64xi32, #tpu.memory_space<vmem>> -> memref<64xi32, #tpu.memory_space<vmem>>
        %dma_start3A_81 = arith.constant 0 : i32
        %dma_start3A_82 = arith.constant 0 : i32
        %dma_start3A_83 = tpu.memref_slice %arg6[%dma_start3A_81, %dma_start3A_82] : memref<45056x16xf32, #tpu.memory_space<vmem_shared>> -> memref<45056x16xf32, #tpu.memory_space<vmem_shared>>
        tpu.enqueue_indirect_dma source(%dma_start3A_77 : memref<64x16xf32, #tpu.memory_space<vmem>>) target(%dma_start3A_83 : memref<45056x16xf32, #tpu.memory_space<vmem_shared>>) offsets(%dma_start3A_80 : memref<64xi32, #tpu.memory_space<vmem>>) semaphore(%run_scoped3A_75 : memref<!tpu.dma_semaphore, #tpu.memory_space<semaphore_mem>>) {add = true}
        %dma_wait3A = arith.constant 704 : i32
        %dma_wait3A_84 = arith.constant 0 : i32
        %dma_wait3A_85 = tpu.memref_slice %arg11[%dma_wait3A, %dma_wait3A_84] : memref<2112x16xf32, #tpu.memory_space<vmem>> -> memref<64x16xf32, #tpu.memory_space<vmem>>
        %dma_wait3A_86 = arith.constant 0 : i32
        %dma_wait3A_87 = tpu.memref_slice %arg13[%run_scoped3A_53, %dma_wait3A_86] : memref<33x64xi32, #tpu.memory_space<vmem>> -> memref<1x64xi32, #tpu.memory_space<vmem>>
        %dma_wait3A_88 = tpu.memref_squeeze %dma_wait3A_87 : memref<1x64xi32, #tpu.memory_space<vmem>> -> memref<64xi32, #tpu.memory_space<vmem>>
        %dma_wait3A_89 = arith.constant 0 : i32
        %dma_wait3A_90 = arith.constant 0 : i32
        %dma_wait3A_91 = tpu.memref_slice %arg6[%dma_wait3A_89, %dma_wait3A_90] : memref<45056x16xf32, #tpu.memory_space<vmem_shared>> -> memref<45056x16xf32, #tpu.memory_space<vmem_shared>>
        tpu.wait_indirect_dma semaphore(%run_scoped3A_75 : memref<!tpu.dma_semaphore, #tpu.memory_space<semaphore_mem>>) src(%dma_wait3A_85 : memref<64x16xf32, #tpu.memory_space<vmem>>) dst(%dma_wait3A_91 : memref<45056x16xf32, #tpu.memory_space<vmem_shared>>)
        tpu.yield
      }) : () -> ()
      %run_scoped3A_54 = arith.constant 12 : i32
      "tpu.region"() ({
        %run_scoped3A_75 = tpu.sem_alloc : memref<!tpu.dma_semaphore, #tpu.memory_space<semaphore_mem>>
        %dma_start3A = arith.constant 768 : i32
        %dma_start3A_76 = arith.constant 0 : i32
        %dma_start3A_77 = tpu.memref_slice %arg11[%dma_start3A, %dma_start3A_76] : memref<2112x16xf32, #tpu.memory_space<vmem>> -> memref<64x16xf32, #tpu.memory_space<vmem>>
        %dma_start3A_78 = arith.constant 0 : i32
        %dma_start3A_79 = tpu.memref_slice %arg13[%run_scoped3A_54, %dma_start3A_78] : memref<33x64xi32, #tpu.memory_space<vmem>> -> memref<1x64xi32, #tpu.memory_space<vmem>>
        %dma_start3A_80 = tpu.memref_squeeze %dma_start3A_79 : memref<1x64xi32, #tpu.memory_space<vmem>> -> memref<64xi32, #tpu.memory_space<vmem>>
        %dma_start3A_81 = arith.constant 0 : i32
        %dma_start3A_82 = arith.constant 0 : i32
        %dma_start3A_83 = tpu.memref_slice %arg6[%dma_start3A_81, %dma_start3A_82] : memref<45056x16xf32, #tpu.memory_space<vmem_shared>> -> memref<45056x16xf32, #tpu.memory_space<vmem_shared>>
        tpu.enqueue_indirect_dma source(%dma_start3A_77 : memref<64x16xf32, #tpu.memory_space<vmem>>) target(%dma_start3A_83 : memref<45056x16xf32, #tpu.memory_space<vmem_shared>>) offsets(%dma_start3A_80 : memref<64xi32, #tpu.memory_space<vmem>>) semaphore(%run_scoped3A_75 : memref<!tpu.dma_semaphore, #tpu.memory_space<semaphore_mem>>) {add = true}
        %dma_wait3A = arith.constant 768 : i32
        %dma_wait3A_84 = arith.constant 0 : i32
        %dma_wait3A_85 = tpu.memref_slice %arg11[%dma_wait3A, %dma_wait3A_84] : memref<2112x16xf32, #tpu.memory_space<vmem>> -> memref<64x16xf32, #tpu.memory_space<vmem>>
        %dma_wait3A_86 = arith.constant 0 : i32
        %dma_wait3A_87 = tpu.memref_slice %arg13[%run_scoped3A_54, %dma_wait3A_86] : memref<33x64xi32, #tpu.memory_space<vmem>> -> memref<1x64xi32, #tpu.memory_space<vmem>>
        %dma_wait3A_88 = tpu.memref_squeeze %dma_wait3A_87 : memref<1x64xi32, #tpu.memory_space<vmem>> -> memref<64xi32, #tpu.memory_space<vmem>>
        %dma_wait3A_89 = arith.constant 0 : i32
        %dma_wait3A_90 = arith.constant 0 : i32
        %dma_wait3A_91 = tpu.memref_slice %arg6[%dma_wait3A_89, %dma_wait3A_90] : memref<45056x16xf32, #tpu.memory_space<vmem_shared>> -> memref<45056x16xf32, #tpu.memory_space<vmem_shared>>
        tpu.wait_indirect_dma semaphore(%run_scoped3A_75 : memref<!tpu.dma_semaphore, #tpu.memory_space<semaphore_mem>>) src(%dma_wait3A_85 : memref<64x16xf32, #tpu.memory_space<vmem>>) dst(%dma_wait3A_91 : memref<45056x16xf32, #tpu.memory_space<vmem_shared>>)
        tpu.yield
      }) : () -> ()
      %run_scoped3A_55 = arith.constant 13 : i32
      "tpu.region"() ({
        %run_scoped3A_75 = tpu.sem_alloc : memref<!tpu.dma_semaphore, #tpu.memory_space<semaphore_mem>>
        %dma_start3A = arith.constant 832 : i32
        %dma_start3A_76 = arith.constant 0 : i32
        %dma_start3A_77 = tpu.memref_slice %arg11[%dma_start3A, %dma_start3A_76] : memref<2112x16xf32, #tpu.memory_space<vmem>> -> memref<64x16xf32, #tpu.memory_space<vmem>>
        %dma_start3A_78 = arith.constant 0 : i32
        %dma_start3A_79 = tpu.memref_slice %arg13[%run_scoped3A_55, %dma_start3A_78] : memref<33x64xi32, #tpu.memory_space<vmem>> -> memref<1x64xi32, #tpu.memory_space<vmem>>
        %dma_start3A_80 = tpu.memref_squeeze %dma_start3A_79 : memref<1x64xi32, #tpu.memory_space<vmem>> -> memref<64xi32, #tpu.memory_space<vmem>>
        %dma_start3A_81 = arith.constant 0 : i32
        %dma_start3A_82 = arith.constant 0 : i32
        %dma_start3A_83 = tpu.memref_slice %arg6[%dma_start3A_81, %dma_start3A_82] : memref<45056x16xf32, #tpu.memory_space<vmem_shared>> -> memref<45056x16xf32, #tpu.memory_space<vmem_shared>>
        tpu.enqueue_indirect_dma source(%dma_start3A_77 : memref<64x16xf32, #tpu.memory_space<vmem>>) target(%dma_start3A_83 : memref<45056x16xf32, #tpu.memory_space<vmem_shared>>) offsets(%dma_start3A_80 : memref<64xi32, #tpu.memory_space<vmem>>) semaphore(%run_scoped3A_75 : memref<!tpu.dma_semaphore, #tpu.memory_space<semaphore_mem>>) {add = true}
        %dma_wait3A = arith.constant 832 : i32
        %dma_wait3A_84 = arith.constant 0 : i32
        %dma_wait3A_85 = tpu.memref_slice %arg11[%dma_wait3A, %dma_wait3A_84] : memref<2112x16xf32, #tpu.memory_space<vmem>> -> memref<64x16xf32, #tpu.memory_space<vmem>>
        %dma_wait3A_86 = arith.constant 0 : i32
        %dma_wait3A_87 = tpu.memref_slice %arg13[%run_scoped3A_55, %dma_wait3A_86] : memref<33x64xi32, #tpu.memory_space<vmem>> -> memref<1x64xi32, #tpu.memory_space<vmem>>
        %dma_wait3A_88 = tpu.memref_squeeze %dma_wait3A_87 : memref<1x64xi32, #tpu.memory_space<vmem>> -> memref<64xi32, #tpu.memory_space<vmem>>
        %dma_wait3A_89 = arith.constant 0 : i32
        %dma_wait3A_90 = arith.constant 0 : i32
        %dma_wait3A_91 = tpu.memref_slice %arg6[%dma_wait3A_89, %dma_wait3A_90] : memref<45056x16xf32, #tpu.memory_space<vmem_shared>> -> memref<45056x16xf32, #tpu.memory_space<vmem_shared>>
        tpu.wait_indirect_dma semaphore(%run_scoped3A_75 : memref<!tpu.dma_semaphore, #tpu.memory_space<semaphore_mem>>) src(%dma_wait3A_85 : memref<64x16xf32, #tpu.memory_space<vmem>>) dst(%dma_wait3A_91 : memref<45056x16xf32, #tpu.memory_space<vmem_shared>>)
        tpu.yield
      }) : () -> ()
      %run_scoped3A_56 = arith.constant 14 : i32
      "tpu.region"() ({
        %run_scoped3A_75 = tpu.sem_alloc : memref<!tpu.dma_semaphore, #tpu.memory_space<semaphore_mem>>
        %dma_start3A = arith.constant 896 : i32
        %dma_start3A_76 = arith.constant 0 : i32
        %dma_start3A_77 = tpu.memref_slice %arg11[%dma_start3A, %dma_start3A_76] : memref<2112x16xf32, #tpu.memory_space<vmem>> -> memref<64x16xf32, #tpu.memory_space<vmem>>
        %dma_start3A_78 = arith.constant 0 : i32
        %dma_start3A_79 = tpu.memref_slice %arg13[%run_scoped3A_56, %dma_start3A_78] : memref<33x64xi32, #tpu.memory_space<vmem>> -> memref<1x64xi32, #tpu.memory_space<vmem>>
        %dma_start3A_80 = tpu.memref_squeeze %dma_start3A_79 : memref<1x64xi32, #tpu.memory_space<vmem>> -> memref<64xi32, #tpu.memory_space<vmem>>
        %dma_start3A_81 = arith.constant 0 : i32
        %dma_start3A_82 = arith.constant 0 : i32
        %dma_start3A_83 = tpu.memref_slice %arg6[%dma_start3A_81, %dma_start3A_82] : memref<45056x16xf32, #tpu.memory_space<vmem_shared>> -> memref<45056x16xf32, #tpu.memory_space<vmem_shared>>
        tpu.enqueue_indirect_dma source(%dma_start3A_77 : memref<64x16xf32, #tpu.memory_space<vmem>>) target(%dma_start3A_83 : memref<45056x16xf32, #tpu.memory_space<vmem_shared>>) offsets(%dma_start3A_80 : memref<64xi32, #tpu.memory_space<vmem>>) semaphore(%run_scoped3A_75 : memref<!tpu.dma_semaphore, #tpu.memory_space<semaphore_mem>>) {add = true}
        %dma_wait3A = arith.constant 896 : i32
        %dma_wait3A_84 = arith.constant 0 : i32
        %dma_wait3A_85 = tpu.memref_slice %arg11[%dma_wait3A, %dma_wait3A_84] : memref<2112x16xf32, #tpu.memory_space<vmem>> -> memref<64x16xf32, #tpu.memory_space<vmem>>
        %dma_wait3A_86 = arith.constant 0 : i32
        %dma_wait3A_87 = tpu.memref_slice %arg13[%run_scoped3A_56, %dma_wait3A_86] : memref<33x64xi32, #tpu.memory_space<vmem>> -> memref<1x64xi32, #tpu.memory_space<vmem>>
        %dma_wait3A_88 = tpu.memref_squeeze %dma_wait3A_87 : memref<1x64xi32, #tpu.memory_space<vmem>> -> memref<64xi32, #tpu.memory_space<vmem>>
        %dma_wait3A_89 = arith.constant 0 : i32
        %dma_wait3A_90 = arith.constant 0 : i32
        %dma_wait3A_91 = tpu.memref_slice %arg6[%dma_wait3A_89, %dma_wait3A_90] : memref<45056x16xf32, #tpu.memory_space<vmem_shared>> -> memref<45056x16xf32, #tpu.memory_space<vmem_shared>>
        tpu.wait_indirect_dma semaphore(%run_scoped3A_75 : memref<!tpu.dma_semaphore, #tpu.memory_space<semaphore_mem>>) src(%dma_wait3A_85 : memref<64x16xf32, #tpu.memory_space<vmem>>) dst(%dma_wait3A_91 : memref<45056x16xf32, #tpu.memory_space<vmem_shared>>)
        tpu.yield
      }) : () -> ()
      %run_scoped3A_57 = arith.constant 15 : i32
      "tpu.region"() ({
        %run_scoped3A_75 = tpu.sem_alloc : memref<!tpu.dma_semaphore, #tpu.memory_space<semaphore_mem>>
        %dma_start3A = arith.constant 960 : i32
        %dma_start3A_76 = arith.constant 0 : i32
        %dma_start3A_77 = tpu.memref_slice %arg11[%dma_start3A, %dma_start3A_76] : memref<2112x16xf32, #tpu.memory_space<vmem>> -> memref<64x16xf32, #tpu.memory_space<vmem>>
        %dma_start3A_78 = arith.constant 0 : i32
        %dma_start3A_79 = tpu.memref_slice %arg13[%run_scoped3A_57, %dma_start3A_78] : memref<33x64xi32, #tpu.memory_space<vmem>> -> memref<1x64xi32, #tpu.memory_space<vmem>>
        %dma_start3A_80 = tpu.memref_squeeze %dma_start3A_79 : memref<1x64xi32, #tpu.memory_space<vmem>> -> memref<64xi32, #tpu.memory_space<vmem>>
        %dma_start3A_81 = arith.constant 0 : i32
        %dma_start3A_82 = arith.constant 0 : i32
        %dma_start3A_83 = tpu.memref_slice %arg6[%dma_start3A_81, %dma_start3A_82] : memref<45056x16xf32, #tpu.memory_space<vmem_shared>> -> memref<45056x16xf32, #tpu.memory_space<vmem_shared>>
        tpu.enqueue_indirect_dma source(%dma_start3A_77 : memref<64x16xf32, #tpu.memory_space<vmem>>) target(%dma_start3A_83 : memref<45056x16xf32, #tpu.memory_space<vmem_shared>>) offsets(%dma_start3A_80 : memref<64xi32, #tpu.memory_space<vmem>>) semaphore(%run_scoped3A_75 : memref<!tpu.dma_semaphore, #tpu.memory_space<semaphore_mem>>) {add = true}
        %dma_wait3A = arith.constant 960 : i32
        %dma_wait3A_84 = arith.constant 0 : i32
        %dma_wait3A_85 = tpu.memref_slice %arg11[%dma_wait3A, %dma_wait3A_84] : memref<2112x16xf32, #tpu.memory_space<vmem>> -> memref<64x16xf32, #tpu.memory_space<vmem>>
        %dma_wait3A_86 = arith.constant 0 : i32
        %dma_wait3A_87 = tpu.memref_slice %arg13[%run_scoped3A_57, %dma_wait3A_86] : memref<33x64xi32, #tpu.memory_space<vmem>> -> memref<1x64xi32, #tpu.memory_space<vmem>>
        %dma_wait3A_88 = tpu.memref_squeeze %dma_wait3A_87 : memref<1x64xi32, #tpu.memory_space<vmem>> -> memref<64xi32, #tpu.memory_space<vmem>>
        %dma_wait3A_89 = arith.constant 0 : i32
        %dma_wait3A_90 = arith.constant 0 : i32
        %dma_wait3A_91 = tpu.memref_slice %arg6[%dma_wait3A_89, %dma_wait3A_90] : memref<45056x16xf32, #tpu.memory_space<vmem_shared>> -> memref<45056x16xf32, #tpu.memory_space<vmem_shared>>
        tpu.wait_indirect_dma semaphore(%run_scoped3A_75 : memref<!tpu.dma_semaphore, #tpu.memory_space<semaphore_mem>>) src(%dma_wait3A_85 : memref<64x16xf32, #tpu.memory_space<vmem>>) dst(%dma_wait3A_91 : memref<45056x16xf32, #tpu.memory_space<vmem_shared>>)
        tpu.yield
      }) : () -> ()
      %run_scoped3A_58 = arith.constant 16 : i32
      "tpu.region"() ({
        %run_scoped3A_75 = tpu.sem_alloc : memref<!tpu.dma_semaphore, #tpu.memory_space<semaphore_mem>>
        %dma_start3A = arith.constant 1024 : i32
        %dma_start3A_76 = arith.constant 0 : i32
        %dma_start3A_77 = tpu.memref_slice %arg11[%dma_start3A, %dma_start3A_76] : memref<2112x16xf32, #tpu.memory_space<vmem>> -> memref<64x16xf32, #tpu.memory_space<vmem>>
        %dma_start3A_78 = arith.constant 0 : i32
        %dma_start3A_79 = tpu.memref_slice %arg13[%run_scoped3A_58, %dma_start3A_78] : memref<33x64xi32, #tpu.memory_space<vmem>> -> memref<1x64xi32, #tpu.memory_space<vmem>>
        %dma_start3A_80 = tpu.memref_squeeze %dma_start3A_79 : memref<1x64xi32, #tpu.memory_space<vmem>> -> memref<64xi32, #tpu.memory_space<vmem>>
        %dma_start3A_81 = arith.constant 0 : i32
        %dma_start3A_82 = arith.constant 0 : i32
        %dma_start3A_83 = tpu.memref_slice %arg6[%dma_start3A_81, %dma_start3A_82] : memref<45056x16xf32, #tpu.memory_space<vmem_shared>> -> memref<45056x16xf32, #tpu.memory_space<vmem_shared>>
        tpu.enqueue_indirect_dma source(%dma_start3A_77 : memref<64x16xf32, #tpu.memory_space<vmem>>) target(%dma_start3A_83 : memref<45056x16xf32, #tpu.memory_space<vmem_shared>>) offsets(%dma_start3A_80 : memref<64xi32, #tpu.memory_space<vmem>>) semaphore(%run_scoped3A_75 : memref<!tpu.dma_semaphore, #tpu.memory_space<semaphore_mem>>) {add = true}
        %dma_wait3A = arith.constant 1024 : i32
        %dma_wait3A_84 = arith.constant 0 : i32
        %dma_wait3A_85 = tpu.memref_slice %arg11[%dma_wait3A, %dma_wait3A_84] : memref<2112x16xf32, #tpu.memory_space<vmem>> -> memref<64x16xf32, #tpu.memory_space<vmem>>
        %dma_wait3A_86 = arith.constant 0 : i32
        %dma_wait3A_87 = tpu.memref_slice %arg13[%run_scoped3A_58, %dma_wait3A_86] : memref<33x64xi32, #tpu.memory_space<vmem>> -> memref<1x64xi32, #tpu.memory_space<vmem>>
        %dma_wait3A_88 = tpu.memref_squeeze %dma_wait3A_87 : memref<1x64xi32, #tpu.memory_space<vmem>> -> memref<64xi32, #tpu.memory_space<vmem>>
        %dma_wait3A_89 = arith.constant 0 : i32
        %dma_wait3A_90 = arith.constant 0 : i32
        %dma_wait3A_91 = tpu.memref_slice %arg6[%dma_wait3A_89, %dma_wait3A_90] : memref<45056x16xf32, #tpu.memory_space<vmem_shared>> -> memref<45056x16xf32, #tpu.memory_space<vmem_shared>>
        tpu.wait_indirect_dma semaphore(%run_scoped3A_75 : memref<!tpu.dma_semaphore, #tpu.memory_space<semaphore_mem>>) src(%dma_wait3A_85 : memref<64x16xf32, #tpu.memory_space<vmem>>) dst(%dma_wait3A_91 : memref<45056x16xf32, #tpu.memory_space<vmem_shared>>)
        tpu.yield
      }) : () -> ()
      %run_scoped3A_59 = arith.constant 17 : i32
      "tpu.region"() ({
        %run_scoped3A_75 = tpu.sem_alloc : memref<!tpu.dma_semaphore, #tpu.memory_space<semaphore_mem>>
        %dma_start3A = arith.constant 1088 : i32
        %dma_start3A_76 = arith.constant 0 : i32
        %dma_start3A_77 = tpu.memref_slice %arg11[%dma_start3A, %dma_start3A_76] : memref<2112x16xf32, #tpu.memory_space<vmem>> -> memref<64x16xf32, #tpu.memory_space<vmem>>
        %dma_start3A_78 = arith.constant 0 : i32
        %dma_start3A_79 = tpu.memref_slice %arg13[%run_scoped3A_59, %dma_start3A_78] : memref<33x64xi32, #tpu.memory_space<vmem>> -> memref<1x64xi32, #tpu.memory_space<vmem>>
        %dma_start3A_80 = tpu.memref_squeeze %dma_start3A_79 : memref<1x64xi32, #tpu.memory_space<vmem>> -> memref<64xi32, #tpu.memory_space<vmem>>
        %dma_start3A_81 = arith.constant 0 : i32
        %dma_start3A_82 = arith.constant 0 : i32
        %dma_start3A_83 = tpu.memref_slice %arg6[%dma_start3A_81, %dma_start3A_82] : memref<45056x16xf32, #tpu.memory_space<vmem_shared>> -> memref<45056x16xf32, #tpu.memory_space<vmem_shared>>
        tpu.enqueue_indirect_dma source(%dma_start3A_77 : memref<64x16xf32, #tpu.memory_space<vmem>>) target(%dma_start3A_83 : memref<45056x16xf32, #tpu.memory_space<vmem_shared>>) offsets(%dma_start3A_80 : memref<64xi32, #tpu.memory_space<vmem>>) semaphore(%run_scoped3A_75 : memref<!tpu.dma_semaphore, #tpu.memory_space<semaphore_mem>>) {add = true}
        %dma_wait3A = arith.constant 1088 : i32
        %dma_wait3A_84 = arith.constant 0 : i32
        %dma_wait3A_85 = tpu.memref_slice %arg11[%dma_wait3A, %dma_wait3A_84] : memref<2112x16xf32, #tpu.memory_space<vmem>> -> memref<64x16xf32, #tpu.memory_space<vmem>>
        %dma_wait3A_86 = arith.constant 0 : i32
        %dma_wait3A_87 = tpu.memref_slice %arg13[%run_scoped3A_59, %dma_wait3A_86] : memref<33x64xi32, #tpu.memory_space<vmem>> -> memref<1x64xi32, #tpu.memory_space<vmem>>
        %dma_wait3A_88 = tpu.memref_squeeze %dma_wait3A_87 : memref<1x64xi32, #tpu.memory_space<vmem>> -> memref<64xi32, #tpu.memory_space<vmem>>
        %dma_wait3A_89 = arith.constant 0 : i32
        %dma_wait3A_90 = arith.constant 0 : i32
        %dma_wait3A_91 = tpu.memref_slice %arg6[%dma_wait3A_89, %dma_wait3A_90] : memref<45056x16xf32, #tpu.memory_space<vmem_shared>> -> memref<45056x16xf32, #tpu.memory_space<vmem_shared>>
        tpu.wait_indirect_dma semaphore(%run_scoped3A_75 : memref<!tpu.dma_semaphore, #tpu.memory_space<semaphore_mem>>) src(%dma_wait3A_85 : memref<64x16xf32, #tpu.memory_space<vmem>>) dst(%dma_wait3A_91 : memref<45056x16xf32, #tpu.memory_space<vmem_shared>>)
        tpu.yield
      }) : () -> ()
      %run_scoped3A_60 = arith.constant 18 : i32
      "tpu.region"() ({
        %run_scoped3A_75 = tpu.sem_alloc : memref<!tpu.dma_semaphore, #tpu.memory_space<semaphore_mem>>
        %dma_start3A = arith.constant 1152 : i32
        %dma_start3A_76 = arith.constant 0 : i32
        %dma_start3A_77 = tpu.memref_slice %arg11[%dma_start3A, %dma_start3A_76] : memref<2112x16xf32, #tpu.memory_space<vmem>> -> memref<64x16xf32, #tpu.memory_space<vmem>>
        %dma_start3A_78 = arith.constant 0 : i32
        %dma_start3A_79 = tpu.memref_slice %arg13[%run_scoped3A_60, %dma_start3A_78] : memref<33x64xi32, #tpu.memory_space<vmem>> -> memref<1x64xi32, #tpu.memory_space<vmem>>
        %dma_start3A_80 = tpu.memref_squeeze %dma_start3A_79 : memref<1x64xi32, #tpu.memory_space<vmem>> -> memref<64xi32, #tpu.memory_space<vmem>>
        %dma_start3A_81 = arith.constant 0 : i32
        %dma_start3A_82 = arith.constant 0 : i32
        %dma_start3A_83 = tpu.memref_slice %arg6[%dma_start3A_81, %dma_start3A_82] : memref<45056x16xf32, #tpu.memory_space<vmem_shared>> -> memref<45056x16xf32, #tpu.memory_space<vmem_shared>>
        tpu.enqueue_indirect_dma source(%dma_start3A_77 : memref<64x16xf32, #tpu.memory_space<vmem>>) target(%dma_start3A_83 : memref<45056x16xf32, #tpu.memory_space<vmem_shared>>) offsets(%dma_start3A_80 : memref<64xi32, #tpu.memory_space<vmem>>) semaphore(%run_scoped3A_75 : memref<!tpu.dma_semaphore, #tpu.memory_space<semaphore_mem>>) {add = true}
        %dma_wait3A = arith.constant 1152 : i32
        %dma_wait3A_84 = arith.constant 0 : i32
        %dma_wait3A_85 = tpu.memref_slice %arg11[%dma_wait3A, %dma_wait3A_84] : memref<2112x16xf32, #tpu.memory_space<vmem>> -> memref<64x16xf32, #tpu.memory_space<vmem>>
        %dma_wait3A_86 = arith.constant 0 : i32
        %dma_wait3A_87 = tpu.memref_slice %arg13[%run_scoped3A_60, %dma_wait3A_86] : memref<33x64xi32, #tpu.memory_space<vmem>> -> memref<1x64xi32, #tpu.memory_space<vmem>>
        %dma_wait3A_88 = tpu.memref_squeeze %dma_wait3A_87 : memref<1x64xi32, #tpu.memory_space<vmem>> -> memref<64xi32, #tpu.memory_space<vmem>>
        %dma_wait3A_89 = arith.constant 0 : i32
        %dma_wait3A_90 = arith.constant 0 : i32
        %dma_wait3A_91 = tpu.memref_slice %arg6[%dma_wait3A_89, %dma_wait3A_90] : memref<45056x16xf32, #tpu.memory_space<vmem_shared>> -> memref<45056x16xf32, #tpu.memory_space<vmem_shared>>
        tpu.wait_indirect_dma semaphore(%run_scoped3A_75 : memref<!tpu.dma_semaphore, #tpu.memory_space<semaphore_mem>>) src(%dma_wait3A_85 : memref<64x16xf32, #tpu.memory_space<vmem>>) dst(%dma_wait3A_91 : memref<45056x16xf32, #tpu.memory_space<vmem_shared>>)
        tpu.yield
      }) : () -> ()
      %run_scoped3A_61 = arith.constant 19 : i32
      "tpu.region"() ({
        %run_scoped3A_75 = tpu.sem_alloc : memref<!tpu.dma_semaphore, #tpu.memory_space<semaphore_mem>>
        %dma_start3A = arith.constant 1216 : i32
        %dma_start3A_76 = arith.constant 0 : i32
        %dma_start3A_77 = tpu.memref_slice %arg11[%dma_start3A, %dma_start3A_76] : memref<2112x16xf32, #tpu.memory_space<vmem>> -> memref<64x16xf32, #tpu.memory_space<vmem>>
        %dma_start3A_78 = arith.constant 0 : i32
        %dma_start3A_79 = tpu.memref_slice %arg13[%run_scoped3A_61, %dma_start3A_78] : memref<33x64xi32, #tpu.memory_space<vmem>> -> memref<1x64xi32, #tpu.memory_space<vmem>>
        %dma_start3A_80 = tpu.memref_squeeze %dma_start3A_79 : memref<1x64xi32, #tpu.memory_space<vmem>> -> memref<64xi32, #tpu.memory_space<vmem>>
        %dma_start3A_81 = arith.constant 0 : i32
        %dma_start3A_82 = arith.constant 0 : i32
        %dma_start3A_83 = tpu.memref_slice %arg6[%dma_start3A_81, %dma_start3A_82] : memref<45056x16xf32, #tpu.memory_space<vmem_shared>> -> memref<45056x16xf32, #tpu.memory_space<vmem_shared>>
        tpu.enqueue_indirect_dma source(%dma_start3A_77 : memref<64x16xf32, #tpu.memory_space<vmem>>) target(%dma_start3A_83 : memref<45056x16xf32, #tpu.memory_space<vmem_shared>>) offsets(%dma_start3A_80 : memref<64xi32, #tpu.memory_space<vmem>>) semaphore(%run_scoped3A_75 : memref<!tpu.dma_semaphore, #tpu.memory_space<semaphore_mem>>) {add = true}
        %dma_wait3A = arith.constant 1216 : i32
        %dma_wait3A_84 = arith.constant 0 : i32
        %dma_wait3A_85 = tpu.memref_slice %arg11[%dma_wait3A, %dma_wait3A_84] : memref<2112x16xf32, #tpu.memory_space<vmem>> -> memref<64x16xf32, #tpu.memory_space<vmem>>
        %dma_wait3A_86 = arith.constant 0 : i32
        %dma_wait3A_87 = tpu.memref_slice %arg13[%run_scoped3A_61, %dma_wait3A_86] : memref<33x64xi32, #tpu.memory_space<vmem>> -> memref<1x64xi32, #tpu.memory_space<vmem>>
        %dma_wait3A_88 = tpu.memref_squeeze %dma_wait3A_87 : memref<1x64xi32, #tpu.memory_space<vmem>> -> memref<64xi32, #tpu.memory_space<vmem>>
        %dma_wait3A_89 = arith.constant 0 : i32
        %dma_wait3A_90 = arith.constant 0 : i32
        %dma_wait3A_91 = tpu.memref_slice %arg6[%dma_wait3A_89, %dma_wait3A_90] : memref<45056x16xf32, #tpu.memory_space<vmem_shared>> -> memref<45056x16xf32, #tpu.memory_space<vmem_shared>>
        tpu.wait_indirect_dma semaphore(%run_scoped3A_75 : memref<!tpu.dma_semaphore, #tpu.memory_space<semaphore_mem>>) src(%dma_wait3A_85 : memref<64x16xf32, #tpu.memory_space<vmem>>) dst(%dma_wait3A_91 : memref<45056x16xf32, #tpu.memory_space<vmem_shared>>)
        tpu.yield
      }) : () -> ()
      %run_scoped3A_62 = arith.constant 20 : i32
      "tpu.region"() ({
        %run_scoped3A_75 = tpu.sem_alloc : memref<!tpu.dma_semaphore, #tpu.memory_space<semaphore_mem>>
        %dma_start3A = arith.constant 1280 : i32
        %dma_start3A_76 = arith.constant 0 : i32
        %dma_start3A_77 = tpu.memref_slice %arg11[%dma_start3A, %dma_start3A_76] : memref<2112x16xf32, #tpu.memory_space<vmem>> -> memref<64x16xf32, #tpu.memory_space<vmem>>
        %dma_start3A_78 = arith.constant 0 : i32
        %dma_start3A_79 = tpu.memref_slice %arg13[%run_scoped3A_62, %dma_start3A_78] : memref<33x64xi32, #tpu.memory_space<vmem>> -> memref<1x64xi32, #tpu.memory_space<vmem>>
        %dma_start3A_80 = tpu.memref_squeeze %dma_start3A_79 : memref<1x64xi32, #tpu.memory_space<vmem>> -> memref<64xi32, #tpu.memory_space<vmem>>
        %dma_start3A_81 = arith.constant 0 : i32
        %dma_start3A_82 = arith.constant 0 : i32
        %dma_start3A_83 = tpu.memref_slice %arg6[%dma_start3A_81, %dma_start3A_82] : memref<45056x16xf32, #tpu.memory_space<vmem_shared>> -> memref<45056x16xf32, #tpu.memory_space<vmem_shared>>
        tpu.enqueue_indirect_dma source(%dma_start3A_77 : memref<64x16xf32, #tpu.memory_space<vmem>>) target(%dma_start3A_83 : memref<45056x16xf32, #tpu.memory_space<vmem_shared>>) offsets(%dma_start3A_80 : memref<64xi32, #tpu.memory_space<vmem>>) semaphore(%run_scoped3A_75 : memref<!tpu.dma_semaphore, #tpu.memory_space<semaphore_mem>>) {add = true}
        %dma_wait3A = arith.constant 1280 : i32
        %dma_wait3A_84 = arith.constant 0 : i32
        %dma_wait3A_85 = tpu.memref_slice %arg11[%dma_wait3A, %dma_wait3A_84] : memref<2112x16xf32, #tpu.memory_space<vmem>> -> memref<64x16xf32, #tpu.memory_space<vmem>>
        %dma_wait3A_86 = arith.constant 0 : i32
        %dma_wait3A_87 = tpu.memref_slice %arg13[%run_scoped3A_62, %dma_wait3A_86] : memref<33x64xi32, #tpu.memory_space<vmem>> -> memref<1x64xi32, #tpu.memory_space<vmem>>
        %dma_wait3A_88 = tpu.memref_squeeze %dma_wait3A_87 : memref<1x64xi32, #tpu.memory_space<vmem>> -> memref<64xi32, #tpu.memory_space<vmem>>
        %dma_wait3A_89 = arith.constant 0 : i32
        %dma_wait3A_90 = arith.constant 0 : i32
        %dma_wait3A_91 = tpu.memref_slice %arg6[%dma_wait3A_89, %dma_wait3A_90] : memref<45056x16xf32, #tpu.memory_space<vmem_shared>> -> memref<45056x16xf32, #tpu.memory_space<vmem_shared>>
        tpu.wait_indirect_dma semaphore(%run_scoped3A_75 : memref<!tpu.dma_semaphore, #tpu.memory_space<semaphore_mem>>) src(%dma_wait3A_85 : memref<64x16xf32, #tpu.memory_space<vmem>>) dst(%dma_wait3A_91 : memref<45056x16xf32, #tpu.memory_space<vmem_shared>>)
        tpu.yield
      }) : () -> ()
      %run_scoped3A_63 = arith.constant 21 : i32
      "tpu.region"() ({
        %run_scoped3A_75 = tpu.sem_alloc : memref<!tpu.dma_semaphore, #tpu.memory_space<semaphore_mem>>
        %dma_start3A = arith.constant 1344 : i32
        %dma_start3A_76 = arith.constant 0 : i32
        %dma_start3A_77 = tpu.memref_slice %arg11[%dma_start3A, %dma_start3A_76] : memref<2112x16xf32, #tpu.memory_space<vmem>> -> memref<64x16xf32, #tpu.memory_space<vmem>>
        %dma_start3A_78 = arith.constant 0 : i32
        %dma_start3A_79 = tpu.memref_slice %arg13[%run_scoped3A_63, %dma_start3A_78] : memref<33x64xi32, #tpu.memory_space<vmem>> -> memref<1x64xi32, #tpu.memory_space<vmem>>
        %dma_start3A_80 = tpu.memref_squeeze %dma_start3A_79 : memref<1x64xi32, #tpu.memory_space<vmem>> -> memref<64xi32, #tpu.memory_space<vmem>>
        %dma_start3A_81 = arith.constant 0 : i32
        %dma_start3A_82 = arith.constant 0 : i32
        %dma_start3A_83 = tpu.memref_slice %arg6[%dma_start3A_81, %dma_start3A_82] : memref<45056x16xf32, #tpu.memory_space<vmem_shared>> -> memref<45056x16xf32, #tpu.memory_space<vmem_shared>>
        tpu.enqueue_indirect_dma source(%dma_start3A_77 : memref<64x16xf32, #tpu.memory_space<vmem>>) target(%dma_start3A_83 : memref<45056x16xf32, #tpu.memory_space<vmem_shared>>) offsets(%dma_start3A_80 : memref<64xi32, #tpu.memory_space<vmem>>) semaphore(%run_scoped3A_75 : memref<!tpu.dma_semaphore, #tpu.memory_space<semaphore_mem>>) {add = true}
        %dma_wait3A = arith.constant 1344 : i32
        %dma_wait3A_84 = arith.constant 0 : i32
        %dma_wait3A_85 = tpu.memref_slice %arg11[%dma_wait3A, %dma_wait3A_84] : memref<2112x16xf32, #tpu.memory_space<vmem>> -> memref<64x16xf32, #tpu.memory_space<vmem>>
        %dma_wait3A_86 = arith.constant 0 : i32
        %dma_wait3A_87 = tpu.memref_slice %arg13[%run_scoped3A_63, %dma_wait3A_86] : memref<33x64xi32, #tpu.memory_space<vmem>> -> memref<1x64xi32, #tpu.memory_space<vmem>>
        %dma_wait3A_88 = tpu.memref_squeeze %dma_wait3A_87 : memref<1x64xi32, #tpu.memory_space<vmem>> -> memref<64xi32, #tpu.memory_space<vmem>>
        %dma_wait3A_89 = arith.constant 0 : i32
        %dma_wait3A_90 = arith.constant 0 : i32
        %dma_wait3A_91 = tpu.memref_slice %arg6[%dma_wait3A_89, %dma_wait3A_90] : memref<45056x16xf32, #tpu.memory_space<vmem_shared>> -> memref<45056x16xf32, #tpu.memory_space<vmem_shared>>
        tpu.wait_indirect_dma semaphore(%run_scoped3A_75 : memref<!tpu.dma_semaphore, #tpu.memory_space<semaphore_mem>>) src(%dma_wait3A_85 : memref<64x16xf32, #tpu.memory_space<vmem>>) dst(%dma_wait3A_91 : memref<45056x16xf32, #tpu.memory_space<vmem_shared>>)
        tpu.yield
      }) : () -> ()
      %run_scoped3A_64 = arith.constant 22 : i32
      "tpu.region"() ({
        %run_scoped3A_75 = tpu.sem_alloc : memref<!tpu.dma_semaphore, #tpu.memory_space<semaphore_mem>>
        %dma_start3A = arith.constant 1408 : i32
        %dma_start3A_76 = arith.constant 0 : i32
        %dma_start3A_77 = tpu.memref_slice %arg11[%dma_start3A, %dma_start3A_76] : memref<2112x16xf32, #tpu.memory_space<vmem>> -> memref<64x16xf32, #tpu.memory_space<vmem>>
        %dma_start3A_78 = arith.constant 0 : i32
        %dma_start3A_79 = tpu.memref_slice %arg13[%run_scoped3A_64, %dma_start3A_78] : memref<33x64xi32, #tpu.memory_space<vmem>> -> memref<1x64xi32, #tpu.memory_space<vmem>>
        %dma_start3A_80 = tpu.memref_squeeze %dma_start3A_79 : memref<1x64xi32, #tpu.memory_space<vmem>> -> memref<64xi32, #tpu.memory_space<vmem>>
        %dma_start3A_81 = arith.constant 0 : i32
        %dma_start3A_82 = arith.constant 0 : i32
        %dma_start3A_83 = tpu.memref_slice %arg6[%dma_start3A_81, %dma_start3A_82] : memref<45056x16xf32, #tpu.memory_space<vmem_shared>> -> memref<45056x16xf32, #tpu.memory_space<vmem_shared>>
        tpu.enqueue_indirect_dma source(%dma_start3A_77 : memref<64x16xf32, #tpu.memory_space<vmem>>) target(%dma_start3A_83 : memref<45056x16xf32, #tpu.memory_space<vmem_shared>>) offsets(%dma_start3A_80 : memref<64xi32, #tpu.memory_space<vmem>>) semaphore(%run_scoped3A_75 : memref<!tpu.dma_semaphore, #tpu.memory_space<semaphore_mem>>) {add = true}
        %dma_wait3A = arith.constant 1408 : i32
        %dma_wait3A_84 = arith.constant 0 : i32
        %dma_wait3A_85 = tpu.memref_slice %arg11[%dma_wait3A, %dma_wait3A_84] : memref<2112x16xf32, #tpu.memory_space<vmem>> -> memref<64x16xf32, #tpu.memory_space<vmem>>
        %dma_wait3A_86 = arith.constant 0 : i32
        %dma_wait3A_87 = tpu.memref_slice %arg13[%run_scoped3A_64, %dma_wait3A_86] : memref<33x64xi32, #tpu.memory_space<vmem>> -> memref<1x64xi32, #tpu.memory_space<vmem>>
        %dma_wait3A_88 = tpu.memref_squeeze %dma_wait3A_87 : memref<1x64xi32, #tpu.memory_space<vmem>> -> memref<64xi32, #tpu.memory_space<vmem>>
        %dma_wait3A_89 = arith.constant 0 : i32
        %dma_wait3A_90 = arith.constant 0 : i32
        %dma_wait3A_91 = tpu.memref_slice %arg6[%dma_wait3A_89, %dma_wait3A_90] : memref<45056x16xf32, #tpu.memory_space<vmem_shared>> -> memref<45056x16xf32, #tpu.memory_space<vmem_shared>>
        tpu.wait_indirect_dma semaphore(%run_scoped3A_75 : memref<!tpu.dma_semaphore, #tpu.memory_space<semaphore_mem>>) src(%dma_wait3A_85 : memref<64x16xf32, #tpu.memory_space<vmem>>) dst(%dma_wait3A_91 : memref<45056x16xf32, #tpu.memory_space<vmem_shared>>)
        tpu.yield
      }) : () -> ()
      %run_scoped3A_65 = arith.constant 23 : i32
      "tpu.region"() ({
        %run_scoped3A_75 = tpu.sem_alloc : memref<!tpu.dma_semaphore, #tpu.memory_space<semaphore_mem>>
        %dma_start3A = arith.constant 1472 : i32
        %dma_start3A_76 = arith.constant 0 : i32
        %dma_start3A_77 = tpu.memref_slice %arg11[%dma_start3A, %dma_start3A_76] : memref<2112x16xf32, #tpu.memory_space<vmem>> -> memref<64x16xf32, #tpu.memory_space<vmem>>
        %dma_start3A_78 = arith.constant 0 : i32
        %dma_start3A_79 = tpu.memref_slice %arg13[%run_scoped3A_65, %dma_start3A_78] : memref<33x64xi32, #tpu.memory_space<vmem>> -> memref<1x64xi32, #tpu.memory_space<vmem>>
        %dma_start3A_80 = tpu.memref_squeeze %dma_start3A_79 : memref<1x64xi32, #tpu.memory_space<vmem>> -> memref<64xi32, #tpu.memory_space<vmem>>
        %dma_start3A_81 = arith.constant 0 : i32
        %dma_start3A_82 = arith.constant 0 : i32
        %dma_start3A_83 = tpu.memref_slice %arg6[%dma_start3A_81, %dma_start3A_82] : memref<45056x16xf32, #tpu.memory_space<vmem_shared>> -> memref<45056x16xf32, #tpu.memory_space<vmem_shared>>
        tpu.enqueue_indirect_dma source(%dma_start3A_77 : memref<64x16xf32, #tpu.memory_space<vmem>>) target(%dma_start3A_83 : memref<45056x16xf32, #tpu.memory_space<vmem_shared>>) offsets(%dma_start3A_80 : memref<64xi32, #tpu.memory_space<vmem>>) semaphore(%run_scoped3A_75 : memref<!tpu.dma_semaphore, #tpu.memory_space<semaphore_mem>>) {add = true}
        %dma_wait3A = arith.constant 1472 : i32
        %dma_wait3A_84 = arith.constant 0 : i32
        %dma_wait3A_85 = tpu.memref_slice %arg11[%dma_wait3A, %dma_wait3A_84] : memref<2112x16xf32, #tpu.memory_space<vmem>> -> memref<64x16xf32, #tpu.memory_space<vmem>>
        %dma_wait3A_86 = arith.constant 0 : i32
        %dma_wait3A_87 = tpu.memref_slice %arg13[%run_scoped3A_65, %dma_wait3A_86] : memref<33x64xi32, #tpu.memory_space<vmem>> -> memref<1x64xi32, #tpu.memory_space<vmem>>
        %dma_wait3A_88 = tpu.memref_squeeze %dma_wait3A_87 : memref<1x64xi32, #tpu.memory_space<vmem>> -> memref<64xi32, #tpu.memory_space<vmem>>
        %dma_wait3A_89 = arith.constant 0 : i32
        %dma_wait3A_90 = arith.constant 0 : i32
        %dma_wait3A_91 = tpu.memref_slice %arg6[%dma_wait3A_89, %dma_wait3A_90] : memref<45056x16xf32, #tpu.memory_space<vmem_shared>> -> memref<45056x16xf32, #tpu.memory_space<vmem_shared>>
        tpu.wait_indirect_dma semaphore(%run_scoped3A_75 : memref<!tpu.dma_semaphore, #tpu.memory_space<semaphore_mem>>) src(%dma_wait3A_85 : memref<64x16xf32, #tpu.memory_space<vmem>>) dst(%dma_wait3A_91 : memref<45056x16xf32, #tpu.memory_space<vmem_shared>>)
        tpu.yield
      }) : () -> ()
      %run_scoped3A_66 = arith.constant 24 : i32
      "tpu.region"() ({
        %run_scoped3A_75 = tpu.sem_alloc : memref<!tpu.dma_semaphore, #tpu.memory_space<semaphore_mem>>
        %dma_start3A = arith.constant 1536 : i32
        %dma_start3A_76 = arith.constant 0 : i32
        %dma_start3A_77 = tpu.memref_slice %arg11[%dma_start3A, %dma_start3A_76] : memref<2112x16xf32, #tpu.memory_space<vmem>> -> memref<64x16xf32, #tpu.memory_space<vmem>>
        %dma_start3A_78 = arith.constant 0 : i32
        %dma_start3A_79 = tpu.memref_slice %arg13[%run_scoped3A_66, %dma_start3A_78] : memref<33x64xi32, #tpu.memory_space<vmem>> -> memref<1x64xi32, #tpu.memory_space<vmem>>
        %dma_start3A_80 = tpu.memref_squeeze %dma_start3A_79 : memref<1x64xi32, #tpu.memory_space<vmem>> -> memref<64xi32, #tpu.memory_space<vmem>>
        %dma_start3A_81 = arith.constant 0 : i32
        %dma_start3A_82 = arith.constant 0 : i32
        %dma_start3A_83 = tpu.memref_slice %arg6[%dma_start3A_81, %dma_start3A_82] : memref<45056x16xf32, #tpu.memory_space<vmem_shared>> -> memref<45056x16xf32, #tpu.memory_space<vmem_shared>>
        tpu.enqueue_indirect_dma source(%dma_start3A_77 : memref<64x16xf32, #tpu.memory_space<vmem>>) target(%dma_start3A_83 : memref<45056x16xf32, #tpu.memory_space<vmem_shared>>) offsets(%dma_start3A_80 : memref<64xi32, #tpu.memory_space<vmem>>) semaphore(%run_scoped3A_75 : memref<!tpu.dma_semaphore, #tpu.memory_space<semaphore_mem>>) {add = true}
        %dma_wait3A = arith.constant 1536 : i32
        %dma_wait3A_84 = arith.constant 0 : i32
        %dma_wait3A_85 = tpu.memref_slice %arg11[%dma_wait3A, %dma_wait3A_84] : memref<2112x16xf32, #tpu.memory_space<vmem>> -> memref<64x16xf32, #tpu.memory_space<vmem>>
        %dma_wait3A_86 = arith.constant 0 : i32
        %dma_wait3A_87 = tpu.memref_slice %arg13[%run_scoped3A_66, %dma_wait3A_86] : memref<33x64xi32, #tpu.memory_space<vmem>> -> memref<1x64xi32, #tpu.memory_space<vmem>>
        %dma_wait3A_88 = tpu.memref_squeeze %dma_wait3A_87 : memref<1x64xi32, #tpu.memory_space<vmem>> -> memref<64xi32, #tpu.memory_space<vmem>>
        %dma_wait3A_89 = arith.constant 0 : i32
        %dma_wait3A_90 = arith.constant 0 : i32
        %dma_wait3A_91 = tpu.memref_slice %arg6[%dma_wait3A_89, %dma_wait3A_90] : memref<45056x16xf32, #tpu.memory_space<vmem_shared>> -> memref<45056x16xf32, #tpu.memory_space<vmem_shared>>
        tpu.wait_indirect_dma semaphore(%run_scoped3A_75 : memref<!tpu.dma_semaphore, #tpu.memory_space<semaphore_mem>>) src(%dma_wait3A_85 : memref<64x16xf32, #tpu.memory_space<vmem>>) dst(%dma_wait3A_91 : memref<45056x16xf32, #tpu.memory_space<vmem_shared>>)
        tpu.yield
      }) : () -> ()
      %run_scoped3A_67 = arith.constant 25 : i32
      "tpu.region"() ({
        %run_scoped3A_75 = tpu.sem_alloc : memref<!tpu.dma_semaphore, #tpu.memory_space<semaphore_mem>>
        %dma_start3A = arith.constant 1600 : i32
        %dma_start3A_76 = arith.constant 0 : i32
        %dma_start3A_77 = tpu.memref_slice %arg11[%dma_start3A, %dma_start3A_76] : memref<2112x16xf32, #tpu.memory_space<vmem>> -> memref<64x16xf32, #tpu.memory_space<vmem>>
        %dma_start3A_78 = arith.constant 0 : i32
        %dma_start3A_79 = tpu.memref_slice %arg13[%run_scoped3A_67, %dma_start3A_78] : memref<33x64xi32, #tpu.memory_space<vmem>> -> memref<1x64xi32, #tpu.memory_space<vmem>>
        %dma_start3A_80 = tpu.memref_squeeze %dma_start3A_79 : memref<1x64xi32, #tpu.memory_space<vmem>> -> memref<64xi32, #tpu.memory_space<vmem>>
        %dma_start3A_81 = arith.constant 0 : i32
        %dma_start3A_82 = arith.constant 0 : i32
        %dma_start3A_83 = tpu.memref_slice %arg6[%dma_start3A_81, %dma_start3A_82] : memref<45056x16xf32, #tpu.memory_space<vmem_shared>> -> memref<45056x16xf32, #tpu.memory_space<vmem_shared>>
        tpu.enqueue_indirect_dma source(%dma_start3A_77 : memref<64x16xf32, #tpu.memory_space<vmem>>) target(%dma_start3A_83 : memref<45056x16xf32, #tpu.memory_space<vmem_shared>>) offsets(%dma_start3A_80 : memref<64xi32, #tpu.memory_space<vmem>>) semaphore(%run_scoped3A_75 : memref<!tpu.dma_semaphore, #tpu.memory_space<semaphore_mem>>) {add = true}
        %dma_wait3A = arith.constant 1600 : i32
        %dma_wait3A_84 = arith.constant 0 : i32
        %dma_wait3A_85 = tpu.memref_slice %arg11[%dma_wait3A, %dma_wait3A_84] : memref<2112x16xf32, #tpu.memory_space<vmem>> -> memref<64x16xf32, #tpu.memory_space<vmem>>
        %dma_wait3A_86 = arith.constant 0 : i32
        %dma_wait3A_87 = tpu.memref_slice %arg13[%run_scoped3A_67, %dma_wait3A_86] : memref<33x64xi32, #tpu.memory_space<vmem>> -> memref<1x64xi32, #tpu.memory_space<vmem>>
        %dma_wait3A_88 = tpu.memref_squeeze %dma_wait3A_87 : memref<1x64xi32, #tpu.memory_space<vmem>> -> memref<64xi32, #tpu.memory_space<vmem>>
        %dma_wait3A_89 = arith.constant 0 : i32
        %dma_wait3A_90 = arith.constant 0 : i32
        %dma_wait3A_91 = tpu.memref_slice %arg6[%dma_wait3A_89, %dma_wait3A_90] : memref<45056x16xf32, #tpu.memory_space<vmem_shared>> -> memref<45056x16xf32, #tpu.memory_space<vmem_shared>>
        tpu.wait_indirect_dma semaphore(%run_scoped3A_75 : memref<!tpu.dma_semaphore, #tpu.memory_space<semaphore_mem>>) src(%dma_wait3A_85 : memref<64x16xf32, #tpu.memory_space<vmem>>) dst(%dma_wait3A_91 : memref<45056x16xf32, #tpu.memory_space<vmem_shared>>)
        tpu.yield
      }) : () -> ()
      %run_scoped3A_68 = arith.constant 26 : i32
      "tpu.region"() ({
        %run_scoped3A_75 = tpu.sem_alloc : memref<!tpu.dma_semaphore, #tpu.memory_space<semaphore_mem>>
        %dma_start3A = arith.constant 1664 : i32
        %dma_start3A_76 = arith.constant 0 : i32
        %dma_start3A_77 = tpu.memref_slice %arg11[%dma_start3A, %dma_start3A_76] : memref<2112x16xf32, #tpu.memory_space<vmem>> -> memref<64x16xf32, #tpu.memory_space<vmem>>
        %dma_start3A_78 = arith.constant 0 : i32
        %dma_start3A_79 = tpu.memref_slice %arg13[%run_scoped3A_68, %dma_start3A_78] : memref<33x64xi32, #tpu.memory_space<vmem>> -> memref<1x64xi32, #tpu.memory_space<vmem>>
        %dma_start3A_80 = tpu.memref_squeeze %dma_start3A_79 : memref<1x64xi32, #tpu.memory_space<vmem>> -> memref<64xi32, #tpu.memory_space<vmem>>
        %dma_start3A_81 = arith.constant 0 : i32
        %dma_start3A_82 = arith.constant 0 : i32
        %dma_start3A_83 = tpu.memref_slice %arg6[%dma_start3A_81, %dma_start3A_82] : memref<45056x16xf32, #tpu.memory_space<vmem_shared>> -> memref<45056x16xf32, #tpu.memory_space<vmem_shared>>
        tpu.enqueue_indirect_dma source(%dma_start3A_77 : memref<64x16xf32, #tpu.memory_space<vmem>>) target(%dma_start3A_83 : memref<45056x16xf32, #tpu.memory_space<vmem_shared>>) offsets(%dma_start3A_80 : memref<64xi32, #tpu.memory_space<vmem>>) semaphore(%run_scoped3A_75 : memref<!tpu.dma_semaphore, #tpu.memory_space<semaphore_mem>>) {add = true}
        %dma_wait3A = arith.constant 1664 : i32
        %dma_wait3A_84 = arith.constant 0 : i32
        %dma_wait3A_85 = tpu.memref_slice %arg11[%dma_wait3A, %dma_wait3A_84] : memref<2112x16xf32, #tpu.memory_space<vmem>> -> memref<64x16xf32, #tpu.memory_space<vmem>>
        %dma_wait3A_86 = arith.constant 0 : i32
        %dma_wait3A_87 = tpu.memref_slice %arg13[%run_scoped3A_68, %dma_wait3A_86] : memref<33x64xi32, #tpu.memory_space<vmem>> -> memref<1x64xi32, #tpu.memory_space<vmem>>
        %dma_wait3A_88 = tpu.memref_squeeze %dma_wait3A_87 : memref<1x64xi32, #tpu.memory_space<vmem>> -> memref<64xi32, #tpu.memory_space<vmem>>
        %dma_wait3A_89 = arith.constant 0 : i32
        %dma_wait3A_90 = arith.constant 0 : i32
        %dma_wait3A_91 = tpu.memref_slice %arg6[%dma_wait3A_89, %dma_wait3A_90] : memref<45056x16xf32, #tpu.memory_space<vmem_shared>> -> memref<45056x16xf32, #tpu.memory_space<vmem_shared>>
        tpu.wait_indirect_dma semaphore(%run_scoped3A_75 : memref<!tpu.dma_semaphore, #tpu.memory_space<semaphore_mem>>) src(%dma_wait3A_85 : memref<64x16xf32, #tpu.memory_space<vmem>>) dst(%dma_wait3A_91 : memref<45056x16xf32, #tpu.memory_space<vmem_shared>>)
        tpu.yield
      }) : () -> ()
      %run_scoped3A_69 = arith.constant 27 : i32
      "tpu.region"() ({
        %run_scoped3A_75 = tpu.sem_alloc : memref<!tpu.dma_semaphore, #tpu.memory_space<semaphore_mem>>
        %dma_start3A = arith.constant 1728 : i32
        %dma_start3A_76 = arith.constant 0 : i32
        %dma_start3A_77 = tpu.memref_slice %arg11[%dma_start3A, %dma_start3A_76] : memref<2112x16xf32, #tpu.memory_space<vmem>> -> memref<64x16xf32, #tpu.memory_space<vmem>>
        %dma_start3A_78 = arith.constant 0 : i32
        %dma_start3A_79 = tpu.memref_slice %arg13[%run_scoped3A_69, %dma_start3A_78] : memref<33x64xi32, #tpu.memory_space<vmem>> -> memref<1x64xi32, #tpu.memory_space<vmem>>
        %dma_start3A_80 = tpu.memref_squeeze %dma_start3A_79 : memref<1x64xi32, #tpu.memory_space<vmem>> -> memref<64xi32, #tpu.memory_space<vmem>>
        %dma_start3A_81 = arith.constant 0 : i32
        %dma_start3A_82 = arith.constant 0 : i32
        %dma_start3A_83 = tpu.memref_slice %arg6[%dma_start3A_81, %dma_start3A_82] : memref<45056x16xf32, #tpu.memory_space<vmem_shared>> -> memref<45056x16xf32, #tpu.memory_space<vmem_shared>>
        tpu.enqueue_indirect_dma source(%dma_start3A_77 : memref<64x16xf32, #tpu.memory_space<vmem>>) target(%dma_start3A_83 : memref<45056x16xf32, #tpu.memory_space<vmem_shared>>) offsets(%dma_start3A_80 : memref<64xi32, #tpu.memory_space<vmem>>) semaphore(%run_scoped3A_75 : memref<!tpu.dma_semaphore, #tpu.memory_space<semaphore_mem>>) {add = true}
        %dma_wait3A = arith.constant 1728 : i32
        %dma_wait3A_84 = arith.constant 0 : i32
        %dma_wait3A_85 = tpu.memref_slice %arg11[%dma_wait3A, %dma_wait3A_84] : memref<2112x16xf32, #tpu.memory_space<vmem>> -> memref<64x16xf32, #tpu.memory_space<vmem>>
        %dma_wait3A_86 = arith.constant 0 : i32
        %dma_wait3A_87 = tpu.memref_slice %arg13[%run_scoped3A_69, %dma_wait3A_86] : memref<33x64xi32, #tpu.memory_space<vmem>> -> memref<1x64xi32, #tpu.memory_space<vmem>>
        %dma_wait3A_88 = tpu.memref_squeeze %dma_wait3A_87 : memref<1x64xi32, #tpu.memory_space<vmem>> -> memref<64xi32, #tpu.memory_space<vmem>>
        %dma_wait3A_89 = arith.constant 0 : i32
        %dma_wait3A_90 = arith.constant 0 : i32
        %dma_wait3A_91 = tpu.memref_slice %arg6[%dma_wait3A_89, %dma_wait3A_90] : memref<45056x16xf32, #tpu.memory_space<vmem_shared>> -> memref<45056x16xf32, #tpu.memory_space<vmem_shared>>
        tpu.wait_indirect_dma semaphore(%run_scoped3A_75 : memref<!tpu.dma_semaphore, #tpu.memory_space<semaphore_mem>>) src(%dma_wait3A_85 : memref<64x16xf32, #tpu.memory_space<vmem>>) dst(%dma_wait3A_91 : memref<45056x16xf32, #tpu.memory_space<vmem_shared>>)
        tpu.yield
      }) : () -> ()
      %run_scoped3A_70 = arith.constant 28 : i32
      "tpu.region"() ({
        %run_scoped3A_75 = tpu.sem_alloc : memref<!tpu.dma_semaphore, #tpu.memory_space<semaphore_mem>>
        %dma_start3A = arith.constant 1792 : i32
        %dma_start3A_76 = arith.constant 0 : i32
        %dma_start3A_77 = tpu.memref_slice %arg11[%dma_start3A, %dma_start3A_76] : memref<2112x16xf32, #tpu.memory_space<vmem>> -> memref<64x16xf32, #tpu.memory_space<vmem>>
        %dma_start3A_78 = arith.constant 0 : i32
        %dma_start3A_79 = tpu.memref_slice %arg13[%run_scoped3A_70, %dma_start3A_78] : memref<33x64xi32, #tpu.memory_space<vmem>> -> memref<1x64xi32, #tpu.memory_space<vmem>>
        %dma_start3A_80 = tpu.memref_squeeze %dma_start3A_79 : memref<1x64xi32, #tpu.memory_space<vmem>> -> memref<64xi32, #tpu.memory_space<vmem>>
        %dma_start3A_81 = arith.constant 0 : i32
        %dma_start3A_82 = arith.constant 0 : i32
        %dma_start3A_83 = tpu.memref_slice %arg6[%dma_start3A_81, %dma_start3A_82] : memref<45056x16xf32, #tpu.memory_space<vmem_shared>> -> memref<45056x16xf32, #tpu.memory_space<vmem_shared>>
        tpu.enqueue_indirect_dma source(%dma_start3A_77 : memref<64x16xf32, #tpu.memory_space<vmem>>) target(%dma_start3A_83 : memref<45056x16xf32, #tpu.memory_space<vmem_shared>>) offsets(%dma_start3A_80 : memref<64xi32, #tpu.memory_space<vmem>>) semaphore(%run_scoped3A_75 : memref<!tpu.dma_semaphore, #tpu.memory_space<semaphore_mem>>) {add = true}
        %dma_wait3A = arith.constant 1792 : i32
        %dma_wait3A_84 = arith.constant 0 : i32
        %dma_wait3A_85 = tpu.memref_slice %arg11[%dma_wait3A, %dma_wait3A_84] : memref<2112x16xf32, #tpu.memory_space<vmem>> -> memref<64x16xf32, #tpu.memory_space<vmem>>
        %dma_wait3A_86 = arith.constant 0 : i32
        %dma_wait3A_87 = tpu.memref_slice %arg13[%run_scoped3A_70, %dma_wait3A_86] : memref<33x64xi32, #tpu.memory_space<vmem>> -> memref<1x64xi32, #tpu.memory_space<vmem>>
        %dma_wait3A_88 = tpu.memref_squeeze %dma_wait3A_87 : memref<1x64xi32, #tpu.memory_space<vmem>> -> memref<64xi32, #tpu.memory_space<vmem>>
        %dma_wait3A_89 = arith.constant 0 : i32
        %dma_wait3A_90 = arith.constant 0 : i32
        %dma_wait3A_91 = tpu.memref_slice %arg6[%dma_wait3A_89, %dma_wait3A_90] : memref<45056x16xf32, #tpu.memory_space<vmem_shared>> -> memref<45056x16xf32, #tpu.memory_space<vmem_shared>>
        tpu.wait_indirect_dma semaphore(%run_scoped3A_75 : memref<!tpu.dma_semaphore, #tpu.memory_space<semaphore_mem>>) src(%dma_wait3A_85 : memref<64x16xf32, #tpu.memory_space<vmem>>) dst(%dma_wait3A_91 : memref<45056x16xf32, #tpu.memory_space<vmem_shared>>)
        tpu.yield
      }) : () -> ()
      %run_scoped3A_71 = arith.constant 29 : i32
      "tpu.region"() ({
        %run_scoped3A_75 = tpu.sem_alloc : memref<!tpu.dma_semaphore, #tpu.memory_space<semaphore_mem>>
        %dma_start3A = arith.constant 1856 : i32
        %dma_start3A_76 = arith.constant 0 : i32
        %dma_start3A_77 = tpu.memref_slice %arg11[%dma_start3A, %dma_start3A_76] : memref<2112x16xf32, #tpu.memory_space<vmem>> -> memref<64x16xf32, #tpu.memory_space<vmem>>
        %dma_start3A_78 = arith.constant 0 : i32
        %dma_start3A_79 = tpu.memref_slice %arg13[%run_scoped3A_71, %dma_start3A_78] : memref<33x64xi32, #tpu.memory_space<vmem>> -> memref<1x64xi32, #tpu.memory_space<vmem>>
        %dma_start3A_80 = tpu.memref_squeeze %dma_start3A_79 : memref<1x64xi32, #tpu.memory_space<vmem>> -> memref<64xi32, #tpu.memory_space<vmem>>
        %dma_start3A_81 = arith.constant 0 : i32
        %dma_start3A_82 = arith.constant 0 : i32
        %dma_start3A_83 = tpu.memref_slice %arg6[%dma_start3A_81, %dma_start3A_82] : memref<45056x16xf32, #tpu.memory_space<vmem_shared>> -> memref<45056x16xf32, #tpu.memory_space<vmem_shared>>
        tpu.enqueue_indirect_dma source(%dma_start3A_77 : memref<64x16xf32, #tpu.memory_space<vmem>>) target(%dma_start3A_83 : memref<45056x16xf32, #tpu.memory_space<vmem_shared>>) offsets(%dma_start3A_80 : memref<64xi32, #tpu.memory_space<vmem>>) semaphore(%run_scoped3A_75 : memref<!tpu.dma_semaphore, #tpu.memory_space<semaphore_mem>>) {add = true}
        %dma_wait3A = arith.constant 1856 : i32
        %dma_wait3A_84 = arith.constant 0 : i32
        %dma_wait3A_85 = tpu.memref_slice %arg11[%dma_wait3A, %dma_wait3A_84] : memref<2112x16xf32, #tpu.memory_space<vmem>> -> memref<64x16xf32, #tpu.memory_space<vmem>>
        %dma_wait3A_86 = arith.constant 0 : i32
        %dma_wait3A_87 = tpu.memref_slice %arg13[%run_scoped3A_71, %dma_wait3A_86] : memref<33x64xi32, #tpu.memory_space<vmem>> -> memref<1x64xi32, #tpu.memory_space<vmem>>
        %dma_wait3A_88 = tpu.memref_squeeze %dma_wait3A_87 : memref<1x64xi32, #tpu.memory_space<vmem>> -> memref<64xi32, #tpu.memory_space<vmem>>
        %dma_wait3A_89 = arith.constant 0 : i32
        %dma_wait3A_90 = arith.constant 0 : i32
        %dma_wait3A_91 = tpu.memref_slice %arg6[%dma_wait3A_89, %dma_wait3A_90] : memref<45056x16xf32, #tpu.memory_space<vmem_shared>> -> memref<45056x16xf32, #tpu.memory_space<vmem_shared>>
        tpu.wait_indirect_dma semaphore(%run_scoped3A_75 : memref<!tpu.dma_semaphore, #tpu.memory_space<semaphore_mem>>) src(%dma_wait3A_85 : memref<64x16xf32, #tpu.memory_space<vmem>>) dst(%dma_wait3A_91 : memref<45056x16xf32, #tpu.memory_space<vmem_shared>>)
        tpu.yield
      }) : () -> ()
      %run_scoped3A_72 = arith.constant 30 : i32
      "tpu.region"() ({
        %run_scoped3A_75 = tpu.sem_alloc : memref<!tpu.dma_semaphore, #tpu.memory_space<semaphore_mem>>
        %dma_start3A = arith.constant 1920 : i32
        %dma_start3A_76 = arith.constant 0 : i32
        %dma_start3A_77 = tpu.memref_slice %arg11[%dma_start3A, %dma_start3A_76] : memref<2112x16xf32, #tpu.memory_space<vmem>> -> memref<64x16xf32, #tpu.memory_space<vmem>>
        %dma_start3A_78 = arith.constant 0 : i32
        %dma_start3A_79 = tpu.memref_slice %arg13[%run_scoped3A_72, %dma_start3A_78] : memref<33x64xi32, #tpu.memory_space<vmem>> -> memref<1x64xi32, #tpu.memory_space<vmem>>
        %dma_start3A_80 = tpu.memref_squeeze %dma_start3A_79 : memref<1x64xi32, #tpu.memory_space<vmem>> -> memref<64xi32, #tpu.memory_space<vmem>>
        %dma_start3A_81 = arith.constant 0 : i32
        %dma_start3A_82 = arith.constant 0 : i32
        %dma_start3A_83 = tpu.memref_slice %arg6[%dma_start3A_81, %dma_start3A_82] : memref<45056x16xf32, #tpu.memory_space<vmem_shared>> -> memref<45056x16xf32, #tpu.memory_space<vmem_shared>>
        tpu.enqueue_indirect_dma source(%dma_start3A_77 : memref<64x16xf32, #tpu.memory_space<vmem>>) target(%dma_start3A_83 : memref<45056x16xf32, #tpu.memory_space<vmem_shared>>) offsets(%dma_start3A_80 : memref<64xi32, #tpu.memory_space<vmem>>) semaphore(%run_scoped3A_75 : memref<!tpu.dma_semaphore, #tpu.memory_space<semaphore_mem>>) {add = true}
        %dma_wait3A = arith.constant 1920 : i32
        %dma_wait3A_84 = arith.constant 0 : i32
        %dma_wait3A_85 = tpu.memref_slice %arg11[%dma_wait3A, %dma_wait3A_84] : memref<2112x16xf32, #tpu.memory_space<vmem>> -> memref<64x16xf32, #tpu.memory_space<vmem>>
        %dma_wait3A_86 = arith.constant 0 : i32
        %dma_wait3A_87 = tpu.memref_slice %arg13[%run_scoped3A_72, %dma_wait3A_86] : memref<33x64xi32, #tpu.memory_space<vmem>> -> memref<1x64xi32, #tpu.memory_space<vmem>>
        %dma_wait3A_88 = tpu.memref_squeeze %dma_wait3A_87 : memref<1x64xi32, #tpu.memory_space<vmem>> -> memref<64xi32, #tpu.memory_space<vmem>>
        %dma_wait3A_89 = arith.constant 0 : i32
        %dma_wait3A_90 = arith.constant 0 : i32
        %dma_wait3A_91 = tpu.memref_slice %arg6[%dma_wait3A_89, %dma_wait3A_90] : memref<45056x16xf32, #tpu.memory_space<vmem_shared>> -> memref<45056x16xf32, #tpu.memory_space<vmem_shared>>
        tpu.wait_indirect_dma semaphore(%run_scoped3A_75 : memref<!tpu.dma_semaphore, #tpu.memory_space<semaphore_mem>>) src(%dma_wait3A_85 : memref<64x16xf32, #tpu.memory_space<vmem>>) dst(%dma_wait3A_91 : memref<45056x16xf32, #tpu.memory_space<vmem_shared>>)
        tpu.yield
      }) : () -> ()
      %run_scoped3A_73 = arith.constant 31 : i32
      "tpu.region"() ({
        %run_scoped3A_75 = tpu.sem_alloc : memref<!tpu.dma_semaphore, #tpu.memory_space<semaphore_mem>>
        %dma_start3A = arith.constant 1984 : i32
        %dma_start3A_76 = arith.constant 0 : i32
        %dma_start3A_77 = tpu.memref_slice %arg11[%dma_start3A, %dma_start3A_76] : memref<2112x16xf32, #tpu.memory_space<vmem>> -> memref<64x16xf32, #tpu.memory_space<vmem>>
        %dma_start3A_78 = arith.constant 0 : i32
        %dma_start3A_79 = tpu.memref_slice %arg13[%run_scoped3A_73, %dma_start3A_78] : memref<33x64xi32, #tpu.memory_space<vmem>> -> memref<1x64xi32, #tpu.memory_space<vmem>>
        %dma_start3A_80 = tpu.memref_squeeze %dma_start3A_79 : memref<1x64xi32, #tpu.memory_space<vmem>> -> memref<64xi32, #tpu.memory_space<vmem>>
        %dma_start3A_81 = arith.constant 0 : i32
        %dma_start3A_82 = arith.constant 0 : i32
        %dma_start3A_83 = tpu.memref_slice %arg6[%dma_start3A_81, %dma_start3A_82] : memref<45056x16xf32, #tpu.memory_space<vmem_shared>> -> memref<45056x16xf32, #tpu.memory_space<vmem_shared>>
        tpu.enqueue_indirect_dma source(%dma_start3A_77 : memref<64x16xf32, #tpu.memory_space<vmem>>) target(%dma_start3A_83 : memref<45056x16xf32, #tpu.memory_space<vmem_shared>>) offsets(%dma_start3A_80 : memref<64xi32, #tpu.memory_space<vmem>>) semaphore(%run_scoped3A_75 : memref<!tpu.dma_semaphore, #tpu.memory_space<semaphore_mem>>) {add = true}
        %dma_wait3A = arith.constant 1984 : i32
        %dma_wait3A_84 = arith.constant 0 : i32
        %dma_wait3A_85 = tpu.memref_slice %arg11[%dma_wait3A, %dma_wait3A_84] : memref<2112x16xf32, #tpu.memory_space<vmem>> -> memref<64x16xf32, #tpu.memory_space<vmem>>
        %dma_wait3A_86 = arith.constant 0 : i32
        %dma_wait3A_87 = tpu.memref_slice %arg13[%run_scoped3A_73, %dma_wait3A_86] : memref<33x64xi32, #tpu.memory_space<vmem>> -> memref<1x64xi32, #tpu.memory_space<vmem>>
        %dma_wait3A_88 = tpu.memref_squeeze %dma_wait3A_87 : memref<1x64xi32, #tpu.memory_space<vmem>> -> memref<64xi32, #tpu.memory_space<vmem>>
        %dma_wait3A_89 = arith.constant 0 : i32
        %dma_wait3A_90 = arith.constant 0 : i32
        %dma_wait3A_91 = tpu.memref_slice %arg6[%dma_wait3A_89, %dma_wait3A_90] : memref<45056x16xf32, #tpu.memory_space<vmem_shared>> -> memref<45056x16xf32, #tpu.memory_space<vmem_shared>>
        tpu.wait_indirect_dma semaphore(%run_scoped3A_75 : memref<!tpu.dma_semaphore, #tpu.memory_space<semaphore_mem>>) src(%dma_wait3A_85 : memref<64x16xf32, #tpu.memory_space<vmem>>) dst(%dma_wait3A_91 : memref<45056x16xf32, #tpu.memory_space<vmem_shared>>)
        tpu.yield
      }) : () -> ()
      %run_scoped3A_74 = arith.constant 32 : i32
      "tpu.region"() ({
        %run_scoped3A_75 = tpu.sem_alloc : memref<!tpu.dma_semaphore, #tpu.memory_space<semaphore_mem>>
        %dma_start3A = arith.constant 2048 : i32
        %dma_start3A_76 = arith.constant 0 : i32
        %dma_start3A_77 = tpu.memref_slice %arg11[%dma_start3A, %dma_start3A_76] : memref<2112x16xf32, #tpu.memory_space<vmem>> -> memref<64x16xf32, #tpu.memory_space<vmem>>
        %dma_start3A_78 = arith.constant 0 : i32
        %dma_start3A_79 = tpu.memref_slice %arg13[%run_scoped3A_74, %dma_start3A_78] : memref<33x64xi32, #tpu.memory_space<vmem>> -> memref<1x64xi32, #tpu.memory_space<vmem>>
        %dma_start3A_80 = tpu.memref_squeeze %dma_start3A_79 : memref<1x64xi32, #tpu.memory_space<vmem>> -> memref<64xi32, #tpu.memory_space<vmem>>
        %dma_start3A_81 = arith.constant 0 : i32
        %dma_start3A_82 = arith.constant 0 : i32
        %dma_start3A_83 = tpu.memref_slice %arg6[%dma_start3A_81, %dma_start3A_82] : memref<45056x16xf32, #tpu.memory_space<vmem_shared>> -> memref<45056x16xf32, #tpu.memory_space<vmem_shared>>
        tpu.enqueue_indirect_dma source(%dma_start3A_77 : memref<64x16xf32, #tpu.memory_space<vmem>>) target(%dma_start3A_83 : memref<45056x16xf32, #tpu.memory_space<vmem_shared>>) offsets(%dma_start3A_80 : memref<64xi32, #tpu.memory_space<vmem>>) semaphore(%run_scoped3A_75 : memref<!tpu.dma_semaphore, #tpu.memory_space<semaphore_mem>>) {add = true}
        %dma_wait3A = arith.constant 2048 : i32
        %dma_wait3A_84 = arith.constant 0 : i32
        %dma_wait3A_85 = tpu.memref_slice %arg11[%dma_wait3A, %dma_wait3A_84] : memref<2112x16xf32, #tpu.memory_space<vmem>> -> memref<64x16xf32, #tpu.memory_space<vmem>>
        %dma_wait3A_86 = arith.constant 0 : i32
        %dma_wait3A_87 = tpu.memref_slice %arg13[%run_scoped3A_74, %dma_wait3A_86] : memref<33x64xi32, #tpu.memory_space<vmem>> -> memref<1x64xi32, #tpu.memory_space<vmem>>
        %dma_wait3A_88 = tpu.memref_squeeze %dma_wait3A_87 : memref<1x64xi32, #tpu.memory_space<vmem>> -> memref<64xi32, #tpu.memory_space<vmem>>
        %dma_wait3A_89 = arith.constant 0 : i32
        %dma_wait3A_90 = arith.constant 0 : i32
        %dma_wait3A_91 = tpu.memref_slice %arg6[%dma_wait3A_89, %dma_wait3A_90] : memref<45056x16xf32, #tpu.memory_space<vmem_shared>> -> memref<45056x16xf32, #tpu.memory_space<vmem_shared>>
        tpu.wait_indirect_dma semaphore(%run_scoped3A_75 : memref<!tpu.dma_semaphore, #tpu.memory_space<semaphore_mem>>) src(%dma_wait3A_85 : memref<64x16xf32, #tpu.memory_space<vmem>>) dst(%dma_wait3A_91 : memref<45056x16xf32, #tpu.memory_space<vmem_shared>>)
        tpu.yield
      }) : () -> ()
    }
    %scan3A_25 = arith.constant 22 : i32
    %barrier3A_26 = arith.constant 0 : index
    tpu.barrier barrier_id(%barrier3A_26)
    "tpu.region"() ({
      %run_scoped3A = tpu.sem_alloc : memref<!tpu.dma_semaphore, #tpu.memory_space<semaphore_mem>>
      %dma_start3A = arith.constant 0 : i32
      %dma_start3A_27 = tpu.memref_slice %arg5[%arg0, %mul3A_7, %dma_start3A] : memref<2x45056x16xf32, #tpu.memory_space<hbm>> -> memref<1x2816x16xf32, #tpu.memory_space<hbm>>
      %dma_start3A_28 = tpu.memref_squeeze %dma_start3A_27 : memref<1x2816x16xf32, #tpu.memory_space<hbm>> -> memref<2816x16xf32, #tpu.memory_space<hbm>>
      %dma_start3A_29 = arith.constant 0 : i32
      %dma_start3A_30 = tpu.memref_slice %arg6[%mul3A_7, %dma_start3A_29] : memref<45056x16xf32, #tpu.memory_space<vmem_shared>> -> memref<2816x16xf32, #tpu.memory_space<vmem_shared>>
      tpu.enqueue_dma source(%dma_start3A_30 : memref<2816x16xf32, #tpu.memory_space<vmem_shared>>) target(%dma_start3A_28 : memref<2816x16xf32, #tpu.memory_space<hbm>>) target_semaphore(%run_scoped3A : memref<!tpu.dma_semaphore, #tpu.memory_space<semaphore_mem>>)
      %dma_wait3A = arith.constant 0 : i32
      %dma_wait3A_31 = tpu.memref_slice %arg5[%arg0, %mul3A_7, %dma_wait3A] : memref<2x45056x16xf32, #tpu.memory_space<hbm>> -> memref<1x2816x16xf32, #tpu.memory_space<hbm>>
      %dma_wait3A_32 = tpu.memref_squeeze %dma_wait3A_31 : memref<1x2816x16xf32, #tpu.memory_space<hbm>> -> memref<2816x16xf32, #tpu.memory_space<hbm>>
      %dma_wait3A_33 = arith.constant 0 : i32
      %dma_wait3A_34 = tpu.memref_slice %arg6[%mul3A_7, %dma_wait3A_33] : memref<45056x16xf32, #tpu.memory_space<vmem_shared>> -> memref<2816x16xf32, #tpu.memory_space<vmem_shared>>
      tpu.wait_dma2 semaphore(%run_scoped3A : memref<!tpu.dma_semaphore, #tpu.memory_space<semaphore_mem>>) src(%dma_wait3A_34 : memref<2816x16xf32, #tpu.memory_space<vmem_shared>>) dst(%dma_wait3A_32 : memref<2816x16xf32, #tpu.memory_space<hbm>>)
      tpu.yield
    }) : () -> ()
    return
  }
}

module attributes {stable_mosaic.version = 14 : i64} {
  func.func @_combine_body(%arg0: i32, %arg1: memref<4096x16xf32, #tpu.memory_space<vmem>>, %arg2: memref<4096x16xf32, #tpu.memory_space<vmem>>, %arg3: memref<4096x1xf32, #tpu.memory_space<vmem>>, %arg4: memref<4096x16xf32, #tpu.memory_space<vmem>>) attributes {dimension_semantics = [#tpu.dimension_semantics<arbitrary>], iteration_bounds = array<i64: 11>, scalar_prefetch = 0 : i64, scratch_operands = 0 : i64, tpu.core_type = #tpu.core_type<tc>, window_params = [{transform_indices = @transform_0, window_bounds = array<i64: 4096, 16>}, {transform_indices = @transform_1, window_bounds = array<i64: 4096, 16>}, {transform_indices = @transform_2, window_bounds = array<i64: 4096, 1>}, {transform_indices = @transform_3, window_bounds = array<i64: 4096, 16>}]} {
    %get3A = arith.constant 0 : index
    %get3A_0 = arith.constant 0 : index
    %get3A_1 = vector.load %arg1[%get3A, %get3A_0] : memref<4096x16xf32, #tpu.memory_space<vmem>>, vector<4096x16xf32>
    %get3A_2 = arith.constant 0 : index
    %get3A_3 = arith.constant 0 : index
    %get3A_4 = vector.load %arg2[%get3A_2, %get3A_3] : memref<4096x16xf32, #tpu.memory_space<vmem>>, vector<4096x16xf32>
    %add3A = arith.addf %get3A_1, %get3A_4 : vector<4096x16xf32>
    %get3A_5 = arith.constant 0 : index
    %get3A_6 = arith.constant 0 : index
    %get3A_7 = vector.load %arg3[%get3A_5, %get3A_6] : memref<4096x1xf32, #tpu.memory_space<vmem>>, vector<4096x1xf32>
    %add3A_8 = vector.broadcast %get3A_7 : vector<4096x1xf32> to vector<4096x16xf32>
    %add3A_9 = arith.addf %add3A, %add3A_8 : vector<4096x16xf32>
    %swap3A = arith.constant 0 : index
    %swap3A_10 = arith.constant 0 : index
    %swap3A_11 = vector.load %arg4[%swap3A, %swap3A_10] : memref<4096x16xf32, #tpu.memory_space<vmem>>, vector<4096x16xf32>
    tpu.vector_store %arg4[%swap3A, %swap3A_10], %add3A_9 {strides = array<i32>} : memref<4096x16xf32, #tpu.memory_space<vmem>>, vector<4096x16xf32>,
    return
  }
  func.func @transform_0(%arg0: i32) -> (i32, i32) {
    %c0_i32 = arith.constant 0 : i32
    %c0_i32_0 = arith.constant 0 : i32
    return %arg0, %c0_i32 : i32, i32
  }
  func.func @transform_1(%arg0: i32) -> (i32, i32) {
    %c0_i32 = arith.constant 0 : i32
    %c0_i32_0 = arith.constant 0 : i32
    return %arg0, %c0_i32 : i32, i32
  }
  func.func @transform_2(%arg0: i32) -> (i32, i32) {
    %c0_i32 = arith.constant 0 : i32
    %c0_i32_0 = arith.constant 0 : i32
    return %arg0, %c0_i32 : i32, i32
  }
  func.func @transform_3(%arg0: i32) -> (i32, i32) {
    %c0_i32 = arith.constant 0 : i32
    %c0_i32_0 = arith.constant 0 : i32
    return %arg0, %c0_i32 : i32, i32
  }
}

module attributes {stable_mosaic.version = 14 : i64} {
  func.func @_head_body(%arg0: i32, %arg1: memref<4096x16xf32, #tpu.memory_space<vmem>>, %arg2: memref<4096x16xf32, #tpu.memory_space<vmem>>, %arg3: memref<4096x16xf32, #tpu.memory_space<vmem>>, %arg4: memref<64x4096xf32, #tpu.memory_space<vmem>>, %arg5: memref<1x64xf32, #tpu.memory_space<vmem>>, %arg6: memref<10x64xf32, #tpu.memory_space<vmem>>, %arg7: memref<1x10xf32, #tpu.memory_space<vmem>>, %arg8: memref<16x10xf32, #tpu.memory_space<vmem>>, %arg9: memref<16x64xf32, #tpu.memory_space<vmem>>) attributes {dimension_semantics = [#tpu.dimension_semantics<arbitrary>], iteration_bounds = array<i64: 11>, scalar_prefetch = 0 : i64, scratch_operands = 1 : i64, tpu.core_type = #tpu.core_type<tc>, window_params = [{transform_indices = @transform_0, window_bounds = array<i64: 4096, 16>}, {transform_indices = @transform_1, window_bounds = array<i64: 4096, 16>}, {transform_indices = @transform_2, window_bounds = array<i64: 4096, 16>}, {transform_indices = @transform_3, window_bounds = array<i64: 64, 4096>}, {pipeline_mode = #tpu.pipeline_mode<synchronous>, transform_indices = @transform_4, window_bounds = array<i64: 1, 64>}, {pipeline_mode = #tpu.pipeline_mode<synchronous>, transform_indices = @transform_5, window_bounds = array<i64: 10, 64>}, {pipeline_mode = #tpu.pipeline_mode<synchronous>, transform_indices = @transform_6, window_bounds = array<i64: 1, 10>}, {pipeline_mode = #tpu.pipeline_mode<synchronous>, transform_indices = @transform_7, window_bounds = array<i64: 16, 10>}]} {
    %eq3A = arith.constant 0 : i32
    %eq3A_0 = arith.cmpi eq, %arg0, %eq3A : i32
    %convert_element_type3A = arith.extui %eq3A_0 : i1 to i32
    %cond3A = arith.constant 0 : i32
    %cond3A_1 = arith.cmpi ne, %convert_element_type3A, %cond3A : i32
    scf.if %cond3A_1 {
      %broadcast_in_dim3A = arith.constant 0.000000e+00 : f32
      %broadcast_in_dim3A_28 = vector.broadcast %broadcast_in_dim3A : f32 to vector<16x64xf32>
      %swap3A_29 = arith.constant 0 : index
      %swap3A_30 = arith.constant 0 : index
      %swap3A_31 = vector.load %arg9[%swap3A_29, %swap3A_30] : memref<16x64xf32, #tpu.memory_space<vmem>>, vector<16x64xf32>
      tpu.vector_store %arg9[%swap3A_29, %swap3A_30], %broadcast_in_dim3A_28 {strides = array<i32>} : memref<16x64xf32, #tpu.memory_space<vmem>>, vector<16x64xf32>,
    } else {
    }
    %get3A = arith.constant 0 : index
    %get3A_2 = arith.constant 0 : index
    %get3A_3 = vector.load %arg1[%get3A, %get3A_2] : memref<4096x16xf32, #tpu.memory_space<vmem>>, vector<4096x16xf32>
    %get3A_4 = arith.constant 0 : index
    %get3A_5 = arith.constant 0 : index
    %get3A_6 = vector.load %arg2[%get3A_4, %get3A_5] : memref<4096x16xf32, #tpu.memory_space<vmem>>, vector<4096x16xf32>
    %add3A = arith.addf %get3A_3, %get3A_6 : vector<4096x16xf32>
    %get3A_7 = arith.constant 0 : index
    %get3A_8 = arith.constant 0 : index
    %get3A_9 = vector.load %arg3[%get3A_7, %get3A_8] : memref<4096x16xf32, #tpu.memory_space<vmem>>, vector<4096x16xf32>
    %add3A_10 = arith.addf %add3A, %get3A_9 : vector<4096x16xf32>
    %max3A = arith.constant 0.000000e+00 : f32
    %max3A_11 = vector.broadcast %max3A : f32 to vector<4096x16xf32>
    %max3A_12 = arith.maximumf %add3A_10, %max3A_11 : vector<4096x16xf32>
    %get3A_13 = arith.constant 0 : index
    %get3A_14 = arith.constant 0 : index
    %get3A_15 = vector.load %arg9[%get3A_13, %get3A_14] : memref<16x64xf32, #tpu.memory_space<vmem>>, vector<16x64xf32>
    %get3A_16 = arith.constant 0 : index
    %get3A_17 = arith.constant 0 : index
    %get3A_18 = vector.load %arg4[%get3A_16, %get3A_17] : memref<64x4096xf32, #tpu.memory_space<vmem>>, vector<64x4096xf32>
    %dot_general3A = arith.constant dense<0.000000e+00> : vector<16x64xf32>
    %dot_general3A_19 = tpu.matmul %max3A_12, %get3A_18, %dot_general3A {dimension_numbers = #tpu.dot_dimension_numbers<[0], [1], [1], [0], [0, 1, 1, 0], [], []>, transpose_lhs_hint = false} : vector<4096x16xf32>, vector<64x4096xf32>, vector<16x64xf32> -> vector<16x64xf32>
    %add3A_20 = arith.addf %get3A_15, %dot_general3A_19 : vector<16x64xf32>
    %swap3A = arith.constant 0 : index
    %swap3A_21 = arith.constant 0 : index
    %swap3A_22 = vector.load %arg9[%swap3A, %swap3A_21] : memref<16x64xf32, #tpu.memory_space<vmem>>, vector<16x64xf32>
    tpu.vector_store %arg9[%swap3A, %swap3A_21], %add3A_20 {strides = array<i32>} : memref<16x64xf32, #tpu.memory_space<vmem>>, vector<16x64xf32>,
    %eq3A_23 = arith.constant 10 : i32
    %eq3A_24 = arith.cmpi eq, %arg0, %eq3A_23 : i32
    %convert_element_type3A_25 = arith.extui %eq3A_24 : i1 to i32
    %cond3A_26 = arith.constant 0 : i32
    %cond3A_27 = arith.cmpi ne, %convert_element_type3A_25, %cond3A_26 : i32
    scf.if %cond3A_27 {
      %get3A_28 = arith.constant 0 : index
      %get3A_29 = arith.constant 0 : index
      %get3A_30 = vector.load %arg9[%get3A_28, %get3A_29] : memref<16x64xf32, #tpu.memory_space<vmem>>, vector<16x64xf32>
      %get3A_31 = arith.constant 0 : index
      %get3A_32 = arith.constant 0 : index
      %get3A_33 = vector.load %arg5[%get3A_31, %get3A_32] : memref<1x64xf32, #tpu.memory_space<vmem>>, vector<1x64xf32>
      %add3A_34 = vector.broadcast %get3A_33 : vector<1x64xf32> to vector<16x64xf32>
      %add3A_35 = arith.addf %get3A_30, %add3A_34 : vector<16x64xf32>
      %max3A_36 = arith.constant 0.000000e+00 : f32
      %max3A_37 = vector.broadcast %max3A_36 : f32 to vector<16x64xf32>
      %max3A_38 = arith.maximumf %add3A_35, %max3A_37 : vector<16x64xf32>
      %get3A_39 = arith.constant 0 : index
      %get3A_40 = arith.constant 0 : index
      %get3A_41 = vector.load %arg6[%get3A_39, %get3A_40] : memref<10x64xf32, #tpu.memory_space<vmem>>, vector<10x64xf32>
      %dot_general3A_42 = arith.constant dense<0.000000e+00> : vector<16x10xf32>
      %dot_general3A_43 = tpu.matmul %max3A_38, %get3A_41, %dot_general3A_42 {dimension_numbers = #tpu.dot_dimension_numbers<[1], [1], [0], [0], [0, 0, 1, 0], [], []>, transpose_lhs_hint = false} : vector<16x64xf32>, vector<10x64xf32>, vector<16x10xf32> -> vector<16x10xf32>
      %get3A_44 = arith.constant 0 : index
      %get3A_45 = arith.constant 0 : index
      %get3A_46 = vector.load %arg7[%get3A_44, %get3A_45] : memref<1x10xf32, #tpu.memory_space<vmem>>, vector<1x10xf32>
      %add3A_47 = vector.broadcast %get3A_46 : vector<1x10xf32> to vector<16x10xf32>
      %add3A_48 = arith.addf %dot_general3A_43, %add3A_47 : vector<16x10xf32>
      %swap3A_49 = arith.constant 0 : index
      %swap3A_50 = arith.constant 0 : index
      %swap3A_51 = vector.load %arg8[%swap3A_49, %swap3A_50] : memref<16x10xf32, #tpu.memory_space<vmem>>, vector<16x10xf32>
      tpu.vector_store %arg8[%swap3A_49, %swap3A_50], %add3A_48 {strides = array<i32>} : memref<16x10xf32, #tpu.memory_space<vmem>>, vector<16x10xf32>,
    } else {
    }
    return
  }
  func.func @transform_0(%arg0: i32) -> (i32, i32) {
    %c0_i32 = arith.constant 0 : i32
    %c0_i32_0 = arith.constant 0 : i32
    return %arg0, %c0_i32 : i32, i32
  }
  func.func @transform_1(%arg0: i32) -> (i32, i32) {
    %c0_i32 = arith.constant 0 : i32
    %c0_i32_0 = arith.constant 0 : i32
    return %arg0, %c0_i32 : i32, i32
  }
  func.func @transform_2(%arg0: i32) -> (i32, i32) {
    %c0_i32 = arith.constant 0 : i32
    %c0_i32_0 = arith.constant 0 : i32
    return %arg0, %c0_i32 : i32, i32
  }
  func.func @transform_3(%arg0: i32) -> (i32, i32) {
    %c0_i32 = arith.constant 0 : i32
    %c0_i32_0 = arith.constant 0 : i32
    return %c0_i32, %arg0 : i32, i32
  }
  func.func @transform_4(%arg0: i32) -> (i32, i32) {
    %c0_i32 = arith.constant 0 : i32
    %c0_i32_0 = arith.constant 0 : i32
    %c0_i32_1 = arith.constant 0 : i32
    return %c0_i32, %c0_i32_0 : i32, i32
  }
  func.func @transform_5(%arg0: i32) -> (i32, i32) {
    %c0_i32 = arith.constant 0 : i32
    %c0_i32_0 = arith.constant 0 : i32
    %c0_i32_1 = arith.constant 0 : i32
    return %c0_i32, %c0_i32_0 : i32, i32
  }
  func.func @transform_6(%arg0: i32) -> (i32, i32) {
    %c0_i32 = arith.constant 0 : i32
    %c0_i32_0 = arith.constant 0 : i32
    %c0_i32_1 = arith.constant 0 : i32
    return %c0_i32, %c0_i32_0 : i32, i32
  }
  func.func @transform_7(%arg0: i32) -> (i32, i32) {
    %c0_i32 = arith.constant 0 : i32
    %c0_i32_0 = arith.constant 0 : i32
    %c0_i32_1 = arith.constant 0 : i32
    return %c0_i32, %c0_i32_0 : i32, i32
  }
}

</mosaic_0001>

<sc_bundles>
// kernel: body.6.cloned.1.call-start
scs
__scs_entry_jumppad:
0x0: {  	(pc) =	sbr.rel $0x88, $3  }
0x1: {  	(tag) =	ssettag $0x0;
	lr =	simm.s32 $0x1  }
0x2: {  	[smem:$0x3F97] =	sst lr;
	_ =	strace $0xD0000000  }
0x3: {  	_ = 	snop  }
0x4: {  	_ = 	snop  }
0x5: {  	_ = 	snop  }
0x6: {  	_ = 	snop  }
0x7: {  	_ = 	snop  }
__scs_overlays_trampoline_lowered:
0x8: {  	[smem:$0x3FA6] =	sst s0  }
0x9: {  	[smem:$0x3FA7] =	sst s1  }
0xa: {  	[smem:$0x3FA8] =	sst s2  }
0xb: {  	[smem:$0x3FA9] =	sst s3  }
0xc: {  	[smem:$0x3FAA] =	sst s4  }
0xd: {  	[smem:$0x3FAB] =	sst s5  }
0xe: {  	[smem:$0x3FAC] =	sst s6  }
0xf: {  	[smem:$0x3FAD] =	sst s7  }
0x10: {  	[smem:$0x3FAE] =	sst s8  }
0x11: {  	[smem:$0x3FAF] =	sst s9;
	s0 =	simm.s32 @!p0 $0x0  }
0x12: {  	s1 =	sld [smem:$0x3F95];
	s0 =	simm.s32 @p0 $0x1  }
0x13: {  	[smem:$0x3FB0] =	sst s0;
	s0 =	simm.s32 @!p1 $0x0  }
0x14: {  	s2 =	sld [smem:$0x3F94];
	s0 =	simm.s32 @p1 $0x1  }
0x15: {  	[smem:$0x3FB1] =	sst s0;
	s0 =	simm.s32 @!p2 $0x0  }
0x16: {  	s3 =	sld [smem:$0x3FDB];
	s0 =	simm.s32 @p2 $0x1  }
0x17: {  	s4 =	simm.s32 $0x1BF5;
	[smem:$0x3FB3] =	sst s0  }
0x18: {  	s0 =	sld [smem:$0x3F96];
	_ =	swait.ge [sflag:s4], $0x0  }
0x19: {  	s7 =	sld [smem:$0x3F97]  }
0x1a: {  	s8 =	sadd.s32 $0xFFFFE003, lr  }
0x1b: {  	s9 =	sadd.s32 $0xFFFFFEF7, lr;
	s5 =	simm.s32 $0xFFFFFFFF;
	p2 =	slt.u32 s8, $0xFFFFF086  }
0x1c: {  	p1 =	slt.u32 s9, $0xF7A;
	s5 =	simm.s32 @!p2 $0x0  }
0x1d: {  	s5 =	simm.s32 @p1 $0x1;
	p0 =	seq.s32 s7, s2  }
0x1e: {  	s7 =	smul.u32 @!p0 $0xF7A, s2;
	p2 =	seq.s32 @!p0 s5, $0x0  }
0x1f: {  	s9 =	smul.u32 $0xF7A, s1;
	s8 =	simm.s32 @!p0 $0x1BF5;
	p2 =	por !p2, p0  }
0x20: {  	[sflag:s8] =	ssyncset.s32 @!p0 $0xFFFFF086;
	s6 =	sadd.s32 @!p0 s3, s7;
	s7 =	simm.s32 @!p0 $0x108  }
0x21: {  	s3 =	sadd.s32 s3, s9;
	s6 =	sadd.s32 @!p0 $0x88, s6;
	s7 =	simm.s32 @p2 $0x1082  }
0x22: {  	[simem:s7], [sflag:s8] =	dma.local @!p0 [hbm:s6], $0xF7A  }
0x23: {  	s9 =	sor.u32 $0xD0000000, s2;
	s6 =	simm.s32 $0x108;
	_ =	swait.ge @!p0 [sflag:s8], $0x0  }
0x24: {  	s3 =	sadd.s32 $0x88, s3;
	s6 =	simm.s32 @!p1 $0x1082;
	[sflag:s4] =	ssyncset.s32 $0xFFFFF086  }
0x25: {  	[simem:s6], [sflag:s4] =	dma.local [hbm:s3], $0xF7A  }
0x26: {  	[smem:$0x3F97] =	sst s1;
	(tag) =	ssettag s2;
	_ =	strace s9  }
0x27: {  	s1 =	sld [smem:$0x3FA7]  }
0x28: {  	s2 =	sld [smem:$0x3FA8]  }
0x29: {  	s4 =	sld [smem:$0x3FAA]  }
0x2a: {  	p0 =	seq.s32 s5, $0x0;
	s5 =	sld [smem:$0x3FAB]  }
0x2b: {  	s6 =	sld [smem:$0x3FAC]  }
0x2c: {  	s7 =	sld [smem:$0x3FAD]  }
0x2d: {  	s3 =	simm.s32 $0x108;
	s8 =	sld [smem:$0x3FAE]  }
0x2e: {  	s3 =	simm.s32 @!p0 $0x1082;
	s9 =	sld [smem:$0x3FAF]  }
0x2f: {  	lr =	sadd.s32 s0, s3;
	s0 =	sld [smem:$0x3FA6]  }
0x30: {  	s3 =	sld [smem:$0x3FA9]  }
0x31: {  	[smem:$0x3FB2] =	sst s10  }
0x32: {  	s10 =	sld [smem:$0x3FB0];
	_ =	sdelay $0x3  }
0x33: {  	p0 =	seq.s32 s10, $0x1;
	s10 =	sld [smem:$0x3FB2];
	_ =	sdelay $0x3  }
0x34: {  	[smem:$0x3FB2] =	sst s10  }
0x35: {  	s10 =	sld [smem:$0x3FB1];
	_ =	sdelay $0x3  }
0x36: {  	p1 =	seq.s32 s10, $0x1;
	s10 =	sld [smem:$0x3FB2];
	_ =	sdelay $0x3  }
0x37: {  	[smem:$0x3FB2] =	sst s10  }
0x38: {  	s10 =	sld [smem:$0x3FB3]  }
0x39: {  	_ = 	snop;
	(pc) =	sbr.ind lr, $3  }
0x3a: {  	_ = 	snop  }
0x3b: {  	_ = 	snop  }
0x3c: {  	p2 =	seq.s32 s10, $0x1;
	s10 =	sld [smem:$0x3FB2]  }
0x3d: {  	_ =	shalt  }
0x3e: {  	_ =	shalt  }
0x3f: {  	_ =	shalt  }
0x40: {  	_ =	shalt  }
0x41: {  	_ =	shalt  }
0x42: {  	_ =	shalt  }
0x43: {  	_ =	shalt  }
0x44: {  	_ =	shalt  }
0x45: {  	_ =	shalt  }
0x46: {  	_ =	shalt  }
0x47: {  	_ =	shalt  }
0x48: {  	_ =	shalt  }
0x49: {  	_ =	shalt  }
0x4a: {  	_ =	shalt  }
0x4b: {  	_ =	shalt  }
0x4c: {  	_ =	shalt  }
0x4d: {  	_ =	shalt  }
0x4e: {  	_ =	shalt  }
0x4f: {  	_ =	shalt  }
0x50: {  	_ =	shalt  }
0x51: {  	_ =	shalt  }
0x52: {  	_ =	shalt  }
0x53: {  	_ =	shalt  }
0x54: {  	_ =	shalt  }
0x55: {  	_ =	shalt  }
0x56: {  	_ =	shalt  }
0x57: {  	_ =	shalt  }
0x58: {  	_ =	shalt  }
0x59: {  	_ =	shalt  }
0x5a: {  	_ =	shalt  }
0x5b: {  	_ =	shalt  }
0x5c: {  	_ =	shalt  }
0x5d: {  	_ =	shalt  }
0x5e: {  	_ =	shalt  }
0x5f: {  	_ =	shalt  }
0x60: {  	_ =	shalt  }
0x61: {  	_ =	shalt  }
0x62: {  	_ =	shalt  }
0x63: {  	_ =	shalt  }
0x64: {  	_ =	shalt  }
0x65: {  	_ =	shalt  }
0x66: {  	_ =	shalt  }
0x67: {  	_ =	shalt  }
0x68: {  	_ =	shalt  }
0x69: {  	_ =	shalt  }
0x6a: {  	_ =	shalt  }
0x6b: {  	_ =	shalt  }
0x6c: {  	_ =	shalt  }
0x6d: {  	_ =	shalt  }
0x6e: {  	_ =	shalt  }
0x6f: {  	_ =	shalt  }
0x70: {  	_ =	shalt  }
0x71: {  	_ =	shalt  }
0x72: {  	_ =	shalt  }
0x73: {  	_ =	shalt  }
0x74: {  	_ =	shalt  }
0x75: {  	_ =	shalt  }
0x76: {  	_ =	shalt  }
0x77: {  	_ =	shalt  }
0x78: {  	_ =	shalt  }
0x79: {  	_ =	shalt  }
0x7a: {  	_ =	shalt  }
0x7b: {  	_ =	shalt  }
0x7c: {  	_ =	shalt  }
0x7d: {  	_ =	shalt  }
0x7e: {  	_ =	shalt  }
0x7f: {  	_ =	shalt  }
0x80: {  	_ =	shalt  }
0x81: {  	_ =	shalt  }
0x82: {  	_ =	shalt  }
0x83: {  	_ =	shalt  }
0x84: {  	_ =	shalt  }
0x85: {  	_ =	shalt  }
0x86: {  	_ =	shalt  }
0x87: {  	_ =	shalt  }
.Lfunc_end0:
.L_simem_size_0:
called_computation_lowered:
.L_overlay_start_0:
0x88: {  	s2 =	sld [smem:$0x3FD9]  }
0x89: {  	s3 =	sld [smem:$0x3FFE];
	_ =	sdelay $0x1  }
0x8a: {  	s1 =	srdreg.scid  }
0x8b: {  	s0 =	sand.u32 $0x1, s1  }
0x8c: {  	s16 =	sshll.u32 s0, $0xA;
	s2 =	sadd.s32 s3, s2  }
0x8d: {  	s2 =	sadd.s32 s2, s16  }
0x8e: {  	[smem:$0x3FBE] =	sst s2  }
0x8f: {  	_ = 	snop  }
0x90: {  	(tm) =	ssettm $0x1  }
0x91: {  	s17 =	sld [smem:$0x3FFB];
	_ =	sdelay $0x3  }
0x92: {  	_ =	strace s17  }
0x93: {  	s2 =	sld [smem:$0x3FFC];
	_ =	sdelay $0x3  }
0x94: {  	_ =	strace s2  }
0x95: {  	s2 =	sld [smem:$0x3FFD];
	_ =	sdelay $0x3  }
0x96: {  	_ =	strace s2  }
0x97: {  	_ =	strace $0x8FFFFFFF  }
0x98: {  	s18 =	sld [smem:$0x3FDB];
	_ =	sdelay $0x1  }
0x99: {  	s19 =	simm.s32 $_scs_section_size  }
0x9a: {  	s4 =	simm.s32 $_size__tile_overlayer_lowered;
	s5 =	simm.s32 $_tile_overlayer_lowered  }
0x9b: {  	s22 =	simm.s32 $0x1BFF;
	s21 =	sshll.u32 s5, $0x1;
	s2 =	sadd.s32 s19, s18  }
0x9c: {  	s6 =	simm.s32 $0x0;
	s20 =	sshll.u32 s4, $0x1;
	s4 =	sadd.s32 s21, s2  }
0x9d: {  	[timem:s6], [sflag:s22] =	dma.local [hbm:s4], s20  }
0x9e: {  	_ =	swait.ge [sflag:s22], s20  }
0x9f: {  	s3 =	ssub.s32 $0x0, s20;
	[sflag:s22] =	ssyncset.done $0x0  }
0xa0: {  	[sflag:s22] =	ssyncadd.s32 s3;
	_ =	sdelay $0x1  }
0xa1: {  	s23 =	simm.s32 $0x1B8B  }
0xa2: {  	_ =	swait.ge [sflag:s23], $0x1  }
0xa3: {  	[sflag:s23] =	ssyncset.done $0x0  }
0xa4: {  	s25 =	simm.s32 $0x1B8E;
	s24 =	sld [smem:$0x3FFE];
	[sflag:s23] =	ssyncadd.s32 $0xFFFFFFFF  }
0xa5: {  	s26 =	simm.s32 $execute0_lowered;
	[smem:$0x3FD2] =	sst s25  }
0xa6: {  	s4 =	sshll.u32 s26, $0x1;
	_ =	strace $0x80000049;
	[dreg:$0x1] =	wrdreg $0xFFFFFFFF  }
0xa7: {  	s28 =	simm.s32 $_size_execute0_lowered;
	s2 =	sadd.s32 s2, s4;
	[dreg:$0x0] =	wrdreg $0x0  }
0xa8: {  	s4 =	sshll.u32 s28, $0x1;
	[dreg:$0x2] =	wrdreg s2  }
0xa9: {  	[dreg:$0x3] =	wrdreg s4  }
0xaa: {  	[dreg:$0x4] =	wrdreg $0xC0  }
0xab: {  	_ =	task [dreg:s6], $0x5FFFF  }
0xac: {  	[dreg:$0x1] =	wrdreg $0xFFFFFFFF  }
0xad: {  	[dreg:$0x0] =	wrdreg $0x60  }
0xae: {  	[dreg:$0x2] =	wrdreg s24  }
0xaf: {  	[dreg:$0x3] =	wrdreg $0x0  }
0xb0: {  	[dreg:$0x4] =	wrdreg $0x9  }
0xb1: {  	_ =	task.clear_ibuf [dreg:s6], $0x5FFFF;
	_ =	strace $0x90000049  }
0xb2: {  	s29 =	simm.s32 $0x9;
	_ =	strace $0x8000004B  }
0xb3: {  	_ =	swait.ge [sflag:s29], $0x1  }
0xb4: {  	[sflag:s29] =	ssyncadd.s32 $0xFFFFFFFF  }
0xb5: {  	_ =	strace $0x9000004B  }
0xb6: {  	_ =	sfence  }
0xb7: {  	s30 =	sld [smem:$0x0];
	_ =	sdelay $0x2  }
0xb8: {  	s31 =	sshll.u32 s1, $0xD;
	s1 =	sshrl.u32 s1, $0x2  }
0xb9: {  	s3 =	sand.u32 $0x4000, s31;
	s1 =	sadd.s32 s1, s30  }
0xba: {  	s0 =	sor.u32 s3, s0;
	s1 =	sshll.u32 s1, $0x11  }
0xbb: {  	s0 =	sor.u32 s1, s0  }
0xbc: {  	s0 =	sadd.s32 $0x8F2B, s0  }
0xbd: {  	[sflag:s0] =	ssyncadd.remote.s32 $0x1  }
0xbe: {  	_ =	sfence.sel $0xFFFF  }
0xbf: {  	[dreg:$0x0] =	wrdreg $0xFFFFFFFF;
	(pc) =	sbr.abs _section_cstart, $3  }
0xc0: {  	[dreg:$0x1] =	wrdreg $0xFFFFFFFF  }
0xc1: {  	_ =	task.clear_ibuf [dreg:s6], $0x2FFFF;
	_ =	strace $0x9FFFFFFF  }
0xc2: {  	(tm) =	ssettm $0x7FFFFFFF  }
0xc3: {  	_ =	shalt  }
tec
execute0_lowered:
.L_overlay_start_1:
0x0: {  	(tag) =	ssettag $0x1  }
0x1: {  	s0 =	rddreg [dreg:$0x0]  }
0x2: {  	s2 =	rddreg [dreg:$0x1]  }
0x3: {  	s1 =	srdreg.scid;
	s12 =	stileid.u32  }
0x4: {  	s16 =	simm.s32 $0x0;
	s18 =	simm.s32 $0xC000;
	s19 =	simm.s32 $0x1  }
0x5: {  	s28 =	simm.s32 $0x13000;
	s29 =	simm.s32 $0x15380;
	s30 =	simm.s32 $0x13400  }
0x6: {  	s31 =	simm.s32 $0x153C0;
	s13 =	simm.s32 $0x14000;
	s1 =	sand.u32 $0x1, s1  }
0x7: {  	s3 =	smul.u32 $0xB000, s12;
	[smem:$0x7FF] =	sst s16;
	s4 =	sadd.s32 $0x30800, s0  }
0x8: {  	s5 =	sadd.s32 $0x46800, s0;
	s6 =	sadd.s32 $0x5C800, s0;
	s10 =	smul.u32 $0x2C000, s12  }
0x9: {  	s7 =	smul.u32 $0xB0000, s1;
	_ =	strace $0x8000004A;
	s22 =	ssub.s32 $0x2, s1  }
0xa: {  	s1 =	sshll.u32 s1, $0x4;
	s11 =	sshrl.u32 s22, $0x1;
	s10 =	sshrl.u32 s10, $0x2  }
0xb: {  	s1 =	sor.u32 s12, s1;
	s17 =	sadd.s32 s3, s2;
	s12 =	simm.s32 $0x15440  }
0xc: {  	s8 =	sadd.s32 s3, s7;
	s7 =	sadd.s32 $0x1BDE00, s0;
	s14 =	smul.u32 $0x16, s1  }
0xd: {  	s10 =	sadd.s32 s10, s2;
	s15 =	smul.u32 $0x5800, s1;
	[dreg:$0x4] =	wrdreg s17  }
0xe: {  	s9 =	sshrl.u32 s8, $0x3;
	s8 =	sadd.s32 $0x3200, s0;
	s23 =	sadd.s32 $0x2C00, s10  }
0xf: {  	s24 =	sadd.s32 $0x5800, s10;
	s25 =	sadd.s32 $0x8400, s10;
	[dreg:$0x5] =	wrdreg s23  }
0x10: {  	s10 =	simm.s32 $0x13C00;
	s0 =	sadd.s32 s9, s0;
	[dreg:$0x6] =	wrdreg s24  }
0x11: {  	s9 =	ssub.s32 s22, s11;
	s11 =	smul.u32 $0xB580, s1;
	[dreg:$0x7] =	wrdreg s25  }
0x12: {  	s24 =	simm.s32 $0x14C40;
	s25 =	simm.s32 $0x40;
	s0 =	sadd.s32 $0x72800, s0  }
0x13: {  	s1 =	simm.s32 $0x15400;
	s26 =	smax.u32 s9, $0x1;
	[dreg:$0x8] =	wrdreg s0  }
0x14: {  	v0 =	vimm.f32 $0.0e+00;
	[dreg:$0x9] =	wrdreg s26;
	s26 =	simm.s32 $0x15340;
	s0 =	simm.s32 $0x13800  }
.LBB2_1:
0x15: {  	[dreg:$0x3] =	wrdreg s16;
	s3 =	simm.s32 $0x40;
	s9 =	simm.s32 $0x0  }
.LBB2_2:
0x16: {  	p0 =	sne.s32 s3, $0xAFC0;
	[tilespmem:s9+$0xC000] =	vst v0;
	s9 =	smov.u32 s3;
	s3 =	sadd.s32 $0x40, s3  }
.Ltmp0:
0x17: {  	(pc) =	sbr.rel @p0 .LBB2_2-.Ltmp0, $2  }
0x18: {  	_ =	sdelay $0x2  }
0x19: {  	s9 =	sshra.s32 s9, $0x2  }
0x1a: {  	[tilespmem:s9+$0xC000] =	vst v0  }
0x1b: {  	[spmem:s17] =	stream.linear.scatter [tilespmem:s18], [sflag:$0x1], $0x2C00, $0x38;
	[tilespmem:$0x15480] =	vst v63  }
0x1c: {  	_ =	swait.ge [sflag:s19], $0x2C00  }
0x1d: {  	[sflag:s19] =	ssyncset.done $0x0  }
0x1e: {  	s3 =	rddreg [dreg:$0x5];
	[sflag:s19] =	ssyncadd.s32 $0xFFFFD400  }
0x1f: {  	[spmem:s3] =	stream.linear.scatter [tilespmem:s18], [sflag:$0x1], $0x2C00, $0x38;
	[tilespmem:$0x15480] =	vst v63  }
0x20: {  	_ =	swait.ge [sflag:s19], $0x2C00  }
0x21: {  	[sflag:s19] =	ssyncset.done $0x0  }
0x22: {  	s22 =	rddreg [dreg:$0x6];
	[sflag:s19] =	ssyncadd.s32 $0xFFFFD400  }
0x23: {  	[spmem:s22] =	stream.linear.scatter [tilespmem:s18], [sflag:$0x1], $0x2C00, $0x38;
	[tilespmem:$0x15480] =	vst v63  }
0x24: {  	_ =	swait.ge [sflag:s19], $0x2C00  }
0x25: {  	[sflag:s19] =	ssyncset.done $0x0  }
0x26: {  	s23 =	rddreg [dreg:$0x7];
	[sflag:s19] =	ssyncadd.s32 $0xFFFFD400  }
0x27: {  	[spmem:s23] =	stream.linear.scatter [tilespmem:s18], [sflag:$0x1], $0x2C00, $0x38;
	[tilespmem:$0x15480] =	vst v63  }
0x28: {  	_ =	swait.ge [sflag:s19], $0x2C00  }
0x29: {  	[sflag:s19] =	ssyncset.done $0x0  }
0x2a: {  	[sflag:s19] =	ssyncadd.s32 $0xFFFFD400  }
0x2b: {  	s16 =	simm.s32 $0x0;
	s17 =	simm.s32 $0x0;
	[bflag:$0x0] =	sbarrier.arrive $0xFFFF  }
.LBB2_4:
0x2c: {  	s3 =	sshll.u32 s17, $0xA  }
0x2d: {  	s3 =	sadd.s32 s15, s3  }
0x2e: {  	s3 =	sshrl.u32 s3, $0x3  }
0x2f: {  	s20 =	simm.s32 $0xB400;
	s9 =	sadd.s32 s4, s3  }
0x30: {  	[tilespmem:s20], [sflag:$0x1] =	stream.linear.gather [hbm4b:s9+s16], $0x400, $0x38;
	[tilespmem:$0x15480] =	vst v63  }
0x31: {  	_ =	swait.ge [sflag:s19], $0x400  }
0x32: {  	[sflag:s19] =	ssyncset.done $0x0  }
0x33: {  	s21 =	simm.s32 $0xB800;
	s20 =	sadd.s32 s5, s3;
	[sflag:s19] =	ssyncadd.s32 $0xFFFFFC00  }
0x34: {  	[tilespmem:s21], [sflag:$0x1] =	stream.linear.gather [hbm4b:s20+s16], $0x400, $0x38;
	[tilespmem:$0x15480] =	vst v63  }
0x35: {  	_ =	swait.ge [sflag:s19], $0x400  }
0x36: {  	s22 =	smul.u32 $0x840, s17;
	[sflag:s19] =	ssyncset.done $0x0  }
0x37: {  	s23 =	simm.s32 $0xBC00;
	s3 =	sadd.s32 s6, s3;
	[sflag:s19] =	ssyncadd.s32 $0xFFFFFC00  }
0x38: {  	[tilespmem:s23], [sflag:$0x1] =	stream.linear.gather [hbm4b:s3+s16], $0x400, $0x38;
	[tilespmem:$0x15480] =	vst v63  }
0x39: {  	s20 =	sadd.s32 s11, s22;
	_ =	swait.ge [sflag:s19], $0x400  }
0x3a: {  	s21 =	sadd.s32 s14, s17;
	s3 =	sshrl.u32 s20, $0x3;
	[sflag:s19] =	ssyncset.done $0x0  }
0x3b: {  	s22 =	simm.s32 $0x14400;
	s3 =	sadd.s32 s7, s3;
	[sflag:s19] =	ssyncadd.s32 $0xFFFFFC00  }
0x3c: {  	[tilespmem:s22], [sflag:$0x1] =	stream.linear.gather [hbm4b:s3+s16], $0x840, $0x38;
	[tilespmem:$0x15480] =	vst v63  }
0x3d: {  	s23 =	smul.u32 $0x108, s21;
	_ =	swait.ge [sflag:s19], $0x840  }
0x3e: {  	[sflag:s19] =	ssyncset.done $0x0  }
0x3f: {  	s3 =	sadd.s32 s8, s23;
	[sflag:s19] =	ssyncadd.s32 $0xFFFFF7C0  }
0x40: {  	[tilespmem:s24], [sflag:$0x1] =	stream.linear.gather [hbm4b:s3+s16], $0x840, $0x38;
	[tilespmem:$0x15480] =	vst v63  }
0x41: {  	_ =	swait.ge [sflag:s19], $0x840  }
0x42: {  	[sflag:s19] =	ssyncset.done $0x0  }
0x43: {  	s3 =	simm.s32 $0x0;
	[sflag:s19] =	ssyncadd.s32 $0xFFFFF7C0  }
0x44: {  	v1 =	vld [tilespmem:s3+$0xB400]  }
0x45: {  	v2 =	vld [tilespmem:s3+$0xB800];
	_ =	sdelay $0x1  }
0x46: {  	v3 =	vld [tilespmem:s3+$0xBC00];
	_ =	sdelay $0x2  }
0x47: {  	s9 =	simm.s32 $0x10;
	v2 =	vadd.f32 v2, v1  }
0x48: {  	v1 =	vld [tilespmem:s9+$0xB400]  }
0x49: {  	v4 =	vadd.f32 v3, v2;
	v2 =	vld [tilespmem:s9+$0xB800];
	_ =	sdelay $0x1  }
0x4a: {  	v3 =	vld [tilespmem:s9+$0xBC00]  }
0x4b: {  	s20 =	simm.s32 $0x80;
	v4 =	vmax.f32 v4, $0.0e+00  }
.LBB2_5:
0x4c: {  	[tilespmem:s3+$0xB000] =	vst v4;
	s3 =	smov.u32 s9;
	s9 =	sshra.s32 s20, $0x2;
	p0 =	sne.s32 s20, $0xFC0  }
.Ltmp1:
0x4d: {  	s20 =	sadd.s32 $0x40, s20;
	v4 =	vadd.f32 v2, v1;
	v1 =	vld [tilespmem:s9+$0xB400];
	(pc) =	sbr.rel @p0 .LBB2_5-.Ltmp1, $4  }
0x4e: {  	v2 =	vld [tilespmem:s9+$0xB800]  }
0x4f: {  	v4 =	vadd.f32 v3, v4  }
0x50: {  	v3 =	vld [tilespmem:s9+$0xBC00]  }
0x51: {  	v4 =	vmax.f32 v4, $0.0e+00  }
0x52: {  	_ = 	snop  }
0x53: {  	v1 =	vadd.f32 v2, v1;
	_ =	sdelay $0x1  }
0x54: {  	v1 =	vadd.f32 v3, v1;
	_ =	sdelay $0x1  }
0x55: {  	[tilespmem:s3+$0xB000] =	vst v4;
	v1 =	vmax.f32 v1, $0.0e+00  }
0x56: {  	s3 =	simm.s32 $0x14411;
	[tilespmem:s9+$0xB000] =	vst v1  }
0x57: {  	v3 =	vld [tilespmem:s3+$0xFFFFFFEF]  }
0x58: {  	v2 =	vld [tilespmem:s3+$0xFFFFFFFF];
	_ =	sdelay $0x1  }
0x59: {  	s20 =	simm.s32 $0xC100;
	s23 =	simm.s32 $0x0  }
0x5a: {  	s22 =	simm.s32 $0x40;
	s21 =	simm.s32 $0x14411;
	s9 =	simm.s32 $0xC100;
	v1 =	vld [tilespmem:s23+$0xB000]  }
.LBB2_7:
0x5b: {  	p0 =	sne.s32 s22, $0xFC0;
	v4 =	vbroadcast v3, $0x1;
	v5 =	vbroadcast v3, $0xB;
	s3 =	sadd.s32 $0x21, s3;
	s20 =	sadd.s32 $0x210, s20  }
0x5c: {  	v6 =	vbroadcast v3, $0x3;
	s23 =	smov.u32 s22;
	s22 =	sadd.s32 $0x40, s22;
	v7 =	vbroadcast v2, $0x1  }
0x5d: {  	v8 =	vbroadcast v3, $0xC;
	v9 =	vbroadcast v2, $0xA  }
0x5e: {  	v10 =	vbroadcast v3, $0x5;
	v11 =	vbroadcast v2, $0x9  }
0x5f: {  	v12 =	vbroadcast v3, $0x0;
	v8 =	vmul.f32 v8, v1  }
0x60: {  	v13 =	vbroadcast v2, $0x6;
	v6 =	vmul.f32 v6, v1  }
0x61: {  	v15 =	vbroadcast v3, $0xD;
	v12 =	vmul.f32 v12, v1;
	v14 =	vld [tilespmem:s21+$0x0];
	s21 =	smov.u32 s3  }
0x62: {  	v16 =	vbroadcast v3, $0x4;
	v7 =	vmul.f32 v7, v1  }
0x63: {  	v4 =	vmul.f32 v4, v1;
	[tilespmem:s9+$0xFFFFFF00] =	vst v12;
	v12 =	vbroadcast v3, $0x6  }
0x64: {  	v9 =	vmul.f32 v9, v1;
	[tilespmem:s9+$0xFFFFFF30] =	vst v6;
	v6 =	vmul.f32 v16, v1  }
0x65: {  	[tilespmem:s9+$0xFFFFFF10] =	vst v4;
	v4 =	vmul.f32 v5, v1;
	v5 =	vbroadcast v2, $0x0  }
0x66: {  	v16 =	vbroadcast v2, $0xD;
	[tilespmem:s9+$0xFFFFFF40] =	vst v6;
	v6 =	vbroadcast v3, $0x7  }
0x67: {  	v12 =	vmul.f32 v12, v1;
	[tilespmem:s9+$0xFFFFFFB0] =	vst v4;
	v4 =	vmul.f32 v15, v1  }
0x68: {  	v5 =	vmul.f32 v5, v1;
	[tilespmem:s9+$0xFFFFFFC0] =	vst v8;
	v8 =	vbroadcast v3, $0xE  }
0x69: {  	v15 =	vbroadcast v3, $0xA;
	[tilespmem:s9+$0xFFFFFF60] =	vst v12;
	v12 =	vbroadcast v3, $0x8  }
0x6a: {  	v17 =	vbroadcast v3, $0x9;
	[tilespmem:s9+$0xFFFFFFD0] =	vst v4;
	v4 =	vbroadcast v3, $0xF  }
0x6b: {  	v6 =	vmul.f32 v6, v1;
	v3 =	vbroadcast v3, $0x2;
	[tilespmem:s9+$0x0] =	vst v5  }
0x6c: {  	v5 =	vmul.f32 v10, v1;
	v10 =	vmul.f32 v17, v1;
	[tilespmem:s9+$0x10] =	vst v7  }
0x6d: {  	v7 =	vmul.f32 v11, v1;
	[tilespmem:s9+$0xFFFFFF70] =	vst v6;
	v6 =	vbroadcast v2, $0x2  }
0x6e: {  	v4 =	vmul.f32 v4, v1;
	[tilespmem:s9+$0xFFFFFF50] =	vst v5;
	v5 =	vbroadcast v2, $0x3  }
0x6f: {  	[tilespmem:s9+$0xFFFFFF90] =	vst v10;
	v6 =	vmul.f32 v6, v1;
	v10 =	vbroadcast v14, $0xF  }
0x70: {  	[tilespmem:s9+$0xFFFFFFF0] =	vst v4;
	v4 =	vmul.f32 v5, v1;
	v5 =	vmul.f32 v13, v1  }
0x71: {  	v8 =	vmul.f32 v8, v1;
	[tilespmem:s9+$0x20] =	vst v6;
	v6 =	vmul.f32 v10, v1  }
0x72: {  	v3 =	vmul.f32 v3, v1;
	[tilespmem:s9+$0x30] =	vst v4;
	v4 =	vmul.f32 v16, v1  }
0x73: {  	[tilespmem:s9+$0xFFFFFFE0] =	vst v8  }
0x74: {  	v8 =	vbroadcast v2, $0x4;
	[tilespmem:s9+$0xFFFFFF20] =	vst v3;
	v3 =	vmul.f32 v15, v1  }
0x75: {  	v11 =	vbroadcast v2, $0x5;
	v10 =	vmul.f32 v12, v1;
	[tilespmem:s9+$0x100] =	vst v6  }
0x76: {  	[tilespmem:s9+$0xFFFFFFA0] =	vst v3;
	v3 =	vmul.f32 v8, v1  }
0x77: {  	v6 =	vmul.f32 v11, v1;
	v8 =	vbroadcast v2, $0x7;
	[tilespmem:s9+$0xFFFFFF80] =	vst v10  }
0x78: {  	[tilespmem:s9+$0x40] =	vst v3;
	v3 =	vbroadcast v2, $0x8  }
0x79: {  	s23 =	sshra.s32 s23, $0x2;
	[tilespmem:s9+$0x50] =	vst v6;
	v6 =	vmul.f32 v8, v1  }
0x7a: {  	[tilespmem:s9+$0x60] =	vst v5;
	v3 =	vmul.f32 v3, v1;
	v5 =	vbroadcast v2, $0xB  }
0x7b: {  	[tilespmem:s9+$0x70] =	vst v6;
	v6 =	vbroadcast v2, $0xC  }
0x7c: {  	[tilespmem:s9+$0x80] =	vst v3;
	v3 =	vmul.f32 v5, v1  }
0x7d: {  	[tilespmem:s9+$0x90] =	vst v7;
	v5 =	vmul.f32 v6, v1;
	v6 =	vbroadcast v2, $0xE  }
0x7e: {  	v2 =	vbroadcast v2, $0xF;
	[tilespmem:s9+$0xB0] =	vst v3  }
0x7f: {  	[tilespmem:s9+$0xC0] =	vst v5;
	v3 =	vmul.f32 v6, v1  }
0x80: {  	v1 =	vmul.f32 v2, v1;
	[tilespmem:s9+$0xD0] =	vst v4  }
0x81: {  	[tilespmem:s9+$0xE0] =	vst v3  }
0x82: {  	[tilespmem:s9+$0xF0] =	vst v1  }
0x83: {  	[tilespmem:s9+$0xA0] =	vst v9;
	s9 =	smov.u32 s20  }
.Ltmp2:
0x84: {  	v3 =	vld [tilespmem:s3+$0xFFFFFFEF];
	(pc) =	sbr.rel @p0 .LBB2_7-.Ltmp2, $2  }
0x85: {  	v2 =	vld [tilespmem:s3+$0xFFFFFFFF];
	_ =	sdelay $0x2  }
0x86: {  	v1 =	vld [tilespmem:s23+$0xB000]  }
0x87: {  	v4 =	vbroadcast v3, $0x0  }
0x88: {  	v5 =	vbroadcast v3, $0x3;
	v6 =	vbroadcast v3, $0x1  }
0x89: {  	v8 =	vbroadcast v3, $0x4;
	v9 =	vbroadcast v3, $0xB  }
0x8a: {  	v29 =	vbroadcast v3, $0xC;
	v31 =	vbroadcast v3, $0x6  }
0x8b: {  	v33 =	vbroadcast v3, $0xD;
	v4 =	vmul.f32 v4, v1  }
0x8c: {  	v36 =	vbroadcast v3, $0x7;
	v5 =	vmul.f32 v5, v1  }
0x8d: {  	v7 =	vld [tilespmem:s21+$0x0];
	v37 =	vbroadcast v3, $0x5;
	v28 =	vmul.f32 v6, v1;
	[tilespmem:s9+$0xFFFFFF00] =	vst v4  }
0x8e: {  	v38 =	vbroadcast v3, $0x9;
	v30 =	vmul.f32 v8, v1;
	[tilespmem:s9+$0xFFFFFF30] =	vst v5  }
0x8f: {  	v39 =	vbroadcast v3, $0xF;
	v32 =	vmul.f32 v9, v1;
	[tilespmem:s9+$0xFFFFFF10] =	vst v28  }
0x90: {  	v43 =	vbroadcast v3, $0xE;
	v6 =	vmul.f32 v29, v1;
	[tilespmem:s9+$0xFFFFFF40] =	vst v30  }
0x91: {  	v45 =	vbroadcast v3, $0x2;
	v8 =	vmul.f32 v31, v1;
	[tilespmem:s9+$0xFFFFFFB0] =	vst v32  }
0x92: {  	v41 =	vbroadcast v2, $0x2;
	v9 =	vmul.f32 v33, v1;
	[tilespmem:s9+$0xFFFFFFC0] =	vst v6  }
0x93: {  	v42 =	vbroadcast v2, $0x3;
	v40 =	vmul.f32 v38, v1;
	[tilespmem:s9+$0xFFFFFF60] =	vst v8  }
0x94: {  	v48 =	vbroadcast v3, $0xA;
	v44 =	vmul.f32 v41, v1;
	[tilespmem:s9+$0xFFFFFFD0] =	vst v9  }
0x95: {  	v3 =	vbroadcast v3, $0x8;
	v46 =	vmul.f32 v42, v1;
	[tilespmem:s9+$0xFFFFFF90] =	vst v40  }
0x96: {  	v50 =	vbroadcast v2, $0x4;
	v47 =	vmul.f32 v43, v1;
	[tilespmem:s9+$0x20] =	vst v44  }
0x97: {  	v56 =	vbroadcast v2, $0x9;
	v3 =	vmul.f32 v3, v1;
	[tilespmem:s9+$0x30] =	vst v46  }
0x98: {  	v57 =	vbroadcast v2, $0xB;
	v53 =	vmul.f32 v50, v1;
	[tilespmem:s9+$0xFFFFFFE0] =	vst v47  }
0x99: {  	v59 =	vbroadcast v2, $0xD;
	v58 =	vmul.f32 v56, v1;
	[tilespmem:s9+$0xFFFFFF80] =	vst v3  }
0x9a: {  	v34 =	vbroadcast v2, $0x0;
	v60 =	vmul.f32 v57, v1;
	[tilespmem:s9+$0x40] =	vst v53  }
0x9b: {  	v35 =	vbroadcast v2, $0x1;
	v62 =	vmul.f32 v59, v1;
	[tilespmem:s9+$0x90] =	vst v58  }
0x9c: {  	v5 =	vmul.f32 v34, v1;
	[tilespmem:s9+$0xB0] =	vst v60  }
0x9d: {  	v4 =	vmul.f32 v35, v1;
	[tilespmem:s9+$0xD0] =	vst v62  }
0x9e: {  	v51 =	vbroadcast v2, $0x5;
	v6 =	vmul.f32 v36, v1;
	[tilespmem:s9+$0x0] =	vst v5  }
0x9f: {  	v7 =	vbroadcast v7, $0xF;
	v8 =	vmul.f32 v37, v1;
	[tilespmem:s9+$0x10] =	vst v4  }
0xa0: {  	v3 =	vmul.f32 v51, v1;
	[tilespmem:s9+$0xFFFFFF70] =	vst v6  }
0xa1: {  	v49 =	vmul.f32 v7, v1;
	[tilespmem:s9+$0xFFFFFF50] =	vst v8  }
0xa2: {  	v54 =	vbroadcast v2, $0x7;
	v5 =	vmul.f32 v39, v1;
	[tilespmem:s9+$0x50] =	vst v3  }
0xa3: {  	v6 =	vmul.f32 v45, v1;
	[tilespmem:s9+$0x100] =	vst v49  }
0xa4: {  	v52 =	vbroadcast v2, $0x6;
	v3 =	vmul.f32 v54, v1;
	[tilespmem:s9+$0xFFFFFFF0] =	vst v5  }
0xa5: {  	v55 =	vbroadcast v2, $0x8;
	v4 =	vmul.f32 v48, v1;
	[tilespmem:s9+$0xFFFFFF20] =	vst v6  }
0xa6: {  	v5 =	vmul.f32 v52, v1;
	[tilespmem:s9+$0x70] =	vst v3;
	v3 =	vbroadcast v2, $0xC  }
0xa7: {  	v63 =	vbroadcast v2, $0xF;
	[tilespmem:s9+$0xFFFFFFA0] =	vst v4;
	v4 =	vmul.f32 v55, v1  }
0xa8: {  	v61 =	vbroadcast v2, $0xE;
	[tilespmem:s9+$0x60] =	vst v5;
	v3 =	vmul.f32 v3, v1  }
0xa9: {  	v2 =	vbroadcast v2, $0xA;
	[tilespmem:s9+$0x80] =	vst v4;
	v4 =	vmul.f32 v63, v1  }
0xaa: {  	[tilespmem:s9+$0xC0] =	vst v3;
	v3 =	vmul.f32 v61, v1  }
0xab: {  	v1 =	vmul.f32 v2, v1;
	[tilespmem:s9+$0xF0] =	vst v4  }
0xac: {  	[tilespmem:s9+$0xE0] =	vst v3  }
0xad: {  	[tilespmem:s9+$0xA0] =	vst v1  }
0xae: {  	[spmem:s2] =	stream.indirect.scatter.add.f32 [tilespmem:s18], [sflag:$0x1], $0x10, s24, s25, $0xb8;
	[tilespmem:$0x15480] =	vst v63  }
0xaf: {  	_ =	swait.ge [sflag:s19], $0x400  }
0xb0: {  	[sflag:s19] =	ssyncset.done $0x0  }
0xb1: {  	s3 =	simm.s32 $0x14C80;
	s23 =	simm.s32 $0xC400;
	[sflag:s19] =	ssyncadd.s32 $0xFFFFFC00  }
0xb2: {  	[spmem:s2] =	stream.indirect.scatter.add.f32 [tilespmem:s23], [sflag:$0x1], $0x10, s3, s25, $0xb8;
	[tilespmem:$0x15480] =	vst v63  }
0xb3: {  	_ =	swait.ge [sflag:s19], $0x400  }
0xb4: {  	[sflag:s19] =	ssyncset.done $0x0  }
0xb5: {  	s20 =	simm.s32 $0x14CC0;
	s21 =	simm.s32 $0xC800;
	[sflag:s19] =	ssyncadd.s32 $0xFFFFFC00  }
0xb6: {  	[spmem:s2] =	stream.indirect.scatter.add.f32 [tilespmem:s21], [sflag:$0x1], $0x10, s20, s25, $0xb8;
	[tilespmem:$0x15480] =	vst v63  }
0xb7: {  	_ =	swait.ge [sflag:s19], $0x400  }
0xb8: {  	[sflag:s19] =	ssyncset.done $0x0  }
0xb9: {  	s22 =	simm.s32 $0x14D00;
	s23 =	simm.s32 $0xCC00;
	[sflag:s19] =	ssyncadd.s32 $0xFFFFFC00  }
0xba: {  	[spmem:s2] =	stream.indirect.scatter.add.f32 [tilespmem:s23], [sflag:$0x1], $0x10, s22, s25, $0xb8;
	[tilespmem:$0x15480] =	vst v63  }
0xbb: {  	_ =	swait.ge [sflag:s19], $0x400  }
0xbc: {  	[sflag:s19] =	ssyncset.done $0x0  }
0xbd: {  	s20 =	simm.s32 $0x14D40;
	s21 =	simm.s32 $0xD000;
	[sflag:s19] =	ssyncadd.s32 $0xFFFFFC00  }
0xbe: {  	[spmem:s2] =	stream.indirect.scatter.add.f32 [tilespmem:s21], [sflag:$0x1], $0x10, s20, s25, $0xb8;
	[tilespmem:$0x15480] =	vst v63  }
0xbf: {  	_ =	swait.ge [sflag:s19], $0x400  }
0xc0: {  	[sflag:s19] =	ssyncset.done $0x0  }
0xc1: {  	s22 =	simm.s32 $0x14D80;
	s23 =	simm.s32 $0xD400;
	[sflag:s19] =	ssyncadd.s32 $0xFFFFFC00  }
0xc2: {  	[spmem:s2] =	stream.indirect.scatter.add.f32 [tilespmem:s23], [sflag:$0x1], $0x10, s22, s25, $0xb8;
	[tilespmem:$0x15480] =	vst v63  }
0xc3: {  	_ =	swait.ge [sflag:s19], $0x400  }
0xc4: {  	[sflag:s19] =	ssyncset.done $0x0  }
0xc5: {  	s20 =	simm.s32 $0x14DC0;
	s21 =	simm.s32 $0xD800;
	[sflag:s19] =	ssyncadd.s32 $0xFFFFFC00  }
0xc6: {  	[spmem:s2] =	stream.indirect.scatter.add.f32 [tilespmem:s21], [sflag:$0x1], $0x10, s20, s25, $0xb8;
	[tilespmem:$0x15480] =	vst v63  }
0xc7: {  	_ =	swait.ge [sflag:s19], $0x400  }
0xc8: {  	[sflag:s19] =	ssyncset.done $0x0  }
0xc9: {  	s22 =	simm.s32 $0x14E00;
	s23 =	simm.s32 $0xDC00;
	[sflag:s19] =	ssyncadd.s32 $0xFFFFFC00  }
0xca: {  	[spmem:s2] =	stream.indirect.scatter.add.f32 [tilespmem:s23], [sflag:$0x1], $0x10, s22, s25, $0xb8;
	[tilespmem:$0x15480] =	vst v63  }
0xcb: {  	_ =	swait.ge [sflag:s19], $0x400  }
0xcc: {  	[sflag:s19] =	ssyncset.done $0x0  }
0xcd: {  	s20 =	simm.s32 $0x14E40;
	s21 =	simm.s32 $0xE000;
	[sflag:s19] =	ssyncadd.s32 $0xFFFFFC00  }
0xce: {  	[spmem:s2] =	stream.indirect.scatter.add.f32 [tilespmem:s21], [sflag:$0x1], $0x10, s20, s25, $0xb8;
	[tilespmem:$0x15480] =	vst v63  }
0xcf: {  	_ =	swait.ge [sflag:s19], $0x400  }
0xd0: {  	[sflag:s19] =	ssyncset.done $0x0  }
0xd1: {  	s22 =	simm.s32 $0x14E80;
	s23 =	simm.s32 $0xE400;
	[sflag:s19] =	ssyncadd.s32 $0xFFFFFC00  }
0xd2: {  	[spmem:s2] =	stream.indirect.scatter.add.f32 [tilespmem:s23], [sflag:$0x1], $0x10, s22, s25, $0xb8;
	[tilespmem:$0x15480] =	vst v63  }
0xd3: {  	_ =	swait.ge [sflag:s19], $0x400  }
0xd4: {  	[sflag:s19] =	ssyncset.done $0x0  }
0xd5: {  	s20 =	simm.s32 $0x14EC0;
	s21 =	simm.s32 $0xE800;
	[sflag:s19] =	ssyncadd.s32 $0xFFFFFC00  }
0xd6: {  	[spmem:s2] =	stream.indirect.scatter.add.f32 [tilespmem:s21], [sflag:$0x1], $0x10, s20, s25, $0xb8;
	[tilespmem:$0x15480] =	vst v63  }
0xd7: {  	_ =	swait.ge [sflag:s19], $0x400  }
0xd8: {  	[sflag:s19] =	ssyncset.done $0x0  }
0xd9: {  	s22 =	simm.s32 $0x14F00;
	s23 =	simm.s32 $0xEC00;
	[sflag:s19] =	ssyncadd.s32 $0xFFFFFC00  }
0xda: {  	[spmem:s2] =	stream.indirect.scatter.add.f32 [tilespmem:s23], [sflag:$0x1], $0x10, s22, s25, $0xb8;
	[tilespmem:$0x15480] =	vst v63  }
0xdb: {  	_ =	swait.ge [sflag:s19], $0x400  }
0xdc: {  	[sflag:s19] =	ssyncset.done $0x0  }
0xdd: {  	s20 =	simm.s32 $0x14F40;
	s21 =	simm.s32 $0xF000;
	[sflag:s19] =	ssyncadd.s32 $0xFFFFFC00  }
0xde: {  	[spmem:s2] =	stream.indirect.scatter.add.f32 [tilespmem:s21], [sflag:$0x1], $0x10, s20, s25, $0xb8;
	[tilespmem:$0x15480] =	vst v63  }
0xdf: {  	_ =	swait.ge [sflag:s19], $0x400  }
0xe0: {  	[sflag:s19] =	ssyncset.done $0x0  }
0xe1: {  	s22 =	simm.s32 $0x14F80;
	s23 =	simm.s32 $0xF400;
	[sflag:s19] =	ssyncadd.s32 $0xFFFFFC00  }
0xe2: {  	[spmem:s2] =	stream.indirect.scatter.add.f32 [tilespmem:s23], [sflag:$0x1], $0x10, s22, s25, $0xb8;
	[tilespmem:$0x15480] =	vst v63  }
0xe3: {  	_ =	swait.ge [sflag:s19], $0x400  }
0xe4: {  	[sflag:s19] =	ssyncset.done $0x0  }
0xe5: {  	s20 =	simm.s32 $0x14FC0;
	s21 =	simm.s32 $0xF800;
	[sflag:s19] =	ssyncadd.s32 $0xFFFFFC00  }
0xe6: {  	[spmem:s2] =	stream.indirect.scatter.add.f32 [tilespmem:s21], [sflag:$0x1], $0x10, s20, s25, $0xb8;
	[tilespmem:$0x15480] =	vst v63  }
0xe7: {  	_ =	swait.ge [sflag:s19], $0x400  }
0xe8: {  	[sflag:s19] =	ssyncset.done $0x0  }
0xe9: {  	s22 =	simm.s32 $0x15000;
	s23 =	simm.s32 $0xFC00;
	[sflag:s19] =	ssyncadd.s32 $0xFFFFFC00  }
0xea: {  	[spmem:s2] =	stream.indirect.scatter.add.f32 [tilespmem:s23], [sflag:$0x1], $0x10, s22, s25, $0xb8;
	[tilespmem:$0x15480] =	vst v63  }
0xeb: {  	_ =	swait.ge [sflag:s19], $0x400  }
0xec: {  	[sflag:s19] =	ssyncset.done $0x0  }
0xed: {  	s20 =	simm.s32 $0x15040;
	s21 =	simm.s32 $0x10000;
	[sflag:s19] =	ssyncadd.s32 $0xFFFFFC00  }
0xee: {  	[spmem:s2] =	stream.indirect.scatter.add.f32 [tilespmem:s21], [sflag:$0x1], $0x10, s20, s25, $0xb8;
	[tilespmem:$0x15480] =	vst v63  }
0xef: {  	_ =	swait.ge [sflag:s19], $0x400  }
0xf0: {  	[sflag:s19] =	ssyncset.done $0x0  }
0xf1: {  	s22 =	simm.s32 $0x15080;
	s23 =	simm.s32 $0x10400;
	[sflag:s19] =	ssyncadd.s32 $0xFFFFFC00  }
0xf2: {  	[spmem:s2] =	stream.indirect.scatter.add.f32 [tilespmem:s23], [sflag:$0x1], $0x10, s22, s25, $0xb8;
	[tilespmem:$0x15480] =	vst v63  }
0xf3: {  	_ =	swait.ge [sflag:s19], $0x400  }
0xf4: {  	[sflag:s19] =	ssyncset.done $0x0  }
0xf5: {  	s20 =	simm.s32 $0x150C0;
	s21 =	simm.s32 $0x10800;
	[sflag:s19] =	ssyncadd.s32 $0xFFFFFC00  }
0xf6: {  	[spmem:s2] =	stream.indirect.scatter.add.f32 [tilespmem:s21], [sflag:$0x1], $0x10, s20, s25, $0xb8;
	[tilespmem:$0x15480] =	vst v63  }
0xf7: {  	_ =	swait.ge [sflag:s19], $0x400  }
0xf8: {  	[sflag:s19] =	ssyncset.done $0x0  }
0xf9: {  	s22 =	simm.s32 $0x15100;
	s23 =	simm.s32 $0x10C00;
	[sflag:s19] =	ssyncadd.s32 $0xFFFFFC00  }
0xfa: {  	[spmem:s2] =	stream.indirect.scatter.add.f32 [tilespmem:s23], [sflag:$0x1], $0x10, s22, s25, $0xb8;
	[tilespmem:$0x15480] =	vst v63  }
0xfb: {  	_ =	swait.ge [sflag:s19], $0x400  }
0xfc: {  	[sflag:s19] =	ssyncset.done $0x0  }
0xfd: {  	s20 =	simm.s32 $0x15140;
	s21 =	simm.s32 $0x11000;
	[sflag:s19] =	ssyncadd.s32 $0xFFFFFC00  }
0xfe: {  	[spmem:s2] =	stream.indirect.scatter.add.f32 [tilespmem:s21], [sflag:$0x1], $0x10, s20, s25, $0xb8;
	[tilespmem:$0x15480] =	vst v63  }
0xff: {  	_ =	swait.ge [sflag:s19], $0x400  }
0x100: {  	[sflag:s19] =	ssyncset.done $0x0  }
0x101: {  	s22 =	simm.s32 $0x15180;
	s23 =	simm.s32 $0x11400;
	[sflag:s19] =	ssyncadd.s32 $0xFFFFFC00  }
0x102: {  	[spmem:s2] =	stream.indirect.scatter.add.f32 [tilespmem:s23], [sflag:$0x1], $0x10, s22, s25, $0xb8;
	[tilespmem:$0x15480] =	vst v63  }
0x103: {  	_ =	swait.ge [sflag:s19], $0x400  }
0x104: {  	[sflag:s19] =	ssyncset.done $0x0  }
0x105: {  	s20 =	simm.s32 $0x151C0;
	s21 =	simm.s32 $0x11800;
	[sflag:s19] =	ssyncadd.s32 $0xFFFFFC00  }
0x106: {  	[spmem:s2] =	stream.indirect.scatter.add.f32 [tilespmem:s21], [sflag:$0x1], $0x10, s20, s25, $0xb8;
	[tilespmem:$0x15480] =	vst v63  }
0x107: {  	_ =	swait.ge [sflag:s19], $0x400  }
0x108: {  	[sflag:s19] =	ssyncset.done $0x0  }
0x109: {  	s22 =	simm.s32 $0x15200;
	s23 =	simm.s32 $0x11C00;
	[sflag:s19] =	ssyncadd.s32 $0xFFFFFC00  }
0x10a: {  	[spmem:s2] =	stream.indirect.scatter.add.f32 [tilespmem:s23], [sflag:$0x1], $0x10, s22, s25, $0xb8;
	[tilespmem:$0x15480] =	vst v63  }
0x10b: {  	_ =	swait.ge [sflag:s19], $0x400  }
0x10c: {  	[sflag:s19] =	ssyncset.done $0x0  }
0x10d: {  	s20 =	simm.s32 $0x15240;
	s21 =	simm.s32 $0x12000;
	[sflag:s19] =	ssyncadd.s32 $0xFFFFFC00  }
0x10e: {  	[spmem:s2] =	stream.indirect.scatter.add.f32 [tilespmem:s21], [sflag:$0x1], $0x10, s20, s25, $0xb8;
	[tilespmem:$0x15480] =	vst v63  }
0x10f: {  	_ =	swait.ge [sflag:s19], $0x400  }
0x110: {  	[sflag:s19] =	ssyncset.done $0x0  }
0x111: {  	s22 =	simm.s32 $0x15280;
	s23 =	simm.s32 $0x12400;
	[sflag:s19] =	ssyncadd.s32 $0xFFFFFC00  }
0x112: {  	[spmem:s2] =	stream.indirect.scatter.add.f32 [tilespmem:s23], [sflag:$0x1], $0x10, s22, s25, $0xb8;
	[tilespmem:$0x15480] =	vst v63  }
0x113: {  	_ =	swait.ge [sflag:s19], $0x400  }
0x114: {  	[sflag:s19] =	ssyncset.done $0x0  }
0x115: {  	s20 =	simm.s32 $0x152C0;
	s21 =	simm.s32 $0x12800;
	[sflag:s19] =	ssyncadd.s32 $0xFFFFFC00  }
0x116: {  	[spmem:s2] =	stream.indirect.scatter.add.f32 [tilespmem:s21], [sflag:$0x1], $0x10, s20, s25, $0xb8;
	[tilespmem:$0x15480] =	vst v63  }
0x117: {  	_ =	swait.ge [sflag:s19], $0x400  }
0x118: {  	[sflag:s19] =	ssyncset.done $0x0  }
0x119: {  	s22 =	simm.s32 $0x15300;
	s23 =	simm.s32 $0x12C00;
	[sflag:s19] =	ssyncadd.s32 $0xFFFFFC00  }
0x11a: {  	[spmem:s2] =	stream.indirect.scatter.add.f32 [tilespmem:s23], [sflag:$0x1], $0x10, s22, s25, $0xb8;
	[tilespmem:$0x15480] =	vst v63  }
0x11b: {  	_ =	swait.ge [sflag:s19], $0x400  }
0x11c: {  	[sflag:s19] =	ssyncset.done $0x0  }
0x11d: {  	[sflag:s19] =	ssyncadd.s32 $0xFFFFFC00  }
0x11e: {  	[spmem:s2] =	stream.indirect.scatter.add.f32 [tilespmem:s28], [sflag:$0x1], $0x10, s26, s25, $0xb8;
	[tilespmem:$0x15480] =	vst v63  }
0x11f: {  	_ =	swait.ge [sflag:s19], $0x400  }
0x120: {  	[sflag:s19] =	ssyncset.done $0x0  }
0x121: {  	[sflag:s19] =	ssyncadd.s32 $0xFFFFFC00  }
0x122: {  	[spmem:s2] =	stream.indirect.scatter.add.f32 [tilespmem:s30], [sflag:$0x1], $0x10, s29, s25, $0xb8;
	[tilespmem:$0x15480] =	vst v63  }
0x123: {  	_ =	swait.ge [sflag:s19], $0x400  }
0x124: {  	[sflag:s19] =	ssyncset.done $0x0  }
0x125: {  	[sflag:s19] =	ssyncadd.s32 $0xFFFFFC00  }
0x126: {  	[spmem:s2] =	stream.indirect.scatter.add.f32 [tilespmem:s0], [sflag:$0x1], $0x10, s31, s25, $0xb8;
	[tilespmem:$0x15480] =	vst v63  }
0x127: {  	_ =	swait.ge [sflag:s19], $0x400  }
0x128: {  	[sflag:s19] =	ssyncset.done $0x0  }
0x129: {  	[sflag:s19] =	ssyncadd.s32 $0xFFFFFC00  }
0x12a: {  	[spmem:s2] =	stream.indirect.scatter.add.f32 [tilespmem:s10], [sflag:$0x1], $0x10, s1, s25, $0xb8;
	[tilespmem:$0x15480] =	vst v63  }
0x12b: {  	s17 =	sadd.s32 $0x1, s17;
	_ =	swait.ge [sflag:s19], $0x400  }
0x12c: {  	p0 =	sne.s32 s17, $0x16;
	[sflag:s19] =	ssyncset.done $0x0  }
.Ltmp3:
0x12d: {  	[sflag:s19] =	ssyncadd.s32 $0xFFFFFC00;
	(pc) =	sbr.rel @p0 .LBB2_4-.Ltmp3, $4  }
0x12e: {  	[spmem:s2] =	stream.indirect.scatter.add.f32 [tilespmem:s13], [sflag:$0x1], $0x10, s12, s25, $0xb8;
	[tilespmem:$0x15480] =	vst v63  }
0x12f: {  	_ =	swait.ge [sflag:s19], $0x400  }
0x130: {  	[sflag:s19] =	ssyncset.done $0x0  }
0x131: {  	[sflag:s19] =	ssyncadd.s32 $0xFFFFFC00  }
0x132: {  	s3 =	stileid.u32;
	[bflag:$0x0] =	sbarrier.arrive $0xFFFF  }
0x133: {  	s3 =	sshll.u32 s3, $0x6;
	s17 =	rddreg [dreg:$0x4]  }
0x134: {  	s16 =	rddreg [dreg:$0x8];
	s3 =	sor.u32 $0x1C01, s3;
	s9 =	sshrl.u32 s17, $0x3  }
0x135: {  	[hbm:s16], [sflag:s3] =	dma.local [spmem:s9], $0x1600  }
0x136: {  	_ =	swait.ge [sflag:s19], $0x1600  }
0x137: {  	s22 =	rddreg [dreg:$0x3]  }
0x138: {  	s23 =	rddreg [dreg:$0x9];
	s16 =	sadd.s32 $0x1, s22  }
0x139: {  	p0 =	sne.s32 s16, s23  }
.Ltmp4:
0x13a: {  	_ = 	snop;
	(pc) =	sbr.rel @p0 .LBB2_1-.Ltmp4, $3  }
0x13b: {  	_ =	sdelay $0x1  }
0x13c: {  	[sflag:s19] =	ssyncset.done $0x0  }
0x13d: {  	[sflag:s19] =	ssyncadd.s32 $0xFFFFEA00  }
0x13e: {  	_ =	sfence.sel $0x180000  }
0x13f: {  	[bflag:$0x0] =	sbarrier.arrive $0xFFFF  }
0x140: {  	_ =	strace $0x9000004A  }
0x141: {  	s0 =	stileid.u32;
	[bflag:$0x2] =	sbarrier.arrive $0xFFFF  }
0x142: {  	p0 =	sne.s32 s0, $0x0;
	s0 =	rddreg [dreg:$0x2]  }
0x143: {  	s0 =	sadd.s32 @!p0 $0x100000, s0  }
0x144: {  	[sflag:s0] =	ssyncadd.tile.s32 @!p0 $0x1;
	_ =	shalt  }
.Lfunc_end2:
_tile_overlayer_lowered:
.L_overlay_start_2:
0x145: {  	(tag) =	ssettag $0x2  }
0x146: {  	s0 =	rddreg [dreg:$0x0];
	s2 =	stileid.u32  }
0x147: {  	s1 =	rddreg [dreg:$0x1];
	p0 =	sne.s32 s2, $0x0  }
0x148: {  	s3 =	rddreg [dreg:$0x2];
	[bflag:$0x3] =	sbarrier.arrive $0xFFFF;
	s2 =	simm.s32 @!p0 $0x1C01  }
0x149: {  	[timem:s3], [sflag:s2] =	dma.local @!p0 [hbm:s0], s1  }
0x14a: {  	s0 =	simm.s32 @!p0 $0x1  }
0x14b: {  	_ =	swait.ge @!p0 [sflag:s0], s1  }
0x14c: {  	s1 =	ssub.s32 @!p0 $0x0, s1;
	[sflag:s0] =	ssyncset.done @!p0 $0x0  }
0x14d: {  	[sflag:s0] =	ssyncadd.s32 @!p0 s1  }
0x14e: {  	[bflag:$0x3] =	sbarrier.arrive $0xFFFF  }
0x14f: {  	_ =	shalt  }

// kernel: kernel.5.cloned.1.call-start
scs
__scs_entry_jumppad:
0x0: {  	(pc) =	sbr.rel $0x88, $3  }
0x1: {  	(tag) =	ssettag $0x0;
	lr =	simm.s32 $0x1  }
0x2: {  	[smem:$0x3F97] =	sst lr;
	_ =	strace $0xD0000000  }
0x3: {  	_ = 	snop  }
0x4: {  	_ = 	snop  }
0x5: {  	_ = 	snop  }
0x6: {  	_ = 	snop  }
0x7: {  	_ = 	snop  }
__scs_overlays_trampoline_lowered:
0x8: {  	[smem:$0x3FA6] =	sst s0  }
0x9: {  	[smem:$0x3FA7] =	sst s1  }
0xa: {  	[smem:$0x3FA8] =	sst s2  }
0xb: {  	[smem:$0x3FA9] =	sst s3  }
0xc: {  	[smem:$0x3FAA] =	sst s4  }
0xd: {  	[smem:$0x3FAB] =	sst s5  }
0xe: {  	[smem:$0x3FAC] =	sst s6  }
0xf: {  	[smem:$0x3FAD] =	sst s7  }
0x10: {  	[smem:$0x3FAE] =	sst s8  }
0x11: {  	[smem:$0x3FAF] =	sst s9;
	s0 =	simm.s32 @!p0 $0x0  }
0x12: {  	s1 =	sld [smem:$0x3F95];
	s0 =	simm.s32 @p0 $0x1  }
0x13: {  	[smem:$0x3FB0] =	sst s0;
	s0 =	simm.s32 @!p1 $0x0  }
0x14: {  	s2 =	sld [smem:$0x3F94];
	s0 =	simm.s32 @p1 $0x1  }
0x15: {  	[smem:$0x3FB1] =	sst s0;
	s0 =	simm.s32 @!p2 $0x0  }
0x16: {  	s3 =	sld [smem:$0x3FDB];
	s0 =	simm.s32 @p2 $0x1  }
0x17: {  	s4 =	simm.s32 $0x1BF5;
	[smem:$0x3FB3] =	sst s0  }
0x18: {  	s0 =	sld [smem:$0x3F96];
	_ =	swait.ge [sflag:s4], $0x0  }
0x19: {  	s7 =	sld [smem:$0x3F97]  }
0x1a: {  	s8 =	sadd.s32 $0xFFFFE003, lr  }
0x1b: {  	s9 =	sadd.s32 $0xFFFFFEF7, lr;
	s5 =	simm.s32 $0xFFFFFFFF;
	p2 =	slt.u32 s8, $0xFFFFF086  }
0x1c: {  	p1 =	slt.u32 s9, $0xF7A;
	s5 =	simm.s32 @!p2 $0x0  }
0x1d: {  	s5 =	simm.s32 @p1 $0x1;
	p0 =	seq.s32 s7, s2  }
0x1e: {  	s7 =	smul.u32 @!p0 $0xF7A, s2;
	p2 =	seq.s32 @!p0 s5, $0x0  }
0x1f: {  	s9 =	smul.u32 $0xF7A, s1;
	s8 =	simm.s32 @!p0 $0x1BF5;
	p2 =	por !p2, p0  }
0x20: {  	[sflag:s8] =	ssyncset.s32 @!p0 $0xFFFFF086;
	s6 =	sadd.s32 @!p0 s3, s7;
	s7 =	simm.s32 @!p0 $0x108  }
0x21: {  	s3 =	sadd.s32 s3, s9;
	s6 =	sadd.s32 @!p0 $0x88, s6;
	s7 =	simm.s32 @p2 $0x1082  }
0x22: {  	[simem:s7], [sflag:s8] =	dma.local @!p0 [hbm:s6], $0xF7A  }
0x23: {  	s9 =	sor.u32 $0xD0000000, s2;
	s6 =	simm.s32 $0x108;
	_ =	swait.ge @!p0 [sflag:s8], $0x0  }
0x24: {  	s3 =	sadd.s32 $0x88, s3;
	s6 =	simm.s32 @!p1 $0x1082;
	[sflag:s4] =	ssyncset.s32 $0xFFFFF086  }
0x25: {  	[simem:s6], [sflag:s4] =	dma.local [hbm:s3], $0xF7A  }
0x26: {  	[smem:$0x3F97] =	sst s1;
	(tag) =	ssettag s2;
	_ =	strace s9  }
0x27: {  	s1 =	sld [smem:$0x3FA7]  }
0x28: {  	s2 =	sld [smem:$0x3FA8]  }
0x29: {  	s4 =	sld [smem:$0x3FAA]  }
0x2a: {  	p0 =	seq.s32 s5, $0x0;
	s5 =	sld [smem:$0x3FAB]  }
0x2b: {  	s6 =	sld [smem:$0x3FAC]  }
0x2c: {  	s7 =	sld [smem:$0x3FAD]  }
0x2d: {  	s3 =	simm.s32 $0x108;
	s8 =	sld [smem:$0x3FAE]  }
0x2e: {  	s3 =	simm.s32 @!p0 $0x1082;
	s9 =	sld [smem:$0x3FAF]  }
0x2f: {  	lr =	sadd.s32 s0, s3;
	s0 =	sld [smem:$0x3FA6]  }
0x30: {  	s3 =	sld [smem:$0x3FA9]  }
0x31: {  	[smem:$0x3FB2] =	sst s10  }
0x32: {  	s10 =	sld [smem:$0x3FB0];
	_ =	sdelay $0x3  }
0x33: {  	p0 =	seq.s32 s10, $0x1;
	s10 =	sld [smem:$0x3FB2];
	_ =	sdelay $0x3  }
0x34: {  	[smem:$0x3FB2] =	sst s10  }
0x35: {  	s10 =	sld [smem:$0x3FB1];
	_ =	sdelay $0x3  }
0x36: {  	p1 =	seq.s32 s10, $0x1;
	s10 =	sld [smem:$0x3FB2];
	_ =	sdelay $0x3  }
0x37: {  	[smem:$0x3FB2] =	sst s10  }
0x38: {  	s10 =	sld [smem:$0x3FB3]  }
0x39: {  	_ = 	snop;
	(pc) =	sbr.ind lr, $3  }
0x3a: {  	_ = 	snop  }
0x3b: {  	_ = 	snop  }
0x3c: {  	p2 =	seq.s32 s10, $0x1;
	s10 =	sld [smem:$0x3FB2]  }
0x3d: {  	_ =	shalt  }
0x3e: {  	_ =	shalt  }
0x3f: {  	_ =	shalt  }
0x40: {  	_ =	shalt  }
0x41: {  	_ =	shalt  }
0x42: {  	_ =	shalt  }
0x43: {  	_ =	shalt  }
0x44: {  	_ =	shalt  }
0x45: {  	_ =	shalt  }
0x46: {  	_ =	shalt  }
0x47: {  	_ =	shalt  }
0x48: {  	_ =	shalt  }
0x49: {  	_ =	shalt  }
0x4a: {  	_ =	shalt  }
0x4b: {  	_ =	shalt  }
0x4c: {  	_ =	shalt  }
0x4d: {  	_ =	shalt  }
0x4e: {  	_ =	shalt  }
0x4f: {  	_ =	shalt  }
0x50: {  	_ =	shalt  }
0x51: {  	_ =	shalt  }
0x52: {  	_ =	shalt  }
0x53: {  	_ =	shalt  }
0x54: {  	_ =	shalt  }
0x55: {  	_ =	shalt  }
0x56: {  	_ =	shalt  }
0x57: {  	_ =	shalt  }
0x58: {  	_ =	shalt  }
0x59: {  	_ =	shalt  }
0x5a: {  	_ =	shalt  }
0x5b: {  	_ =	shalt  }
0x5c: {  	_ =	shalt  }
0x5d: {  	_ =	shalt  }
0x5e: {  	_ =	shalt  }
0x5f: {  	_ =	shalt  }
0x60: {  	_ =	shalt  }
0x61: {  	_ =	shalt  }
0x62: {  	_ =	shalt  }
0x63: {  	_ =	shalt  }
0x64: {  	_ =	shalt  }
0x65: {  	_ =	shalt  }
0x66: {  	_ =	shalt  }
0x67: {  	_ =	shalt  }
0x68: {  	_ =	shalt  }
0x69: {  	_ =	shalt  }
0x6a: {  	_ =	shalt  }
0x6b: {  	_ =	shalt  }
0x6c: {  	_ =	shalt  }
0x6d: {  	_ =	shalt  }
0x6e: {  	_ =	shalt  }
0x6f: {  	_ =	shalt  }
0x70: {  	_ =	shalt  }
0x71: {  	_ =	shalt  }
0x72: {  	_ =	shalt  }
0x73: {  	_ =	shalt  }
0x74: {  	_ =	shalt  }
0x75: {  	_ =	shalt  }
0x76: {  	_ =	shalt  }
0x77: {  	_ =	shalt  }
0x78: {  	_ =	shalt  }
0x79: {  	_ =	shalt  }
0x7a: {  	_ =	shalt  }
0x7b: {  	_ =	shalt  }
0x7c: {  	_ =	shalt  }
0x7d: {  	_ =	shalt  }
0x7e: {  	_ =	shalt  }
0x7f: {  	_ =	shalt  }
0x80: {  	_ =	shalt  }
0x81: {  	_ =	shalt  }
0x82: {  	_ =	shalt  }
0x83: {  	_ =	shalt  }
0x84: {  	_ =	shalt  }
0x85: {  	_ =	shalt  }
0x86: {  	_ =	shalt  }
0x87: {  	_ =	shalt  }
.Lfunc_end0:
.L_simem_size_0:
called_computation.1_lowered:
.L_overlay_start_0:
0x88: {  	s2 =	sld [smem:$0x3FD9]  }
0x89: {  	s3 =	sld [smem:$0x3FFE];
	_ =	sdelay $0x1  }
0x8a: {  	s1 =	srdreg.scid  }
0x8b: {  	s0 =	sand.u32 $0x1, s1  }
0x8c: {  	s16 =	sshll.u32 s0, $0xA;
	s2 =	sadd.s32 s3, s2  }
0x8d: {  	s2 =	sadd.s32 s2, s16  }
0x8e: {  	[smem:$0x3FBE] =	sst s2  }
0x8f: {  	_ = 	snop  }
0x90: {  	(tm) =	ssettm $0x1  }
0x91: {  	s17 =	sld [smem:$0x3FFB];
	_ =	sdelay $0x3  }
0x92: {  	_ =	strace s17  }
0x93: {  	s2 =	sld [smem:$0x3FFC];
	_ =	sdelay $0x3  }
0x94: {  	_ =	strace s2  }
0x95: {  	s2 =	sld [smem:$0x3FFD];
	_ =	sdelay $0x3  }
0x96: {  	_ =	strace s2  }
0x97: {  	_ =	strace $0x8FFFFFFF  }
0x98: {  	s18 =	sld [smem:$0x3FDB];
	_ =	sdelay $0x1  }
0x99: {  	s19 =	simm.s32 $_scs_section_size  }
0x9a: {  	s4 =	simm.s32 $_size__tile_overlayer_lowered;
	s5 =	simm.s32 $_tile_overlayer_lowered  }
0x9b: {  	s22 =	simm.s32 $0x1BFF;
	s21 =	sshll.u32 s5, $0x1;
	s2 =	sadd.s32 s19, s18  }
0x9c: {  	s6 =	simm.s32 $0x0;
	s20 =	sshll.u32 s4, $0x1;
	s4 =	sadd.s32 s21, s2  }
0x9d: {  	[timem:s6], [sflag:s22] =	dma.local [hbm:s4], s20  }
0x9e: {  	_ =	swait.ge [sflag:s22], s20  }
0x9f: {  	s3 =	ssub.s32 $0x0, s20;
	[sflag:s22] =	ssyncset.done $0x0  }
0xa0: {  	[sflag:s22] =	ssyncadd.s32 s3;
	_ =	sdelay $0x1  }
0xa1: {  	s23 =	simm.s32 $0x1B8B  }
0xa2: {  	_ =	swait.ge [sflag:s23], $0x1  }
0xa3: {  	[sflag:s23] =	ssyncset.done $0x0  }
0xa4: {  	s25 =	simm.s32 $0x1B8E;
	s24 =	sld [smem:$0x3FFE];
	[sflag:s23] =	ssyncadd.s32 $0xFFFFFFFF  }
0xa5: {  	s26 =	simm.s32 $execute0_lowered;
	[smem:$0x3FD2] =	sst s25  }
0xa6: {  	s4 =	sshll.u32 s26, $0x1;
	_ =	strace $0x80000046;
	[dreg:$0x1] =	wrdreg $0xFFFFFFFF  }
0xa7: {  	s28 =	simm.s32 $_size_execute0_lowered;
	s2 =	sadd.s32 s2, s4;
	[dreg:$0x0] =	wrdreg $0x0  }
0xa8: {  	s4 =	sshll.u32 s28, $0x1;
	[dreg:$0x2] =	wrdreg s2  }
0xa9: {  	[dreg:$0x3] =	wrdreg s4  }
0xaa: {  	[dreg:$0x4] =	wrdreg $0xC0  }
0xab: {  	_ =	task [dreg:s6], $0x5FFFF  }
0xac: {  	[dreg:$0x1] =	wrdreg $0xFFFFFFFF  }
0xad: {  	[dreg:$0x0] =	wrdreg $0x60  }
0xae: {  	[dreg:$0x2] =	wrdreg s24  }
0xaf: {  	[dreg:$0x3] =	wrdreg $0x0  }
0xb0: {  	[dreg:$0x4] =	wrdreg $0x9  }
0xb1: {  	_ =	task.clear_ibuf [dreg:s6], $0x5FFFF;
	_ =	strace $0x90000046  }
0xb2: {  	s29 =	simm.s32 $0x9;
	_ =	strace $0x80000048  }
0xb3: {  	_ =	swait.ge [sflag:s29], $0x1  }
0xb4: {  	[sflag:s29] =	ssyncadd.s32 $0xFFFFFFFF  }
0xb5: {  	_ =	strace $0x90000048  }
0xb6: {  	_ =	sfence  }
0xb7: {  	s30 =	sld [smem:$0x0];
	_ =	sdelay $0x2  }
0xb8: {  	s31 =	sshll.u32 s1, $0xD;
	s1 =	sshrl.u32 s1, $0x2  }
0xb9: {  	s3 =	sand.u32 $0x4000, s31;
	s1 =	sadd.s32 s1, s30  }
0xba: {  	s0 =	sor.u32 s3, s0;
	s1 =	sshll.u32 s1, $0x11  }
0xbb: {  	s0 =	sor.u32 s1, s0  }
0xbc: {  	s0 =	sadd.s32 $0x8F2B, s0  }
0xbd: {  	[sflag:s0] =	ssyncadd.remote.s32 $0x1  }
0xbe: {  	_ =	sfence.sel $0xFFFF  }
0xbf: {  	[dreg:$0x0] =	wrdreg $0xFFFFFFFF;
	(pc) =	sbr.abs _section_cstart, $3  }
0xc0: {  	[dreg:$0x1] =	wrdreg $0xFFFFFFFF  }
0xc1: {  	_ =	task.clear_ibuf [dreg:s6], $0x2FFFF;
	_ =	strace $0x9FFFFFFF  }
0xc2: {  	(tm) =	ssettm $0x7FFFFFFF  }
0xc3: {  	_ =	shalt  }
tec
execute0_lowered:
.L_overlay_start_1:
0x0: {  	(tag) =	ssettag $0x1  }
0x1: {  	s0 =	rddreg [dreg:$0x0]  }
0x2: {  	s2 =	rddreg [dreg:$0x1]  }
0x3: {  	s1 =	srdreg.scid;
	s10 =	stileid.u32  }
0x4: {  	s26 =	simm.s32 $0x0;
	s16 =	simm.s32 $0xB400;
	s17 =	simm.s32 $0x1  }
0x5: {  	s20 =	simm.s32 $0x14040;
	s21 =	simm.s32 $0x40;
	s11 =	simm.s32 $0x14700  }
0x6: {  	s12 =	simm.s32 $0x12000;
	s14 =	simm.s32 $0x14740;
	s15 =	simm.s32 $0x12400  }
0x7: {  	s18 =	simm.s32 $0x147C0;
	s19 =	simm.s32 $0x12C00;
	s22 =	simm.s32 $0x14800  }
0x8: {  	s23 =	simm.s32 $0x13000;
	s1 =	sand.u32 $0x1, s1;
	s3 =	smul.u32 $0xB000, s10  }
0x9: {  	[smem:$0x7FF] =	sst s26;
	s4 =	sadd.s32 $0x3200, s0;
	s8 =	smul.u32 $0x2C000, s10  }
0xa: {  	s5 =	sadd.s32 $0x19200, s0;
	s6 =	smul.u32 $0xB0000, s1;
	s24 =	ssub.s32 $0x2, s1  }
0xb: {  	_ =	strace $0x80000047;
	s1 =	sshll.u32 s1, $0x4;
	s9 =	sshrl.u32 s24, $0x1  }
0xc: {  	s1 =	sor.u32 s10, s1;
	s8 =	sshrl.u32 s8, $0x2;
	s28 =	sadd.s32 s3, s2  }
0xd: {  	s7 =	sadd.s32 s3, s6;
	s6 =	sadd.s32 $0x46800, s0;
	s10 =	smul.u32 $0x16, s1  }
0xe: {  	s9 =	ssub.s32 s24, s9;
	s8 =	sadd.s32 s8, s2;
	s13 =	smul.u32 $0x5800, s1  }
0xf: {  	s3 =	simm.s32 $0x12800;
	[dreg:$0x4] =	wrdreg s28;
	s25 =	sadd.s32 $0x2C00, s8  }
0x10: {  	s24 =	simm.s32 $0x14840;
	s29 =	sadd.s32 $0x5800, s8;
	[dreg:$0x5] =	wrdreg s25  }
0x11: {  	s7 =	sshrl.u32 s7, $0x3;
	s30 =	sadd.s32 $0x8400, s8;
	[dreg:$0x6] =	wrdreg s29  }
0x12: {  	s31 =	smax.u32 s9, $0x1;
	s0 =	sadd.s32 s7, s0;
	[dreg:$0x7] =	wrdreg s30  }
0x13: {  	s8 =	simm.s32 $0x14780;
	[dreg:$0x9] =	wrdreg s31;
	s0 =	sadd.s32 $0x73E00, s0  }
0x14: {  	v0 =	vimm.f32 $0.0e+00;
	s7 =	smul.u32 $0xB580, s1;
	s25 =	simm.s32 $0x13400;
	[dreg:$0x8] =	wrdreg s0  }
.LBB2_1:
0x15: {  	[dreg:$0x3] =	wrdreg s26;
	s0 =	simm.s32 $0x40;
	s1 =	simm.s32 $0x0  }
.LBB2_2:
0x16: {  	p0 =	sne.s32 s0, $0xAFC0;
	[tilespmem:s1+$0xB400] =	vst v0;
	s1 =	smov.u32 s0;
	s0 =	sadd.s32 $0x40, s0  }
.Ltmp0:
0x17: {  	(pc) =	sbr.rel @p0 .LBB2_2-.Ltmp0, $2  }
0x18: {  	_ =	sdelay $0x2  }
0x19: {  	s1 =	sshra.s32 s1, $0x2  }
0x1a: {  	[tilespmem:s1+$0xB400] =	vst v0  }
0x1b: {  	[spmem:s28] =	stream.linear.scatter [tilespmem:s16], [sflag:$0x1], $0x2C00, $0x38;
	[tilespmem:$0x14880] =	vst v63  }
0x1c: {  	_ =	swait.ge [sflag:s17], $0x2C00  }
0x1d: {  	[sflag:s17] =	ssyncset.done $0x0  }
0x1e: {  	s0 =	rddreg [dreg:$0x5];
	[sflag:s17] =	ssyncadd.s32 $0xFFFFD400  }
0x1f: {  	[spmem:s0] =	stream.linear.scatter [tilespmem:s16], [sflag:$0x1], $0x2C00, $0x38;
	[tilespmem:$0x14880] =	vst v63  }
0x20: {  	_ =	swait.ge [sflag:s17], $0x2C00  }
0x21: {  	[sflag:s17] =	ssyncset.done $0x0  }
0x22: {  	s30 =	rddreg [dreg:$0x6];
	[sflag:s17] =	ssyncadd.s32 $0xFFFFD400  }
0x23: {  	[spmem:s30] =	stream.linear.scatter [tilespmem:s16], [sflag:$0x1], $0x2C00, $0x38;
	[tilespmem:$0x14880] =	vst v63  }
0x24: {  	_ =	swait.ge [sflag:s17], $0x2C00  }
0x25: {  	[sflag:s17] =	ssyncset.done $0x0  }
0x26: {  	s31 =	rddreg [dreg:$0x7];
	[sflag:s17] =	ssyncadd.s32 $0xFFFFD400  }
0x27: {  	[spmem:s31] =	stream.linear.scatter [tilespmem:s16], [sflag:$0x1], $0x2C00, $0x38;
	[tilespmem:$0x14880] =	vst v63  }
0x28: {  	_ =	swait.ge [sflag:s17], $0x2C00  }
0x29: {  	[sflag:s17] =	ssyncset.done $0x0  }
0x2a: {  	[sflag:s17] =	ssyncadd.s32 $0xFFFFD400  }
0x2b: {  	s26 =	simm.s32 $0x0;
	s28 =	simm.s32 $0x0;
	[bflag:$0x0] =	sbarrier.arrive $0xFFFF  }
.LBB2_4:
0x2c: {  	s0 =	sshll.u32 s28, $0xA  }
0x2d: {  	s0 =	sadd.s32 s13, s0  }
0x2e: {  	s0 =	sshrl.u32 s0, $0x3  }
0x2f: {  	s1 =	smul.u32 $0x840, s28;
	s9 =	simm.s32 $0xB000;
	s0 =	sadd.s32 s4, s0  }
0x30: {  	[tilespmem:s9], [sflag:$0x1] =	stream.linear.gather [hbm4b:s0+s26], $0x400, $0x38;
	[tilespmem:$0x14880] =	vst v63  }
0x31: {  	s9 =	sadd.s32 s7, s1;
	_ =	swait.ge [sflag:s17], $0x400  }
0x32: {  	s1 =	sadd.s32 s10, s28;
	s0 =	sshrl.u32 s9, $0x3;
	[sflag:s17] =	ssyncset.done $0x0  }
0x33: {  	s9 =	simm.s32 $0x13800;
	s0 =	sadd.s32 s5, s0;
	[sflag:s17] =	ssyncadd.s32 $0xFFFFFC00  }
0x34: {  	[tilespmem:s9], [sflag:$0x1] =	stream.linear.gather [hbm4b:s0+s26], $0x840, $0x38;
	[tilespmem:$0x14880] =	vst v63  }
0x35: {  	s1 =	smul.u32 $0x108, s1;
	_ =	swait.ge [sflag:s17], $0x840  }
0x36: {  	[sflag:s17] =	ssyncset.done $0x0  }
0x37: {  	s0 =	sadd.s32 s6, s1;
	[sflag:s17] =	ssyncadd.s32 $0xFFFFF7C0  }
0x38: {  	[tilespmem:s20], [sflag:$0x1] =	stream.linear.gather [hbm4b:s0+s26], $0x840, $0x38;
	[tilespmem:$0x14880] =	vst v63  }
0x39: {  	_ =	swait.ge [sflag:s17], $0x840  }
0x3a: {  	[sflag:s17] =	ssyncset.done $0x0  }
0x3b: {  	s30 =	simm.s32 $0x13811;
	[sflag:s17] =	ssyncadd.s32 $0xFFFFF7C0  }
0x3c: {  	v3 =	vld [tilespmem:s30+$0xFFFFFFEF]  }
0x3d: {  	v2 =	vld [tilespmem:s30+$0xFFFFFFFF];
	_ =	sdelay $0x1  }
0x3e: {  	s31 =	simm.s32 $0xB500;
	s9 =	simm.s32 $0x0  }
0x3f: {  	s29 =	simm.s32 $0xB500;
	s1 =	simm.s32 $0x40;
	s0 =	simm.s32 $0x13811;
	v1 =	vld [tilespmem:s9+$0xB000]  }
.LBB2_5:
0x40: {  	p0 =	sne.s32 s1, $0xFC0;
	v4 =	vbroadcast v3, $0x1;
	v5 =	vbroadcast v3, $0xB;
	s30 =	sadd.s32 $0x21, s30;
	s31 =	sadd.s32 $0x210, s31  }
0x41: {  	v6 =	vbroadcast v3, $0x3;
	s9 =	smov.u32 s1;
	s1 =	sadd.s32 $0x40, s1;
	v7 =	vbroadcast v2, $0x1  }
0x42: {  	v8 =	vbroadcast v3, $0xC;
	v9 =	vbroadcast v2, $0xA  }
0x43: {  	v10 =	vbroadcast v3, $0x5;
	v11 =	vbroadcast v2, $0x9  }
0x44: {  	v12 =	vbroadcast v3, $0x0;
	v8 =	vmul.f32 v8, v1  }
0x45: {  	v13 =	vbroadcast v2, $0x6;
	v6 =	vmul.f32 v6, v1  }
0x46: {  	v15 =	vbroadcast v3, $0xD;
	v12 =	vmul.f32 v12, v1;
	v14 =	vld [tilespmem:s0+$0x0];
	s0 =	smov.u32 s30  }
0x47: {  	v16 =	vbroadcast v3, $0x4;
	v7 =	vmul.f32 v7, v1  }
0x48: {  	v4 =	vmul.f32 v4, v1;
	[tilespmem:s29+$0xFFFFFF00] =	vst v12;
	v12 =	vbroadcast v3, $0x6  }
0x49: {  	v9 =	vmul.f32 v9, v1;
	[tilespmem:s29+$0xFFFFFF30] =	vst v6;
	v6 =	vmul.f32 v16, v1  }
0x4a: {  	[tilespmem:s29+$0xFFFFFF10] =	vst v4;
	v4 =	vmul.f32 v5, v1;
	v5 =	vbroadcast v2, $0x0  }
0x4b: {  	v16 =	vbroadcast v2, $0xD;
	[tilespmem:s29+$0xFFFFFF40] =	vst v6;
	v6 =	vbroadcast v3, $0x7  }
0x4c: {  	v12 =	vmul.f32 v12, v1;
	[tilespmem:s29+$0xFFFFFFB0] =	vst v4;
	v4 =	vmul.f32 v15, v1  }
0x4d: {  	v5 =	vmul.f32 v5, v1;
	[tilespmem:s29+$0xFFFFFFC0] =	vst v8;
	v8 =	vbroadcast v3, $0xE  }
0x4e: {  	v15 =	vbroadcast v3, $0xA;
	[tilespmem:s29+$0xFFFFFF60] =	vst v12;
	v12 =	vbroadcast v3, $0x8  }
0x4f: {  	v17 =	vbroadcast v3, $0x9;
	[tilespmem:s29+$0xFFFFFFD0] =	vst v4;
	v4 =	vbroadcast v3, $0xF  }
0x50: {  	v6 =	vmul.f32 v6, v1;
	v3 =	vbroadcast v3, $0x2;
	[tilespmem:s29+$0x0] =	vst v5  }
0x51: {  	v5 =	vmul.f32 v10, v1;
	v10 =	vmul.f32 v17, v1;
	[tilespmem:s29+$0x10] =	vst v7  }
0x52: {  	v7 =	vmul.f32 v11, v1;
	[tilespmem:s29+$0xFFFFFF70] =	vst v6;
	v6 =	vbroadcast v2, $0x2  }
0x53: {  	v4 =	vmul.f32 v4, v1;
	[tilespmem:s29+$0xFFFFFF50] =	vst v5;
	v5 =	vbroadcast v2, $0x3  }
0x54: {  	[tilespmem:s29+$0xFFFFFF90] =	vst v10;
	v6 =	vmul.f32 v6, v1;
	v10 =	vbroadcast v14, $0xF  }
0x55: {  	[tilespmem:s29+$0xFFFFFFF0] =	vst v4;
	v4 =	vmul.f32 v5, v1;
	v5 =	vmul.f32 v13, v1  }
0x56: {  	v8 =	vmul.f32 v8, v1;
	[tilespmem:s29+$0x20] =	vst v6;
	v6 =	vmul.f32 v10, v1  }
0x57: {  	v3 =	vmul.f32 v3, v1;
	[tilespmem:s29+$0x30] =	vst v4;
	v4 =	vmul.f32 v16, v1  }
0x58: {  	[tilespmem:s29+$0xFFFFFFE0] =	vst v8  }
0x59: {  	v8 =	vbroadcast v2, $0x4;
	[tilespmem:s29+$0xFFFFFF20] =	vst v3;
	v3 =	vmul.f32 v15, v1  }
0x5a: {  	v11 =	vbroadcast v2, $0x5;
	v10 =	vmul.f32 v12, v1;
	[tilespmem:s29+$0x100] =	vst v6  }
0x5b: {  	[tilespmem:s29+$0xFFFFFFA0] =	vst v3;
	v3 =	vmul.f32 v8, v1  }
0x5c: {  	v6 =	vmul.f32 v11, v1;
	v8 =	vbroadcast v2, $0x7;
	[tilespmem:s29+$0xFFFFFF80] =	vst v10  }
0x5d: {  	[tilespmem:s29+$0x40] =	vst v3;
	v3 =	vbroadcast v2, $0x8  }
0x5e: {  	s9 =	sshra.s32 s9, $0x2;
	[tilespmem:s29+$0x50] =	vst v6;
	v6 =	vmul.f32 v8, v1  }
0x5f: {  	[tilespmem:s29+$0x60] =	vst v5;
	v3 =	vmul.f32 v3, v1;
	v5 =	vbroadcast v2, $0xB  }
0x60: {  	[tilespmem:s29+$0x70] =	vst v6;
	v6 =	vbroadcast v2, $0xC  }
0x61: {  	[tilespmem:s29+$0x80] =	vst v3;
	v3 =	vmul.f32 v5, v1  }
0x62: {  	[tilespmem:s29+$0x90] =	vst v7;
	v5 =	vmul.f32 v6, v1;
	v6 =	vbroadcast v2, $0xE  }
0x63: {  	v2 =	vbroadcast v2, $0xF;
	[tilespmem:s29+$0xB0] =	vst v3  }
0x64: {  	[tilespmem:s29+$0xC0] =	vst v5;
	v3 =	vmul.f32 v6, v1  }
0x65: {  	v1 =	vmul.f32 v2, v1;
	[tilespmem:s29+$0xD0] =	vst v4  }
0x66: {  	[tilespmem:s29+$0xE0] =	vst v3  }
0x67: {  	[tilespmem:s29+$0xF0] =	vst v1  }
0x68: {  	[tilespmem:s29+$0xA0] =	vst v9;
	s29 =	smov.u32 s31  }
.Ltmp1:
0x69: {  	v3 =	vld [tilespmem:s30+$0xFFFFFFEF];
	(pc) =	sbr.rel @p0 .LBB2_5-.Ltmp1, $2  }
0x6a: {  	v2 =	vld [tilespmem:s30+$0xFFFFFFFF];
	_ =	sdelay $0x2  }
0x6b: {  	v1 =	vld [tilespmem:s9+$0xB000]  }
0x6c: {  	v4 =	vbroadcast v3, $0x0  }
0x6d: {  	v5 =	vbroadcast v3, $0x3;
	v6 =	vbroadcast v3, $0x1  }
0x6e: {  	v8 =	vbroadcast v3, $0x4;
	v9 =	vbroadcast v3, $0xB  }
0x6f: {  	v29 =	vbroadcast v3, $0xC;
	v31 =	vbroadcast v3, $0x6  }
0x70: {  	v33 =	vbroadcast v3, $0xD;
	v4 =	vmul.f32 v4, v1  }
0x71: {  	v36 =	vbroadcast v3, $0x7;
	v5 =	vmul.f32 v5, v1  }
0x72: {  	v7 =	vld [tilespmem:s0+$0x0];
	v37 =	vbroadcast v3, $0x5;
	v28 =	vmul.f32 v6, v1;
	[tilespmem:s29+$0xFFFFFF00] =	vst v4  }
0x73: {  	v38 =	vbroadcast v3, $0x9;
	v30 =	vmul.f32 v8, v1;
	[tilespmem:s29+$0xFFFFFF30] =	vst v5  }
0x74: {  	v39 =	vbroadcast v3, $0xF;
	v32 =	vmul.f32 v9, v1;
	[tilespmem:s29+$0xFFFFFF10] =	vst v28  }
0x75: {  	v43 =	vbroadcast v3, $0xE;
	v6 =	vmul.f32 v29, v1;
	[tilespmem:s29+$0xFFFFFF40] =	vst v30  }
0x76: {  	v45 =	vbroadcast v3, $0x2;
	v8 =	vmul.f32 v31, v1;
	[tilespmem:s29+$0xFFFFFFB0] =	vst v32  }
0x77: {  	v41 =	vbroadcast v2, $0x2;
	v9 =	vmul.f32 v33, v1;
	[tilespmem:s29+$0xFFFFFFC0] =	vst v6  }
0x78: {  	v42 =	vbroadcast v2, $0x3;
	v40 =	vmul.f32 v38, v1;
	[tilespmem:s29+$0xFFFFFF60] =	vst v8  }
0x79: {  	v48 =	vbroadcast v3, $0xA;
	v44 =	vmul.f32 v41, v1;
	[tilespmem:s29+$0xFFFFFFD0] =	vst v9  }
0x7a: {  	v3 =	vbroadcast v3, $0x8;
	v46 =	vmul.f32 v42, v1;
	[tilespmem:s29+$0xFFFFFF90] =	vst v40  }
0x7b: {  	v50 =	vbroadcast v2, $0x4;
	v47 =	vmul.f32 v43, v1;
	[tilespmem:s29+$0x20] =	vst v44  }
0x7c: {  	v56 =	vbroadcast v2, $0x9;
	v3 =	vmul.f32 v3, v1;
	[tilespmem:s29+$0x30] =	vst v46  }
0x7d: {  	v57 =	vbroadcast v2, $0xB;
	v53 =	vmul.f32 v50, v1;
	[tilespmem:s29+$0xFFFFFFE0] =	vst v47  }
0x7e: {  	v59 =	vbroadcast v2, $0xD;
	v58 =	vmul.f32 v56, v1;
	[tilespmem:s29+$0xFFFFFF80] =	vst v3  }
0x7f: {  	v34 =	vbroadcast v2, $0x0;
	v60 =	vmul.f32 v57, v1;
	[tilespmem:s29+$0x40] =	vst v53  }
0x80: {  	v35 =	vbroadcast v2, $0x1;
	v62 =	vmul.f32 v59, v1;
	[tilespmem:s29+$0x90] =	vst v58  }
0x81: {  	v5 =	vmul.f32 v34, v1;
	[tilespmem:s29+$0xB0] =	vst v60  }
0x82: {  	v4 =	vmul.f32 v35, v1;
	[tilespmem:s29+$0xD0] =	vst v62  }
0x83: {  	v51 =	vbroadcast v2, $0x5;
	v6 =	vmul.f32 v36, v1;
	[tilespmem:s29+$0x0] =	vst v5  }
0x84: {  	v7 =	vbroadcast v7, $0xF;
	v8 =	vmul.f32 v37, v1;
	[tilespmem:s29+$0x10] =	vst v4  }
0x85: {  	v3 =	vmul.f32 v51, v1;
	[tilespmem:s29+$0xFFFFFF70] =	vst v6  }
0x86: {  	v49 =	vmul.f32 v7, v1;
	[tilespmem:s29+$0xFFFFFF50] =	vst v8  }
0x87: {  	v54 =	vbroadcast v2, $0x7;
	v5 =	vmul.f32 v39, v1;
	[tilespmem:s29+$0x50] =	vst v3  }
0x88: {  	v6 =	vmul.f32 v45, v1;
	[tilespmem:s29+$0x100] =	vst v49  }
0x89: {  	v52 =	vbroadcast v2, $0x6;
	v3 =	vmul.f32 v54, v1;
	[tilespmem:s29+$0xFFFFFFF0] =	vst v5  }
0x8a: {  	v55 =	vbroadcast v2, $0x8;
	v4 =	vmul.f32 v48, v1;
	[tilespmem:s29+$0xFFFFFF20] =	vst v6  }
0x8b: {  	v5 =	vmul.f32 v52, v1;
	[tilespmem:s29+$0x70] =	vst v3;
	v3 =	vbroadcast v2, $0xC  }
0x8c: {  	v63 =	vbroadcast v2, $0xF;
	[tilespmem:s29+$0xFFFFFFA0] =	vst v4;
	v4 =	vmul.f32 v55, v1  }
0x8d: {  	v61 =	vbroadcast v2, $0xE;
	[tilespmem:s29+$0x60] =	vst v5;
	v3 =	vmul.f32 v3, v1  }
0x8e: {  	v2 =	vbroadcast v2, $0xA;
	[tilespmem:s29+$0x80] =	vst v4;
	v4 =	vmul.f32 v63, v1  }
0x8f: {  	[tilespmem:s29+$0xC0] =	vst v3;
	v3 =	vmul.f32 v61, v1  }
0x90: {  	v1 =	vmul.f32 v2, v1;
	[tilespmem:s29+$0xF0] =	vst v4  }
0x91: {  	[tilespmem:s29+$0xE0] =	vst v3  }
0x92: {  	[tilespmem:s29+$0xA0] =	vst v1  }
0x93: {  	[spmem:s2] =	stream.indirect.scatter.add.f32 [tilespmem:s16], [sflag:$0x1], $0x10, s20, s21, $0xb8;
	[tilespmem:$0x14880] =	vst v63  }
0x94: {  	_ =	swait.ge [sflag:s17], $0x400  }
0x95: {  	[sflag:s17] =	ssyncset.done $0x0  }
0x96: {  	s1 =	simm.s32 $0xB800;
	s29 =	simm.s32 $0x14080;
	[sflag:s17] =	ssyncadd.s32 $0xFFFFFC00  }
0x97: {  	[spmem:s2] =	stream.indirect.scatter.add.f32 [tilespmem:s1], [sflag:$0x1], $0x10, s29, s21, $0xb8;
	[tilespmem:$0x14880] =	vst v63  }
0x98: {  	_ =	swait.ge [sflag:s17], $0x400  }
0x99: {  	[sflag:s17] =	ssyncset.done $0x0  }
0x9a: {  	s30 =	simm.s32 $0x140C0;
	s31 =	simm.s32 $0xBC00;
	[sflag:s17] =	ssyncadd.s32 $0xFFFFFC00  }
0x9b: {  	[spmem:s2] =	stream.indirect.scatter.add.f32 [tilespmem:s31], [sflag:$0x1], $0x10, s30, s21, $0xb8;
	[tilespmem:$0x14880] =	vst v63  }
0x9c: {  	_ =	swait.ge [sflag:s17], $0x400  }
0x9d: {  	[sflag:s17] =	ssyncset.done $0x0  }
0x9e: {  	s9 =	simm.s32 $0x14100;
	s29 =	simm.s32 $0xC000;
	[sflag:s17] =	ssyncadd.s32 $0xFFFFFC00  }
0x9f: {  	[spmem:s2] =	stream.indirect.scatter.add.f32 [tilespmem:s29], [sflag:$0x1], $0x10, s9, s21, $0xb8;
	[tilespmem:$0x14880] =	vst v63  }
0xa0: {  	_ =	swait.ge [sflag:s17], $0x400  }
0xa1: {  	[sflag:s17] =	ssyncset.done $0x0  }
0xa2: {  	s30 =	simm.s32 $0x14140;
	s31 =	simm.s32 $0xC400;
	[sflag:s17] =	ssyncadd.s32 $0xFFFFFC00  }
0xa3: {  	[spmem:s2] =	stream.indirect.scatter.add.f32 [tilespmem:s31], [sflag:$0x1], $0x10, s30, s21, $0xb8;
	[tilespmem:$0x14880] =	vst v63  }
0xa4: {  	_ =	swait.ge [sflag:s17], $0x400  }
0xa5: {  	[sflag:s17] =	ssyncset.done $0x0  }
0xa6: {  	s9 =	simm.s32 $0x14180;
	s29 =	simm.s32 $0xC800;
	[sflag:s17] =	ssyncadd.s32 $0xFFFFFC00  }
0xa7: {  	[spmem:s2] =	stream.indirect.scatter.add.f32 [tilespmem:s29], [sflag:$0x1], $0x10, s9, s21, $0xb8;
	[tilespmem:$0x14880] =	vst v63  }
0xa8: {  	_ =	swait.ge [sflag:s17], $0x400  }
0xa9: {  	[sflag:s17] =	ssyncset.done $0x0  }
0xaa: {  	s30 =	simm.s32 $0x141C0;
	s31 =	simm.s32 $0xCC00;
	[sflag:s17] =	ssyncadd.s32 $0xFFFFFC00  }
0xab: {  	[spmem:s2] =	stream.indirect.scatter.add.f32 [tilespmem:s31], [sflag:$0x1], $0x10, s30, s21, $0xb8;
	[tilespmem:$0x14880] =	vst v63  }
0xac: {  	_ =	swait.ge [sflag:s17], $0x400  }
0xad: {  	[sflag:s17] =	ssyncset.done $0x0  }
0xae: {  	s9 =	simm.s32 $0x14200;
	s29 =	simm.s32 $0xD000;
	[sflag:s17] =	ssyncadd.s32 $0xFFFFFC00  }
0xaf: {  	[spmem:s2] =	stream.indirect.scatter.add.f32 [tilespmem:s29], [sflag:$0x1], $0x10, s9, s21, $0xb8;
	[tilespmem:$0x14880] =	vst v63  }
0xb0: {  	_ =	swait.ge [sflag:s17], $0x400  }
0xb1: {  	[sflag:s17] =	ssyncset.done $0x0  }
0xb2: {  	s30 =	simm.s32 $0x14240;
	s31 =	simm.s32 $0xD400;
	[sflag:s17] =	ssyncadd.s32 $0xFFFFFC00  }
0xb3: {  	[spmem:s2] =	stream.indirect.scatter.add.f32 [tilespmem:s31], [sflag:$0x1], $0x10, s30, s21, $0xb8;
	[tilespmem:$0x14880] =	vst v63  }
0xb4: {  	_ =	swait.ge [sflag:s17], $0x400  }
0xb5: {  	[sflag:s17] =	ssyncset.done $0x0  }
0xb6: {  	s9 =	simm.s32 $0x14280;
	s29 =	simm.s32 $0xD800;
	[sflag:s17] =	ssyncadd.s32 $0xFFFFFC00  }
0xb7: {  	[spmem:s2] =	stream.indirect.scatter.add.f32 [tilespmem:s29], [sflag:$0x1], $0x10, s9, s21, $0xb8;
	[tilespmem:$0x14880] =	vst v63  }
0xb8: {  	_ =	swait.ge [sflag:s17], $0x400  }
0xb9: {  	[sflag:s17] =	ssyncset.done $0x0  }
0xba: {  	s30 =	simm.s32 $0x142C0;
	s31 =	simm.s32 $0xDC00;
	[sflag:s17] =	ssyncadd.s32 $0xFFFFFC00  }
0xbb: {  	[spmem:s2] =	stream.indirect.scatter.add.f32 [tilespmem:s31], [sflag:$0x1], $0x10, s30, s21, $0xb8;
	[tilespmem:$0x14880] =	vst v63  }
0xbc: {  	_ =	swait.ge [sflag:s17], $0x400  }
0xbd: {  	[sflag:s17] =	ssyncset.done $0x0  }
0xbe: {  	s9 =	simm.s32 $0x14300;
	s29 =	simm.s32 $0xE000;
	[sflag:s17] =	ssyncadd.s32 $0xFFFFFC00  }
0xbf: {  	[spmem:s2] =	stream.indirect.scatter.add.f32 [tilespmem:s29], [sflag:$0x1], $0x10, s9, s21, $0xb8;
	[tilespmem:$0x14880] =	vst v63  }
0xc0: {  	_ =	swait.ge [sflag:s17], $0x400  }
0xc1: {  	[sflag:s17] =	ssyncset.done $0x0  }
0xc2: {  	s30 =	simm.s32 $0x14340;
	s31 =	simm.s32 $0xE400;
	[sflag:s17] =	ssyncadd.s32 $0xFFFFFC00  }
0xc3: {  	[spmem:s2] =	stream.indirect.scatter.add.f32 [tilespmem:s31], [sflag:$0x1], $0x10, s30, s21, $0xb8;
	[tilespmem:$0x14880] =	vst v63  }
0xc4: {  	_ =	swait.ge [sflag:s17], $0x400  }
0xc5: {  	[sflag:s17] =	ssyncset.done $0x0  }
0xc6: {  	s9 =	simm.s32 $0x14380;
	s29 =	simm.s32 $0xE800;
	[sflag:s17] =	ssyncadd.s32 $0xFFFFFC00  }
0xc7: {  	[spmem:s2] =	stream.indirect.scatter.add.f32 [tilespmem:s29], [sflag:$0x1], $0x10, s9, s21, $0xb8;
	[tilespmem:$0x14880] =	vst v63  }
0xc8: {  	_ =	swait.ge [sflag:s17], $0x400  }
0xc9: {  	[sflag:s17] =	ssyncset.done $0x0  }
0xca: {  	s30 =	simm.s32 $0x143C0;
	s31 =	simm.s32 $0xEC00;
	[sflag:s17] =	ssyncadd.s32 $0xFFFFFC00  }
0xcb: {  	[spmem:s2] =	stream.indirect.scatter.add.f32 [tilespmem:s31], [sflag:$0x1], $0x10, s30, s21, $0xb8;
	[tilespmem:$0x14880] =	vst v63  }
0xcc: {  	_ =	swait.ge [sflag:s17], $0x400  }
0xcd: {  	[sflag:s17] =	ssyncset.done $0x0  }
0xce: {  	s9 =	simm.s32 $0x14400;
	s29 =	simm.s32 $0xF000;
	[sflag:s17] =	ssyncadd.s32 $0xFFFFFC00  }
0xcf: {  	[spmem:s2] =	stream.indirect.scatter.add.f32 [tilespmem:s29], [sflag:$0x1], $0x10, s9, s21, $0xb8;
	[tilespmem:$0x14880] =	vst v63  }
0xd0: {  	_ =	swait.ge [sflag:s17], $0x400  }
0xd1: {  	[sflag:s17] =	ssyncset.done $0x0  }
0xd2: {  	s30 =	simm.s32 $0x14440;
	s31 =	simm.s32 $0xF400;
	[sflag:s17] =	ssyncadd.s32 $0xFFFFFC00  }
0xd3: {  	[spmem:s2] =	stream.indirect.scatter.add.f32 [tilespmem:s31], [sflag:$0x1], $0x10, s30, s21, $0xb8;
	[tilespmem:$0x14880] =	vst v63  }
0xd4: {  	_ =	swait.ge [sflag:s17], $0x400  }
0xd5: {  	[sflag:s17] =	ssyncset.done $0x0  }
0xd6: {  	s9 =	simm.s32 $0x14480;
	s29 =	simm.s32 $0xF800;
	[sflag:s17] =	ssyncadd.s32 $0xFFFFFC00  }
0xd7: {  	[spmem:s2] =	stream.indirect.scatter.add.f32 [tilespmem:s29], [sflag:$0x1], $0x10, s9, s21, $0xb8;
	[tilespmem:$0x14880] =	vst v63  }
0xd8: {  	_ =	swait.ge [sflag:s17], $0x400  }
0xd9: {  	[sflag:s17] =	ssyncset.done $0x0  }
0xda: {  	s30 =	simm.s32 $0x144C0;
	s31 =	simm.s32 $0xFC00;
	[sflag:s17] =	ssyncadd.s32 $0xFFFFFC00  }
0xdb: {  	[spmem:s2] =	stream.indirect.scatter.add.f32 [tilespmem:s31], [sflag:$0x1], $0x10, s30, s21, $0xb8;
	[tilespmem:$0x14880] =	vst v63  }
0xdc: {  	_ =	swait.ge [sflag:s17], $0x400  }
0xdd: {  	[sflag:s17] =	ssyncset.done $0x0  }
0xde: {  	s9 =	simm.s32 $0x14500;
	s29 =	simm.s32 $0x10000;
	[sflag:s17] =	ssyncadd.s32 $0xFFFFFC00  }
0xdf: {  	[spmem:s2] =	stream.indirect.scatter.add.f32 [tilespmem:s29], [sflag:$0x1], $0x10, s9, s21, $0xb8;
	[tilespmem:$0x14880] =	vst v63  }
0xe0: {  	_ =	swait.ge [sflag:s17], $0x400  }
0xe1: {  	[sflag:s17] =	ssyncset.done $0x0  }
0xe2: {  	s30 =	simm.s32 $0x14540;
	s31 =	simm.s32 $0x10400;
	[sflag:s17] =	ssyncadd.s32 $0xFFFFFC00  }
0xe3: {  	[spmem:s2] =	stream.indirect.scatter.add.f32 [tilespmem:s31], [sflag:$0x1], $0x10, s30, s21, $0xb8;
	[tilespmem:$0x14880] =	vst v63  }
0xe4: {  	_ =	swait.ge [sflag:s17], $0x400  }
0xe5: {  	[sflag:s17] =	ssyncset.done $0x0  }
0xe6: {  	s9 =	simm.s32 $0x14580;
	s29 =	simm.s32 $0x10800;
	[sflag:s17] =	ssyncadd.s32 $0xFFFFFC00  }
0xe7: {  	[spmem:s2] =	stream.indirect.scatter.add.f32 [tilespmem:s29], [sflag:$0x1], $0x10, s9, s21, $0xb8;
	[tilespmem:$0x14880] =	vst v63  }
0xe8: {  	_ =	swait.ge [sflag:s17], $0x400  }
0xe9: {  	[sflag:s17] =	ssyncset.done $0x0  }
0xea: {  	s30 =	simm.s32 $0x145C0;
	s31 =	simm.s32 $0x10C00;
	[sflag:s17] =	ssyncadd.s32 $0xFFFFFC00  }
0xeb: {  	[spmem:s2] =	stream.indirect.scatter.add.f32 [tilespmem:s31], [sflag:$0x1], $0x10, s30, s21, $0xb8;
	[tilespmem:$0x14880] =	vst v63  }
0xec: {  	_ =	swait.ge [sflag:s17], $0x400  }
0xed: {  	[sflag:s17] =	ssyncset.done $0x0  }
0xee: {  	s9 =	simm.s32 $0x14600;
	s29 =	simm.s32 $0x11000;
	[sflag:s17] =	ssyncadd.s32 $0xFFFFFC00  }
0xef: {  	[spmem:s2] =	stream.indirect.scatter.add.f32 [tilespmem:s29], [sflag:$0x1], $0x10, s9, s21, $0xb8;
	[tilespmem:$0x14880] =	vst v63  }
0xf0: {  	_ =	swait.ge [sflag:s17], $0x400  }
0xf1: {  	[sflag:s17] =	ssyncset.done $0x0  }
0xf2: {  	s30 =	simm.s32 $0x14640;
	s31 =	simm.s32 $0x11400;
	[sflag:s17] =	ssyncadd.s32 $0xFFFFFC00  }
0xf3: {  	[spmem:s2] =	stream.indirect.scatter.add.f32 [tilespmem:s31], [sflag:$0x1], $0x10, s30, s21, $0xb8;
	[tilespmem:$0x14880] =	vst v63  }
0xf4: {  	_ =	swait.ge [sflag:s17], $0x400  }
0xf5: {  	[sflag:s17] =	ssyncset.done $0x0  }
0xf6: {  	s9 =	simm.s32 $0x14680;
	s29 =	simm.s32 $0x11800;
	[sflag:s17] =	ssyncadd.s32 $0xFFFFFC00  }
0xf7: {  	[spmem:s2] =	stream.indirect.scatter.add.f32 [tilespmem:s29], [sflag:$0x1], $0x10, s9, s21, $0xb8;
	[tilespmem:$0x14880] =	vst v63  }
0xf8: {  	_ =	swait.ge [sflag:s17], $0x400  }
0xf9: {  	[sflag:s17] =	ssyncset.done $0x0  }
0xfa: {  	s30 =	simm.s32 $0x146C0;
	s31 =	simm.s32 $0x11C00;
	[sflag:s17] =	ssyncadd.s32 $0xFFFFFC00  }
0xfb: {  	[spmem:s2] =	stream.indirect.scatter.add.f32 [tilespmem:s31], [sflag:$0x1], $0x10, s30, s21, $0xb8;
	[tilespmem:$0x14880] =	vst v63  }
0xfc: {  	_ =	swait.ge [sflag:s17], $0x400  }
0xfd: {  	[sflag:s17] =	ssyncset.done $0x0  }
0xfe: {  	[sflag:s17] =	ssyncadd.s32 $0xFFFFFC00  }
0xff: {  	[spmem:s2] =	stream.indirect.scatter.add.f32 [tilespmem:s12], [sflag:$0x1], $0x10, s11, s21, $0xb8;
	[tilespmem:$0x14880] =	vst v63  }
0x100: {  	_ =	swait.ge [sflag:s17], $0x400  }
0x101: {  	[sflag:s17] =	ssyncset.done $0x0  }
0x102: {  	[sflag:s17] =	ssyncadd.s32 $0xFFFFFC00  }
0x103: {  	[spmem:s2] =	stream.indirect.scatter.add.f32 [tilespmem:s15], [sflag:$0x1], $0x10, s14, s21, $0xb8;
	[tilespmem:$0x14880] =	vst v63  }
0x104: {  	_ =	swait.ge [sflag:s17], $0x400  }
0x105: {  	[sflag:s17] =	ssyncset.done $0x0  }
0x106: {  	[sflag:s17] =	ssyncadd.s32 $0xFFFFFC00  }
0x107: {  	[spmem:s2] =	stream.indirect.scatter.add.f32 [tilespmem:s3], [sflag:$0x1], $0x10, s8, s21, $0xb8;
	[tilespmem:$0x14880] =	vst v63  }
0x108: {  	_ =	swait.ge [sflag:s17], $0x400  }
0x109: {  	[sflag:s17] =	ssyncset.done $0x0  }
0x10a: {  	[sflag:s17] =	ssyncadd.s32 $0xFFFFFC00  }
0x10b: {  	[spmem:s2] =	stream.indirect.scatter.add.f32 [tilespmem:s19], [sflag:$0x1], $0x10, s18, s21, $0xb8;
	[tilespmem:$0x14880] =	vst v63  }
0x10c: {  	_ =	swait.ge [sflag:s17], $0x400  }
0x10d: {  	[sflag:s17] =	ssyncset.done $0x0  }
0x10e: {  	[sflag:s17] =	ssyncadd.s32 $0xFFFFFC00  }
0x10f: {  	[spmem:s2] =	stream.indirect.scatter.add.f32 [tilespmem:s23], [sflag:$0x1], $0x10, s22, s21, $0xb8;
	[tilespmem:$0x14880] =	vst v63  }
0x110: {  	s28 =	sadd.s32 $0x1, s28;
	_ =	swait.ge [sflag:s17], $0x400  }
0x111: {  	p0 =	sne.s32 s28, $0x16;
	[sflag:s17] =	ssyncset.done $0x0  }
.Ltmp2:
0x112: {  	[sflag:s17] =	ssyncadd.s32 $0xFFFFFC00;
	(pc) =	sbr.rel @p0 .LBB2_4-.Ltmp2, $4  }
0x113: {  	[spmem:s2] =	stream.indirect.scatter.add.f32 [tilespmem:s25], [sflag:$0x1], $0x10, s24, s21, $0xb8;
	[tilespmem:$0x14880] =	vst v63  }
0x114: {  	_ =	swait.ge [sflag:s17], $0x400  }
0x115: {  	[sflag:s17] =	ssyncset.done $0x0  }
0x116: {  	[sflag:s17] =	ssyncadd.s32 $0xFFFFFC00  }
0x117: {  	s0 =	stileid.u32;
	[bflag:$0x0] =	sbarrier.arrive $0xFFFF  }
0x118: {  	s0 =	sshll.u32 s0, $0x6;
	s28 =	rddreg [dreg:$0x4]  }
0x119: {  	s9 =	rddreg [dreg:$0x8];
	s0 =	sor.u32 $0x1C01, s0;
	s1 =	sshrl.u32 s28, $0x3  }
0x11a: {  	[hbm:s9], [sflag:s0] =	dma.local [spmem:s1], $0x1600  }
0x11b: {  	_ =	swait.ge [sflag:s17], $0x1600  }
0x11c: {  	s26 =	rddreg [dreg:$0x3]  }
0x11d: {  	s31 =	rddreg [dreg:$0x9];
	s26 =	sadd.s32 $0x1, s26  }
0x11e: {  	p0 =	sne.s32 s26, s31  }
.Ltmp3:
0x11f: {  	_ = 	snop;
	(pc) =	sbr.rel @p0 .LBB2_1-.Ltmp3, $3  }
0x120: {  	_ =	sdelay $0x1  }
0x121: {  	[sflag:s17] =	ssyncset.done $0x0  }
0x122: {  	[sflag:s17] =	ssyncadd.s32 $0xFFFFEA00  }
0x123: {  	_ =	sfence.sel $0x180000  }
0x124: {  	[bflag:$0x0] =	sbarrier.arrive $0xFFFF  }
0x125: {  	_ =	strace $0x90000047  }
0x126: {  	s0 =	stileid.u32;
	[bflag:$0x2] =	sbarrier.arrive $0xFFFF  }
0x127: {  	p0 =	sne.s32 s0, $0x0;
	s0 =	rddreg [dreg:$0x2]  }
0x128: {  	s0 =	sadd.s32 @!p0 $0x100000, s0  }
0x129: {  	[sflag:s0] =	ssyncadd.tile.s32 @!p0 $0x1;
	_ =	shalt  }
.Lfunc_end2:
_tile_overlayer_lowered:
.L_overlay_start_2:
0x12a: {  	(tag) =	ssettag $0x2  }
0x12b: {  	s0 =	rddreg [dreg:$0x0];
	s2 =	stileid.u32  }
0x12c: {  	s1 =	rddreg [dreg:$0x1];
	p0 =	sne.s32 s2, $0x0  }
0x12d: {  	s3 =	rddreg [dreg:$0x2];
	[bflag:$0x3] =	sbarrier.arrive $0xFFFF;
	s2 =	simm.s32 @!p0 $0x1C01  }
0x12e: {  	[timem:s3], [sflag:s2] =	dma.local @!p0 [hbm:s0], s1  }
0x12f: {  	s0 =	simm.s32 @!p0 $0x1  }
0x130: {  	_ =	swait.ge @!p0 [sflag:s0], s1  }
0x131: {  	s1 =	ssub.s32 @!p0 $0x0, s1;
	[sflag:s0] =	ssyncset.done @!p0 $0x0  }
0x132: {  	[sflag:s0] =	ssyncadd.s32 @!p0 s1  }
0x133: {  	[bflag:$0x3] =	sbarrier.arrive $0xFFFF  }
0x134: {  	_ =	shalt  }

</sc_bundles>
